<compile_context>
chip_gen: v7x
topology: tpu7x:2x2x1
jax: 0.10.2.dev20260603
libtpu: 0.0.44.dev20260713+nightly
codegen_flags: <defaults>
</compile_context>

<pallas_src>
import functools

import jax
import jax.numpy as jnp
from jax import lax
from jax.experimental import pallas as pl
from jax.experimental.pallas import tpu as pltpu
from jax.experimental.pallas import tpu_sc as plsc

H, W, P, EPS = 512, 512, 5, 1e-05
N = 262144
NC, NS, L = 2, 16, 16
NW = NC * NS
NB = 4
NR = NW // NB
BAND = H // NB
AROWS = BAND + P - 1
ASZ = AROWS * W
SLICE_PTS = N // NR
CH = 8192
NCHUNK = SLICE_PTS // CH
HALF = (P - 1) / 2.0


def _sc_body(xs_hbm, ys_hbm, out_hbm,
             xc0, yc0, xc1, yc1, xl_v, yl_v, acc_v, sem0, sem1):
    c = lax.axis_index("c")
    s = lax.axis_index("s")
    wid = c * NS + s
    band = lax.shift_right_logical(s, 2)
    rep = (s & (NB - 1)) * NC + c
    rowbase = band * BAND - P // 2

    zero16 = jnp.zeros((L,), jnp.float32)
    sent = jnp.full((L,), -8.0, jnp.float32)
    sent_y = jnp.broadcast_to(
        (rowbase + AROWS // 2).astype(jnp.float32) + 0.25, (L,)
    )
    lane = lax.iota(jnp.int32, L)
    bufs = [(xc0, yc0, sem0), (xc1, yc1, sem1)]

    def _start(ci):
        xb, yb, sm = bufs[ci % 2]
        base = rep * SLICE_PTS + ci * CH
        dx = pltpu.async_copy(xs_hbm.at[pl.ds(base, CH)], xb, sm)
        dy = pltpu.async_copy(ys_hbm.at[pl.ds(base, CH)], yb, sm)
        return dx, dy

    pend = _start(0)

    @plsc.parallel_loop(0, ASZ, step=L, unroll=8)
    def _zero(i):
        acc_v[pl.ds(i, L)] = zero16
    for ci in range(NCHUNK):
        xb, yb, _ = bufs[ci % 2]
        pend[0].wait()
        pend[1].wait()
        if ci + 1 < NCHUNK:
            pend = _start(ci + 1)

        def _filter(g, off):
            x = xb[pl.ds(g, L)]
            y = yb[pl.ds(g, L)]
            ty = y.astype(jnp.int32)
            fy = y - ty.astype(jnp.float32)
            by = ty + jnp.where(fy >= 0.5, 1, 0)
            pb = lax.shift_right_logical(jnp.minimum(by, H - 1), 7)
            keep = pb == band
            ones = jnp.where(keep, 1, 0)
            pos = off + plsc.cumsum(ones) - 1
            plsc.store_scatter(xl_v, [pos], x, mask=keep)
            plsc.store_scatter(yl_v, [pos], y, mask=keep)
            return off + plsc.all_reduce_population_count(keep)

        off = plsc.parallel_loop(0, CH, step=L, carry=jnp.zeros((L,), jnp.int32))(
            _filter
        )
        plsc.store_scatter(xl_v, [off + lane], sent)
        plsc.store_scatter(yl_v, [off + lane], sent_y)
        n = off[0]

        def _compute(g):
            x = xl_v[pl.ds(g, L)]
            y = yl_v[pl.ds(g, L)]
            tx = x.astype(jnp.int32)
            ty = y.astype(jnp.int32)
            fx = x - tx.astype(jnp.float32)
            fy = y - ty.astype(jnp.float32)
            bx = tx + jnp.where(fx >= 0.5, 1, 0)
            by = ty + jnp.where(fy >= 0.5, 1, 0)
            ddx = bx.astype(jnp.float32) - x
            ddy = by.astype(jnp.float32) - y
            one = jnp.full((L,), 1.0, jnp.float32)
            zero = jnp.zeros((L,), jnp.float32)
            wx_edge = [0.5 + ddx, one, one, one, 0.5 - ddx]
            wy_edge = [0.5 + ddy, one, one, one, 0.5 - ddy]
            wxs, cols = [], []
            for i in range(P):
                pxi = bx + (i - P // 2)
                vx = pxi.astype(jnp.uint32) < jnp.uint32(W)
                wxs.append(jnp.where(vx, wx_edge[i], zero))
                cols.append(pxi & (W - 1))
            for j in range(P):
                pyj = by + (j - P // 2)
                vy = pyj.astype(jnp.uint32) < jnp.uint32(H)
                wyv = jnp.where(vy, wy_edge[j], zero)
                lr = lax.shift_left(jnp.minimum(pyj - rowbase, AROWS - 1), 9)
                for i in range(P):
                    plsc.addupdate_scatter(acc_v, [lr + cols[i]], wyv * wxs[i])

        ng16 = (n + (L - 1)) & ~(L - 1)
        plsc.parallel_loop(0, ng16, step=L, unroll=2)(_compute)

    pltpu.sync_copy(acc_v, out_hbm.at[wid])


_sc_render = functools.partial(
    pl.kernel,
    out_type=jax.ShapeDtypeStruct((NW, ASZ), jnp.float32),
    mesh=plsc.VectorSubcoreMesh(core_axis_name="c", subcore_axis_name="s"),
    scratch_types=[
        pltpu.VMEM((CH,), jnp.float32),
        pltpu.VMEM((CH,), jnp.float32),
        pltpu.VMEM((CH,), jnp.float32),
        pltpu.VMEM((CH,), jnp.float32),
        pltpu.VMEM((CH + L,), jnp.float32),
        pltpu.VMEM((CH + L,), jnp.float32),
        pltpu.VMEM((ASZ,), jnp.float32),
        pltpu.SemaphoreType.DMA,
        pltpu.SemaphoreType.DMA,
    ],
    compiler_params=pltpu.CompilerParams(needs_layout_passes=False),
)(_sc_body)


def _combine_body(thr_ref, p_ref, o_ref):
    thr = thr_ref[0]
    accs = p_ref[...]
    rows = []
    sums = []
    for b in range(NB):
        total = None
        for c in range(NC):
            for k in range(NW // NB // NC):
                wid = c * NS + (b * (NS // NB) + k)
                t = accs[wid]
                total = t if total is None else total + t
        sums.append(total)
    hw = P // 2
    for b in range(NB):
        x = sums[b][hw : hw + BAND]
        top = x[:hw]
        if b > 0:
            top = top + sums[b - 1][hw + BAND :]
        bot = x[BAND - hw :]
        if b < NB - 1:
            bot = bot + sums[b + 1][:hw]
        rows.append(jnp.concatenate([top, x[hw : BAND - hw], bot], axis=0))
    img = jnp.concatenate(rows, axis=0)
    o_ref[:, :] = jnp.clip(img / thr, 0.0, 1.0)


def _combine(partials, thr):
    return pl.pallas_call(
        _combine_body,
        out_shape=jax.ShapeDtypeStruct((H, W), jnp.float32),
        in_specs=[
            pl.BlockSpec(memory_space=pltpu.SMEM),
            pl.BlockSpec(memory_space=pltpu.VMEM),
        ],
        out_specs=pl.BlockSpec(memory_space=pltpu.VMEM),
    )(thr, partials)


def kernel(proj_points, threshold):
    xs = proj_points[:, 0]
    ys = proj_points[:, 1]
    partials = _sc_render(xs, ys).reshape(NW, AROWS, W)
    thr = jnp.maximum(jnp.asarray(threshold, jnp.float32), EPS).reshape(1)
    return _combine(partials, thr)

# --- scband reference (transcript-rebuilt; emitter-appended) ---
"""Pipeline reference for scband-masker-58153857188550 (READ-ONLY COPY).

The authoritative reference and input builder live on the scoring server;
editing this copy changes nothing except your own understanding.
"""

import jax, jax.numpy as jnp
import numpy as np

H, W, P, EPS = 512, 512, 5, 1e-05


def setup_inputs(seed: int = 0) -> dict:
    key = jax.random.key(seed)
    u = jax.random.uniform(key, (262144, 2), dtype=jnp.float32)
    proj_points = u * jnp.array([W, H], dtype=jnp.float32)
    return {"proj_points": proj_points, "threshold": 1}


def _render(proj_points, threshold):
    # Soft point-splatting rasterizer: each point writes a P x P patch of
    # bilinear-hat weights into the mask image via scatter-add, then the
    # accumulated image is normalized by threshold and clipped to [0, 1].
    half = (P - 1) / 2.0
    offs = jnp.arange(P, dtype=jnp.int32) - P // 2
    base = jnp.round(jax.lax.stop_gradient(proj_points)).astype(jnp.int32)  # [N,2] (x, y)
    px = base[:, 0][:, None] + offs[None, :]  # [N,P] column indices
    py = base[:, 1][:, None] + offs[None, :]  # [N,P] row indices
    dx = px.astype(jnp.float32) - proj_points[:, 0][:, None]
    dy = py.astype(jnp.float32) - proj_points[:, 1][:, None]
    wx = jnp.clip(half + 0.5 - jnp.abs(dx), 0.0, 1.0)
    wy = jnp.clip(half + 0.5 - jnp.abs(dy), 0.0, 1.0)
    vals = wy[:, :, None] * wx[:, None, :]  # [N,P,P]  (rows = y, cols = x)
    vx = (px >= 0) & (px < W)
    vy = (py >= 0) & (py < H)
    valid = vy[:, :, None] & vx[:, None, :]
    vals = vals * valid.astype(jnp.float32)
    pxc = jnp.clip(px, 0, W - 1)
    pyc = jnp.clip(py, 0, H - 1)
    lin = pyc[:, :, None] * W + pxc[:, None, :]  # [N,P,P]
    acc = jnp.zeros(H * W, dtype=jnp.float32).at[lin.reshape(-1)].add(vals.reshape(-1))
    thr = jnp.maximum(jnp.asarray(threshold, dtype=jnp.float32), EPS)
    return jnp.clip(acc.reshape(H, W) / thr, 0.0, 1.0)


def reference(proj_points, threshold):
    return _render(proj_points, threshold)

if __name__ == "__main__":
    import jax
    _d = setup_inputs()
    print(jax.jit(kernel)(*tuple(_d.values())))

</pallas_src>

<mosaic_0001>
#map = affine_map<(d0, d1) -> (0)>
#map1 = affine_map<(d0, d1) -> (0, 0)>
module attributes {stable_mosaic.version = 14 : i64} {
  func.func @_sc_body(%arg0: i32, %arg1: i32, %arg2: memref<262144xf32, #tpu.memory_space<hbm>>, %arg3: memref<262144xf32, #tpu.memory_space<hbm>>, %arg4: memref<32x67584xf32, #tpu.memory_space<hbm>>, %arg5: memref<8192xf32, #tpu.memory_space<vmem>>, %arg6: memref<8192xf32, #tpu.memory_space<vmem>>, %arg7: memref<8192xf32, #tpu.memory_space<vmem>>, %arg8: memref<8192xf32, #tpu.memory_space<vmem>>, %arg9: memref<8208xf32, #tpu.memory_space<vmem>>, %arg10: memref<8208xf32, #tpu.memory_space<vmem>>, %arg11: memref<67584xf32, #tpu.memory_space<vmem>>, %arg12: memref<!tpu.dma_semaphore, #tpu.memory_space<semaphore_mem>>, %arg13: memref<!tpu.dma_semaphore, #tpu.memory_space<semaphore_mem>>) attributes {dimension_semantics = [#tpu.dimension_semantics<core_parallel>, #tpu.dimension_semantics<subcore_parallel>], iteration_bounds = array<i64: 2, 16>, scalar_prefetch = 0 : i64, scratch_operands = 9 : i64, tpu.core_type = #tpu.core_type<sc_vector_subcore>, window_params = [{transform_indices = #map}, {transform_indices = #map}, {transform_indices = #map1}]} {
    %mul3A = arith.constant 16 : i32
    %mul3A_0 = arith.muli %arg0, %mul3A : i32
    %add3A = arith.addi %mul3A_0, %arg1 : i32
    %shift_right_logical3A = arith.constant 2 : i32
    %shift_right_logical3A_1 = arith.shrui %arg1, %shift_right_logical3A : i32
    %and3A = arith.constant 3 : i32
    %and3A_2 = arith.andi %arg1, %and3A : i32
    %mul3A_3 = arith.constant 2 : i32
    %mul3A_4 = arith.muli %and3A_2, %mul3A_3 : i32
    %add3A_5 = arith.addi %mul3A_4, %arg0 : i32
    %mul3A_6 = arith.constant 128 : i32
    %mul3A_7 = arith.muli %shift_right_logical3A_1, %mul3A_6 : i32
    %sub3A = arith.constant 2 : i32
    %sub3A_8 = arith.subi %mul3A_7, %sub3A : i32
    %broadcast_in_dim3A = arith.constant 0.000000e+00 : f32
    %broadcast_in_dim3A_9 = vector.broadcast %broadcast_in_dim3A : f32 to vector<16xf32>
    %broadcast_in_dim3A_10 = arith.constant -8.000000e+00 : f32
    %broadcast_in_dim3A_11 = vector.broadcast %broadcast_in_dim3A_10 : f32 to vector<16xf32>
    %add3A_12 = arith.constant 66 : i32
    %add3A_13 = arith.addi %sub3A_8, %add3A_12 : i32
    %convert_element_type3A = arith.sitofp %add3A_13 : i32 to f32
    %add3A_14 = arith.constant 2.500000e-01 : f32
    %add3A_15 = arith.addf %convert_element_type3A, %add3A_14 : f32
    %broadcast_in_dim3A_16 = vector.broadcast %add3A_15 : f32 to vector<16xf32>
    %iota3A = tpu.iota {dimensions = array<i32: 0>} : vector<16xi32>
    %mul3A_17 = arith.constant 32768 : i32
    %mul3A_18 = arith.muli %add3A_5, %mul3A_17 : i32
    %add3A_19 = arith.constant 0 : i32
    %add3A_20 = arith.addi %mul3A_18, %add3A_19 : i32
    %dma_start3A = tpu.memref_slice %arg2[%add3A_20] : memref<262144xf32, #tpu.memory_space<hbm>> -> memref<8192xf32, #tpu.memory_space<hbm>>
    %dma_start3A_21 = tpu.memref_slice %arg2[%add3A_20] : memref<262144xf32, #tpu.memory_space<hbm>> -> memref<8192xf32, #tpu.memory_space<hbm>>
    tpu.enqueue_dma source(%dma_start3A_21 : memref<8192xf32, #tpu.memory_space<hbm>>) target(%arg5 : memref<8192xf32, #tpu.memory_space<vmem>>) target_semaphore(%arg12 : memref<!tpu.dma_semaphore, #tpu.memory_space<semaphore_mem>>)
    %dma_start3A_22 = tpu.memref_slice %arg3[%add3A_20] : memref<262144xf32, #tpu.memory_space<hbm>> -> memref<8192xf32, #tpu.memory_space<hbm>>
    %dma_start3A_23 = tpu.memref_slice %arg3[%add3A_20] : memref<262144xf32, #tpu.memory_space<hbm>> -> memref<8192xf32, #tpu.memory_space<hbm>>
    tpu.enqueue_dma source(%dma_start3A_23 : memref<8192xf32, #tpu.memory_space<hbm>>) target(%arg6 : memref<8192xf32, #tpu.memory_space<vmem>>) target_semaphore(%arg12 : memref<!tpu.dma_semaphore, #tpu.memory_space<semaphore_mem>>)
    %parallel_loop3A = arith.constant 0 : i32
    %parallel_loop3A_24 = arith.constant 67584 : i32
    %parallel_loop3A_25 = arith.constant 16 : i32
    scf.for %parallel_loop3A_127 = %parallel_loop3A to %parallel_loop3A_24 step %parallel_loop3A_25  : i32 {
      %parallel_loop3A_128 = arith.index_cast %parallel_loop3A_127 : i32 to index
      %parallel_loop3A_129 = tpu.vector_load %arg11[%parallel_loop3A_128] {strides = array<i32>} : memref<67584xf32, #tpu.memory_space<vmem>>, vector<16xf32>,
      tpu.vector_store %arg11[%parallel_loop3A_128], %broadcast_in_dim3A_9 {strides = array<i32>} : memref<67584xf32, #tpu.memory_space<vmem>>, vector<16xf32>,
    } {sc.loop_unroll_factor = 8 : i64, sc.parallel_access}
    %dma_wait3A = tpu.memref_slice %arg2[%add3A_20] : memref<262144xf32, #tpu.memory_space<hbm>> -> memref<8192xf32, #tpu.memory_space<hbm>>
    %dma_wait3A_26 = tpu.memref_slice %arg2[%add3A_20] : memref<262144xf32, #tpu.memory_space<hbm>> -> memref<8192xf32, #tpu.memory_space<hbm>>
    tpu.wait_dma2 semaphore(%arg12 : memref<!tpu.dma_semaphore, #tpu.memory_space<semaphore_mem>>) src(%dma_wait3A_26 : memref<8192xf32, #tpu.memory_space<hbm>>) dst(%arg5 : memref<8192xf32, #tpu.memory_space<vmem>>)
    %dma_wait3A_27 = tpu.memref_slice %arg3[%add3A_20] : memref<262144xf32, #tpu.memory_space<hbm>> -> memref<8192xf32, #tpu.memory_space<hbm>>
    %dma_wait3A_28 = tpu.memref_slice %arg3[%add3A_20] : memref<262144xf32, #tpu.memory_space<hbm>> -> memref<8192xf32, #tpu.memory_space<hbm>>
    tpu.wait_dma2 semaphore(%arg12 : memref<!tpu.dma_semaphore, #tpu.memory_space<semaphore_mem>>) src(%dma_wait3A_28 : memref<8192xf32, #tpu.memory_space<hbm>>) dst(%arg6 : memref<8192xf32, #tpu.memory_space<vmem>>)
    %mul3A_29 = arith.constant 32768 : i32
    %mul3A_30 = arith.muli %add3A_5, %mul3A_29 : i32
    %add3A_31 = arith.constant 8192 : i32
    %add3A_32 = arith.addi %mul3A_30, %add3A_31 : i32
    %dma_start3A_33 = tpu.memref_slice %arg2[%add3A_32] : memref<262144xf32, #tpu.memory_space<hbm>> -> memref<8192xf32, #tpu.memory_space<hbm>>
    %dma_start3A_34 = tpu.memref_slice %arg2[%add3A_32] : memref<262144xf32, #tpu.memory_space<hbm>> -> memref<8192xf32, #tpu.memory_space<hbm>>
    tpu.enqueue_dma source(%dma_start3A_34 : memref<8192xf32, #tpu.memory_space<hbm>>) target(%arg7 : memref<8192xf32, #tpu.memory_space<vmem>>) target_semaphore(%arg13 : memref<!tpu.dma_semaphore, #tpu.memory_space<semaphore_mem>>)
    %dma_start3A_35 = tpu.memref_slice %arg3[%add3A_32] : memref<262144xf32, #tpu.memory_space<hbm>> -> memref<8192xf32, #tpu.memory_space<hbm>>
    %dma_start3A_36 = tpu.memref_slice %arg3[%add3A_32] : memref<262144xf32, #tpu.memory_space<hbm>> -> memref<8192xf32, #tpu.memory_space<hbm>>
    tpu.enqueue_dma source(%dma_start3A_36 : memref<8192xf32, #tpu.memory_space<hbm>>) target(%arg8 : memref<8192xf32, #tpu.memory_space<vmem>>) target_semaphore(%arg13 : memref<!tpu.dma_semaphore, #tpu.memory_space<semaphore_mem>>)
    %broadcast_in_dim3A_37 = arith.constant 0 : i32
    %broadcast_in_dim3A_38 = vector.broadcast %broadcast_in_dim3A_37 : i32 to vector<16xi32>
    %parallel_loop3A_39 = arith.constant 0 : i32
    %parallel_loop3A_40 = arith.constant 8192 : i32
    %parallel_loop3A_41 = arith.constant 16 : i32
    %parallel_loop3A_42 = scf.for %parallel_loop3A_127 = %parallel_loop3A_39 to %parallel_loop3A_40 step %parallel_loop3A_41 iter_args(%parallel_loop3A_128 = %broadcast_in_dim3A_38) -> (vector<16xi32>)  : i32 {
      %parallel_loop3A_129 = arith.index_cast %parallel_loop3A_127 : i32 to index
      %parallel_loop3A_130 = tpu.vector_load %arg5[%parallel_loop3A_129] {strides = array<i32>} : memref<8192xf32, #tpu.memory_space<vmem>>, vector<16xf32>,
      %parallel_loop3A_131 = arith.index_cast %parallel_loop3A_127 : i32 to index
      %parallel_loop3A_132 = tpu.vector_load %arg6[%parallel_loop3A_131] {strides = array<i32>} : memref<8192xf32, #tpu.memory_space<vmem>>, vector<16xf32>,
      %parallel_loop3A_133 = arith.fptosi %parallel_loop3A_132 : vector<16xf32> to vector<16xi32>
      %parallel_loop3A_134 = arith.sitofp %parallel_loop3A_133 : vector<16xi32> to vector<16xf32>
      %parallel_loop3A_135 = arith.subf %parallel_loop3A_132, %parallel_loop3A_134 : vector<16xf32>
      %parallel_loop3A_136 = arith.constant 5.000000e-01 : f32
      %parallel_loop3A_137 = vector.broadcast %parallel_loop3A_136 : f32 to vector<16xf32>
      %parallel_loop3A_138 = arith.cmpf oge, %parallel_loop3A_135, %parallel_loop3A_137 : vector<16xf32>
      %parallel_loop3A_139 = arith.constant 1 : i32
      %parallel_loop3A_140 = arith.constant 0 : i32
      %parallel_loop3A_141 = vector.broadcast %parallel_loop3A_139 : i32 to vector<16xi32>
      %parallel_loop3A_142 = vector.broadcast %parallel_loop3A_140 : i32 to vector<16xi32>
      %parallel_loop3A_143 = arith.select %parallel_loop3A_138, %parallel_loop3A_141, %parallel_loop3A_142 : vector<16xi1>, vector<16xi32>
      %parallel_loop3A_144 = arith.addi %parallel_loop3A_133, %parallel_loop3A_143 : vector<16xi32>
      %parallel_loop3A_145 = arith.constant 511 : i32
      %parallel_loop3A_146 = vector.broadcast %parallel_loop3A_145 : i32 to vector<16xi32>
      %parallel_loop3A_147 = arith.minsi %parallel_loop3A_144, %parallel_loop3A_146 : vector<16xi32>
      %parallel_loop3A_148 = arith.constant 7 : i32
      %parallel_loop3A_149 = vector.broadcast %parallel_loop3A_148 : i32 to vector<16xi32>
      %parallel_loop3A_150 = arith.shrui %parallel_loop3A_147, %parallel_loop3A_149 : vector<16xi32>
      %parallel_loop3A_151 = vector.broadcast %shift_right_logical3A_1 : i32 to vector<16xi32>
      %parallel_loop3A_152 = arith.cmpi eq, %parallel_loop3A_150, %parallel_loop3A_151 : vector<16xi32>
      %parallel_loop3A_153 = arith.constant 1 : i32
      %parallel_loop3A_154 = arith.constant 0 : i32
      %parallel_loop3A_155 = vector.broadcast %parallel_loop3A_153 : i32 to vector<16xi32>
      %parallel_loop3A_156 = vector.broadcast %parallel_loop3A_154 : i32 to vector<16xi32>
      %parallel_loop3A_157 = arith.select %parallel_loop3A_152, %parallel_loop3A_155, %parallel_loop3A_156 : vector<16xi1>, vector<16xi32>
      %parallel_loop3A_158 = arith.constant true
      %parallel_loop3A_159 = vector.broadcast %parallel_loop3A_158 : i1 to vector<16xi1>
      %parallel_loop3A_160 = tpu.scan <sum>, %parallel_loop3A_157 masked %parallel_loop3A_159 : vector<16xi32>, vector<16xi1> -> vector<16xi32>
      %parallel_loop3A_161 = arith.addi %parallel_loop3A_128, %parallel_loop3A_160 : vector<16xi32>
      %parallel_loop3A_162 = arith.constant 1 : i32
      %parallel_loop3A_163 = vector.broadcast %parallel_loop3A_162 : i32 to vector<16xi32>
      %parallel_loop3A_164 = arith.subi %parallel_loop3A_161, %parallel_loop3A_163 : vector<16xi32>
      tpu.vector_store_idx %arg9[%parallel_loop3A_164], %parallel_loop3A_130 masked %parallel_loop3A_152 : memref<8208xf32, #tpu.memory_space<vmem>>[vector<16xi32>], vector<16xf32>, vector<16xi1>
      tpu.vector_store_idx %arg10[%parallel_loop3A_164], %parallel_loop3A_132 masked %parallel_loop3A_152 : memref<8208xf32, #tpu.memory_space<vmem>>[vector<16xi32>], vector<16xf32>, vector<16xi1>
      %parallel_loop3A_165 = tpu.all_reduce %parallel_loop3A_152 {dim = 0 : i64, kind = #tpu.reduction_kind<sum>} : vector<16xi1> -> vector<16xi32>
      %parallel_loop3A_166 = arith.addi %parallel_loop3A_128, %parallel_loop3A_165 : vector<16xi32>
      scf.yield %parallel_loop3A_166 : vector<16xi32>
    } {sc.loop_unroll_factor = 1 : i64, sc.parallel_access}
    %add3A_43 = arith.addi %parallel_loop3A_42, %iota3A : vector<16xi32>
    tpu.vector_store_idx %arg9[%add3A_43], %broadcast_in_dim3A_11 : memref<8208xf32, #tpu.memory_space<vmem>>[vector<16xi32>], vector<16xf32>,
    %add3A_44 = arith.addi %parallel_loop3A_42, %iota3A : vector<16xi32>
    tpu.vector_store_idx %arg10[%add3A_44], %broadcast_in_dim3A_16 : memref<8208xf32, #tpu.memory_space<vmem>>[vector<16xi32>], vector<16xf32>,
    %slice3A = vector.extract_strided_slice %parallel_loop3A_42 {offsets = [0], sizes = [1], strides = [1]} : vector<16xi32> to vector<1xi32>
    %squeeze3A = vector.extract %slice3A[0] : i32 from vector<1xi32>
    %add3A_45 = arith.constant 15 : i32
    %add3A_46 = arith.addi %squeeze3A, %add3A_45 : i32
    %and3A_47 = arith.constant -16 : i32
    %and3A_48 = arith.andi %add3A_46, %and3A_47 : i32
    %parallel_loop3A_49 = arith.constant 0 : i32
    %parallel_loop3A_50 = arith.constant 16 : i32
    scf.for %parallel_loop3A_127 = %parallel_loop3A_49 to %and3A_48 step %parallel_loop3A_50  : i32 {
      %parallel_loop3A_128 = arith.index_cast %parallel_loop3A_127 : i32 to index
      %parallel_loop3A_129 = tpu.vector_load %arg9[%parallel_loop3A_128] {strides = array<i32>} : memref<8208xf32, #tpu.memory_space<vmem>>, vector<16xf32>,
      %parallel_loop3A_130 = arith.index_cast %parallel_loop3A_127 : i32 to index
      %parallel_loop3A_131 = tpu.vector_load %arg10[%parallel_loop3A_130] {strides = array<i32>} : memref<8208xf32, #tpu.memory_space<vmem>>, vector<16xf32>,
      %parallel_loop3A_132 = arith.fptosi %parallel_loop3A_129 : vector<16xf32> to vector<16xi32>
      %parallel_loop3A_133 = arith.fptosi %parallel_loop3A_131 : vector<16xf32> to vector<16xi32>
      %parallel_loop3A_134 = arith.sitofp %parallel_loop3A_132 : vector<16xi32> to vector<16xf32>
      %parallel_loop3A_135 = arith.subf %parallel_loop3A_129, %parallel_loop3A_134 : vector<16xf32>
      %parallel_loop3A_136 = arith.sitofp %parallel_loop3A_133 : vector<16xi32> to vector<16xf32>
      %parallel_loop3A_137 = arith.subf %parallel_loop3A_131, %parallel_loop3A_136 : vector<16xf32>
      %parallel_loop3A_138 = arith.constant 5.000000e-01 : f32
      %parallel_loop3A_139 = vector.broadcast %parallel_loop3A_138 : f32 to vector<16xf32>
      %parallel_loop3A_140 = arith.cmpf oge, %parallel_loop3A_135, %parallel_loop3A_139 : vector<16xf32>
      %parallel_loop3A_141 = arith.constant 1 : i32
      %parallel_loop3A_142 = arith.constant 0 : i32
      %parallel_loop3A_143 = vector.broadcast %parallel_loop3A_141 : i32 to vector<16xi32>
      %parallel_loop3A_144 = vector.broadcast %parallel_loop3A_142 : i32 to vector<16xi32>
      %parallel_loop3A_145 = arith.select %parallel_loop3A_140, %parallel_loop3A_143, %parallel_loop3A_144 : vector<16xi1>, vector<16xi32>
      %parallel_loop3A_146 = arith.addi %parallel_loop3A_132, %parallel_loop3A_145 : vector<16xi32>
      %parallel_loop3A_147 = arith.constant 5.000000e-01 : f32
      %parallel_loop3A_148 = vector.broadcast %parallel_loop3A_147 : f32 to vector<16xf32>
      %parallel_loop3A_149 = arith.cmpf oge, %parallel_loop3A_137, %parallel_loop3A_148 : vector<16xf32>
      %parallel_loop3A_150 = arith.constant 1 : i32
      %parallel_loop3A_151 = arith.constant 0 : i32
      %parallel_loop3A_152 = vector.broadcast %parallel_loop3A_150 : i32 to vector<16xi32>
      %parallel_loop3A_153 = vector.broadcast %parallel_loop3A_151 : i32 to vector<16xi32>
      %parallel_loop3A_154 = arith.select %parallel_loop3A_149, %parallel_loop3A_152, %parallel_loop3A_153 : vector<16xi1>, vector<16xi32>
      %parallel_loop3A_155 = arith.addi %parallel_loop3A_133, %parallel_loop3A_154 : vector<16xi32>
      %parallel_loop3A_156 = arith.sitofp %parallel_loop3A_146 : vector<16xi32> to vector<16xf32>
      %parallel_loop3A_157 = arith.subf %parallel_loop3A_156, %parallel_loop3A_129 : vector<16xf32>
      %parallel_loop3A_158 = arith.sitofp %parallel_loop3A_155 : vector<16xi32> to vector<16xf32>
      %parallel_loop3A_159 = arith.subf %parallel_loop3A_158, %parallel_loop3A_131 : vector<16xf32>
      %parallel_loop3A_160 = arith.constant 1.000000e+00 : f32
      %parallel_loop3A_161 = vector.broadcast %parallel_loop3A_160 : f32 to vector<16xf32>
      %parallel_loop3A_162 = arith.constant 0.000000e+00 : f32
      %parallel_loop3A_163 = vector.broadcast %parallel_loop3A_162 : f32 to vector<16xf32>
      %parallel_loop3A_164 = arith.constant 5.000000e-01 : f32
      %parallel_loop3A_165 = vector.broadcast %parallel_loop3A_164 : f32 to vector<16xf32>
      %parallel_loop3A_166 = arith.addf %parallel_loop3A_165, %parallel_loop3A_157 : vector<16xf32>
      %parallel_loop3A_167 = arith.constant 5.000000e-01 : f32
      %parallel_loop3A_168 = vector.broadcast %parallel_loop3A_167 : f32 to vector<16xf32>
      %parallel_loop3A_169 = arith.subf %parallel_loop3A_168, %parallel_loop3A_157 : vector<16xf32>
      %parallel_loop3A_170 = arith.constant 5.000000e-01 : f32
      %parallel_loop3A_171 = vector.broadcast %parallel_loop3A_170 : f32 to vector<16xf32>
      %parallel_loop3A_172 = arith.addf %parallel_loop3A_171, %parallel_loop3A_159 : vector<16xf32>
      %parallel_loop3A_173 = arith.constant 5.000000e-01 : f32
      %parallel_loop3A_174 = vector.broadcast %parallel_loop3A_173 : f32 to vector<16xf32>
      %parallel_loop3A_175 = arith.subf %parallel_loop3A_174, %parallel_loop3A_159 : vector<16xf32>
      %parallel_loop3A_176 = arith.constant -2 : i32
      %parallel_loop3A_177 = vector.broadcast %parallel_loop3A_176 : i32 to vector<16xi32>
      %parallel_loop3A_178 = arith.addi %parallel_loop3A_146, %parallel_loop3A_177 : vector<16xi32>
      %parallel_loop3A_179 = arith.constant 512 : i32
      %parallel_loop3A_180 = vector.broadcast %parallel_loop3A_179 : i32 to vector<16xi32>
      %parallel_loop3A_181 = arith.cmpi ult, %parallel_loop3A_178, %parallel_loop3A_180 : vector<16xi32>
      %parallel_loop3A_182 = arith.select %parallel_loop3A_181, %parallel_loop3A_166, %parallel_loop3A_163 : vector<16xi1>, vector<16xf32>
      %parallel_loop3A_183 = arith.constant 511 : i32
      %parallel_loop3A_184 = vector.broadcast %parallel_loop3A_183 : i32 to vector<16xi32>
      %parallel_loop3A_185 = arith.andi %parallel_loop3A_178, %parallel_loop3A_184 : vector<16xi32>
      %parallel_loop3A_186 = arith.constant -1 : i32
      %parallel_loop3A_187 = vector.broadcast %parallel_loop3A_186 : i32 to vector<16xi32>
      %parallel_loop3A_188 = arith.addi %parallel_loop3A_146, %parallel_loop3A_187 : vector<16xi32>
      %parallel_loop3A_189 = arith.constant 512 : i32
      %parallel_loop3A_190 = vector.broadcast %parallel_loop3A_189 : i32 to vector<16xi32>
      %parallel_loop3A_191 = arith.cmpi ult, %parallel_loop3A_188, %parallel_loop3A_190 : vector<16xi32>
      %parallel_loop3A_192 = arith.select %parallel_loop3A_191, %parallel_loop3A_161, %parallel_loop3A_163 : vector<16xi1>, vector<16xf32>
      %parallel_loop3A_193 = arith.constant 511 : i32
      %parallel_loop3A_194 = vector.broadcast %parallel_loop3A_193 : i32 to vector<16xi32>
      %parallel_loop3A_195 = arith.andi %parallel_loop3A_188, %parallel_loop3A_194 : vector<16xi32>
      %parallel_loop3A_196 = arith.constant 0 : i32
      %parallel_loop3A_197 = vector.broadcast %parallel_loop3A_196 : i32 to vector<16xi32>
      %parallel_loop3A_198 = arith.addi %parallel_loop3A_146, %parallel_loop3A_197 : vector<16xi32>
      %parallel_loop3A_199 = arith.constant 512 : i32
      %parallel_loop3A_200 = vector.broadcast %parallel_loop3A_199 : i32 to vector<16xi32>
      %parallel_loop3A_201 = arith.cmpi ult, %parallel_loop3A_198, %parallel_loop3A_200 : vector<16xi32>
      %parallel_loop3A_202 = arith.select %parallel_loop3A_201, %parallel_loop3A_161, %parallel_loop3A_163 : vector<16xi1>, vector<16xf32>
      %parallel_loop3A_203 = arith.constant 511 : i32
      %parallel_loop3A_204 = vector.broadcast %parallel_loop3A_203 : i32 to vector<16xi32>
      %parallel_loop3A_205 = arith.andi %parallel_loop3A_198, %parallel_loop3A_204 : vector<16xi32>
      %parallel_loop3A_206 = arith.constant 1 : i32
      %parallel_loop3A_207 = vector.broadcast %parallel_loop3A_206 : i32 to vector<16xi32>
      %parallel_loop3A_208 = arith.addi %parallel_loop3A_146, %parallel_loop3A_207 : vector<16xi32>
      %parallel_loop3A_209 = arith.constant 512 : i32
      %parallel_loop3A_210 = vector.broadcast %parallel_loop3A_209 : i32 to vector<16xi32>
      %parallel_loop3A_211 = arith.cmpi ult, %parallel_loop3A_208, %parallel_loop3A_210 : vector<16xi32>
      %parallel_loop3A_212 = arith.select %parallel_loop3A_211, %parallel_loop3A_161, %parallel_loop3A_163 : vector<16xi1>, vector<16xf32>
      %parallel_loop3A_213 = arith.constant 511 : i32
      %parallel_loop3A_214 = vector.broadcast %parallel_loop3A_213 : i32 to vector<16xi32>
      %parallel_loop3A_215 = arith.andi %parallel_loop3A_208, %parallel_loop3A_214 : vector<16xi32>
      %parallel_loop3A_216 = arith.constant 2 : i32
      %parallel_loop3A_217 = vector.broadcast %parallel_loop3A_216 : i32 to vector<16xi32>
      %parallel_loop3A_218 = arith.addi %parallel_loop3A_146, %parallel_loop3A_217 : vector<16xi32>
      %parallel_loop3A_219 = arith.constant 512 : i32
      %parallel_loop3A_220 = vector.broadcast %parallel_loop3A_219 : i32 to vector<16xi32>
      %parallel_loop3A_221 = arith.cmpi ult, %parallel_loop3A_218, %parallel_loop3A_220 : vector<16xi32>
      %parallel_loop3A_222 = arith.select %parallel_loop3A_221, %parallel_loop3A_169, %parallel_loop3A_163 : vector<16xi1>, vector<16xf32>
      %parallel_loop3A_223 = arith.constant 511 : i32
      %parallel_loop3A_224 = vector.broadcast %parallel_loop3A_223 : i32 to vector<16xi32>
      %parallel_loop3A_225 = arith.andi %parallel_loop3A_218, %parallel_loop3A_224 : vector<16xi32>
      %parallel_loop3A_226 = arith.constant -2 : i32
      %parallel_loop3A_227 = vector.broadcast %parallel_loop3A_226 : i32 to vector<16xi32>
      %parallel_loop3A_228 = arith.addi %parallel_loop3A_155, %parallel_loop3A_227 : vector<16xi32>
      %parallel_loop3A_229 = arith.constant 512 : i32
      %parallel_loop3A_230 = vector.broadcast %parallel_loop3A_229 : i32 to vector<16xi32>
      %parallel_loop3A_231 = arith.cmpi ult, %parallel_loop3A_228, %parallel_loop3A_230 : vector<16xi32>
      %parallel_loop3A_232 = arith.select %parallel_loop3A_231, %parallel_loop3A_172, %parallel_loop3A_163 : vector<16xi1>, vector<16xf32>
      %parallel_loop3A_233 = vector.broadcast %sub3A_8 : i32 to vector<16xi32>
      %parallel_loop3A_234 = arith.subi %parallel_loop3A_228, %parallel_loop3A_233 : vector<16xi32>
      %parallel_loop3A_235 = arith.constant 131 : i32
      %parallel_loop3A_236 = vector.broadcast %parallel_loop3A_235 : i32 to vector<16xi32>
      %parallel_loop3A_237 = arith.minsi %parallel_loop3A_234, %parallel_loop3A_236 : vector<16xi32>
      %parallel_loop3A_238 = arith.constant 9 : i32
      %parallel_loop3A_239 = vector.broadcast %parallel_loop3A_238 : i32 to vector<16xi32>
      %parallel_loop3A_240 = arith.shli %parallel_loop3A_237, %parallel_loop3A_239 : vector<16xi32>
      %parallel_loop3A_241 = arith.addi %parallel_loop3A_240, %parallel_loop3A_185 : vector<16xi32>
      %parallel_loop3A_242 = arith.mulf %parallel_loop3A_232, %parallel_loop3A_182 : vector<16xf32>
      tpu.vector_store_idx %arg11[%parallel_loop3A_241], %parallel_loop3A_242 {add = true} : memref<67584xf32, #tpu.memory_space<vmem>>[vector<16xi32>], vector<16xf32>,
      %parallel_loop3A_243 = arith.addi %parallel_loop3A_240, %parallel_loop3A_195 : vector<16xi32>
      %parallel_loop3A_244 = arith.mulf %parallel_loop3A_232, %parallel_loop3A_192 : vector<16xf32>
      tpu.vector_store_idx %arg11[%parallel_loop3A_243], %parallel_loop3A_244 {add = true} : memref<67584xf32, #tpu.memory_space<vmem>>[vector<16xi32>], vector<16xf32>,
      %parallel_loop3A_245 = arith.addi %parallel_loop3A_240, %parallel_loop3A_205 : vector<16xi32>
      %parallel_loop3A_246 = arith.mulf %parallel_loop3A_232, %parallel_loop3A_202 : vector<16xf32>
      tpu.vector_store_idx %arg11[%parallel_loop3A_245], %parallel_loop3A_246 {add = true} : memref<67584xf32, #tpu.memory_space<vmem>>[vector<16xi32>], vector<16xf32>,
      %parallel_loop3A_247 = arith.addi %parallel_loop3A_240, %parallel_loop3A_215 : vector<16xi32>
      %parallel_loop3A_248 = arith.mulf %parallel_loop3A_232, %parallel_loop3A_212 : vector<16xf32>
      tpu.vector_store_idx %arg11[%parallel_loop3A_247], %parallel_loop3A_248 {add = true} : memref<67584xf32, #tpu.memory_space<vmem>>[vector<16xi32>], vector<16xf32>,
      %parallel_loop3A_249 = arith.addi %parallel_loop3A_240, %parallel_loop3A_225 : vector<16xi32>
      %parallel_loop3A_250 = arith.mulf %parallel_loop3A_232, %parallel_loop3A_222 : vector<16xf32>
      tpu.vector_store_idx %arg11[%parallel_loop3A_249], %parallel_loop3A_250 {add = true} : memref<67584xf32, #tpu.memory_space<vmem>>[vector<16xi32>], vector<16xf32>,
      %parallel_loop3A_251 = arith.constant -1 : i32
      %parallel_loop3A_252 = vector.broadcast %parallel_loop3A_251 : i32 to vector<16xi32>
      %parallel_loop3A_253 = arith.addi %parallel_loop3A_155, %parallel_loop3A_252 : vector<16xi32>
      %parallel_loop3A_254 = arith.constant 512 : i32
      %parallel_loop3A_255 = vector.broadcast %parallel_loop3A_254 : i32 to vector<16xi32>
      %parallel_loop3A_256 = arith.cmpi ult, %parallel_loop3A_253, %parallel_loop3A_255 : vector<16xi32>
      %parallel_loop3A_257 = arith.select %parallel_loop3A_256, %parallel_loop3A_161, %parallel_loop3A_163 : vector<16xi1>, vector<16xf32>
      %parallel_loop3A_258 = vector.broadcast %sub3A_8 : i32 to vector<16xi32>
      %parallel_loop3A_259 = arith.subi %parallel_loop3A_253, %parallel_loop3A_258 : vector<16xi32>
      %parallel_loop3A_260 = arith.constant 131 : i32
      %parallel_loop3A_261 = vector.broadcast %parallel_loop3A_260 : i32 to vector<16xi32>
      %parallel_loop3A_262 = arith.minsi %parallel_loop3A_259, %parallel_loop3A_261 : vector<16xi32>
      %parallel_loop3A_263 = arith.constant 9 : i32
      %parallel_loop3A_264 = vector.broadcast %parallel_loop3A_263 : i32 to vector<16xi32>
      %parallel_loop3A_265 = arith.shli %parallel_loop3A_262, %parallel_loop3A_264 : vector<16xi32>
      %parallel_loop3A_266 = arith.addi %parallel_loop3A_265, %parallel_loop3A_185 : vector<16xi32>
      %parallel_loop3A_267 = arith.mulf %parallel_loop3A_257, %parallel_loop3A_182 : vector<16xf32>
      tpu.vector_store_idx %arg11[%parallel_loop3A_266], %parallel_loop3A_267 {add = true} : memref<67584xf32, #tpu.memory_space<vmem>>[vector<16xi32>], vector<16xf32>,
      %parallel_loop3A_268 = arith.addi %parallel_loop3A_265, %parallel_loop3A_195 : vector<16xi32>
      %parallel_loop3A_269 = arith.mulf %parallel_loop3A_257, %parallel_loop3A_192 : vector<16xf32>
      tpu.vector_store_idx %arg11[%parallel_loop3A_268], %parallel_loop3A_269 {add = true} : memref<67584xf32, #tpu.memory_space<vmem>>[vector<16xi32>], vector<16xf32>,
      %parallel_loop3A_270 = arith.addi %parallel_loop3A_265, %parallel_loop3A_205 : vector<16xi32>
      %parallel_loop3A_271 = arith.mulf %parallel_loop3A_257, %parallel_loop3A_202 : vector<16xf32>
      tpu.vector_store_idx %arg11[%parallel_loop3A_270], %parallel_loop3A_271 {add = true} : memref<67584xf32, #tpu.memory_space<vmem>>[vector<16xi32>], vector<16xf32>,
      %parallel_loop3A_272 = arith.addi %parallel_loop3A_265, %parallel_loop3A_215 : vector<16xi32>
      %parallel_loop3A_273 = arith.mulf %parallel_loop3A_257, %parallel_loop3A_212 : vector<16xf32>
      tpu.vector_store_idx %arg11[%parallel_loop3A_272], %parallel_loop3A_273 {add = true} : memref<67584xf32, #tpu.memory_space<vmem>>[vector<16xi32>], vector<16xf32>,
      %parallel_loop3A_274 = arith.addi %parallel_loop3A_265, %parallel_loop3A_225 : vector<16xi32>
      %parallel_loop3A_275 = arith.mulf %parallel_loop3A_257, %parallel_loop3A_222 : vector<16xf32>
      tpu.vector_store_idx %arg11[%parallel_loop3A_274], %parallel_loop3A_275 {add = true} : memref<67584xf32, #tpu.memory_space<vmem>>[vector<16xi32>], vector<16xf32>,
      %parallel_loop3A_276 = arith.constant 0 : i32
      %parallel_loop3A_277 = vector.broadcast %parallel_loop3A_276 : i32 to vector<16xi32>
      %parallel_loop3A_278 = arith.addi %parallel_loop3A_155, %parallel_loop3A_277 : vector<16xi32>
      %parallel_loop3A_279 = arith.constant 512 : i32
      %parallel_loop3A_280 = vector.broadcast %parallel_loop3A_279 : i32 to vector<16xi32>
      %parallel_loop3A_281 = arith.cmpi ult, %parallel_loop3A_278, %parallel_loop3A_280 : vector<16xi32>
      %parallel_loop3A_282 = arith.select %parallel_loop3A_281, %parallel_loop3A_161, %parallel_loop3A_163 : vector<16xi1>, vector<16xf32>
      %parallel_loop3A_283 = vector.broadcast %sub3A_8 : i32 to vector<16xi32>
      %parallel_loop3A_284 = arith.subi %parallel_loop3A_278, %parallel_loop3A_283 : vector<16xi32>
      %parallel_loop3A_285 = arith.constant 131 : i32
      %parallel_loop3A_286 = vector.broadcast %parallel_loop3A_285 : i32 to vector<16xi32>
      %parallel_loop3A_287 = arith.minsi %parallel_loop3A_284, %parallel_loop3A_286 : vector<16xi32>
      %parallel_loop3A_288 = arith.constant 9 : i32
      %parallel_loop3A_289 = vector.broadcast %parallel_loop3A_288 : i32 to vector<16xi32>
      %parallel_loop3A_290 = arith.shli %parallel_loop3A_287, %parallel_loop3A_289 : vector<16xi32>
      %parallel_loop3A_291 = arith.addi %parallel_loop3A_290, %parallel_loop3A_185 : vector<16xi32>
      %parallel_loop3A_292 = arith.mulf %parallel_loop3A_282, %parallel_loop3A_182 : vector<16xf32>
      tpu.vector_store_idx %arg11[%parallel_loop3A_291], %parallel_loop3A_292 {add = true} : memref<67584xf32, #tpu.memory_space<vmem>>[vector<16xi32>], vector<16xf32>,
      %parallel_loop3A_293 = arith.addi %parallel_loop3A_290, %parallel_loop3A_195 : vector<16xi32>
      %parallel_loop3A_294 = arith.mulf %parallel_loop3A_282, %parallel_loop3A_192 : vector<16xf32>
      tpu.vector_store_idx %arg11[%parallel_loop3A_293], %parallel_loop3A_294 {add = true} : memref<67584xf32, #tpu.memory_space<vmem>>[vector<16xi32>], vector<16xf32>,
      %parallel_loop3A_295 = arith.addi %parallel_loop3A_290, %parallel_loop3A_205 : vector<16xi32>
      %parallel_loop3A_296 = arith.mulf %parallel_loop3A_282, %parallel_loop3A_202 : vector<16xf32>
      tpu.vector_store_idx %arg11[%parallel_loop3A_295], %parallel_loop3A_296 {add = true} : memref<67584xf32, #tpu.memory_space<vmem>>[vector<16xi32>], vector<16xf32>,
      %parallel_loop3A_297 = arith.addi %parallel_loop3A_290, %parallel_loop3A_215 : vector<16xi32>
      %parallel_loop3A_298 = arith.mulf %parallel_loop3A_282, %parallel_loop3A_212 : vector<16xf32>
      tpu.vector_store_idx %arg11[%parallel_loop3A_297], %parallel_loop3A_298 {add = true} : memref<67584xf32, #tpu.memory_space<vmem>>[vector<16xi32>], vector<16xf32>,
      %parallel_loop3A_299 = arith.addi %parallel_loop3A_290, %parallel_loop3A_225 : vector<16xi32>
      %parallel_loop3A_300 = arith.mulf %parallel_loop3A_282, %parallel_loop3A_222 : vector<16xf32>
      tpu.vector_store_idx %arg11[%parallel_loop3A_299], %parallel_loop3A_300 {add = true} : memref<67584xf32, #tpu.memory_space<vmem>>[vector<16xi32>], vector<16xf32>,
      %parallel_loop3A_301 = arith.constant 1 : i32
      %parallel_loop3A_302 = vector.broadcast %parallel_loop3A_301 : i32 to vector<16xi32>
      %parallel_loop3A_303 = arith.addi %parallel_loop3A_155, %parallel_loop3A_302 : vector<16xi32>
      %parallel_loop3A_304 = arith.constant 512 : i32
      %parallel_loop3A_305 = vector.broadcast %parallel_loop3A_304 : i32 to vector<16xi32>
      %parallel_loop3A_306 = arith.cmpi ult, %parallel_loop3A_303, %parallel_loop3A_305 : vector<16xi32>
      %parallel_loop3A_307 = arith.select %parallel_loop3A_306, %parallel_loop3A_161, %parallel_loop3A_163 : vector<16xi1>, vector<16xf32>
      %parallel_loop3A_308 = vector.broadcast %sub3A_8 : i32 to vector<16xi32>
      %parallel_loop3A_309 = arith.subi %parallel_loop3A_303, %parallel_loop3A_308 : vector<16xi32>
      %parallel_loop3A_310 = arith.constant 131 : i32
      %parallel_loop3A_311 = vector.broadcast %parallel_loop3A_310 : i32 to vector<16xi32>
      %parallel_loop3A_312 = arith.minsi %parallel_loop3A_309, %parallel_loop3A_311 : vector<16xi32>
      %parallel_loop3A_313 = arith.constant 9 : i32
      %parallel_loop3A_314 = vector.broadcast %parallel_loop3A_313 : i32 to vector<16xi32>
      %parallel_loop3A_315 = arith.shli %parallel_loop3A_312, %parallel_loop3A_314 : vector<16xi32>
      %parallel_loop3A_316 = arith.addi %parallel_loop3A_315, %parallel_loop3A_185 : vector<16xi32>
      %parallel_loop3A_317 = arith.mulf %parallel_loop3A_307, %parallel_loop3A_182 : vector<16xf32>
      tpu.vector_store_idx %arg11[%parallel_loop3A_316], %parallel_loop3A_317 {add = true} : memref<67584xf32, #tpu.memory_space<vmem>>[vector<16xi32>], vector<16xf32>,
      %parallel_loop3A_318 = arith.addi %parallel_loop3A_315, %parallel_loop3A_195 : vector<16xi32>
      %parallel_loop3A_319 = arith.mulf %parallel_loop3A_307, %parallel_loop3A_192 : vector<16xf32>
      tpu.vector_store_idx %arg11[%parallel_loop3A_318], %parallel_loop3A_319 {add = true} : memref<67584xf32, #tpu.memory_space<vmem>>[vector<16xi32>], vector<16xf32>,
      %parallel_loop3A_320 = arith.addi %parallel_loop3A_315, %parallel_loop3A_205 : vector<16xi32>
      %parallel_loop3A_321 = arith.mulf %parallel_loop3A_307, %parallel_loop3A_202 : vector<16xf32>
      tpu.vector_store_idx %arg11[%parallel_loop3A_320], %parallel_loop3A_321 {add = true} : memref<67584xf32, #tpu.memory_space<vmem>>[vector<16xi32>], vector<16xf32>,
      %parallel_loop3A_322 = arith.addi %parallel_loop3A_315, %parallel_loop3A_215 : vector<16xi32>
      %parallel_loop3A_323 = arith.mulf %parallel_loop3A_307, %parallel_loop3A_212 : vector<16xf32>
      tpu.vector_store_idx %arg11[%parallel_loop3A_322], %parallel_loop3A_323 {add = true} : memref<67584xf32, #tpu.memory_space<vmem>>[vector<16xi32>], vector<16xf32>,
      %parallel_loop3A_324 = arith.addi %parallel_loop3A_315, %parallel_loop3A_225 : vector<16xi32>
      %parallel_loop3A_325 = arith.mulf %parallel_loop3A_307, %parallel_loop3A_222 : vector<16xf32>
      tpu.vector_store_idx %arg11[%parallel_loop3A_324], %parallel_loop3A_325 {add = true} : memref<67584xf32, #tpu.memory_space<vmem>>[vector<16xi32>], vector<16xf32>,
      %parallel_loop3A_326 = arith.constant 2 : i32
      %parallel_loop3A_327 = vector.broadcast %parallel_loop3A_326 : i32 to vector<16xi32>
      %parallel_loop3A_328 = arith.addi %parallel_loop3A_155, %parallel_loop3A_327 : vector<16xi32>
      %parallel_loop3A_329 = arith.constant 512 : i32
      %parallel_loop3A_330 = vector.broadcast %parallel_loop3A_329 : i32 to vector<16xi32>
      %parallel_loop3A_331 = arith.cmpi ult, %parallel_loop3A_328, %parallel_loop3A_330 : vector<16xi32>
      %parallel_loop3A_332 = arith.select %parallel_loop3A_331, %parallel_loop3A_175, %parallel_loop3A_163 : vector<16xi1>, vector<16xf32>
      %parallel_loop3A_333 = vector.broadcast %sub3A_8 : i32 to vector<16xi32>
      %parallel_loop3A_334 = arith.subi %parallel_loop3A_328, %parallel_loop3A_333 : vector<16xi32>
      %parallel_loop3A_335 = arith.constant 131 : i32
      %parallel_loop3A_336 = vector.broadcast %parallel_loop3A_335 : i32 to vector<16xi32>
      %parallel_loop3A_337 = arith.minsi %parallel_loop3A_334, %parallel_loop3A_336 : vector<16xi32>
      %parallel_loop3A_338 = arith.constant 9 : i32
      %parallel_loop3A_339 = vector.broadcast %parallel_loop3A_338 : i32 to vector<16xi32>
      %parallel_loop3A_340 = arith.shli %parallel_loop3A_337, %parallel_loop3A_339 : vector<16xi32>
      %parallel_loop3A_341 = arith.addi %parallel_loop3A_340, %parallel_loop3A_185 : vector<16xi32>
      %parallel_loop3A_342 = arith.mulf %parallel_loop3A_332, %parallel_loop3A_182 : vector<16xf32>
      tpu.vector_store_idx %arg11[%parallel_loop3A_341], %parallel_loop3A_342 {add = true} : memref<67584xf32, #tpu.memory_space<vmem>>[vector<16xi32>], vector<16xf32>,
      %parallel_loop3A_343 = arith.addi %parallel_loop3A_340, %parallel_loop3A_195 : vector<16xi32>
      %parallel_loop3A_344 = arith.mulf %parallel_loop3A_332, %parallel_loop3A_192 : vector<16xf32>
      tpu.vector_store_idx %arg11[%parallel_loop3A_343], %parallel_loop3A_344 {add = true} : memref<67584xf32, #tpu.memory_space<vmem>>[vector<16xi32>], vector<16xf32>,
      %parallel_loop3A_345 = arith.addi %parallel_loop3A_340, %parallel_loop3A_205 : vector<16xi32>
      %parallel_loop3A_346 = arith.mulf %parallel_loop3A_332, %parallel_loop3A_202 : vector<16xf32>
      tpu.vector_store_idx %arg11[%parallel_loop3A_345], %parallel_loop3A_346 {add = true} : memref<67584xf32, #tpu.memory_space<vmem>>[vector<16xi32>], vector<16xf32>,
      %parallel_loop3A_347 = arith.addi %parallel_loop3A_340, %parallel_loop3A_215 : vector<16xi32>
      %parallel_loop3A_348 = arith.mulf %parallel_loop3A_332, %parallel_loop3A_212 : vector<16xf32>
      tpu.vector_store_idx %arg11[%parallel_loop3A_347], %parallel_loop3A_348 {add = true} : memref<67584xf32, #tpu.memory_space<vmem>>[vector<16xi32>], vector<16xf32>,
      %parallel_loop3A_349 = arith.addi %parallel_loop3A_340, %parallel_loop3A_225 : vector<16xi32>
      %parallel_loop3A_350 = arith.mulf %parallel_loop3A_332, %parallel_loop3A_222 : vector<16xf32>
      tpu.vector_store_idx %arg11[%parallel_loop3A_349], %parallel_loop3A_350 {add = true} : memref<67584xf32, #tpu.memory_space<vmem>>[vector<16xi32>], vector<16xf32>,
    } {sc.loop_unroll_factor = 2 : i64, sc.parallel_access}
    %dma_wait3A_51 = tpu.memref_slice %arg2[%add3A_32] : memref<262144xf32, #tpu.memory_space<hbm>> -> memref<8192xf32, #tpu.memory_space<hbm>>
    %dma_wait3A_52 = tpu.memref_slice %arg2[%add3A_32] : memref<262144xf32, #tpu.memory_space<hbm>> -> memref<8192xf32, #tpu.memory_space<hbm>>
    tpu.wait_dma2 semaphore(%arg13 : memref<!tpu.dma_semaphore, #tpu.memory_space<semaphore_mem>>) src(%dma_wait3A_52 : memref<8192xf32, #tpu.memory_space<hbm>>) dst(%arg7 : memref<8192xf32, #tpu.memory_space<vmem>>)
    %dma_wait3A_53 = tpu.memref_slice %arg3[%add3A_32] : memref<262144xf32, #tpu.memory_space<hbm>> -> memref<8192xf32, #tpu.memory_space<hbm>>
    %dma_wait3A_54 = tpu.memref_slice %arg3[%add3A_32] : memref<262144xf32, #tpu.memory_space<hbm>> -> memref<8192xf32, #tpu.memory_space<hbm>>
    tpu.wait_dma2 semaphore(%arg13 : memref<!tpu.dma_semaphore, #tpu.memory_space<semaphore_mem>>) src(%dma_wait3A_54 : memref<8192xf32, #tpu.memory_space<hbm>>) dst(%arg8 : memref<8192xf32, #tpu.memory_space<vmem>>)
    %mul3A_55 = arith.constant 32768 : i32
    %mul3A_56 = arith.muli %add3A_5, %mul3A_55 : i32
    %add3A_57 = arith.constant 16384 : i32
    %add3A_58 = arith.addi %mul3A_56, %add3A_57 : i32
    %dma_start3A_59 = tpu.memref_slice %arg2[%add3A_58] : memref<262144xf32, #tpu.memory_space<hbm>> -> memref<8192xf32, #tpu.memory_space<hbm>>
    %dma_start3A_60 = tpu.memref_slice %arg2[%add3A_58] : memref<262144xf32, #tpu.memory_space<hbm>> -> memref<8192xf32, #tpu.memory_space<hbm>>
    tpu.enqueue_dma source(%dma_start3A_60 : memref<8192xf32, #tpu.memory_space<hbm>>) target(%arg5 : memref<8192xf32, #tpu.memory_space<vmem>>) target_semaphore(%arg12 : memref<!tpu.dma_semaphore, #tpu.memory_space<semaphore_mem>>)
    %dma_start3A_61 = tpu.memref_slice %arg3[%add3A_58] : memref<262144xf32, #tpu.memory_space<hbm>> -> memref<8192xf32, #tpu.memory_space<hbm>>
    %dma_start3A_62 = tpu.memref_slice %arg3[%add3A_58] : memref<262144xf32, #tpu.memory_space<hbm>> -> memref<8192xf32, #tpu.memory_space<hbm>>
    tpu.enqueue_dma source(%dma_start3A_62 : memref<8192xf32, #tpu.memory_space<hbm>>) target(%arg6 : memref<8192xf32, #tpu.memory_space<vmem>>) target_semaphore(%arg12 : memref<!tpu.dma_semaphore, #tpu.memory_space<semaphore_mem>>)
    %broadcast_in_dim3A_63 = arith.constant 0 : i32
    %broadcast_in_dim3A_64 = vector.broadcast %broadcast_in_dim3A_63 : i32 to vector<16xi32>
    %parallel_loop3A_65 = arith.constant 0 : i32
    %parallel_loop3A_66 = arith.constant 8192 : i32
    %parallel_loop3A_67 = arith.constant 16 : i32
    %parallel_loop3A_68 = scf.for %parallel_loop3A_127 = %parallel_loop3A_65 to %parallel_loop3A_66 step %parallel_loop3A_67 iter_args(%parallel_loop3A_128 = %broadcast_in_dim3A_64) -> (vector<16xi32>)  : i32 {
      %parallel_loop3A_129 = arith.index_cast %parallel_loop3A_127 : i32 to index
      %parallel_loop3A_130 = tpu.vector_load %arg7[%parallel_loop3A_129] {strides = array<i32>} : memref<8192xf32, #tpu.memory_space<vmem>>, vector<16xf32>,
      %parallel_loop3A_131 = arith.index_cast %parallel_loop3A_127 : i32 to index
      %parallel_loop3A_132 = tpu.vector_load %arg8[%parallel_loop3A_131] {strides = array<i32>} : memref<8192xf32, #tpu.memory_space<vmem>>, vector<16xf32>,
      %parallel_loop3A_133 = arith.fptosi %parallel_loop3A_132 : vector<16xf32> to vector<16xi32>
      %parallel_loop3A_134 = arith.sitofp %parallel_loop3A_133 : vector<16xi32> to vector<16xf32>
      %parallel_loop3A_135 = arith.subf %parallel_loop3A_132, %parallel_loop3A_134 : vector<16xf32>
      %parallel_loop3A_136 = arith.constant 5.000000e-01 : f32
      %parallel_loop3A_137 = vector.broadcast %parallel_loop3A_136 : f32 to vector<16xf32>
      %parallel_loop3A_138 = arith.cmpf oge, %parallel_loop3A_135, %parallel_loop3A_137 : vector<16xf32>
      %parallel_loop3A_139 = arith.constant 1 : i32
      %parallel_loop3A_140 = arith.constant 0 : i32
      %parallel_loop3A_141 = vector.broadcast %parallel_loop3A_139 : i32 to vector<16xi32>
      %parallel_loop3A_142 = vector.broadcast %parallel_loop3A_140 : i32 to vector<16xi32>
      %parallel_loop3A_143 = arith.select %parallel_loop3A_138, %parallel_loop3A_141, %parallel_loop3A_142 : vector<16xi1>, vector<16xi32>
      %parallel_loop3A_144 = arith.addi %parallel_loop3A_133, %parallel_loop3A_143 : vector<16xi32>
      %parallel_loop3A_145 = arith.constant 511 : i32
      %parallel_loop3A_146 = vector.broadcast %parallel_loop3A_145 : i32 to vector<16xi32>
      %parallel_loop3A_147 = arith.minsi %parallel_loop3A_144, %parallel_loop3A_146 : vector<16xi32>
      %parallel_loop3A_148 = arith.constant 7 : i32
      %parallel_loop3A_149 = vector.broadcast %parallel_loop3A_148 : i32 to vector<16xi32>
      %parallel_loop3A_150 = arith.shrui %parallel_loop3A_147, %parallel_loop3A_149 : vector<16xi32>
      %parallel_loop3A_151 = vector.broadcast %shift_right_logical3A_1 : i32 to vector<16xi32>
      %parallel_loop3A_152 = arith.cmpi eq, %parallel_loop3A_150, %parallel_loop3A_151 : vector<16xi32>
      %parallel_loop3A_153 = arith.constant 1 : i32
      %parallel_loop3A_154 = arith.constant 0 : i32
      %parallel_loop3A_155 = vector.broadcast %parallel_loop3A_153 : i32 to vector<16xi32>
      %parallel_loop3A_156 = vector.broadcast %parallel_loop3A_154 : i32 to vector<16xi32>
      %parallel_loop3A_157 = arith.select %parallel_loop3A_152, %parallel_loop3A_155, %parallel_loop3A_156 : vector<16xi1>, vector<16xi32>
      %parallel_loop3A_158 = arith.constant true
      %parallel_loop3A_159 = vector.broadcast %parallel_loop3A_158 : i1 to vector<16xi1>
      %parallel_loop3A_160 = tpu.scan <sum>, %parallel_loop3A_157 masked %parallel_loop3A_159 : vector<16xi32>, vector<16xi1> -> vector<16xi32>
      %parallel_loop3A_161 = arith.addi %parallel_loop3A_128, %parallel_loop3A_160 : vector<16xi32>
      %parallel_loop3A_162 = arith.constant 1 : i32
      %parallel_loop3A_163 = vector.broadcast %parallel_loop3A_162 : i32 to vector<16xi32>
      %parallel_loop3A_164 = arith.subi %parallel_loop3A_161, %parallel_loop3A_163 : vector<16xi32>
      tpu.vector_store_idx %arg9[%parallel_loop3A_164], %parallel_loop3A_130 masked %parallel_loop3A_152 : memref<8208xf32, #tpu.memory_space<vmem>>[vector<16xi32>], vector<16xf32>, vector<16xi1>
      tpu.vector_store_idx %arg10[%parallel_loop3A_164], %parallel_loop3A_132 masked %parallel_loop3A_152 : memref<8208xf32, #tpu.memory_space<vmem>>[vector<16xi32>], vector<16xf32>, vector<16xi1>
      %parallel_loop3A_165 = tpu.all_reduce %parallel_loop3A_152 {dim = 0 : i64, kind = #tpu.reduction_kind<sum>} : vector<16xi1> -> vector<16xi32>
      %parallel_loop3A_166 = arith.addi %parallel_loop3A_128, %parallel_loop3A_165 : vector<16xi32>
      scf.yield %parallel_loop3A_166 : vector<16xi32>
    } {sc.loop_unroll_factor = 1 : i64, sc.parallel_access}
    %add3A_69 = arith.addi %parallel_loop3A_68, %iota3A : vector<16xi32>
    tpu.vector_store_idx %arg9[%add3A_69], %broadcast_in_dim3A_11 : memref<8208xf32, #tpu.memory_space<vmem>>[vector<16xi32>], vector<16xf32>,
    %add3A_70 = arith.addi %parallel_loop3A_68, %iota3A : vector<16xi32>
    tpu.vector_store_idx %arg10[%add3A_70], %broadcast_in_dim3A_16 : memref<8208xf32, #tpu.memory_space<vmem>>[vector<16xi32>], vector<16xf32>,
    %slice3A_71 = vector.extract_strided_slice %parallel_loop3A_68 {offsets = [0], sizes = [1], strides = [1]} : vector<16xi32> to vector<1xi32>
    %squeeze3A_72 = vector.extract %slice3A_71[0] : i32 from vector<1xi32>
    %add3A_73 = arith.constant 15 : i32
    %add3A_74 = arith.addi %squeeze3A_72, %add3A_73 : i32
    %and3A_75 = arith.constant -16 : i32
    %and3A_76 = arith.andi %add3A_74, %and3A_75 : i32
    %parallel_loop3A_77 = arith.constant 0 : i32
    %parallel_loop3A_78 = arith.constant 16 : i32
    scf.for %parallel_loop3A_127 = %parallel_loop3A_77 to %and3A_76 step %parallel_loop3A_78  : i32 {
      %parallel_loop3A_128 = arith.index_cast %parallel_loop3A_127 : i32 to index
      %parallel_loop3A_129 = tpu.vector_load %arg9[%parallel_loop3A_128] {strides = array<i32>} : memref<8208xf32, #tpu.memory_space<vmem>>, vector<16xf32>,
      %parallel_loop3A_130 = arith.index_cast %parallel_loop3A_127 : i32 to index
      %parallel_loop3A_131 = tpu.vector_load %arg10[%parallel_loop3A_130] {strides = array<i32>} : memref<8208xf32, #tpu.memory_space<vmem>>, vector<16xf32>,
      %parallel_loop3A_132 = arith.fptosi %parallel_loop3A_129 : vector<16xf32> to vector<16xi32>
      %parallel_loop3A_133 = arith.fptosi %parallel_loop3A_131 : vector<16xf32> to vector<16xi32>
      %parallel_loop3A_134 = arith.sitofp %parallel_loop3A_132 : vector<16xi32> to vector<16xf32>
      %parallel_loop3A_135 = arith.subf %parallel_loop3A_129, %parallel_loop3A_134 : vector<16xf32>
      %parallel_loop3A_136 = arith.sitofp %parallel_loop3A_133 : vector<16xi32> to vector<16xf32>
      %parallel_loop3A_137 = arith.subf %parallel_loop3A_131, %parallel_loop3A_136 : vector<16xf32>
      %parallel_loop3A_138 = arith.constant 5.000000e-01 : f32
      %parallel_loop3A_139 = vector.broadcast %parallel_loop3A_138 : f32 to vector<16xf32>
      %parallel_loop3A_140 = arith.cmpf oge, %parallel_loop3A_135, %parallel_loop3A_139 : vector<16xf32>
      %parallel_loop3A_141 = arith.constant 1 : i32
      %parallel_loop3A_142 = arith.constant 0 : i32
      %parallel_loop3A_143 = vector.broadcast %parallel_loop3A_141 : i32 to vector<16xi32>
      %parallel_loop3A_144 = vector.broadcast %parallel_loop3A_142 : i32 to vector<16xi32>
      %parallel_loop3A_145 = arith.select %parallel_loop3A_140, %parallel_loop3A_143, %parallel_loop3A_144 : vector<16xi1>, vector<16xi32>
      %parallel_loop3A_146 = arith.addi %parallel_loop3A_132, %parallel_loop3A_145 : vector<16xi32>
      %parallel_loop3A_147 = arith.constant 5.000000e-01 : f32
      %parallel_loop3A_148 = vector.broadcast %parallel_loop3A_147 : f32 to vector<16xf32>
      %parallel_loop3A_149 = arith.cmpf oge, %parallel_loop3A_137, %parallel_loop3A_148 : vector<16xf32>
      %parallel_loop3A_150 = arith.constant 1 : i32
      %parallel_loop3A_151 = arith.constant 0 : i32
      %parallel_loop3A_152 = vector.broadcast %parallel_loop3A_150 : i32 to vector<16xi32>
      %parallel_loop3A_153 = vector.broadcast %parallel_loop3A_151 : i32 to vector<16xi32>
      %parallel_loop3A_154 = arith.select %parallel_loop3A_149, %parallel_loop3A_152, %parallel_loop3A_153 : vector<16xi1>, vector<16xi32>
      %parallel_loop3A_155 = arith.addi %parallel_loop3A_133, %parallel_loop3A_154 : vector<16xi32>
      %parallel_loop3A_156 = arith.sitofp %parallel_loop3A_146 : vector<16xi32> to vector<16xf32>
      %parallel_loop3A_157 = arith.subf %parallel_loop3A_156, %parallel_loop3A_129 : vector<16xf32>
      %parallel_loop3A_158 = arith.sitofp %parallel_loop3A_155 : vector<16xi32> to vector<16xf32>
      %parallel_loop3A_159 = arith.subf %parallel_loop3A_158, %parallel_loop3A_131 : vector<16xf32>
      %parallel_loop3A_160 = arith.constant 1.000000e+00 : f32
      %parallel_loop3A_161 = vector.broadcast %parallel_loop3A_160 : f32 to vector<16xf32>
      %parallel_loop3A_162 = arith.constant 0.000000e+00 : f32
      %parallel_loop3A_163 = vector.broadcast %parallel_loop3A_162 : f32 to vector<16xf32>
      %parallel_loop3A_164 = arith.constant 5.000000e-01 : f32
      %parallel_loop3A_165 = vector.broadcast %parallel_loop3A_164 : f32 to vector<16xf32>
      %parallel_loop3A_166 = arith.addf %parallel_loop3A_165, %parallel_loop3A_157 : vector<16xf32>
      %parallel_loop3A_167 = arith.constant 5.000000e-01 : f32
      %parallel_loop3A_168 = vector.broadcast %parallel_loop3A_167 : f32 to vector<16xf32>
      %parallel_loop3A_169 = arith.subf %parallel_loop3A_168, %parallel_loop3A_157 : vector<16xf32>
      %parallel_loop3A_170 = arith.constant 5.000000e-01 : f32
      %parallel_loop3A_171 = vector.broadcast %parallel_loop3A_170 : f32 to vector<16xf32>
      %parallel_loop3A_172 = arith.addf %parallel_loop3A_171, %parallel_loop3A_159 : vector<16xf32>
      %parallel_loop3A_173 = arith.constant 5.000000e-01 : f32
      %parallel_loop3A_174 = vector.broadcast %parallel_loop3A_173 : f32 to vector<16xf32>
      %parallel_loop3A_175 = arith.subf %parallel_loop3A_174, %parallel_loop3A_159 : vector<16xf32>
      %parallel_loop3A_176 = arith.constant -2 : i32
      %parallel_loop3A_177 = vector.broadcast %parallel_loop3A_176 : i32 to vector<16xi32>
      %parallel_loop3A_178 = arith.addi %parallel_loop3A_146, %parallel_loop3A_177 : vector<16xi32>
      %parallel_loop3A_179 = arith.constant 512 : i32
      %parallel_loop3A_180 = vector.broadcast %parallel_loop3A_179 : i32 to vector<16xi32>
      %parallel_loop3A_181 = arith.cmpi ult, %parallel_loop3A_178, %parallel_loop3A_180 : vector<16xi32>
      %parallel_loop3A_182 = arith.select %parallel_loop3A_181, %parallel_loop3A_166, %parallel_loop3A_163 : vector<16xi1>, vector<16xf32>
      %parallel_loop3A_183 = arith.constant 511 : i32
      %parallel_loop3A_184 = vector.broadcast %parallel_loop3A_183 : i32 to vector<16xi32>
      %parallel_loop3A_185 = arith.andi %parallel_loop3A_178, %parallel_loop3A_184 : vector<16xi32>
      %parallel_loop3A_186 = arith.constant -1 : i32
      %parallel_loop3A_187 = vector.broadcast %parallel_loop3A_186 : i32 to vector<16xi32>
      %parallel_loop3A_188 = arith.addi %parallel_loop3A_146, %parallel_loop3A_187 : vector<16xi32>
      %parallel_loop3A_189 = arith.constant 512 : i32
      %parallel_loop3A_190 = vector.broadcast %parallel_loop3A_189 : i32 to vector<16xi32>
      %parallel_loop3A_191 = arith.cmpi ult, %parallel_loop3A_188, %parallel_loop3A_190 : vector<16xi32>
      %parallel_loop3A_192 = arith.select %parallel_loop3A_191, %parallel_loop3A_161, %parallel_loop3A_163 : vector<16xi1>, vector<16xf32>
      %parallel_loop3A_193 = arith.constant 511 : i32
      %parallel_loop3A_194 = vector.broadcast %parallel_loop3A_193 : i32 to vector<16xi32>
      %parallel_loop3A_195 = arith.andi %parallel_loop3A_188, %parallel_loop3A_194 : vector<16xi32>
      %parallel_loop3A_196 = arith.constant 0 : i32
      %parallel_loop3A_197 = vector.broadcast %parallel_loop3A_196 : i32 to vector<16xi32>
      %parallel_loop3A_198 = arith.addi %parallel_loop3A_146, %parallel_loop3A_197 : vector<16xi32>
      %parallel_loop3A_199 = arith.constant 512 : i32
      %parallel_loop3A_200 = vector.broadcast %parallel_loop3A_199 : i32 to vector<16xi32>
      %parallel_loop3A_201 = arith.cmpi ult, %parallel_loop3A_198, %parallel_loop3A_200 : vector<16xi32>
      %parallel_loop3A_202 = arith.select %parallel_loop3A_201, %parallel_loop3A_161, %parallel_loop3A_163 : vector<16xi1>, vector<16xf32>
      %parallel_loop3A_203 = arith.constant 511 : i32
      %parallel_loop3A_204 = vector.broadcast %parallel_loop3A_203 : i32 to vector<16xi32>
      %parallel_loop3A_205 = arith.andi %parallel_loop3A_198, %parallel_loop3A_204 : vector<16xi32>
      %parallel_loop3A_206 = arith.constant 1 : i32
      %parallel_loop3A_207 = vector.broadcast %parallel_loop3A_206 : i32 to vector<16xi32>
      %parallel_loop3A_208 = arith.addi %parallel_loop3A_146, %parallel_loop3A_207 : vector<16xi32>
      %parallel_loop3A_209 = arith.constant 512 : i32
      %parallel_loop3A_210 = vector.broadcast %parallel_loop3A_209 : i32 to vector<16xi32>
      %parallel_loop3A_211 = arith.cmpi ult, %parallel_loop3A_208, %parallel_loop3A_210 : vector<16xi32>
      %parallel_loop3A_212 = arith.select %parallel_loop3A_211, %parallel_loop3A_161, %parallel_loop3A_163 : vector<16xi1>, vector<16xf32>
      %parallel_loop3A_213 = arith.constant 511 : i32
      %parallel_loop3A_214 = vector.broadcast %parallel_loop3A_213 : i32 to vector<16xi32>
      %parallel_loop3A_215 = arith.andi %parallel_loop3A_208, %parallel_loop3A_214 : vector<16xi32>
      %parallel_loop3A_216 = arith.constant 2 : i32
      %parallel_loop3A_217 = vector.broadcast %parallel_loop3A_216 : i32 to vector<16xi32>
      %parallel_loop3A_218 = arith.addi %parallel_loop3A_146, %parallel_loop3A_217 : vector<16xi32>
      %parallel_loop3A_219 = arith.constant 512 : i32
      %parallel_loop3A_220 = vector.broadcast %parallel_loop3A_219 : i32 to vector<16xi32>
      %parallel_loop3A_221 = arith.cmpi ult, %parallel_loop3A_218, %parallel_loop3A_220 : vector<16xi32>
      %parallel_loop3A_222 = arith.select %parallel_loop3A_221, %parallel_loop3A_169, %parallel_loop3A_163 : vector<16xi1>, vector<16xf32>
      %parallel_loop3A_223 = arith.constant 511 : i32
      %parallel_loop3A_224 = vector.broadcast %parallel_loop3A_223 : i32 to vector<16xi32>
      %parallel_loop3A_225 = arith.andi %parallel_loop3A_218, %parallel_loop3A_224 : vector<16xi32>
      %parallel_loop3A_226 = arith.constant -2 : i32
      %parallel_loop3A_227 = vector.broadcast %parallel_loop3A_226 : i32 to vector<16xi32>
      %parallel_loop3A_228 = arith.addi %parallel_loop3A_155, %parallel_loop3A_227 : vector<16xi32>
      %parallel_loop3A_229 = arith.constant 512 : i32
      %parallel_loop3A_230 = vector.broadcast %parallel_loop3A_229 : i32 to vector<16xi32>
      %parallel_loop3A_231 = arith.cmpi ult, %parallel_loop3A_228, %parallel_loop3A_230 : vector<16xi32>
      %parallel_loop3A_232 = arith.select %parallel_loop3A_231, %parallel_loop3A_172, %parallel_loop3A_163 : vector<16xi1>, vector<16xf32>
      %parallel_loop3A_233 = vector.broadcast %sub3A_8 : i32 to vector<16xi32>
      %parallel_loop3A_234 = arith.subi %parallel_loop3A_228, %parallel_loop3A_233 : vector<16xi32>
      %parallel_loop3A_235 = arith.constant 131 : i32
      %parallel_loop3A_236 = vector.broadcast %parallel_loop3A_235 : i32 to vector<16xi32>
      %parallel_loop3A_237 = arith.minsi %parallel_loop3A_234, %parallel_loop3A_236 : vector<16xi32>
      %parallel_loop3A_238 = arith.constant 9 : i32
      %parallel_loop3A_239 = vector.broadcast %parallel_loop3A_238 : i32 to vector<16xi32>
      %parallel_loop3A_240 = arith.shli %parallel_loop3A_237, %parallel_loop3A_239 : vector<16xi32>
      %parallel_loop3A_241 = arith.addi %parallel_loop3A_240, %parallel_loop3A_185 : vector<16xi32>
      %parallel_loop3A_242 = arith.mulf %parallel_loop3A_232, %parallel_loop3A_182 : vector<16xf32>
      tpu.vector_store_idx %arg11[%parallel_loop3A_241], %parallel_loop3A_242 {add = true} : memref<67584xf32, #tpu.memory_space<vmem>>[vector<16xi32>], vector<16xf32>,
      %parallel_loop3A_243 = arith.addi %parallel_loop3A_240, %parallel_loop3A_195 : vector<16xi32>
      %parallel_loop3A_244 = arith.mulf %parallel_loop3A_232, %parallel_loop3A_192 : vector<16xf32>
      tpu.vector_store_idx %arg11[%parallel_loop3A_243], %parallel_loop3A_244 {add = true} : memref<67584xf32, #tpu.memory_space<vmem>>[vector<16xi32>], vector<16xf32>,
      %parallel_loop3A_245 = arith.addi %parallel_loop3A_240, %parallel_loop3A_205 : vector<16xi32>
      %parallel_loop3A_246 = arith.mulf %parallel_loop3A_232, %parallel_loop3A_202 : vector<16xf32>
      tpu.vector_store_idx %arg11[%parallel_loop3A_245], %parallel_loop3A_246 {add = true} : memref<67584xf32, #tpu.memory_space<vmem>>[vector<16xi32>], vector<16xf32>,
      %parallel_loop3A_247 = arith.addi %parallel_loop3A_240, %parallel_loop3A_215 : vector<16xi32>
      %parallel_loop3A_248 = arith.mulf %parallel_loop3A_232, %parallel_loop3A_212 : vector<16xf32>
      tpu.vector_store_idx %arg11[%parallel_loop3A_247], %parallel_loop3A_248 {add = true} : memref<67584xf32, #tpu.memory_space<vmem>>[vector<16xi32>], vector<16xf32>,
      %parallel_loop3A_249 = arith.addi %parallel_loop3A_240, %parallel_loop3A_225 : vector<16xi32>
      %parallel_loop3A_250 = arith.mulf %parallel_loop3A_232, %parallel_loop3A_222 : vector<16xf32>
      tpu.vector_store_idx %arg11[%parallel_loop3A_249], %parallel_loop3A_250 {add = true} : memref<67584xf32, #tpu.memory_space<vmem>>[vector<16xi32>], vector<16xf32>,
      %parallel_loop3A_251 = arith.constant -1 : i32
      %parallel_loop3A_252 = vector.broadcast %parallel_loop3A_251 : i32 to vector<16xi32>
      %parallel_loop3A_253 = arith.addi %parallel_loop3A_155, %parallel_loop3A_252 : vector<16xi32>
      %parallel_loop3A_254 = arith.constant 512 : i32
      %parallel_loop3A_255 = vector.broadcast %parallel_loop3A_254 : i32 to vector<16xi32>
      %parallel_loop3A_256 = arith.cmpi ult, %parallel_loop3A_253, %parallel_loop3A_255 : vector<16xi32>
      %parallel_loop3A_257 = arith.select %parallel_loop3A_256, %parallel_loop3A_161, %parallel_loop3A_163 : vector<16xi1>, vector<16xf32>
      %parallel_loop3A_258 = vector.broadcast %sub3A_8 : i32 to vector<16xi32>
      %parallel_loop3A_259 = arith.subi %parallel_loop3A_253, %parallel_loop3A_258 : vector<16xi32>
      %parallel_loop3A_260 = arith.constant 131 : i32
      %parallel_loop3A_261 = vector.broadcast %parallel_loop3A_260 : i32 to vector<16xi32>
      %parallel_loop3A_262 = arith.minsi %parallel_loop3A_259, %parallel_loop3A_261 : vector<16xi32>
      %parallel_loop3A_263 = arith.constant 9 : i32
      %parallel_loop3A_264 = vector.broadcast %parallel_loop3A_263 : i32 to vector<16xi32>
      %parallel_loop3A_265 = arith.shli %parallel_loop3A_262, %parallel_loop3A_264 : vector<16xi32>
      %parallel_loop3A_266 = arith.addi %parallel_loop3A_265, %parallel_loop3A_185 : vector<16xi32>
      %parallel_loop3A_267 = arith.mulf %parallel_loop3A_257, %parallel_loop3A_182 : vector<16xf32>
      tpu.vector_store_idx %arg11[%parallel_loop3A_266], %parallel_loop3A_267 {add = true} : memref<67584xf32, #tpu.memory_space<vmem>>[vector<16xi32>], vector<16xf32>,
      %parallel_loop3A_268 = arith.addi %parallel_loop3A_265, %parallel_loop3A_195 : vector<16xi32>
      %parallel_loop3A_269 = arith.mulf %parallel_loop3A_257, %parallel_loop3A_192 : vector<16xf32>
      tpu.vector_store_idx %arg11[%parallel_loop3A_268], %parallel_loop3A_269 {add = true} : memref<67584xf32, #tpu.memory_space<vmem>>[vector<16xi32>], vector<16xf32>,
      %parallel_loop3A_270 = arith.addi %parallel_loop3A_265, %parallel_loop3A_205 : vector<16xi32>
      %parallel_loop3A_271 = arith.mulf %parallel_loop3A_257, %parallel_loop3A_202 : vector<16xf32>
      tpu.vector_store_idx %arg11[%parallel_loop3A_270], %parallel_loop3A_271 {add = true} : memref<67584xf32, #tpu.memory_space<vmem>>[vector<16xi32>], vector<16xf32>,
      %parallel_loop3A_272 = arith.addi %parallel_loop3A_265, %parallel_loop3A_215 : vector<16xi32>
      %parallel_loop3A_273 = arith.mulf %parallel_loop3A_257, %parallel_loop3A_212 : vector<16xf32>
      tpu.vector_store_idx %arg11[%parallel_loop3A_272], %parallel_loop3A_273 {add = true} : memref<67584xf32, #tpu.memory_space<vmem>>[vector<16xi32>], vector<16xf32>,
      %parallel_loop3A_274 = arith.addi %parallel_loop3A_265, %parallel_loop3A_225 : vector<16xi32>
      %parallel_loop3A_275 = arith.mulf %parallel_loop3A_257, %parallel_loop3A_222 : vector<16xf32>
      tpu.vector_store_idx %arg11[%parallel_loop3A_274], %parallel_loop3A_275 {add = true} : memref<67584xf32, #tpu.memory_space<vmem>>[vector<16xi32>], vector<16xf32>,
      %parallel_loop3A_276 = arith.constant 0 : i32
      %parallel_loop3A_277 = vector.broadcast %parallel_loop3A_276 : i32 to vector<16xi32>
      %parallel_loop3A_278 = arith.addi %parallel_loop3A_155, %parallel_loop3A_277 : vector<16xi32>
      %parallel_loop3A_279 = arith.constant 512 : i32
      %parallel_loop3A_280 = vector.broadcast %parallel_loop3A_279 : i32 to vector<16xi32>
      %parallel_loop3A_281 = arith.cmpi ult, %parallel_loop3A_278, %parallel_loop3A_280 : vector<16xi32>
      %parallel_loop3A_282 = arith.select %parallel_loop3A_281, %parallel_loop3A_161, %parallel_loop3A_163 : vector<16xi1>, vector<16xf32>
      %parallel_loop3A_283 = vector.broadcast %sub3A_8 : i32 to vector<16xi32>
      %parallel_loop3A_284 = arith.subi %parallel_loop3A_278, %parallel_loop3A_283 : vector<16xi32>
      %parallel_loop3A_285 = arith.constant 131 : i32
      %parallel_loop3A_286 = vector.broadcast %parallel_loop3A_285 : i32 to vector<16xi32>
      %parallel_loop3A_287 = arith.minsi %parallel_loop3A_284, %parallel_loop3A_286 : vector<16xi32>
      %parallel_loop3A_288 = arith.constant 9 : i32
      %parallel_loop3A_289 = vector.broadcast %parallel_loop3A_288 : i32 to vector<16xi32>
      %parallel_loop3A_290 = arith.shli %parallel_loop3A_287, %parallel_loop3A_289 : vector<16xi32>
      %parallel_loop3A_291 = arith.addi %parallel_loop3A_290, %parallel_loop3A_185 : vector<16xi32>
      %parallel_loop3A_292 = arith.mulf %parallel_loop3A_282, %parallel_loop3A_182 : vector<16xf32>
      tpu.vector_store_idx %arg11[%parallel_loop3A_291], %parallel_loop3A_292 {add = true} : memref<67584xf32, #tpu.memory_space<vmem>>[vector<16xi32>], vector<16xf32>,
      %parallel_loop3A_293 = arith.addi %parallel_loop3A_290, %parallel_loop3A_195 : vector<16xi32>
      %parallel_loop3A_294 = arith.mulf %parallel_loop3A_282, %parallel_loop3A_192 : vector<16xf32>
      tpu.vector_store_idx %arg11[%parallel_loop3A_293], %parallel_loop3A_294 {add = true} : memref<67584xf32, #tpu.memory_space<vmem>>[vector<16xi32>], vector<16xf32>,
      %parallel_loop3A_295 = arith.addi %parallel_loop3A_290, %parallel_loop3A_205 : vector<16xi32>
      %parallel_loop3A_296 = arith.mulf %parallel_loop3A_282, %parallel_loop3A_202 : vector<16xf32>
      tpu.vector_store_idx %arg11[%parallel_loop3A_295], %parallel_loop3A_296 {add = true} : memref<67584xf32, #tpu.memory_space<vmem>>[vector<16xi32>], vector<16xf32>,
      %parallel_loop3A_297 = arith.addi %parallel_loop3A_290, %parallel_loop3A_215 : vector<16xi32>
      %parallel_loop3A_298 = arith.mulf %parallel_loop3A_282, %parallel_loop3A_212 : vector<16xf32>
      tpu.vector_store_idx %arg11[%parallel_loop3A_297], %parallel_loop3A_298 {add = true} : memref<67584xf32, #tpu.memory_space<vmem>>[vector<16xi32>], vector<16xf32>,
      %parallel_loop3A_299 = arith.addi %parallel_loop3A_290, %parallel_loop3A_225 : vector<16xi32>
      %parallel_loop3A_300 = arith.mulf %parallel_loop3A_282, %parallel_loop3A_222 : vector<16xf32>
      tpu.vector_store_idx %arg11[%parallel_loop3A_299], %parallel_loop3A_300 {add = true} : memref<67584xf32, #tpu.memory_space<vmem>>[vector<16xi32>], vector<16xf32>,
      %parallel_loop3A_301 = arith.constant 1 : i32
      %parallel_loop3A_302 = vector.broadcast %parallel_loop3A_301 : i32 to vector<16xi32>
      %parallel_loop3A_303 = arith.addi %parallel_loop3A_155, %parallel_loop3A_302 : vector<16xi32>
      %parallel_loop3A_304 = arith.constant 512 : i32
      %parallel_loop3A_305 = vector.broadcast %parallel_loop3A_304 : i32 to vector<16xi32>
      %parallel_loop3A_306 = arith.cmpi ult, %parallel_loop3A_303, %parallel_loop3A_305 : vector<16xi32>
      %parallel_loop3A_307 = arith.select %parallel_loop3A_306, %parallel_loop3A_161, %parallel_loop3A_163 : vector<16xi1>, vector<16xf32>
      %parallel_loop3A_308 = vector.broadcast %sub3A_8 : i32 to vector<16xi32>
      %parallel_loop3A_309 = arith.subi %parallel_loop3A_303, %parallel_loop3A_308 : vector<16xi32>
      %parallel_loop3A_310 = arith.constant 131 : i32
      %parallel_loop3A_311 = vector.broadcast %parallel_loop3A_310 : i32 to vector<16xi32>
      %parallel_loop3A_312 = arith.minsi %parallel_loop3A_309, %parallel_loop3A_311 : vector<16xi32>
      %parallel_loop3A_313 = arith.constant 9 : i32
      %parallel_loop3A_314 = vector.broadcast %parallel_loop3A_313 : i32 to vector<16xi32>
      %parallel_loop3A_315 = arith.shli %parallel_loop3A_312, %parallel_loop3A_314 : vector<16xi32>
      %parallel_loop3A_316 = arith.addi %parallel_loop3A_315, %parallel_loop3A_185 : vector<16xi32>
      %parallel_loop3A_317 = arith.mulf %parallel_loop3A_307, %parallel_loop3A_182 : vector<16xf32>
      tpu.vector_store_idx %arg11[%parallel_loop3A_316], %parallel_loop3A_317 {add = true} : memref<67584xf32, #tpu.memory_space<vmem>>[vector<16xi32>], vector<16xf32>,
      %parallel_loop3A_318 = arith.addi %parallel_loop3A_315, %parallel_loop3A_195 : vector<16xi32>
      %parallel_loop3A_319 = arith.mulf %parallel_loop3A_307, %parallel_loop3A_192 : vector<16xf32>
      tpu.vector_store_idx %arg11[%parallel_loop3A_318], %parallel_loop3A_319 {add = true} : memref<67584xf32, #tpu.memory_space<vmem>>[vector<16xi32>], vector<16xf32>,
      %parallel_loop3A_320 = arith.addi %parallel_loop3A_315, %parallel_loop3A_205 : vector<16xi32>
      %parallel_loop3A_321 = arith.mulf %parallel_loop3A_307, %parallel_loop3A_202 : vector<16xf32>
      tpu.vector_store_idx %arg11[%parallel_loop3A_320], %parallel_loop3A_321 {add = true} : memref<67584xf32, #tpu.memory_space<vmem>>[vector<16xi32>], vector<16xf32>,
      %parallel_loop3A_322 = arith.addi %parallel_loop3A_315, %parallel_loop3A_215 : vector<16xi32>
      %parallel_loop3A_323 = arith.mulf %parallel_loop3A_307, %parallel_loop3A_212 : vector<16xf32>
      tpu.vector_store_idx %arg11[%parallel_loop3A_322], %parallel_loop3A_323 {add = true} : memref<67584xf32, #tpu.memory_space<vmem>>[vector<16xi32>], vector<16xf32>,
      %parallel_loop3A_324 = arith.addi %parallel_loop3A_315, %parallel_loop3A_225 : vector<16xi32>
      %parallel_loop3A_325 = arith.mulf %parallel_loop3A_307, %parallel_loop3A_222 : vector<16xf32>
      tpu.vector_store_idx %arg11[%parallel_loop3A_324], %parallel_loop3A_325 {add = true} : memref<67584xf32, #tpu.memory_space<vmem>>[vector<16xi32>], vector<16xf32>,
      %parallel_loop3A_326 = arith.constant 2 : i32
      %parallel_loop3A_327 = vector.broadcast %parallel_loop3A_326 : i32 to vector<16xi32>
      %parallel_loop3A_328 = arith.addi %parallel_loop3A_155, %parallel_loop3A_327 : vector<16xi32>
      %parallel_loop3A_329 = arith.constant 512 : i32
      %parallel_loop3A_330 = vector.broadcast %parallel_loop3A_329 : i32 to vector<16xi32>
      %parallel_loop3A_331 = arith.cmpi ult, %parallel_loop3A_328, %parallel_loop3A_330 : vector<16xi32>
      %parallel_loop3A_332 = arith.select %parallel_loop3A_331, %parallel_loop3A_175, %parallel_loop3A_163 : vector<16xi1>, vector<16xf32>
      %parallel_loop3A_333 = vector.broadcast %sub3A_8 : i32 to vector<16xi32>
      %parallel_loop3A_334 = arith.subi %parallel_loop3A_328, %parallel_loop3A_333 : vector<16xi32>
      %parallel_loop3A_335 = arith.constant 131 : i32
      %parallel_loop3A_336 = vector.broadcast %parallel_loop3A_335 : i32 to vector<16xi32>
      %parallel_loop3A_337 = arith.minsi %parallel_loop3A_334, %parallel_loop3A_336 : vector<16xi32>
      %parallel_loop3A_338 = arith.constant 9 : i32
      %parallel_loop3A_339 = vector.broadcast %parallel_loop3A_338 : i32 to vector<16xi32>
      %parallel_loop3A_340 = arith.shli %parallel_loop3A_337, %parallel_loop3A_339 : vector<16xi32>
      %parallel_loop3A_341 = arith.addi %parallel_loop3A_340, %parallel_loop3A_185 : vector<16xi32>
      %parallel_loop3A_342 = arith.mulf %parallel_loop3A_332, %parallel_loop3A_182 : vector<16xf32>
      tpu.vector_store_idx %arg11[%parallel_loop3A_341], %parallel_loop3A_342 {add = true} : memref<67584xf32, #tpu.memory_space<vmem>>[vector<16xi32>], vector<16xf32>,
      %parallel_loop3A_343 = arith.addi %parallel_loop3A_340, %parallel_loop3A_195 : vector<16xi32>
      %parallel_loop3A_344 = arith.mulf %parallel_loop3A_332, %parallel_loop3A_192 : vector<16xf32>
      tpu.vector_store_idx %arg11[%parallel_loop3A_343], %parallel_loop3A_344 {add = true} : memref<67584xf32, #tpu.memory_space<vmem>>[vector<16xi32>], vector<16xf32>,
      %parallel_loop3A_345 = arith.addi %parallel_loop3A_340, %parallel_loop3A_205 : vector<16xi32>
      %parallel_loop3A_346 = arith.mulf %parallel_loop3A_332, %parallel_loop3A_202 : vector<16xf32>
      tpu.vector_store_idx %arg11[%parallel_loop3A_345], %parallel_loop3A_346 {add = true} : memref<67584xf32, #tpu.memory_space<vmem>>[vector<16xi32>], vector<16xf32>,
      %parallel_loop3A_347 = arith.addi %parallel_loop3A_340, %parallel_loop3A_215 : vector<16xi32>
      %parallel_loop3A_348 = arith.mulf %parallel_loop3A_332, %parallel_loop3A_212 : vector<16xf32>
      tpu.vector_store_idx %arg11[%parallel_loop3A_347], %parallel_loop3A_348 {add = true} : memref<67584xf32, #tpu.memory_space<vmem>>[vector<16xi32>], vector<16xf32>,
      %parallel_loop3A_349 = arith.addi %parallel_loop3A_340, %parallel_loop3A_225 : vector<16xi32>
      %parallel_loop3A_350 = arith.mulf %parallel_loop3A_332, %parallel_loop3A_222 : vector<16xf32>
      tpu.vector_store_idx %arg11[%parallel_loop3A_349], %parallel_loop3A_350 {add = true} : memref<67584xf32, #tpu.memory_space<vmem>>[vector<16xi32>], vector<16xf32>,
    } {sc.loop_unroll_factor = 2 : i64, sc.parallel_access}
    %dma_wait3A_79 = tpu.memref_slice %arg2[%add3A_58] : memref<262144xf32, #tpu.memory_space<hbm>> -> memref<8192xf32, #tpu.memory_space<hbm>>
    %dma_wait3A_80 = tpu.memref_slice %arg2[%add3A_58] : memref<262144xf32, #tpu.memory_space<hbm>> -> memref<8192xf32, #tpu.memory_space<hbm>>
    tpu.wait_dma2 semaphore(%arg12 : memref<!tpu.dma_semaphore, #tpu.memory_space<semaphore_mem>>) src(%dma_wait3A_80 : memref<8192xf32, #tpu.memory_space<hbm>>) dst(%arg5 : memref<8192xf32, #tpu.memory_space<vmem>>)
    %dma_wait3A_81 = tpu.memref_slice %arg3[%add3A_58] : memref<262144xf32, #tpu.memory_space<hbm>> -> memref<8192xf32, #tpu.memory_space<hbm>>
    %dma_wait3A_82 = tpu.memref_slice %arg3[%add3A_58] : memref<262144xf32, #tpu.memory_space<hbm>> -> memref<8192xf32, #tpu.memory_space<hbm>>
    tpu.wait_dma2 semaphore(%arg12 : memref<!tpu.dma_semaphore, #tpu.memory_space<semaphore_mem>>) src(%dma_wait3A_82 : memref<8192xf32, #tpu.memory_space<hbm>>) dst(%arg6 : memref<8192xf32, #tpu.memory_space<vmem>>)
    %mul3A_83 = arith.constant 32768 : i32
    %mul3A_84 = arith.muli %add3A_5, %mul3A_83 : i32
    %add3A_85 = arith.constant 24576 : i32
    %add3A_86 = arith.addi %mul3A_84, %add3A_85 : i32
    %dma_start3A_87 = tpu.memref_slice %arg2[%add3A_86] : memref<262144xf32, #tpu.memory_space<hbm>> -> memref<8192xf32, #tpu.memory_space<hbm>>
    %dma_start3A_88 = tpu.memref_slice %arg2[%add3A_86] : memref<262144xf32, #tpu.memory_space<hbm>> -> memref<8192xf32, #tpu.memory_space<hbm>>
    tpu.enqueue_dma source(%dma_start3A_88 : memref<8192xf32, #tpu.memory_space<hbm>>) target(%arg7 : memref<8192xf32, #tpu.memory_space<vmem>>) target_semaphore(%arg13 : memref<!tpu.dma_semaphore, #tpu.memory_space<semaphore_mem>>)
    %dma_start3A_89 = tpu.memref_slice %arg3[%add3A_86] : memref<262144xf32, #tpu.memory_space<hbm>> -> memref<8192xf32, #tpu.memory_space<hbm>>
    %dma_start3A_90 = tpu.memref_slice %arg3[%add3A_86] : memref<262144xf32, #tpu.memory_space<hbm>> -> memref<8192xf32, #tpu.memory_space<hbm>>
    tpu.enqueue_dma source(%dma_start3A_90 : memref<8192xf32, #tpu.memory_space<hbm>>) target(%arg8 : memref<8192xf32, #tpu.memory_space<vmem>>) target_semaphore(%arg13 : memref<!tpu.dma_semaphore, #tpu.memory_space<semaphore_mem>>)
    %broadcast_in_dim3A_91 = arith.constant 0 : i32
    %broadcast_in_dim3A_92 = vector.broadcast %broadcast_in_dim3A_91 : i32 to vector<16xi32>
    %parallel_loop3A_93 = arith.constant 0 : i32
    %parallel_loop3A_94 = arith.constant 8192 : i32
    %parallel_loop3A_95 = arith.constant 16 : i32
    %parallel_loop3A_96 = scf.for %parallel_loop3A_127 = %parallel_loop3A_93 to %parallel_loop3A_94 step %parallel_loop3A_95 iter_args(%parallel_loop3A_128 = %broadcast_in_dim3A_92) -> (vector<16xi32>)  : i32 {
      %parallel_loop3A_129 = arith.index_cast %parallel_loop3A_127 : i32 to index
      %parallel_loop3A_130 = tpu.vector_load %arg5[%parallel_loop3A_129] {strides = array<i32>} : memref<8192xf32, #tpu.memory_space<vmem>>, vector<16xf32>,
      %parallel_loop3A_131 = arith.index_cast %parallel_loop3A_127 : i32 to index
      %parallel_loop3A_132 = tpu.vector_load %arg6[%parallel_loop3A_131] {strides = array<i32>} : memref<8192xf32, #tpu.memory_space<vmem>>, vector<16xf32>,
      %parallel_loop3A_133 = arith.fptosi %parallel_loop3A_132 : vector<16xf32> to vector<16xi32>
      %parallel_loop3A_134 = arith.sitofp %parallel_loop3A_133 : vector<16xi32> to vector<16xf32>
      %parallel_loop3A_135 = arith.subf %parallel_loop3A_132, %parallel_loop3A_134 : vector<16xf32>
      %parallel_loop3A_136 = arith.constant 5.000000e-01 : f32
      %parallel_loop3A_137 = vector.broadcast %parallel_loop3A_136 : f32 to vector<16xf32>
      %parallel_loop3A_138 = arith.cmpf oge, %parallel_loop3A_135, %parallel_loop3A_137 : vector<16xf32>
      %parallel_loop3A_139 = arith.constant 1 : i32
      %parallel_loop3A_140 = arith.constant 0 : i32
      %parallel_loop3A_141 = vector.broadcast %parallel_loop3A_139 : i32 to vector<16xi32>
      %parallel_loop3A_142 = vector.broadcast %parallel_loop3A_140 : i32 to vector<16xi32>
      %parallel_loop3A_143 = arith.select %parallel_loop3A_138, %parallel_loop3A_141, %parallel_loop3A_142 : vector<16xi1>, vector<16xi32>
      %parallel_loop3A_144 = arith.addi %parallel_loop3A_133, %parallel_loop3A_143 : vector<16xi32>
      %parallel_loop3A_145 = arith.constant 511 : i32
      %parallel_loop3A_146 = vector.broadcast %parallel_loop3A_145 : i32 to vector<16xi32>
      %parallel_loop3A_147 = arith.minsi %parallel_loop3A_144, %parallel_loop3A_146 : vector<16xi32>
      %parallel_loop3A_148 = arith.constant 7 : i32
      %parallel_loop3A_149 = vector.broadcast %parallel_loop3A_148 : i32 to vector<16xi32>
      %parallel_loop3A_150 = arith.shrui %parallel_loop3A_147, %parallel_loop3A_149 : vector<16xi32>
      %parallel_loop3A_151 = vector.broadcast %shift_right_logical3A_1 : i32 to vector<16xi32>
      %parallel_loop3A_152 = arith.cmpi eq, %parallel_loop3A_150, %parallel_loop3A_151 : vector<16xi32>
      %parallel_loop3A_153 = arith.constant 1 : i32
      %parallel_loop3A_154 = arith.constant 0 : i32
      %parallel_loop3A_155 = vector.broadcast %parallel_loop3A_153 : i32 to vector<16xi32>
      %parallel_loop3A_156 = vector.broadcast %parallel_loop3A_154 : i32 to vector<16xi32>
      %parallel_loop3A_157 = arith.select %parallel_loop3A_152, %parallel_loop3A_155, %parallel_loop3A_156 : vector<16xi1>, vector<16xi32>
      %parallel_loop3A_158 = arith.constant true
      %parallel_loop3A_159 = vector.broadcast %parallel_loop3A_158 : i1 to vector<16xi1>
      %parallel_loop3A_160 = tpu.scan <sum>, %parallel_loop3A_157 masked %parallel_loop3A_159 : vector<16xi32>, vector<16xi1> -> vector<16xi32>
      %parallel_loop3A_161 = arith.addi %parallel_loop3A_128, %parallel_loop3A_160 : vector<16xi32>
      %parallel_loop3A_162 = arith.constant 1 : i32
      %parallel_loop3A_163 = vector.broadcast %parallel_loop3A_162 : i32 to vector<16xi32>
      %parallel_loop3A_164 = arith.subi %parallel_loop3A_161, %parallel_loop3A_163 : vector<16xi32>
      tpu.vector_store_idx %arg9[%parallel_loop3A_164], %parallel_loop3A_130 masked %parallel_loop3A_152 : memref<8208xf32, #tpu.memory_space<vmem>>[vector<16xi32>], vector<16xf32>, vector<16xi1>
      tpu.vector_store_idx %arg10[%parallel_loop3A_164], %parallel_loop3A_132 masked %parallel_loop3A_152 : memref<8208xf32, #tpu.memory_space<vmem>>[vector<16xi32>], vector<16xf32>, vector<16xi1>
      %parallel_loop3A_165 = tpu.all_reduce %parallel_loop3A_152 {dim = 0 : i64, kind = #tpu.reduction_kind<sum>} : vector<16xi1> -> vector<16xi32>
      %parallel_loop3A_166 = arith.addi %parallel_loop3A_128, %parallel_loop3A_165 : vector<16xi32>
      scf.yield %parallel_loop3A_166 : vector<16xi32>
    } {sc.loop_unroll_factor = 1 : i64, sc.parallel_access}
    %add3A_97 = arith.addi %parallel_loop3A_96, %iota3A : vector<16xi32>
    tpu.vector_store_idx %arg9[%add3A_97], %broadcast_in_dim3A_11 : memref<8208xf32, #tpu.memory_space<vmem>>[vector<16xi32>], vector<16xf32>,
    %add3A_98 = arith.addi %parallel_loop3A_96, %iota3A : vector<16xi32>
    tpu.vector_store_idx %arg10[%add3A_98], %broadcast_in_dim3A_16 : memref<8208xf32, #tpu.memory_space<vmem>>[vector<16xi32>], vector<16xf32>,
    %slice3A_99 = vector.extract_strided_slice %parallel_loop3A_96 {offsets = [0], sizes = [1], strides = [1]} : vector<16xi32> to vector<1xi32>
    %squeeze3A_100 = vector.extract %slice3A_99[0] : i32 from vector<1xi32>
    %add3A_101 = arith.constant 15 : i32
    %add3A_102 = arith.addi %squeeze3A_100, %add3A_101 : i32
    %and3A_103 = arith.constant -16 : i32
    %and3A_104 = arith.andi %add3A_102, %and3A_103 : i32
    %parallel_loop3A_105 = arith.constant 0 : i32
    %parallel_loop3A_106 = arith.constant 16 : i32
    scf.for %parallel_loop3A_127 = %parallel_loop3A_105 to %and3A_104 step %parallel_loop3A_106  : i32 {
      %parallel_loop3A_128 = arith.index_cast %parallel_loop3A_127 : i32 to index
      %parallel_loop3A_129 = tpu.vector_load %arg9[%parallel_loop3A_128] {strides = array<i32>} : memref<8208xf32, #tpu.memory_space<vmem>>, vector<16xf32>,
      %parallel_loop3A_130 = arith.index_cast %parallel_loop3A_127 : i32 to index
      %parallel_loop3A_131 = tpu.vector_load %arg10[%parallel_loop3A_130] {strides = array<i32>} : memref<8208xf32, #tpu.memory_space<vmem>>, vector<16xf32>,
      %parallel_loop3A_132 = arith.fptosi %parallel_loop3A_129 : vector<16xf32> to vector<16xi32>
      %parallel_loop3A_133 = arith.fptosi %parallel_loop3A_131 : vector<16xf32> to vector<16xi32>
      %parallel_loop3A_134 = arith.sitofp %parallel_loop3A_132 : vector<16xi32> to vector<16xf32>
      %parallel_loop3A_135 = arith.subf %parallel_loop3A_129, %parallel_loop3A_134 : vector<16xf32>
      %parallel_loop3A_136 = arith.sitofp %parallel_loop3A_133 : vector<16xi32> to vector<16xf32>
      %parallel_loop3A_137 = arith.subf %parallel_loop3A_131, %parallel_loop3A_136 : vector<16xf32>
      %parallel_loop3A_138 = arith.constant 5.000000e-01 : f32
      %parallel_loop3A_139 = vector.broadcast %parallel_loop3A_138 : f32 to vector<16xf32>
      %parallel_loop3A_140 = arith.cmpf oge, %parallel_loop3A_135, %parallel_loop3A_139 : vector<16xf32>
      %parallel_loop3A_141 = arith.constant 1 : i32
      %parallel_loop3A_142 = arith.constant 0 : i32
      %parallel_loop3A_143 = vector.broadcast %parallel_loop3A_141 : i32 to vector<16xi32>
      %parallel_loop3A_144 = vector.broadcast %parallel_loop3A_142 : i32 to vector<16xi32>
      %parallel_loop3A_145 = arith.select %parallel_loop3A_140, %parallel_loop3A_143, %parallel_loop3A_144 : vector<16xi1>, vector<16xi32>
      %parallel_loop3A_146 = arith.addi %parallel_loop3A_132, %parallel_loop3A_145 : vector<16xi32>
      %parallel_loop3A_147 = arith.constant 5.000000e-01 : f32
      %parallel_loop3A_148 = vector.broadcast %parallel_loop3A_147 : f32 to vector<16xf32>
      %parallel_loop3A_149 = arith.cmpf oge, %parallel_loop3A_137, %parallel_loop3A_148 : vector<16xf32>
      %parallel_loop3A_150 = arith.constant 1 : i32
      %parallel_loop3A_151 = arith.constant 0 : i32
      %parallel_loop3A_152 = vector.broadcast %parallel_loop3A_150 : i32 to vector<16xi32>
      %parallel_loop3A_153 = vector.broadcast %parallel_loop3A_151 : i32 to vector<16xi32>
      %parallel_loop3A_154 = arith.select %parallel_loop3A_149, %parallel_loop3A_152, %parallel_loop3A_153 : vector<16xi1>, vector<16xi32>
      %parallel_loop3A_155 = arith.addi %parallel_loop3A_133, %parallel_loop3A_154 : vector<16xi32>
      %parallel_loop3A_156 = arith.sitofp %parallel_loop3A_146 : vector<16xi32> to vector<16xf32>
      %parallel_loop3A_157 = arith.subf %parallel_loop3A_156, %parallel_loop3A_129 : vector<16xf32>
      %parallel_loop3A_158 = arith.sitofp %parallel_loop3A_155 : vector<16xi32> to vector<16xf32>
      %parallel_loop3A_159 = arith.subf %parallel_loop3A_158, %parallel_loop3A_131 : vector<16xf32>
      %parallel_loop3A_160 = arith.constant 1.000000e+00 : f32
      %parallel_loop3A_161 = vector.broadcast %parallel_loop3A_160 : f32 to vector<16xf32>
      %parallel_loop3A_162 = arith.constant 0.000000e+00 : f32
      %parallel_loop3A_163 = vector.broadcast %parallel_loop3A_162 : f32 to vector<16xf32>
      %parallel_loop3A_164 = arith.constant 5.000000e-01 : f32
      %parallel_loop3A_165 = vector.broadcast %parallel_loop3A_164 : f32 to vector<16xf32>
      %parallel_loop3A_166 = arith.addf %parallel_loop3A_165, %parallel_loop3A_157 : vector<16xf32>
      %parallel_loop3A_167 = arith.constant 5.000000e-01 : f32
      %parallel_loop3A_168 = vector.broadcast %parallel_loop3A_167 : f32 to vector<16xf32>
      %parallel_loop3A_169 = arith.subf %parallel_loop3A_168, %parallel_loop3A_157 : vector<16xf32>
      %parallel_loop3A_170 = arith.constant 5.000000e-01 : f32
      %parallel_loop3A_171 = vector.broadcast %parallel_loop3A_170 : f32 to vector<16xf32>
      %parallel_loop3A_172 = arith.addf %parallel_loop3A_171, %parallel_loop3A_159 : vector<16xf32>
      %parallel_loop3A_173 = arith.constant 5.000000e-01 : f32
      %parallel_loop3A_174 = vector.broadcast %parallel_loop3A_173 : f32 to vector<16xf32>
      %parallel_loop3A_175 = arith.subf %parallel_loop3A_174, %parallel_loop3A_159 : vector<16xf32>
      %parallel_loop3A_176 = arith.constant -2 : i32
      %parallel_loop3A_177 = vector.broadcast %parallel_loop3A_176 : i32 to vector<16xi32>
      %parallel_loop3A_178 = arith.addi %parallel_loop3A_146, %parallel_loop3A_177 : vector<16xi32>
      %parallel_loop3A_179 = arith.constant 512 : i32
      %parallel_loop3A_180 = vector.broadcast %parallel_loop3A_179 : i32 to vector<16xi32>
      %parallel_loop3A_181 = arith.cmpi ult, %parallel_loop3A_178, %parallel_loop3A_180 : vector<16xi32>
      %parallel_loop3A_182 = arith.select %parallel_loop3A_181, %parallel_loop3A_166, %parallel_loop3A_163 : vector<16xi1>, vector<16xf32>
      %parallel_loop3A_183 = arith.constant 511 : i32
      %parallel_loop3A_184 = vector.broadcast %parallel_loop3A_183 : i32 to vector<16xi32>
      %parallel_loop3A_185 = arith.andi %parallel_loop3A_178, %parallel_loop3A_184 : vector<16xi32>
      %parallel_loop3A_186 = arith.constant -1 : i32
      %parallel_loop3A_187 = vector.broadcast %parallel_loop3A_186 : i32 to vector<16xi32>
      %parallel_loop3A_188 = arith.addi %parallel_loop3A_146, %parallel_loop3A_187 : vector<16xi32>
      %parallel_loop3A_189 = arith.constant 512 : i32
      %parallel_loop3A_190 = vector.broadcast %parallel_loop3A_189 : i32 to vector<16xi32>
      %parallel_loop3A_191 = arith.cmpi ult, %parallel_loop3A_188, %parallel_loop3A_190 : vector<16xi32>
      %parallel_loop3A_192 = arith.select %parallel_loop3A_191, %parallel_loop3A_161, %parallel_loop3A_163 : vector<16xi1>, vector<16xf32>
      %parallel_loop3A_193 = arith.constant 511 : i32
      %parallel_loop3A_194 = vector.broadcast %parallel_loop3A_193 : i32 to vector<16xi32>
      %parallel_loop3A_195 = arith.andi %parallel_loop3A_188, %parallel_loop3A_194 : vector<16xi32>
      %parallel_loop3A_196 = arith.constant 0 : i32
      %parallel_loop3A_197 = vector.broadcast %parallel_loop3A_196 : i32 to vector<16xi32>
      %parallel_loop3A_198 = arith.addi %parallel_loop3A_146, %parallel_loop3A_197 : vector<16xi32>
      %parallel_loop3A_199 = arith.constant 512 : i32
      %parallel_loop3A_200 = vector.broadcast %parallel_loop3A_199 : i32 to vector<16xi32>
      %parallel_loop3A_201 = arith.cmpi ult, %parallel_loop3A_198, %parallel_loop3A_200 : vector<16xi32>
      %parallel_loop3A_202 = arith.select %parallel_loop3A_201, %parallel_loop3A_161, %parallel_loop3A_163 : vector<16xi1>, vector<16xf32>
      %parallel_loop3A_203 = arith.constant 511 : i32
      %parallel_loop3A_204 = vector.broadcast %parallel_loop3A_203 : i32 to vector<16xi32>
      %parallel_loop3A_205 = arith.andi %parallel_loop3A_198, %parallel_loop3A_204 : vector<16xi32>
      %parallel_loop3A_206 = arith.constant 1 : i32
      %parallel_loop3A_207 = vector.broadcast %parallel_loop3A_206 : i32 to vector<16xi32>
      %parallel_loop3A_208 = arith.addi %parallel_loop3A_146, %parallel_loop3A_207 : vector<16xi32>
      %parallel_loop3A_209 = arith.constant 512 : i32
      %parallel_loop3A_210 = vector.broadcast %parallel_loop3A_209 : i32 to vector<16xi32>
      %parallel_loop3A_211 = arith.cmpi ult, %parallel_loop3A_208, %parallel_loop3A_210 : vector<16xi32>
      %parallel_loop3A_212 = arith.select %parallel_loop3A_211, %parallel_loop3A_161, %parallel_loop3A_163 : vector<16xi1>, vector<16xf32>
      %parallel_loop3A_213 = arith.constant 511 : i32
      %parallel_loop3A_214 = vector.broadcast %parallel_loop3A_213 : i32 to vector<16xi32>
      %parallel_loop3A_215 = arith.andi %parallel_loop3A_208, %parallel_loop3A_214 : vector<16xi32>
      %parallel_loop3A_216 = arith.constant 2 : i32
      %parallel_loop3A_217 = vector.broadcast %parallel_loop3A_216 : i32 to vector<16xi32>
      %parallel_loop3A_218 = arith.addi %parallel_loop3A_146, %parallel_loop3A_217 : vector<16xi32>
      %parallel_loop3A_219 = arith.constant 512 : i32
      %parallel_loop3A_220 = vector.broadcast %parallel_loop3A_219 : i32 to vector<16xi32>
      %parallel_loop3A_221 = arith.cmpi ult, %parallel_loop3A_218, %parallel_loop3A_220 : vector<16xi32>
      %parallel_loop3A_222 = arith.select %parallel_loop3A_221, %parallel_loop3A_169, %parallel_loop3A_163 : vector<16xi1>, vector<16xf32>
      %parallel_loop3A_223 = arith.constant 511 : i32
      %parallel_loop3A_224 = vector.broadcast %parallel_loop3A_223 : i32 to vector<16xi32>
      %parallel_loop3A_225 = arith.andi %parallel_loop3A_218, %parallel_loop3A_224 : vector<16xi32>
      %parallel_loop3A_226 = arith.constant -2 : i32
      %parallel_loop3A_227 = vector.broadcast %parallel_loop3A_226 : i32 to vector<16xi32>
      %parallel_loop3A_228 = arith.addi %parallel_loop3A_155, %parallel_loop3A_227 : vector<16xi32>
      %parallel_loop3A_229 = arith.constant 512 : i32
      %parallel_loop3A_230 = vector.broadcast %parallel_loop3A_229 : i32 to vector<16xi32>
      %parallel_loop3A_231 = arith.cmpi ult, %parallel_loop3A_228, %parallel_loop3A_230 : vector<16xi32>
      %parallel_loop3A_232 = arith.select %parallel_loop3A_231, %parallel_loop3A_172, %parallel_loop3A_163 : vector<16xi1>, vector<16xf32>
      %parallel_loop3A_233 = vector.broadcast %sub3A_8 : i32 to vector<16xi32>
      %parallel_loop3A_234 = arith.subi %parallel_loop3A_228, %parallel_loop3A_233 : vector<16xi32>
      %parallel_loop3A_235 = arith.constant 131 : i32
      %parallel_loop3A_236 = vector.broadcast %parallel_loop3A_235 : i32 to vector<16xi32>
      %parallel_loop3A_237 = arith.minsi %parallel_loop3A_234, %parallel_loop3A_236 : vector<16xi32>
      %parallel_loop3A_238 = arith.constant 9 : i32
      %parallel_loop3A_239 = vector.broadcast %parallel_loop3A_238 : i32 to vector<16xi32>
      %parallel_loop3A_240 = arith.shli %parallel_loop3A_237, %parallel_loop3A_239 : vector<16xi32>
      %parallel_loop3A_241 = arith.addi %parallel_loop3A_240, %parallel_loop3A_185 : vector<16xi32>
      %parallel_loop3A_242 = arith.mulf %parallel_loop3A_232, %parallel_loop3A_182 : vector<16xf32>
      tpu.vector_store_idx %arg11[%parallel_loop3A_241], %parallel_loop3A_242 {add = true} : memref<67584xf32, #tpu.memory_space<vmem>>[vector<16xi32>], vector<16xf32>,
      %parallel_loop3A_243 = arith.addi %parallel_loop3A_240, %parallel_loop3A_195 : vector<16xi32>
      %parallel_loop3A_244 = arith.mulf %parallel_loop3A_232, %parallel_loop3A_192 : vector<16xf32>
      tpu.vector_store_idx %arg11[%parallel_loop3A_243], %parallel_loop3A_244 {add = true} : memref<67584xf32, #tpu.memory_space<vmem>>[vector<16xi32>], vector<16xf32>,
      %parallel_loop3A_245 = arith.addi %parallel_loop3A_240, %parallel_loop3A_205 : vector<16xi32>
      %parallel_loop3A_246 = arith.mulf %parallel_loop3A_232, %parallel_loop3A_202 : vector<16xf32>
      tpu.vector_store_idx %arg11[%parallel_loop3A_245], %parallel_loop3A_246 {add = true} : memref<67584xf32, #tpu.memory_space<vmem>>[vector<16xi32>], vector<16xf32>,
      %parallel_loop3A_247 = arith.addi %parallel_loop3A_240, %parallel_loop3A_215 : vector<16xi32>
      %parallel_loop3A_248 = arith.mulf %parallel_loop3A_232, %parallel_loop3A_212 : vector<16xf32>
      tpu.vector_store_idx %arg11[%parallel_loop3A_247], %parallel_loop3A_248 {add = true} : memref<67584xf32, #tpu.memory_space<vmem>>[vector<16xi32>], vector<16xf32>,
      %parallel_loop3A_249 = arith.addi %parallel_loop3A_240, %parallel_loop3A_225 : vector<16xi32>
      %parallel_loop3A_250 = arith.mulf %parallel_loop3A_232, %parallel_loop3A_222 : vector<16xf32>
      tpu.vector_store_idx %arg11[%parallel_loop3A_249], %parallel_loop3A_250 {add = true} : memref<67584xf32, #tpu.memory_space<vmem>>[vector<16xi32>], vector<16xf32>,
      %parallel_loop3A_251 = arith.constant -1 : i32
      %parallel_loop3A_252 = vector.broadcast %parallel_loop3A_251 : i32 to vector<16xi32>
      %parallel_loop3A_253 = arith.addi %parallel_loop3A_155, %parallel_loop3A_252 : vector<16xi32>
      %parallel_loop3A_254 = arith.constant 512 : i32
      %parallel_loop3A_255 = vector.broadcast %parallel_loop3A_254 : i32 to vector<16xi32>
      %parallel_loop3A_256 = arith.cmpi ult, %parallel_loop3A_253, %parallel_loop3A_255 : vector<16xi32>
      %parallel_loop3A_257 = arith.select %parallel_loop3A_256, %parallel_loop3A_161, %parallel_loop3A_163 : vector<16xi1>, vector<16xf32>
      %parallel_loop3A_258 = vector.broadcast %sub3A_8 : i32 to vector<16xi32>
      %parallel_loop3A_259 = arith.subi %parallel_loop3A_253, %parallel_loop3A_258 : vector<16xi32>
      %parallel_loop3A_260 = arith.constant 131 : i32
      %parallel_loop3A_261 = vector.broadcast %parallel_loop3A_260 : i32 to vector<16xi32>
      %parallel_loop3A_262 = arith.minsi %parallel_loop3A_259, %parallel_loop3A_261 : vector<16xi32>
      %parallel_loop3A_263 = arith.constant 9 : i32
      %parallel_loop3A_264 = vector.broadcast %parallel_loop3A_263 : i32 to vector<16xi32>
      %parallel_loop3A_265 = arith.shli %parallel_loop3A_262, %parallel_loop3A_264 : vector<16xi32>
      %parallel_loop3A_266 = arith.addi %parallel_loop3A_265, %parallel_loop3A_185 : vector<16xi32>
      %parallel_loop3A_267 = arith.mulf %parallel_loop3A_257, %parallel_loop3A_182 : vector<16xf32>
      tpu.vector_store_idx %arg11[%parallel_loop3A_266], %parallel_loop3A_267 {add = true} : memref<67584xf32, #tpu.memory_space<vmem>>[vector<16xi32>], vector<16xf32>,
      %parallel_loop3A_268 = arith.addi %parallel_loop3A_265, %parallel_loop3A_195 : vector<16xi32>
      %parallel_loop3A_269 = arith.mulf %parallel_loop3A_257, %parallel_loop3A_192 : vector<16xf32>
      tpu.vector_store_idx %arg11[%parallel_loop3A_268], %parallel_loop3A_269 {add = true} : memref<67584xf32, #tpu.memory_space<vmem>>[vector<16xi32>], vector<16xf32>,
      %parallel_loop3A_270 = arith.addi %parallel_loop3A_265, %parallel_loop3A_205 : vector<16xi32>
      %parallel_loop3A_271 = arith.mulf %parallel_loop3A_257, %parallel_loop3A_202 : vector<16xf32>
      tpu.vector_store_idx %arg11[%parallel_loop3A_270], %parallel_loop3A_271 {add = true} : memref<67584xf32, #tpu.memory_space<vmem>>[vector<16xi32>], vector<16xf32>,
      %parallel_loop3A_272 = arith.addi %parallel_loop3A_265, %parallel_loop3A_215 : vector<16xi32>
      %parallel_loop3A_273 = arith.mulf %parallel_loop3A_257, %parallel_loop3A_212 : vector<16xf32>
      tpu.vector_store_idx %arg11[%parallel_loop3A_272], %parallel_loop3A_273 {add = true} : memref<67584xf32, #tpu.memory_space<vmem>>[vector<16xi32>], vector<16xf32>,
      %parallel_loop3A_274 = arith.addi %parallel_loop3A_265, %parallel_loop3A_225 : vector<16xi32>
      %parallel_loop3A_275 = arith.mulf %parallel_loop3A_257, %parallel_loop3A_222 : vector<16xf32>
      tpu.vector_store_idx %arg11[%parallel_loop3A_274], %parallel_loop3A_275 {add = true} : memref<67584xf32, #tpu.memory_space<vmem>>[vector<16xi32>], vector<16xf32>,
      %parallel_loop3A_276 = arith.constant 0 : i32
      %parallel_loop3A_277 = vector.broadcast %parallel_loop3A_276 : i32 to vector<16xi32>
      %parallel_loop3A_278 = arith.addi %parallel_loop3A_155, %parallel_loop3A_277 : vector<16xi32>
      %parallel_loop3A_279 = arith.constant 512 : i32
      %parallel_loop3A_280 = vector.broadcast %parallel_loop3A_279 : i32 to vector<16xi32>
      %parallel_loop3A_281 = arith.cmpi ult, %parallel_loop3A_278, %parallel_loop3A_280 : vector<16xi32>
      %parallel_loop3A_282 = arith.select %parallel_loop3A_281, %parallel_loop3A_161, %parallel_loop3A_163 : vector<16xi1>, vector<16xf32>
      %parallel_loop3A_283 = vector.broadcast %sub3A_8 : i32 to vector<16xi32>
      %parallel_loop3A_284 = arith.subi %parallel_loop3A_278, %parallel_loop3A_283 : vector<16xi32>
      %parallel_loop3A_285 = arith.constant 131 : i32
      %parallel_loop3A_286 = vector.broadcast %parallel_loop3A_285 : i32 to vector<16xi32>
      %parallel_loop3A_287 = arith.minsi %parallel_loop3A_284, %parallel_loop3A_286 : vector<16xi32>
      %parallel_loop3A_288 = arith.constant 9 : i32
      %parallel_loop3A_289 = vector.broadcast %parallel_loop3A_288 : i32 to vector<16xi32>
      %parallel_loop3A_290 = arith.shli %parallel_loop3A_287, %parallel_loop3A_289 : vector<16xi32>
      %parallel_loop3A_291 = arith.addi %parallel_loop3A_290, %parallel_loop3A_185 : vector<16xi32>
      %parallel_loop3A_292 = arith.mulf %parallel_loop3A_282, %parallel_loop3A_182 : vector<16xf32>
      tpu.vector_store_idx %arg11[%parallel_loop3A_291], %parallel_loop3A_292 {add = true} : memref<67584xf32, #tpu.memory_space<vmem>>[vector<16xi32>], vector<16xf32>,
      %parallel_loop3A_293 = arith.addi %parallel_loop3A_290, %parallel_loop3A_195 : vector<16xi32>
      %parallel_loop3A_294 = arith.mulf %parallel_loop3A_282, %parallel_loop3A_192 : vector<16xf32>
      tpu.vector_store_idx %arg11[%parallel_loop3A_293], %parallel_loop3A_294 {add = true} : memref<67584xf32, #tpu.memory_space<vmem>>[vector<16xi32>], vector<16xf32>,
      %parallel_loop3A_295 = arith.addi %parallel_loop3A_290, %parallel_loop3A_205 : vector<16xi32>
      %parallel_loop3A_296 = arith.mulf %parallel_loop3A_282, %parallel_loop3A_202 : vector<16xf32>
      tpu.vector_store_idx %arg11[%parallel_loop3A_295], %parallel_loop3A_296 {add = true} : memref<67584xf32, #tpu.memory_space<vmem>>[vector<16xi32>], vector<16xf32>,
      %parallel_loop3A_297 = arith.addi %parallel_loop3A_290, %parallel_loop3A_215 : vector<16xi32>
      %parallel_loop3A_298 = arith.mulf %parallel_loop3A_282, %parallel_loop3A_212 : vector<16xf32>
      tpu.vector_store_idx %arg11[%parallel_loop3A_297], %parallel_loop3A_298 {add = true} : memref<67584xf32, #tpu.memory_space<vmem>>[vector<16xi32>], vector<16xf32>,
      %parallel_loop3A_299 = arith.addi %parallel_loop3A_290, %parallel_loop3A_225 : vector<16xi32>
      %parallel_loop3A_300 = arith.mulf %parallel_loop3A_282, %parallel_loop3A_222 : vector<16xf32>
      tpu.vector_store_idx %arg11[%parallel_loop3A_299], %parallel_loop3A_300 {add = true} : memref<67584xf32, #tpu.memory_space<vmem>>[vector<16xi32>], vector<16xf32>,
      %parallel_loop3A_301 = arith.constant 1 : i32
      %parallel_loop3A_302 = vector.broadcast %parallel_loop3A_301 : i32 to vector<16xi32>
      %parallel_loop3A_303 = arith.addi %parallel_loop3A_155, %parallel_loop3A_302 : vector<16xi32>
      %parallel_loop3A_304 = arith.constant 512 : i32
      %parallel_loop3A_305 = vector.broadcast %parallel_loop3A_304 : i32 to vector<16xi32>
      %parallel_loop3A_306 = arith.cmpi ult, %parallel_loop3A_303, %parallel_loop3A_305 : vector<16xi32>
      %parallel_loop3A_307 = arith.select %parallel_loop3A_306, %parallel_loop3A_161, %parallel_loop3A_163 : vector<16xi1>, vector<16xf32>
      %parallel_loop3A_308 = vector.broadcast %sub3A_8 : i32 to vector<16xi32>
      %parallel_loop3A_309 = arith.subi %parallel_loop3A_303, %parallel_loop3A_308 : vector<16xi32>
      %parallel_loop3A_310 = arith.constant 131 : i32
      %parallel_loop3A_311 = vector.broadcast %parallel_loop3A_310 : i32 to vector<16xi32>
      %parallel_loop3A_312 = arith.minsi %parallel_loop3A_309, %parallel_loop3A_311 : vector<16xi32>
      %parallel_loop3A_313 = arith.constant 9 : i32
      %parallel_loop3A_314 = vector.broadcast %parallel_loop3A_313 : i32 to vector<16xi32>
      %parallel_loop3A_315 = arith.shli %parallel_loop3A_312, %parallel_loop3A_314 : vector<16xi32>
      %parallel_loop3A_316 = arith.addi %parallel_loop3A_315, %parallel_loop3A_185 : vector<16xi32>
      %parallel_loop3A_317 = arith.mulf %parallel_loop3A_307, %parallel_loop3A_182 : vector<16xf32>
      tpu.vector_store_idx %arg11[%parallel_loop3A_316], %parallel_loop3A_317 {add = true} : memref<67584xf32, #tpu.memory_space<vmem>>[vector<16xi32>], vector<16xf32>,
      %parallel_loop3A_318 = arith.addi %parallel_loop3A_315, %parallel_loop3A_195 : vector<16xi32>
      %parallel_loop3A_319 = arith.mulf %parallel_loop3A_307, %parallel_loop3A_192 : vector<16xf32>
      tpu.vector_store_idx %arg11[%parallel_loop3A_318], %parallel_loop3A_319 {add = true} : memref<67584xf32, #tpu.memory_space<vmem>>[vector<16xi32>], vector<16xf32>,
      %parallel_loop3A_320 = arith.addi %parallel_loop3A_315, %parallel_loop3A_205 : vector<16xi32>
      %parallel_loop3A_321 = arith.mulf %parallel_loop3A_307, %parallel_loop3A_202 : vector<16xf32>
      tpu.vector_store_idx %arg11[%parallel_loop3A_320], %parallel_loop3A_321 {add = true} : memref<67584xf32, #tpu.memory_space<vmem>>[vector<16xi32>], vector<16xf32>,
      %parallel_loop3A_322 = arith.addi %parallel_loop3A_315, %parallel_loop3A_215 : vector<16xi32>
      %parallel_loop3A_323 = arith.mulf %parallel_loop3A_307, %parallel_loop3A_212 : vector<16xf32>
      tpu.vector_store_idx %arg11[%parallel_loop3A_322], %parallel_loop3A_323 {add = true} : memref<67584xf32, #tpu.memory_space<vmem>>[vector<16xi32>], vector<16xf32>,
      %parallel_loop3A_324 = arith.addi %parallel_loop3A_315, %parallel_loop3A_225 : vector<16xi32>
      %parallel_loop3A_325 = arith.mulf %parallel_loop3A_307, %parallel_loop3A_222 : vector<16xf32>
      tpu.vector_store_idx %arg11[%parallel_loop3A_324], %parallel_loop3A_325 {add = true} : memref<67584xf32, #tpu.memory_space<vmem>>[vector<16xi32>], vector<16xf32>,
      %parallel_loop3A_326 = arith.constant 2 : i32
      %parallel_loop3A_327 = vector.broadcast %parallel_loop3A_326 : i32 to vector<16xi32>
      %parallel_loop3A_328 = arith.addi %parallel_loop3A_155, %parallel_loop3A_327 : vector<16xi32>
      %parallel_loop3A_329 = arith.constant 512 : i32
      %parallel_loop3A_330 = vector.broadcast %parallel_loop3A_329 : i32 to vector<16xi32>
      %parallel_loop3A_331 = arith.cmpi ult, %parallel_loop3A_328, %parallel_loop3A_330 : vector<16xi32>
      %parallel_loop3A_332 = arith.select %parallel_loop3A_331, %parallel_loop3A_175, %parallel_loop3A_163 : vector<16xi1>, vector<16xf32>
      %parallel_loop3A_333 = vector.broadcast %sub3A_8 : i32 to vector<16xi32>
      %parallel_loop3A_334 = arith.subi %parallel_loop3A_328, %parallel_loop3A_333 : vector<16xi32>
      %parallel_loop3A_335 = arith.constant 131 : i32
      %parallel_loop3A_336 = vector.broadcast %parallel_loop3A_335 : i32 to vector<16xi32>
      %parallel_loop3A_337 = arith.minsi %parallel_loop3A_334, %parallel_loop3A_336 : vector<16xi32>
      %parallel_loop3A_338 = arith.constant 9 : i32
      %parallel_loop3A_339 = vector.broadcast %parallel_loop3A_338 : i32 to vector<16xi32>
      %parallel_loop3A_340 = arith.shli %parallel_loop3A_337, %parallel_loop3A_339 : vector<16xi32>
      %parallel_loop3A_341 = arith.addi %parallel_loop3A_340, %parallel_loop3A_185 : vector<16xi32>
      %parallel_loop3A_342 = arith.mulf %parallel_loop3A_332, %parallel_loop3A_182 : vector<16xf32>
      tpu.vector_store_idx %arg11[%parallel_loop3A_341], %parallel_loop3A_342 {add = true} : memref<67584xf32, #tpu.memory_space<vmem>>[vector<16xi32>], vector<16xf32>,
      %parallel_loop3A_343 = arith.addi %parallel_loop3A_340, %parallel_loop3A_195 : vector<16xi32>
      %parallel_loop3A_344 = arith.mulf %parallel_loop3A_332, %parallel_loop3A_192 : vector<16xf32>
      tpu.vector_store_idx %arg11[%parallel_loop3A_343], %parallel_loop3A_344 {add = true} : memref<67584xf32, #tpu.memory_space<vmem>>[vector<16xi32>], vector<16xf32>,
      %parallel_loop3A_345 = arith.addi %parallel_loop3A_340, %parallel_loop3A_205 : vector<16xi32>
      %parallel_loop3A_346 = arith.mulf %parallel_loop3A_332, %parallel_loop3A_202 : vector<16xf32>
      tpu.vector_store_idx %arg11[%parallel_loop3A_345], %parallel_loop3A_346 {add = true} : memref<67584xf32, #tpu.memory_space<vmem>>[vector<16xi32>], vector<16xf32>,
      %parallel_loop3A_347 = arith.addi %parallel_loop3A_340, %parallel_loop3A_215 : vector<16xi32>
      %parallel_loop3A_348 = arith.mulf %parallel_loop3A_332, %parallel_loop3A_212 : vector<16xf32>
      tpu.vector_store_idx %arg11[%parallel_loop3A_347], %parallel_loop3A_348 {add = true} : memref<67584xf32, #tpu.memory_space<vmem>>[vector<16xi32>], vector<16xf32>,
      %parallel_loop3A_349 = arith.addi %parallel_loop3A_340, %parallel_loop3A_225 : vector<16xi32>
      %parallel_loop3A_350 = arith.mulf %parallel_loop3A_332, %parallel_loop3A_222 : vector<16xf32>
      tpu.vector_store_idx %arg11[%parallel_loop3A_349], %parallel_loop3A_350 {add = true} : memref<67584xf32, #tpu.memory_space<vmem>>[vector<16xi32>], vector<16xf32>,
    } {sc.loop_unroll_factor = 2 : i64, sc.parallel_access}
    %dma_wait3A_107 = tpu.memref_slice %arg2[%add3A_86] : memref<262144xf32, #tpu.memory_space<hbm>> -> memref<8192xf32, #tpu.memory_space<hbm>>
    %dma_wait3A_108 = tpu.memref_slice %arg2[%add3A_86] : memref<262144xf32, #tpu.memory_space<hbm>> -> memref<8192xf32, #tpu.memory_space<hbm>>
    tpu.wait_dma2 semaphore(%arg13 : memref<!tpu.dma_semaphore, #tpu.memory_space<semaphore_mem>>) src(%dma_wait3A_108 : memref<8192xf32, #tpu.memory_space<hbm>>) dst(%arg7 : memref<8192xf32, #tpu.memory_space<vmem>>)
    %dma_wait3A_109 = tpu.memref_slice %arg3[%add3A_86] : memref<262144xf32, #tpu.memory_space<hbm>> -> memref<8192xf32, #tpu.memory_space<hbm>>
    %dma_wait3A_110 = tpu.memref_slice %arg3[%add3A_86] : memref<262144xf32, #tpu.memory_space<hbm>> -> memref<8192xf32, #tpu.memory_space<hbm>>
    tpu.wait_dma2 semaphore(%arg13 : memref<!tpu.dma_semaphore, #tpu.memory_space<semaphore_mem>>) src(%dma_wait3A_110 : memref<8192xf32, #tpu.memory_space<hbm>>) dst(%arg8 : memref<8192xf32, #tpu.memory_space<vmem>>)
    %broadcast_in_dim3A_111 = arith.constant 0 : i32
    %broadcast_in_dim3A_112 = vector.broadcast %broadcast_in_dim3A_111 : i32 to vector<16xi32>
    %parallel_loop3A_113 = arith.constant 0 : i32
    %parallel_loop3A_114 = arith.constant 8192 : i32
    %parallel_loop3A_115 = arith.constant 16 : i32
    %parallel_loop3A_116 = scf.for %parallel_loop3A_127 = %parallel_loop3A_113 to %parallel_loop3A_114 step %parallel_loop3A_115 iter_args(%parallel_loop3A_128 = %broadcast_in_dim3A_112) -> (vector<16xi32>)  : i32 {
      %parallel_loop3A_129 = arith.index_cast %parallel_loop3A_127 : i32 to index
      %parallel_loop3A_130 = tpu.vector_load %arg7[%parallel_loop3A_129] {strides = array<i32>} : memref<8192xf32, #tpu.memory_space<vmem>>, vector<16xf32>,
      %parallel_loop3A_131 = arith.index_cast %parallel_loop3A_127 : i32 to index
      %parallel_loop3A_132 = tpu.vector_load %arg8[%parallel_loop3A_131] {strides = array<i32>} : memref<8192xf32, #tpu.memory_space<vmem>>, vector<16xf32>,
      %parallel_loop3A_133 = arith.fptosi %parallel_loop3A_132 : vector<16xf32> to vector<16xi32>
      %parallel_loop3A_134 = arith.sitofp %parallel_loop3A_133 : vector<16xi32> to vector<16xf32>
      %parallel_loop3A_135 = arith.subf %parallel_loop3A_132, %parallel_loop3A_134 : vector<16xf32>
      %parallel_loop3A_136 = arith.constant 5.000000e-01 : f32
      %parallel_loop3A_137 = vector.broadcast %parallel_loop3A_136 : f32 to vector<16xf32>
      %parallel_loop3A_138 = arith.cmpf oge, %parallel_loop3A_135, %parallel_loop3A_137 : vector<16xf32>
      %parallel_loop3A_139 = arith.constant 1 : i32
      %parallel_loop3A_140 = arith.constant 0 : i32
      %parallel_loop3A_141 = vector.broadcast %parallel_loop3A_139 : i32 to vector<16xi32>
      %parallel_loop3A_142 = vector.broadcast %parallel_loop3A_140 : i32 to vector<16xi32>
      %parallel_loop3A_143 = arith.select %parallel_loop3A_138, %parallel_loop3A_141, %parallel_loop3A_142 : vector<16xi1>, vector<16xi32>
      %parallel_loop3A_144 = arith.addi %parallel_loop3A_133, %parallel_loop3A_143 : vector<16xi32>
      %parallel_loop3A_145 = arith.constant 511 : i32
      %parallel_loop3A_146 = vector.broadcast %parallel_loop3A_145 : i32 to vector<16xi32>
      %parallel_loop3A_147 = arith.minsi %parallel_loop3A_144, %parallel_loop3A_146 : vector<16xi32>
      %parallel_loop3A_148 = arith.constant 7 : i32
      %parallel_loop3A_149 = vector.broadcast %parallel_loop3A_148 : i32 to vector<16xi32>
      %parallel_loop3A_150 = arith.shrui %parallel_loop3A_147, %parallel_loop3A_149 : vector<16xi32>
      %parallel_loop3A_151 = vector.broadcast %shift_right_logical3A_1 : i32 to vector<16xi32>
      %parallel_loop3A_152 = arith.cmpi eq, %parallel_loop3A_150, %parallel_loop3A_151 : vector<16xi32>
      %parallel_loop3A_153 = arith.constant 1 : i32
      %parallel_loop3A_154 = arith.constant 0 : i32
      %parallel_loop3A_155 = vector.broadcast %parallel_loop3A_153 : i32 to vector<16xi32>
      %parallel_loop3A_156 = vector.broadcast %parallel_loop3A_154 : i32 to vector<16xi32>
      %parallel_loop3A_157 = arith.select %parallel_loop3A_152, %parallel_loop3A_155, %parallel_loop3A_156 : vector<16xi1>, vector<16xi32>
      %parallel_loop3A_158 = arith.constant true
      %parallel_loop3A_159 = vector.broadcast %parallel_loop3A_158 : i1 to vector<16xi1>
      %parallel_loop3A_160 = tpu.scan <sum>, %parallel_loop3A_157 masked %parallel_loop3A_159 : vector<16xi32>, vector<16xi1> -> vector<16xi32>
      %parallel_loop3A_161 = arith.addi %parallel_loop3A_128, %parallel_loop3A_160 : vector<16xi32>
      %parallel_loop3A_162 = arith.constant 1 : i32
      %parallel_loop3A_163 = vector.broadcast %parallel_loop3A_162 : i32 to vector<16xi32>
      %parallel_loop3A_164 = arith.subi %parallel_loop3A_161, %parallel_loop3A_163 : vector<16xi32>
      tpu.vector_store_idx %arg9[%parallel_loop3A_164], %parallel_loop3A_130 masked %parallel_loop3A_152 : memref<8208xf32, #tpu.memory_space<vmem>>[vector<16xi32>], vector<16xf32>, vector<16xi1>
      tpu.vector_store_idx %arg10[%parallel_loop3A_164], %parallel_loop3A_132 masked %parallel_loop3A_152 : memref<8208xf32, #tpu.memory_space<vmem>>[vector<16xi32>], vector<16xf32>, vector<16xi1>
      %parallel_loop3A_165 = tpu.all_reduce %parallel_loop3A_152 {dim = 0 : i64, kind = #tpu.reduction_kind<sum>} : vector<16xi1> -> vector<16xi32>
      %parallel_loop3A_166 = arith.addi %parallel_loop3A_128, %parallel_loop3A_165 : vector<16xi32>
      scf.yield %parallel_loop3A_166 : vector<16xi32>
    } {sc.loop_unroll_factor = 1 : i64, sc.parallel_access}
    %add3A_117 = arith.addi %parallel_loop3A_116, %iota3A : vector<16xi32>
    tpu.vector_store_idx %arg9[%add3A_117], %broadcast_in_dim3A_11 : memref<8208xf32, #tpu.memory_space<vmem>>[vector<16xi32>], vector<16xf32>,
    %add3A_118 = arith.addi %parallel_loop3A_116, %iota3A : vector<16xi32>
    tpu.vector_store_idx %arg10[%add3A_118], %broadcast_in_dim3A_16 : memref<8208xf32, #tpu.memory_space<vmem>>[vector<16xi32>], vector<16xf32>,
    %slice3A_119 = vector.extract_strided_slice %parallel_loop3A_116 {offsets = [0], sizes = [1], strides = [1]} : vector<16xi32> to vector<1xi32>
    %squeeze3A_120 = vector.extract %slice3A_119[0] : i32 from vector<1xi32>
    %add3A_121 = arith.constant 15 : i32
    %add3A_122 = arith.addi %squeeze3A_120, %add3A_121 : i32
    %and3A_123 = arith.constant -16 : i32
    %and3A_124 = arith.andi %add3A_122, %and3A_123 : i32
    %parallel_loop3A_125 = arith.constant 0 : i32
    %parallel_loop3A_126 = arith.constant 16 : i32
    scf.for %parallel_loop3A_127 = %parallel_loop3A_125 to %and3A_124 step %parallel_loop3A_126  : i32 {
      %parallel_loop3A_128 = arith.index_cast %parallel_loop3A_127 : i32 to index
      %parallel_loop3A_129 = tpu.vector_load %arg9[%parallel_loop3A_128] {strides = array<i32>} : memref<8208xf32, #tpu.memory_space<vmem>>, vector<16xf32>,
      %parallel_loop3A_130 = arith.index_cast %parallel_loop3A_127 : i32 to index
      %parallel_loop3A_131 = tpu.vector_load %arg10[%parallel_loop3A_130] {strides = array<i32>} : memref<8208xf32, #tpu.memory_space<vmem>>, vector<16xf32>,
      %parallel_loop3A_132 = arith.fptosi %parallel_loop3A_129 : vector<16xf32> to vector<16xi32>
      %parallel_loop3A_133 = arith.fptosi %parallel_loop3A_131 : vector<16xf32> to vector<16xi32>
      %parallel_loop3A_134 = arith.sitofp %parallel_loop3A_132 : vector<16xi32> to vector<16xf32>
      %parallel_loop3A_135 = arith.subf %parallel_loop3A_129, %parallel_loop3A_134 : vector<16xf32>
      %parallel_loop3A_136 = arith.sitofp %parallel_loop3A_133 : vector<16xi32> to vector<16xf32>
      %parallel_loop3A_137 = arith.subf %parallel_loop3A_131, %parallel_loop3A_136 : vector<16xf32>
      %parallel_loop3A_138 = arith.constant 5.000000e-01 : f32
      %parallel_loop3A_139 = vector.broadcast %parallel_loop3A_138 : f32 to vector<16xf32>
      %parallel_loop3A_140 = arith.cmpf oge, %parallel_loop3A_135, %parallel_loop3A_139 : vector<16xf32>
      %parallel_loop3A_141 = arith.constant 1 : i32
      %parallel_loop3A_142 = arith.constant 0 : i32
      %parallel_loop3A_143 = vector.broadcast %parallel_loop3A_141 : i32 to vector<16xi32>
      %parallel_loop3A_144 = vector.broadcast %parallel_loop3A_142 : i32 to vector<16xi32>
      %parallel_loop3A_145 = arith.select %parallel_loop3A_140, %parallel_loop3A_143, %parallel_loop3A_144 : vector<16xi1>, vector<16xi32>
      %parallel_loop3A_146 = arith.addi %parallel_loop3A_132, %parallel_loop3A_145 : vector<16xi32>
      %parallel_loop3A_147 = arith.constant 5.000000e-01 : f32
      %parallel_loop3A_148 = vector.broadcast %parallel_loop3A_147 : f32 to vector<16xf32>
      %parallel_loop3A_149 = arith.cmpf oge, %parallel_loop3A_137, %parallel_loop3A_148 : vector<16xf32>
      %parallel_loop3A_150 = arith.constant 1 : i32
      %parallel_loop3A_151 = arith.constant 0 : i32
      %parallel_loop3A_152 = vector.broadcast %parallel_loop3A_150 : i32 to vector<16xi32>
      %parallel_loop3A_153 = vector.broadcast %parallel_loop3A_151 : i32 to vector<16xi32>
      %parallel_loop3A_154 = arith.select %parallel_loop3A_149, %parallel_loop3A_152, %parallel_loop3A_153 : vector<16xi1>, vector<16xi32>
      %parallel_loop3A_155 = arith.addi %parallel_loop3A_133, %parallel_loop3A_154 : vector<16xi32>
      %parallel_loop3A_156 = arith.sitofp %parallel_loop3A_146 : vector<16xi32> to vector<16xf32>
      %parallel_loop3A_157 = arith.subf %parallel_loop3A_156, %parallel_loop3A_129 : vector<16xf32>
      %parallel_loop3A_158 = arith.sitofp %parallel_loop3A_155 : vector<16xi32> to vector<16xf32>
      %parallel_loop3A_159 = arith.subf %parallel_loop3A_158, %parallel_loop3A_131 : vector<16xf32>
      %parallel_loop3A_160 = arith.constant 1.000000e+00 : f32
      %parallel_loop3A_161 = vector.broadcast %parallel_loop3A_160 : f32 to vector<16xf32>
      %parallel_loop3A_162 = arith.constant 0.000000e+00 : f32
      %parallel_loop3A_163 = vector.broadcast %parallel_loop3A_162 : f32 to vector<16xf32>
      %parallel_loop3A_164 = arith.constant 5.000000e-01 : f32
      %parallel_loop3A_165 = vector.broadcast %parallel_loop3A_164 : f32 to vector<16xf32>
      %parallel_loop3A_166 = arith.addf %parallel_loop3A_165, %parallel_loop3A_157 : vector<16xf32>
      %parallel_loop3A_167 = arith.constant 5.000000e-01 : f32
      %parallel_loop3A_168 = vector.broadcast %parallel_loop3A_167 : f32 to vector<16xf32>
      %parallel_loop3A_169 = arith.subf %parallel_loop3A_168, %parallel_loop3A_157 : vector<16xf32>
      %parallel_loop3A_170 = arith.constant 5.000000e-01 : f32
      %parallel_loop3A_171 = vector.broadcast %parallel_loop3A_170 : f32 to vector<16xf32>
      %parallel_loop3A_172 = arith.addf %parallel_loop3A_171, %parallel_loop3A_159 : vector<16xf32>
      %parallel_loop3A_173 = arith.constant 5.000000e-01 : f32
      %parallel_loop3A_174 = vector.broadcast %parallel_loop3A_173 : f32 to vector<16xf32>
      %parallel_loop3A_175 = arith.subf %parallel_loop3A_174, %parallel_loop3A_159 : vector<16xf32>
      %parallel_loop3A_176 = arith.constant -2 : i32
      %parallel_loop3A_177 = vector.broadcast %parallel_loop3A_176 : i32 to vector<16xi32>
      %parallel_loop3A_178 = arith.addi %parallel_loop3A_146, %parallel_loop3A_177 : vector<16xi32>
      %parallel_loop3A_179 = arith.constant 512 : i32
      %parallel_loop3A_180 = vector.broadcast %parallel_loop3A_179 : i32 to vector<16xi32>
      %parallel_loop3A_181 = arith.cmpi ult, %parallel_loop3A_178, %parallel_loop3A_180 : vector<16xi32>
      %parallel_loop3A_182 = arith.select %parallel_loop3A_181, %parallel_loop3A_166, %parallel_loop3A_163 : vector<16xi1>, vector<16xf32>
      %parallel_loop3A_183 = arith.constant 511 : i32
      %parallel_loop3A_184 = vector.broadcast %parallel_loop3A_183 : i32 to vector<16xi32>
      %parallel_loop3A_185 = arith.andi %parallel_loop3A_178, %parallel_loop3A_184 : vector<16xi32>
      %parallel_loop3A_186 = arith.constant -1 : i32
      %parallel_loop3A_187 = vector.broadcast %parallel_loop3A_186 : i32 to vector<16xi32>
      %parallel_loop3A_188 = arith.addi %parallel_loop3A_146, %parallel_loop3A_187 : vector<16xi32>
      %parallel_loop3A_189 = arith.constant 512 : i32
      %parallel_loop3A_190 = vector.broadcast %parallel_loop3A_189 : i32 to vector<16xi32>
      %parallel_loop3A_191 = arith.cmpi ult, %parallel_loop3A_188, %parallel_loop3A_190 : vector<16xi32>
      %parallel_loop3A_192 = arith.select %parallel_loop3A_191, %parallel_loop3A_161, %parallel_loop3A_163 : vector<16xi1>, vector<16xf32>
      %parallel_loop3A_193 = arith.constant 511 : i32
      %parallel_loop3A_194 = vector.broadcast %parallel_loop3A_193 : i32 to vector<16xi32>
      %parallel_loop3A_195 = arith.andi %parallel_loop3A_188, %parallel_loop3A_194 : vector<16xi32>
      %parallel_loop3A_196 = arith.constant 0 : i32
      %parallel_loop3A_197 = vector.broadcast %parallel_loop3A_196 : i32 to vector<16xi32>
      %parallel_loop3A_198 = arith.addi %parallel_loop3A_146, %parallel_loop3A_197 : vector<16xi32>
      %parallel_loop3A_199 = arith.constant 512 : i32
      %parallel_loop3A_200 = vector.broadcast %parallel_loop3A_199 : i32 to vector<16xi32>
      %parallel_loop3A_201 = arith.cmpi ult, %parallel_loop3A_198, %parallel_loop3A_200 : vector<16xi32>
      %parallel_loop3A_202 = arith.select %parallel_loop3A_201, %parallel_loop3A_161, %parallel_loop3A_163 : vector<16xi1>, vector<16xf32>
      %parallel_loop3A_203 = arith.constant 511 : i32
      %parallel_loop3A_204 = vector.broadcast %parallel_loop3A_203 : i32 to vector<16xi32>
      %parallel_loop3A_205 = arith.andi %parallel_loop3A_198, %parallel_loop3A_204 : vector<16xi32>
      %parallel_loop3A_206 = arith.constant 1 : i32
      %parallel_loop3A_207 = vector.broadcast %parallel_loop3A_206 : i32 to vector<16xi32>
      %parallel_loop3A_208 = arith.addi %parallel_loop3A_146, %parallel_loop3A_207 : vector<16xi32>
      %parallel_loop3A_209 = arith.constant 512 : i32
      %parallel_loop3A_210 = vector.broadcast %parallel_loop3A_209 : i32 to vector<16xi32>
      %parallel_loop3A_211 = arith.cmpi ult, %parallel_loop3A_208, %parallel_loop3A_210 : vector<16xi32>
      %parallel_loop3A_212 = arith.select %parallel_loop3A_211, %parallel_loop3A_161, %parallel_loop3A_163 : vector<16xi1>, vector<16xf32>
      %parallel_loop3A_213 = arith.constant 511 : i32
      %parallel_loop3A_214 = vector.broadcast %parallel_loop3A_213 : i32 to vector<16xi32>
      %parallel_loop3A_215 = arith.andi %parallel_loop3A_208, %parallel_loop3A_214 : vector<16xi32>
      %parallel_loop3A_216 = arith.constant 2 : i32
      %parallel_loop3A_217 = vector.broadcast %parallel_loop3A_216 : i32 to vector<16xi32>
      %parallel_loop3A_218 = arith.addi %parallel_loop3A_146, %parallel_loop3A_217 : vector<16xi32>
      %parallel_loop3A_219 = arith.constant 512 : i32
      %parallel_loop3A_220 = vector.broadcast %parallel_loop3A_219 : i32 to vector<16xi32>
      %parallel_loop3A_221 = arith.cmpi ult, %parallel_loop3A_218, %parallel_loop3A_220 : vector<16xi32>
      %parallel_loop3A_222 = arith.select %parallel_loop3A_221, %parallel_loop3A_169, %parallel_loop3A_163 : vector<16xi1>, vector<16xf32>
      %parallel_loop3A_223 = arith.constant 511 : i32
      %parallel_loop3A_224 = vector.broadcast %parallel_loop3A_223 : i32 to vector<16xi32>
      %parallel_loop3A_225 = arith.andi %parallel_loop3A_218, %parallel_loop3A_224 : vector<16xi32>
      %parallel_loop3A_226 = arith.constant -2 : i32
      %parallel_loop3A_227 = vector.broadcast %parallel_loop3A_226 : i32 to vector<16xi32>
      %parallel_loop3A_228 = arith.addi %parallel_loop3A_155, %parallel_loop3A_227 : vector<16xi32>
      %parallel_loop3A_229 = arith.constant 512 : i32
      %parallel_loop3A_230 = vector.broadcast %parallel_loop3A_229 : i32 to vector<16xi32>
      %parallel_loop3A_231 = arith.cmpi ult, %parallel_loop3A_228, %parallel_loop3A_230 : vector<16xi32>
      %parallel_loop3A_232 = arith.select %parallel_loop3A_231, %parallel_loop3A_172, %parallel_loop3A_163 : vector<16xi1>, vector<16xf32>
      %parallel_loop3A_233 = vector.broadcast %sub3A_8 : i32 to vector<16xi32>
      %parallel_loop3A_234 = arith.subi %parallel_loop3A_228, %parallel_loop3A_233 : vector<16xi32>
      %parallel_loop3A_235 = arith.constant 131 : i32
      %parallel_loop3A_236 = vector.broadcast %parallel_loop3A_235 : i32 to vector<16xi32>
      %parallel_loop3A_237 = arith.minsi %parallel_loop3A_234, %parallel_loop3A_236 : vector<16xi32>
      %parallel_loop3A_238 = arith.constant 9 : i32
      %parallel_loop3A_239 = vector.broadcast %parallel_loop3A_238 : i32 to vector<16xi32>
      %parallel_loop3A_240 = arith.shli %parallel_loop3A_237, %parallel_loop3A_239 : vector<16xi32>
      %parallel_loop3A_241 = arith.addi %parallel_loop3A_240, %parallel_loop3A_185 : vector<16xi32>
      %parallel_loop3A_242 = arith.mulf %parallel_loop3A_232, %parallel_loop3A_182 : vector<16xf32>
      tpu.vector_store_idx %arg11[%parallel_loop3A_241], %parallel_loop3A_242 {add = true} : memref<67584xf32, #tpu.memory_space<vmem>>[vector<16xi32>], vector<16xf32>,
      %parallel_loop3A_243 = arith.addi %parallel_loop3A_240, %parallel_loop3A_195 : vector<16xi32>
      %parallel_loop3A_244 = arith.mulf %parallel_loop3A_232, %parallel_loop3A_192 : vector<16xf32>
      tpu.vector_store_idx %arg11[%parallel_loop3A_243], %parallel_loop3A_244 {add = true} : memref<67584xf32, #tpu.memory_space<vmem>>[vector<16xi32>], vector<16xf32>,
      %parallel_loop3A_245 = arith.addi %parallel_loop3A_240, %parallel_loop3A_205 : vector<16xi32>
      %parallel_loop3A_246 = arith.mulf %parallel_loop3A_232, %parallel_loop3A_202 : vector<16xf32>
      tpu.vector_store_idx %arg11[%parallel_loop3A_245], %parallel_loop3A_246 {add = true} : memref<67584xf32, #tpu.memory_space<vmem>>[vector<16xi32>], vector<16xf32>,
      %parallel_loop3A_247 = arith.addi %parallel_loop3A_240, %parallel_loop3A_215 : vector<16xi32>
      %parallel_loop3A_248 = arith.mulf %parallel_loop3A_232, %parallel_loop3A_212 : vector<16xf32>
      tpu.vector_store_idx %arg11[%parallel_loop3A_247], %parallel_loop3A_248 {add = true} : memref<67584xf32, #tpu.memory_space<vmem>>[vector<16xi32>], vector<16xf32>,
      %parallel_loop3A_249 = arith.addi %parallel_loop3A_240, %parallel_loop3A_225 : vector<16xi32>
      %parallel_loop3A_250 = arith.mulf %parallel_loop3A_232, %parallel_loop3A_222 : vector<16xf32>
      tpu.vector_store_idx %arg11[%parallel_loop3A_249], %parallel_loop3A_250 {add = true} : memref<67584xf32, #tpu.memory_space<vmem>>[vector<16xi32>], vector<16xf32>,
      %parallel_loop3A_251 = arith.constant -1 : i32
      %parallel_loop3A_252 = vector.broadcast %parallel_loop3A_251 : i32 to vector<16xi32>
      %parallel_loop3A_253 = arith.addi %parallel_loop3A_155, %parallel_loop3A_252 : vector<16xi32>
      %parallel_loop3A_254 = arith.constant 512 : i32
      %parallel_loop3A_255 = vector.broadcast %parallel_loop3A_254 : i32 to vector<16xi32>
      %parallel_loop3A_256 = arith.cmpi ult, %parallel_loop3A_253, %parallel_loop3A_255 : vector<16xi32>
      %parallel_loop3A_257 = arith.select %parallel_loop3A_256, %parallel_loop3A_161, %parallel_loop3A_163 : vector<16xi1>, vector<16xf32>
      %parallel_loop3A_258 = vector.broadcast %sub3A_8 : i32 to vector<16xi32>
      %parallel_loop3A_259 = arith.subi %parallel_loop3A_253, %parallel_loop3A_258 : vector<16xi32>
      %parallel_loop3A_260 = arith.constant 131 : i32
      %parallel_loop3A_261 = vector.broadcast %parallel_loop3A_260 : i32 to vector<16xi32>
      %parallel_loop3A_262 = arith.minsi %parallel_loop3A_259, %parallel_loop3A_261 : vector<16xi32>
      %parallel_loop3A_263 = arith.constant 9 : i32
      %parallel_loop3A_264 = vector.broadcast %parallel_loop3A_263 : i32 to vector<16xi32>
      %parallel_loop3A_265 = arith.shli %parallel_loop3A_262, %parallel_loop3A_264 : vector<16xi32>
      %parallel_loop3A_266 = arith.addi %parallel_loop3A_265, %parallel_loop3A_185 : vector<16xi32>
      %parallel_loop3A_267 = arith.mulf %parallel_loop3A_257, %parallel_loop3A_182 : vector<16xf32>
      tpu.vector_store_idx %arg11[%parallel_loop3A_266], %parallel_loop3A_267 {add = true} : memref<67584xf32, #tpu.memory_space<vmem>>[vector<16xi32>], vector<16xf32>,
      %parallel_loop3A_268 = arith.addi %parallel_loop3A_265, %parallel_loop3A_195 : vector<16xi32>
      %parallel_loop3A_269 = arith.mulf %parallel_loop3A_257, %parallel_loop3A_192 : vector<16xf32>
      tpu.vector_store_idx %arg11[%parallel_loop3A_268], %parallel_loop3A_269 {add = true} : memref<67584xf32, #tpu.memory_space<vmem>>[vector<16xi32>], vector<16xf32>,
      %parallel_loop3A_270 = arith.addi %parallel_loop3A_265, %parallel_loop3A_205 : vector<16xi32>
      %parallel_loop3A_271 = arith.mulf %parallel_loop3A_257, %parallel_loop3A_202 : vector<16xf32>
      tpu.vector_store_idx %arg11[%parallel_loop3A_270], %parallel_loop3A_271 {add = true} : memref<67584xf32, #tpu.memory_space<vmem>>[vector<16xi32>], vector<16xf32>,
      %parallel_loop3A_272 = arith.addi %parallel_loop3A_265, %parallel_loop3A_215 : vector<16xi32>
      %parallel_loop3A_273 = arith.mulf %parallel_loop3A_257, %parallel_loop3A_212 : vector<16xf32>
      tpu.vector_store_idx %arg11[%parallel_loop3A_272], %parallel_loop3A_273 {add = true} : memref<67584xf32, #tpu.memory_space<vmem>>[vector<16xi32>], vector<16xf32>,
      %parallel_loop3A_274 = arith.addi %parallel_loop3A_265, %parallel_loop3A_225 : vector<16xi32>
      %parallel_loop3A_275 = arith.mulf %parallel_loop3A_257, %parallel_loop3A_222 : vector<16xf32>
      tpu.vector_store_idx %arg11[%parallel_loop3A_274], %parallel_loop3A_275 {add = true} : memref<67584xf32, #tpu.memory_space<vmem>>[vector<16xi32>], vector<16xf32>,
      %parallel_loop3A_276 = arith.constant 0 : i32
      %parallel_loop3A_277 = vector.broadcast %parallel_loop3A_276 : i32 to vector<16xi32>
      %parallel_loop3A_278 = arith.addi %parallel_loop3A_155, %parallel_loop3A_277 : vector<16xi32>
      %parallel_loop3A_279 = arith.constant 512 : i32
      %parallel_loop3A_280 = vector.broadcast %parallel_loop3A_279 : i32 to vector<16xi32>
      %parallel_loop3A_281 = arith.cmpi ult, %parallel_loop3A_278, %parallel_loop3A_280 : vector<16xi32>
      %parallel_loop3A_282 = arith.select %parallel_loop3A_281, %parallel_loop3A_161, %parallel_loop3A_163 : vector<16xi1>, vector<16xf32>
      %parallel_loop3A_283 = vector.broadcast %sub3A_8 : i32 to vector<16xi32>
      %parallel_loop3A_284 = arith.subi %parallel_loop3A_278, %parallel_loop3A_283 : vector<16xi32>
      %parallel_loop3A_285 = arith.constant 131 : i32
      %parallel_loop3A_286 = vector.broadcast %parallel_loop3A_285 : i32 to vector<16xi32>
      %parallel_loop3A_287 = arith.minsi %parallel_loop3A_284, %parallel_loop3A_286 : vector<16xi32>
      %parallel_loop3A_288 = arith.constant 9 : i32
      %parallel_loop3A_289 = vector.broadcast %parallel_loop3A_288 : i32 to vector<16xi32>
      %parallel_loop3A_290 = arith.shli %parallel_loop3A_287, %parallel_loop3A_289 : vector<16xi32>
      %parallel_loop3A_291 = arith.addi %parallel_loop3A_290, %parallel_loop3A_185 : vector<16xi32>
      %parallel_loop3A_292 = arith.mulf %parallel_loop3A_282, %parallel_loop3A_182 : vector<16xf32>
      tpu.vector_store_idx %arg11[%parallel_loop3A_291], %parallel_loop3A_292 {add = true} : memref<67584xf32, #tpu.memory_space<vmem>>[vector<16xi32>], vector<16xf32>,
      %parallel_loop3A_293 = arith.addi %parallel_loop3A_290, %parallel_loop3A_195 : vector<16xi32>
      %parallel_loop3A_294 = arith.mulf %parallel_loop3A_282, %parallel_loop3A_192 : vector<16xf32>
      tpu.vector_store_idx %arg11[%parallel_loop3A_293], %parallel_loop3A_294 {add = true} : memref<67584xf32, #tpu.memory_space<vmem>>[vector<16xi32>], vector<16xf32>,
      %parallel_loop3A_295 = arith.addi %parallel_loop3A_290, %parallel_loop3A_205 : vector<16xi32>
      %parallel_loop3A_296 = arith.mulf %parallel_loop3A_282, %parallel_loop3A_202 : vector<16xf32>
      tpu.vector_store_idx %arg11[%parallel_loop3A_295], %parallel_loop3A_296 {add = true} : memref<67584xf32, #tpu.memory_space<vmem>>[vector<16xi32>], vector<16xf32>,
      %parallel_loop3A_297 = arith.addi %parallel_loop3A_290, %parallel_loop3A_215 : vector<16xi32>
      %parallel_loop3A_298 = arith.mulf %parallel_loop3A_282, %parallel_loop3A_212 : vector<16xf32>
      tpu.vector_store_idx %arg11[%parallel_loop3A_297], %parallel_loop3A_298 {add = true} : memref<67584xf32, #tpu.memory_space<vmem>>[vector<16xi32>], vector<16xf32>,
      %parallel_loop3A_299 = arith.addi %parallel_loop3A_290, %parallel_loop3A_225 : vector<16xi32>
      %parallel_loop3A_300 = arith.mulf %parallel_loop3A_282, %parallel_loop3A_222 : vector<16xf32>
      tpu.vector_store_idx %arg11[%parallel_loop3A_299], %parallel_loop3A_300 {add = true} : memref<67584xf32, #tpu.memory_space<vmem>>[vector<16xi32>], vector<16xf32>,
      %parallel_loop3A_301 = arith.constant 1 : i32
      %parallel_loop3A_302 = vector.broadcast %parallel_loop3A_301 : i32 to vector<16xi32>
      %parallel_loop3A_303 = arith.addi %parallel_loop3A_155, %parallel_loop3A_302 : vector<16xi32>
      %parallel_loop3A_304 = arith.constant 512 : i32
      %parallel_loop3A_305 = vector.broadcast %parallel_loop3A_304 : i32 to vector<16xi32>
      %parallel_loop3A_306 = arith.cmpi ult, %parallel_loop3A_303, %parallel_loop3A_305 : vector<16xi32>
      %parallel_loop3A_307 = arith.select %parallel_loop3A_306, %parallel_loop3A_161, %parallel_loop3A_163 : vector<16xi1>, vector<16xf32>
      %parallel_loop3A_308 = vector.broadcast %sub3A_8 : i32 to vector<16xi32>
      %parallel_loop3A_309 = arith.subi %parallel_loop3A_303, %parallel_loop3A_308 : vector<16xi32>
      %parallel_loop3A_310 = arith.constant 131 : i32
      %parallel_loop3A_311 = vector.broadcast %parallel_loop3A_310 : i32 to vector<16xi32>
      %parallel_loop3A_312 = arith.minsi %parallel_loop3A_309, %parallel_loop3A_311 : vector<16xi32>
      %parallel_loop3A_313 = arith.constant 9 : i32
      %parallel_loop3A_314 = vector.broadcast %parallel_loop3A_313 : i32 to vector<16xi32>
      %parallel_loop3A_315 = arith.shli %parallel_loop3A_312, %parallel_loop3A_314 : vector<16xi32>
      %parallel_loop3A_316 = arith.addi %parallel_loop3A_315, %parallel_loop3A_185 : vector<16xi32>
      %parallel_loop3A_317 = arith.mulf %parallel_loop3A_307, %parallel_loop3A_182 : vector<16xf32>
      tpu.vector_store_idx %arg11[%parallel_loop3A_316], %parallel_loop3A_317 {add = true} : memref<67584xf32, #tpu.memory_space<vmem>>[vector<16xi32>], vector<16xf32>,
      %parallel_loop3A_318 = arith.addi %parallel_loop3A_315, %parallel_loop3A_195 : vector<16xi32>
      %parallel_loop3A_319 = arith.mulf %parallel_loop3A_307, %parallel_loop3A_192 : vector<16xf32>
      tpu.vector_store_idx %arg11[%parallel_loop3A_318], %parallel_loop3A_319 {add = true} : memref<67584xf32, #tpu.memory_space<vmem>>[vector<16xi32>], vector<16xf32>,
      %parallel_loop3A_320 = arith.addi %parallel_loop3A_315, %parallel_loop3A_205 : vector<16xi32>
      %parallel_loop3A_321 = arith.mulf %parallel_loop3A_307, %parallel_loop3A_202 : vector<16xf32>
      tpu.vector_store_idx %arg11[%parallel_loop3A_320], %parallel_loop3A_321 {add = true} : memref<67584xf32, #tpu.memory_space<vmem>>[vector<16xi32>], vector<16xf32>,
      %parallel_loop3A_322 = arith.addi %parallel_loop3A_315, %parallel_loop3A_215 : vector<16xi32>
      %parallel_loop3A_323 = arith.mulf %parallel_loop3A_307, %parallel_loop3A_212 : vector<16xf32>
      tpu.vector_store_idx %arg11[%parallel_loop3A_322], %parallel_loop3A_323 {add = true} : memref<67584xf32, #tpu.memory_space<vmem>>[vector<16xi32>], vector<16xf32>,
      %parallel_loop3A_324 = arith.addi %parallel_loop3A_315, %parallel_loop3A_225 : vector<16xi32>
      %parallel_loop3A_325 = arith.mulf %parallel_loop3A_307, %parallel_loop3A_222 : vector<16xf32>
      tpu.vector_store_idx %arg11[%parallel_loop3A_324], %parallel_loop3A_325 {add = true} : memref<67584xf32, #tpu.memory_space<vmem>>[vector<16xi32>], vector<16xf32>,
      %parallel_loop3A_326 = arith.constant 2 : i32
      %parallel_loop3A_327 = vector.broadcast %parallel_loop3A_326 : i32 to vector<16xi32>
      %parallel_loop3A_328 = arith.addi %parallel_loop3A_155, %parallel_loop3A_327 : vector<16xi32>
      %parallel_loop3A_329 = arith.constant 512 : i32
      %parallel_loop3A_330 = vector.broadcast %parallel_loop3A_329 : i32 to vector<16xi32>
      %parallel_loop3A_331 = arith.cmpi ult, %parallel_loop3A_328, %parallel_loop3A_330 : vector<16xi32>
      %parallel_loop3A_332 = arith.select %parallel_loop3A_331, %parallel_loop3A_175, %parallel_loop3A_163 : vector<16xi1>, vector<16xf32>
      %parallel_loop3A_333 = vector.broadcast %sub3A_8 : i32 to vector<16xi32>
      %parallel_loop3A_334 = arith.subi %parallel_loop3A_328, %parallel_loop3A_333 : vector<16xi32>
      %parallel_loop3A_335 = arith.constant 131 : i32
      %parallel_loop3A_336 = vector.broadcast %parallel_loop3A_335 : i32 to vector<16xi32>
      %parallel_loop3A_337 = arith.minsi %parallel_loop3A_334, %parallel_loop3A_336 : vector<16xi32>
      %parallel_loop3A_338 = arith.constant 9 : i32
      %parallel_loop3A_339 = vector.broadcast %parallel_loop3A_338 : i32 to vector<16xi32>
      %parallel_loop3A_340 = arith.shli %parallel_loop3A_337, %parallel_loop3A_339 : vector<16xi32>
      %parallel_loop3A_341 = arith.addi %parallel_loop3A_340, %parallel_loop3A_185 : vector<16xi32>
      %parallel_loop3A_342 = arith.mulf %parallel_loop3A_332, %parallel_loop3A_182 : vector<16xf32>
      tpu.vector_store_idx %arg11[%parallel_loop3A_341], %parallel_loop3A_342 {add = true} : memref<67584xf32, #tpu.memory_space<vmem>>[vector<16xi32>], vector<16xf32>,
      %parallel_loop3A_343 = arith.addi %parallel_loop3A_340, %parallel_loop3A_195 : vector<16xi32>
      %parallel_loop3A_344 = arith.mulf %parallel_loop3A_332, %parallel_loop3A_192 : vector<16xf32>
      tpu.vector_store_idx %arg11[%parallel_loop3A_343], %parallel_loop3A_344 {add = true} : memref<67584xf32, #tpu.memory_space<vmem>>[vector<16xi32>], vector<16xf32>,
      %parallel_loop3A_345 = arith.addi %parallel_loop3A_340, %parallel_loop3A_205 : vector<16xi32>
      %parallel_loop3A_346 = arith.mulf %parallel_loop3A_332, %parallel_loop3A_202 : vector<16xf32>
      tpu.vector_store_idx %arg11[%parallel_loop3A_345], %parallel_loop3A_346 {add = true} : memref<67584xf32, #tpu.memory_space<vmem>>[vector<16xi32>], vector<16xf32>,
      %parallel_loop3A_347 = arith.addi %parallel_loop3A_340, %parallel_loop3A_215 : vector<16xi32>
      %parallel_loop3A_348 = arith.mulf %parallel_loop3A_332, %parallel_loop3A_212 : vector<16xf32>
      tpu.vector_store_idx %arg11[%parallel_loop3A_347], %parallel_loop3A_348 {add = true} : memref<67584xf32, #tpu.memory_space<vmem>>[vector<16xi32>], vector<16xf32>,
      %parallel_loop3A_349 = arith.addi %parallel_loop3A_340, %parallel_loop3A_225 : vector<16xi32>
      %parallel_loop3A_350 = arith.mulf %parallel_loop3A_332, %parallel_loop3A_222 : vector<16xf32>
      tpu.vector_store_idx %arg11[%parallel_loop3A_349], %parallel_loop3A_350 {add = true} : memref<67584xf32, #tpu.memory_space<vmem>>[vector<16xi32>], vector<16xf32>,
    } {sc.loop_unroll_factor = 2 : i64, sc.parallel_access}
    "tpu.region"() ({
      %run_scoped3A = tpu.sem_alloc : memref<!tpu.dma_semaphore, #tpu.memory_space<semaphore_mem>>
      %dma_start3A_127 = arith.constant 0 : i32
      %dma_start3A_128 = tpu.memref_slice %arg4[%add3A, %dma_start3A_127] : memref<32x67584xf32, #tpu.memory_space<hbm>> -> memref<1x67584xf32, #tpu.memory_space<hbm>>
      %dma_start3A_129 = tpu.memref_squeeze %dma_start3A_128 : memref<1x67584xf32, #tpu.memory_space<hbm>> -> memref<67584xf32, #tpu.memory_space<hbm>>
      %dma_start3A_130 = arith.constant 0 : i32
      %dma_start3A_131 = tpu.memref_slice %arg4[%add3A, %dma_start3A_130] : memref<32x67584xf32, #tpu.memory_space<hbm>> -> memref<1x67584xf32, #tpu.memory_space<hbm>>
      %dma_start3A_132 = tpu.memref_squeeze %dma_start3A_131 : memref<1x67584xf32, #tpu.memory_space<hbm>> -> memref<67584xf32, #tpu.memory_space<hbm>>
      tpu.enqueue_dma source(%arg11 : memref<67584xf32, #tpu.memory_space<vmem>>) target(%dma_start3A_132 : memref<67584xf32, #tpu.memory_space<hbm>>) target_semaphore(%run_scoped3A : memref<!tpu.dma_semaphore, #tpu.memory_space<semaphore_mem>>)
      %dma_wait3A_133 = arith.constant 0 : i32
      %dma_wait3A_134 = tpu.memref_slice %arg4[%add3A, %dma_wait3A_133] : memref<32x67584xf32, #tpu.memory_space<hbm>> -> memref<1x67584xf32, #tpu.memory_space<hbm>>
      %dma_wait3A_135 = tpu.memref_squeeze %dma_wait3A_134 : memref<1x67584xf32, #tpu.memory_space<hbm>> -> memref<67584xf32, #tpu.memory_space<hbm>>
      %dma_wait3A_136 = arith.constant 0 : i32
      %dma_wait3A_137 = tpu.memref_slice %arg4[%add3A, %dma_wait3A_136] : memref<32x67584xf32, #tpu.memory_space<hbm>> -> memref<1x67584xf32, #tpu.memory_space<hbm>>
      %dma_wait3A_138 = tpu.memref_squeeze %dma_wait3A_137 : memref<1x67584xf32, #tpu.memory_space<hbm>> -> memref<67584xf32, #tpu.memory_space<hbm>>
      tpu.wait_dma2 semaphore(%run_scoped3A : memref<!tpu.dma_semaphore, #tpu.memory_space<semaphore_mem>>) src(%arg11 : memref<67584xf32, #tpu.memory_space<vmem>>) dst(%dma_wait3A_138 : memref<67584xf32, #tpu.memory_space<hbm>>)
      tpu.yield
    }) : () -> ()
    return
  }
}

module attributes {stable_mosaic.version = 14 : i64} {
  func.func @_combine_body(%arg0: memref<1xf32, #tpu.memory_space<smem>>, %arg1: memref<32x132x512xf32, #tpu.memory_space<vmem>>, %arg2: memref<512x512xf32, #tpu.memory_space<vmem>>) attributes {dimension_semantics = [], scalar_prefetch = 0 : i64, scratch_operands = 0 : i64, tpu.core_type = #tpu.core_type<tc>} {
    %get3A = arith.constant 0 : index
    %get3A_0 = memref.load %arg0[%get3A] : memref<1xf32, #tpu.memory_space<smem>>
    %get3A_1 = arith.constant 0 : index
    %get3A_2 = arith.constant 0 : index
    %get3A_3 = arith.constant 0 : index
    %get3A_4 = vector.load %arg1[%get3A_1, %get3A_2, %get3A_3] : memref<32x132x512xf32, #tpu.memory_space<vmem>>, vector<32x132x512xf32>
    %slice3A = vector.extract_strided_slice %get3A_4 {offsets = [0, 0, 0], sizes = [1, 132, 512], strides = [1, 1, 1]} : vector<32x132x512xf32> to vector<1x132x512xf32>
    %squeeze3A = vector.shape_cast %slice3A : vector<1x132x512xf32> to vector<132x512xf32>
    %slice3A_5 = vector.extract_strided_slice %get3A_4 {offsets = [1, 0, 0], sizes = [1, 132, 512], strides = [1, 1, 1]} : vector<32x132x512xf32> to vector<1x132x512xf32>
    %squeeze3A_6 = vector.shape_cast %slice3A_5 : vector<1x132x512xf32> to vector<132x512xf32>
    %add3A = arith.addf %squeeze3A, %squeeze3A_6 : vector<132x512xf32>
    %slice3A_7 = vector.extract_strided_slice %get3A_4 {offsets = [2, 0, 0], sizes = [1, 132, 512], strides = [1, 1, 1]} : vector<32x132x512xf32> to vector<1x132x512xf32>
    %squeeze3A_8 = vector.shape_cast %slice3A_7 : vector<1x132x512xf32> to vector<132x512xf32>
    %add3A_9 = arith.addf %add3A, %squeeze3A_8 : vector<132x512xf32>
    %slice3A_10 = vector.extract_strided_slice %get3A_4 {offsets = [3, 0, 0], sizes = [1, 132, 512], strides = [1, 1, 1]} : vector<32x132x512xf32> to vector<1x132x512xf32>
    %squeeze3A_11 = vector.shape_cast %slice3A_10 : vector<1x132x512xf32> to vector<132x512xf32>
    %add3A_12 = arith.addf %add3A_9, %squeeze3A_11 : vector<132x512xf32>
    %slice3A_13 = vector.extract_strided_slice %get3A_4 {offsets = [16, 0, 0], sizes = [1, 132, 512], strides = [1, 1, 1]} : vector<32x132x512xf32> to vector<1x132x512xf32>
    %squeeze3A_14 = vector.shape_cast %slice3A_13 : vector<1x132x512xf32> to vector<132x512xf32>
    %add3A_15 = arith.addf %add3A_12, %squeeze3A_14 : vector<132x512xf32>
    %slice3A_16 = vector.extract_strided_slice %get3A_4 {offsets = [17, 0, 0], sizes = [1, 132, 512], strides = [1, 1, 1]} : vector<32x132x512xf32> to vector<1x132x512xf32>
    %squeeze3A_17 = vector.shape_cast %slice3A_16 : vector<1x132x512xf32> to vector<132x512xf32>
    %add3A_18 = arith.addf %add3A_15, %squeeze3A_17 : vector<132x512xf32>
    %slice3A_19 = vector.extract_strided_slice %get3A_4 {offsets = [18, 0, 0], sizes = [1, 132, 512], strides = [1, 1, 1]} : vector<32x132x512xf32> to vector<1x132x512xf32>
    %squeeze3A_20 = vector.shape_cast %slice3A_19 : vector<1x132x512xf32> to vector<132x512xf32>
    %add3A_21 = arith.addf %add3A_18, %squeeze3A_20 : vector<132x512xf32>
    %slice3A_22 = vector.extract_strided_slice %get3A_4 {offsets = [19, 0, 0], sizes = [1, 132, 512], strides = [1, 1, 1]} : vector<32x132x512xf32> to vector<1x132x512xf32>
    %squeeze3A_23 = vector.shape_cast %slice3A_22 : vector<1x132x512xf32> to vector<132x512xf32>
    %add3A_24 = arith.addf %add3A_21, %squeeze3A_23 : vector<132x512xf32>
    %slice3A_25 = vector.extract_strided_slice %get3A_4 {offsets = [4, 0, 0], sizes = [1, 132, 512], strides = [1, 1, 1]} : vector<32x132x512xf32> to vector<1x132x512xf32>
    %squeeze3A_26 = vector.shape_cast %slice3A_25 : vector<1x132x512xf32> to vector<132x512xf32>
    %slice3A_27 = vector.extract_strided_slice %get3A_4 {offsets = [5, 0, 0], sizes = [1, 132, 512], strides = [1, 1, 1]} : vector<32x132x512xf32> to vector<1x132x512xf32>
    %squeeze3A_28 = vector.shape_cast %slice3A_27 : vector<1x132x512xf32> to vector<132x512xf32>
    %add3A_29 = arith.addf %squeeze3A_26, %squeeze3A_28 : vector<132x512xf32>
    %slice3A_30 = vector.extract_strided_slice %get3A_4 {offsets = [6, 0, 0], sizes = [1, 132, 512], strides = [1, 1, 1]} : vector<32x132x512xf32> to vector<1x132x512xf32>
    %squeeze3A_31 = vector.shape_cast %slice3A_30 : vector<1x132x512xf32> to vector<132x512xf32>
    %add3A_32 = arith.addf %add3A_29, %squeeze3A_31 : vector<132x512xf32>
    %slice3A_33 = vector.extract_strided_slice %get3A_4 {offsets = [7, 0, 0], sizes = [1, 132, 512], strides = [1, 1, 1]} : vector<32x132x512xf32> to vector<1x132x512xf32>
    %squeeze3A_34 = vector.shape_cast %slice3A_33 : vector<1x132x512xf32> to vector<132x512xf32>
    %add3A_35 = arith.addf %add3A_32, %squeeze3A_34 : vector<132x512xf32>
    %slice3A_36 = vector.extract_strided_slice %get3A_4 {offsets = [20, 0, 0], sizes = [1, 132, 512], strides = [1, 1, 1]} : vector<32x132x512xf32> to vector<1x132x512xf32>
    %squeeze3A_37 = vector.shape_cast %slice3A_36 : vector<1x132x512xf32> to vector<132x512xf32>
    %add3A_38 = arith.addf %add3A_35, %squeeze3A_37 : vector<132x512xf32>
    %slice3A_39 = vector.extract_strided_slice %get3A_4 {offsets = [21, 0, 0], sizes = [1, 132, 512], strides = [1, 1, 1]} : vector<32x132x512xf32> to vector<1x132x512xf32>
    %squeeze3A_40 = vector.shape_cast %slice3A_39 : vector<1x132x512xf32> to vector<132x512xf32>
    %add3A_41 = arith.addf %add3A_38, %squeeze3A_40 : vector<132x512xf32>
    %slice3A_42 = vector.extract_strided_slice %get3A_4 {offsets = [22, 0, 0], sizes = [1, 132, 512], strides = [1, 1, 1]} : vector<32x132x512xf32> to vector<1x132x512xf32>
    %squeeze3A_43 = vector.shape_cast %slice3A_42 : vector<1x132x512xf32> to vector<132x512xf32>
    %add3A_44 = arith.addf %add3A_41, %squeeze3A_43 : vector<132x512xf32>
    %slice3A_45 = vector.extract_strided_slice %get3A_4 {offsets = [23, 0, 0], sizes = [1, 132, 512], strides = [1, 1, 1]} : vector<32x132x512xf32> to vector<1x132x512xf32>
    %squeeze3A_46 = vector.shape_cast %slice3A_45 : vector<1x132x512xf32> to vector<132x512xf32>
    %add3A_47 = arith.addf %add3A_44, %squeeze3A_46 : vector<132x512xf32>
    %slice3A_48 = vector.extract_strided_slice %get3A_4 {offsets = [8, 0, 0], sizes = [1, 132, 512], strides = [1, 1, 1]} : vector<32x132x512xf32> to vector<1x132x512xf32>
    %squeeze3A_49 = vector.shape_cast %slice3A_48 : vector<1x132x512xf32> to vector<132x512xf32>
    %slice3A_50 = vector.extract_strided_slice %get3A_4 {offsets = [9, 0, 0], sizes = [1, 132, 512], strides = [1, 1, 1]} : vector<32x132x512xf32> to vector<1x132x512xf32>
    %squeeze3A_51 = vector.shape_cast %slice3A_50 : vector<1x132x512xf32> to vector<132x512xf32>
    %add3A_52 = arith.addf %squeeze3A_49, %squeeze3A_51 : vector<132x512xf32>
    %slice3A_53 = vector.extract_strided_slice %get3A_4 {offsets = [10, 0, 0], sizes = [1, 132, 512], strides = [1, 1, 1]} : vector<32x132x512xf32> to vector<1x132x512xf32>
    %squeeze3A_54 = vector.shape_cast %slice3A_53 : vector<1x132x512xf32> to vector<132x512xf32>
    %add3A_55 = arith.addf %add3A_52, %squeeze3A_54 : vector<132x512xf32>
    %slice3A_56 = vector.extract_strided_slice %get3A_4 {offsets = [11, 0, 0], sizes = [1, 132, 512], strides = [1, 1, 1]} : vector<32x132x512xf32> to vector<1x132x512xf32>
    %squeeze3A_57 = vector.shape_cast %slice3A_56 : vector<1x132x512xf32> to vector<132x512xf32>
    %add3A_58 = arith.addf %add3A_55, %squeeze3A_57 : vector<132x512xf32>
    %slice3A_59 = vector.extract_strided_slice %get3A_4 {offsets = [24, 0, 0], sizes = [1, 132, 512], strides = [1, 1, 1]} : vector<32x132x512xf32> to vector<1x132x512xf32>
    %squeeze3A_60 = vector.shape_cast %slice3A_59 : vector<1x132x512xf32> to vector<132x512xf32>
    %add3A_61 = arith.addf %add3A_58, %squeeze3A_60 : vector<132x512xf32>
    %slice3A_62 = vector.extract_strided_slice %get3A_4 {offsets = [25, 0, 0], sizes = [1, 132, 512], strides = [1, 1, 1]} : vector<32x132x512xf32> to vector<1x132x512xf32>
    %squeeze3A_63 = vector.shape_cast %slice3A_62 : vector<1x132x512xf32> to vector<132x512xf32>
    %add3A_64 = arith.addf %add3A_61, %squeeze3A_63 : vector<132x512xf32>
    %slice3A_65 = vector.extract_strided_slice %get3A_4 {offsets = [26, 0, 0], sizes = [1, 132, 512], strides = [1, 1, 1]} : vector<32x132x512xf32> to vector<1x132x512xf32>
    %squeeze3A_66 = vector.shape_cast %slice3A_65 : vector<1x132x512xf32> to vector<132x512xf32>
    %add3A_67 = arith.addf %add3A_64, %squeeze3A_66 : vector<132x512xf32>
    %slice3A_68 = vector.extract_strided_slice %get3A_4 {offsets = [27, 0, 0], sizes = [1, 132, 512], strides = [1, 1, 1]} : vector<32x132x512xf32> to vector<1x132x512xf32>
    %squeeze3A_69 = vector.shape_cast %slice3A_68 : vector<1x132x512xf32> to vector<132x512xf32>
    %add3A_70 = arith.addf %add3A_67, %squeeze3A_69 : vector<132x512xf32>
    %slice3A_71 = vector.extract_strided_slice %get3A_4 {offsets = [12, 0, 0], sizes = [1, 132, 512], strides = [1, 1, 1]} : vector<32x132x512xf32> to vector<1x132x512xf32>
    %squeeze3A_72 = vector.shape_cast %slice3A_71 : vector<1x132x512xf32> to vector<132x512xf32>
    %slice3A_73 = vector.extract_strided_slice %get3A_4 {offsets = [13, 0, 0], sizes = [1, 132, 512], strides = [1, 1, 1]} : vector<32x132x512xf32> to vector<1x132x512xf32>
    %squeeze3A_74 = vector.shape_cast %slice3A_73 : vector<1x132x512xf32> to vector<132x512xf32>
    %add3A_75 = arith.addf %squeeze3A_72, %squeeze3A_74 : vector<132x512xf32>
    %slice3A_76 = vector.extract_strided_slice %get3A_4 {offsets = [14, 0, 0], sizes = [1, 132, 512], strides = [1, 1, 1]} : vector<32x132x512xf32> to vector<1x132x512xf32>
    %squeeze3A_77 = vector.shape_cast %slice3A_76 : vector<1x132x512xf32> to vector<132x512xf32>
    %add3A_78 = arith.addf %add3A_75, %squeeze3A_77 : vector<132x512xf32>
    %slice3A_79 = vector.extract_strided_slice %get3A_4 {offsets = [15, 0, 0], sizes = [1, 132, 512], strides = [1, 1, 1]} : vector<32x132x512xf32> to vector<1x132x512xf32>
    %squeeze3A_80 = vector.shape_cast %slice3A_79 : vector<1x132x512xf32> to vector<132x512xf32>
    %add3A_81 = arith.addf %add3A_78, %squeeze3A_80 : vector<132x512xf32>
    %slice3A_82 = vector.extract_strided_slice %get3A_4 {offsets = [28, 0, 0], sizes = [1, 132, 512], strides = [1, 1, 1]} : vector<32x132x512xf32> to vector<1x132x512xf32>
    %squeeze3A_83 = vector.shape_cast %slice3A_82 : vector<1x132x512xf32> to vector<132x512xf32>
    %add3A_84 = arith.addf %add3A_81, %squeeze3A_83 : vector<132x512xf32>
    %slice3A_85 = vector.extract_strided_slice %get3A_4 {offsets = [29, 0, 0], sizes = [1, 132, 512], strides = [1, 1, 1]} : vector<32x132x512xf32> to vector<1x132x512xf32>
    %squeeze3A_86 = vector.shape_cast %slice3A_85 : vector<1x132x512xf32> to vector<132x512xf32>
    %add3A_87 = arith.addf %add3A_84, %squeeze3A_86 : vector<132x512xf32>
    %slice3A_88 = vector.extract_strided_slice %get3A_4 {offsets = [30, 0, 0], sizes = [1, 132, 512], strides = [1, 1, 1]} : vector<32x132x512xf32> to vector<1x132x512xf32>
    %squeeze3A_89 = vector.shape_cast %slice3A_88 : vector<1x132x512xf32> to vector<132x512xf32>
    %add3A_90 = arith.addf %add3A_87, %squeeze3A_89 : vector<132x512xf32>
    %slice3A_91 = vector.extract_strided_slice %get3A_4 {offsets = [31, 0, 0], sizes = [1, 132, 512], strides = [1, 1, 1]} : vector<32x132x512xf32> to vector<1x132x512xf32>
    %squeeze3A_92 = vector.shape_cast %slice3A_91 : vector<1x132x512xf32> to vector<132x512xf32>
    %add3A_93 = arith.addf %add3A_90, %squeeze3A_92 : vector<132x512xf32>
    %slice3A_94 = vector.extract_strided_slice %add3A_24 {offsets = [2, 0], sizes = [128, 512], strides = [1, 1]} : vector<132x512xf32> to vector<128x512xf32>
    %slice3A_95 = vector.extract_strided_slice %slice3A_94 {offsets = [0, 0], sizes = [2, 512], strides = [1, 1]} : vector<128x512xf32> to vector<2x512xf32>
    %slice3A_96 = vector.extract_strided_slice %slice3A_94 {offsets = [126, 0], sizes = [2, 512], strides = [1, 1]} : vector<128x512xf32> to vector<2x512xf32>
    %slice3A_97 = vector.extract_strided_slice %add3A_47 {offsets = [0, 0], sizes = [2, 512], strides = [1, 1]} : vector<132x512xf32> to vector<2x512xf32>
    %add3A_98 = arith.addf %slice3A_96, %slice3A_97 : vector<2x512xf32>
    %slice3A_99 = vector.extract_strided_slice %slice3A_94 {offsets = [2, 0], sizes = [124, 512], strides = [1, 1]} : vector<128x512xf32> to vector<124x512xf32>
    %concatenate3A = tpu.concatenate %slice3A_95, %slice3A_99, %add3A_98 in 0 : vector<2x512xf32>, vector<124x512xf32>, vector<2x512xf32> -> vector<128x512xf32>
    %slice3A_100 = vector.extract_strided_slice %add3A_47 {offsets = [2, 0], sizes = [128, 512], strides = [1, 1]} : vector<132x512xf32> to vector<128x512xf32>
    %slice3A_101 = vector.extract_strided_slice %slice3A_100 {offsets = [0, 0], sizes = [2, 512], strides = [1, 1]} : vector<128x512xf32> to vector<2x512xf32>
    %slice3A_102 = vector.extract_strided_slice %add3A_24 {offsets = [130, 0], sizes = [2, 512], strides = [1, 1]} : vector<132x512xf32> to vector<2x512xf32>
    %add3A_103 = arith.addf %slice3A_101, %slice3A_102 : vector<2x512xf32>
    %slice3A_104 = vector.extract_strided_slice %slice3A_100 {offsets = [126, 0], sizes = [2, 512], strides = [1, 1]} : vector<128x512xf32> to vector<2x512xf32>
    %slice3A_105 = vector.extract_strided_slice %add3A_70 {offsets = [0, 0], sizes = [2, 512], strides = [1, 1]} : vector<132x512xf32> to vector<2x512xf32>
    %add3A_106 = arith.addf %slice3A_104, %slice3A_105 : vector<2x512xf32>
    %slice3A_107 = vector.extract_strided_slice %slice3A_100 {offsets = [2, 0], sizes = [124, 512], strides = [1, 1]} : vector<128x512xf32> to vector<124x512xf32>
    %concatenate3A_108 = tpu.concatenate %add3A_103, %slice3A_107, %add3A_106 in 0 : vector<2x512xf32>, vector<124x512xf32>, vector<2x512xf32> -> vector<128x512xf32>
    %slice3A_109 = vector.extract_strided_slice %add3A_70 {offsets = [2, 0], sizes = [128, 512], strides = [1, 1]} : vector<132x512xf32> to vector<128x512xf32>
    %slice3A_110 = vector.extract_strided_slice %slice3A_109 {offsets = [0, 0], sizes = [2, 512], strides = [1, 1]} : vector<128x512xf32> to vector<2x512xf32>
    %slice3A_111 = vector.extract_strided_slice %add3A_47 {offsets = [130, 0], sizes = [2, 512], strides = [1, 1]} : vector<132x512xf32> to vector<2x512xf32>
    %add3A_112 = arith.addf %slice3A_110, %slice3A_111 : vector<2x512xf32>
    %slice3A_113 = vector.extract_strided_slice %slice3A_109 {offsets = [126, 0], sizes = [2, 512], strides = [1, 1]} : vector<128x512xf32> to vector<2x512xf32>
    %slice3A_114 = vector.extract_strided_slice %add3A_93 {offsets = [0, 0], sizes = [2, 512], strides = [1, 1]} : vector<132x512xf32> to vector<2x512xf32>
    %add3A_115 = arith.addf %slice3A_113, %slice3A_114 : vector<2x512xf32>
    %slice3A_116 = vector.extract_strided_slice %slice3A_109 {offsets = [2, 0], sizes = [124, 512], strides = [1, 1]} : vector<128x512xf32> to vector<124x512xf32>
    %concatenate3A_117 = tpu.concatenate %add3A_112, %slice3A_116, %add3A_115 in 0 : vector<2x512xf32>, vector<124x512xf32>, vector<2x512xf32> -> vector<128x512xf32>
    %slice3A_118 = vector.extract_strided_slice %add3A_93 {offsets = [2, 0], sizes = [128, 512], strides = [1, 1]} : vector<132x512xf32> to vector<128x512xf32>
    %slice3A_119 = vector.extract_strided_slice %slice3A_118 {offsets = [0, 0], sizes = [2, 512], strides = [1, 1]} : vector<128x512xf32> to vector<2x512xf32>
    %slice3A_120 = vector.extract_strided_slice %add3A_70 {offsets = [130, 0], sizes = [2, 512], strides = [1, 1]} : vector<132x512xf32> to vector<2x512xf32>
    %add3A_121 = arith.addf %slice3A_119, %slice3A_120 : vector<2x512xf32>
    %slice3A_122 = vector.extract_strided_slice %slice3A_118 {offsets = [126, 0], sizes = [2, 512], strides = [1, 1]} : vector<128x512xf32> to vector<2x512xf32>
    %slice3A_123 = vector.extract_strided_slice %slice3A_118 {offsets = [2, 0], sizes = [124, 512], strides = [1, 1]} : vector<128x512xf32> to vector<124x512xf32>
    %concatenate3A_124 = tpu.concatenate %add3A_121, %slice3A_123, %slice3A_122 in 0 : vector<2x512xf32>, vector<124x512xf32>, vector<2x512xf32> -> vector<128x512xf32>
    %concatenate3A_125 = tpu.concatenate %concatenate3A, %concatenate3A_108, %concatenate3A_117, %concatenate3A_124 in 0 : vector<128x512xf32>, vector<128x512xf32>, vector<128x512xf32>, vector<128x512xf32> -> vector<512x512xf32>
    %div3A = vector.broadcast %get3A_0 : f32 to vector<512x512xf32>
    %div3A_126 = arith.divf %concatenate3A_125, %div3A : vector<512x512xf32>
    %jit3A = arith.constant 0.000000e+00 : f32
    %jit3A_127 = arith.constant 1.000000e+00 : f32
    %max3A = vector.broadcast %jit3A : f32 to vector<512x512xf32>
    %max3A_128 = arith.maximumf %max3A, %div3A_126 : vector<512x512xf32>
    %min3A = vector.broadcast %jit3A_127 : f32 to vector<512x512xf32>
    %min3A_129 = arith.minimumf %min3A, %max3A_128 : vector<512x512xf32>
    %swap3A = arith.constant 0 : index
    %swap3A_130 = arith.constant 0 : index
    %swap3A_131 = vector.load %arg2[%swap3A, %swap3A_130] : memref<512x512xf32, #tpu.memory_space<vmem>>, vector<512x512xf32>
    tpu.vector_store %arg2[%swap3A, %swap3A_130], %min3A_129 {strides = array<i32>} : memref<512x512xf32, #tpu.memory_space<vmem>>, vector<512x512xf32>,
    return
  }
}

</mosaic_0001>

<sc_bundles>
// kernel: kernel.4.cloned.1.call-start
scs
__scs_entry_jumppad:
0x0: {  	(pc) =	sbr.rel $0x88, $3  }
0x1: {  	(tag) =	ssettag $0x0;
	lr =	simm.s32 $0x1  }
0x2: {  	[smem:$0x3F9F] =	sst lr;
	_ =	strace $0xD0000000  }
0x3: {  	_ = 	snop  }
0x4: {  	_ = 	snop  }
0x5: {  	_ = 	snop  }
0x6: {  	_ = 	snop  }
0x7: {  	_ = 	snop  }
__scs_overlays_trampoline_lowered:
0x8: {  	[smem:$0x3FAE] =	sst s0  }
0x9: {  	[smem:$0x3FAF] =	sst s1  }
0xa: {  	[smem:$0x3FB0] =	sst s2  }
0xb: {  	[smem:$0x3FB1] =	sst s3  }
0xc: {  	[smem:$0x3FB2] =	sst s4  }
0xd: {  	[smem:$0x3FB3] =	sst s5  }
0xe: {  	[smem:$0x3FB4] =	sst s6  }
0xf: {  	[smem:$0x3FB5] =	sst s7  }
0x10: {  	[smem:$0x3FB6] =	sst s8  }
0x11: {  	[smem:$0x3FB7] =	sst s9;
	s0 =	simm.s32 @!p0 $0x0  }
0x12: {  	s1 =	sld [smem:$0x3F9D];
	s0 =	simm.s32 @p0 $0x1  }
0x13: {  	[smem:$0x3FB8] =	sst s0;
	s0 =	simm.s32 @!p1 $0x0  }
0x14: {  	s2 =	sld [smem:$0x3F9C];
	s0 =	simm.s32 @p1 $0x1  }
0x15: {  	[smem:$0x3FB9] =	sst s0;
	s0 =	simm.s32 @!p2 $0x0  }
0x16: {  	s3 =	sld [smem:$0x3FDB];
	s0 =	simm.s32 @p2 $0x1  }
0x17: {  	s4 =	simm.s32 $0x1BF5;
	[smem:$0x3FBB] =	sst s0  }
0x18: {  	s0 =	sld [smem:$0x3F9E];
	_ =	swait.ge [sflag:s4], $0x0  }
0x19: {  	s7 =	sld [smem:$0x3F9F]  }
0x1a: {  	s8 =	sadd.s32 $0xFFFFE003, lr  }
0x1b: {  	s9 =	sadd.s32 $0xFFFFFEF7, lr;
	s5 =	simm.s32 $0xFFFFFFFF;
	p2 =	slt.u32 s8, $0xFFFFF086  }
0x1c: {  	p1 =	slt.u32 s9, $0xF7A;
	s5 =	simm.s32 @!p2 $0x0  }
0x1d: {  	s5 =	simm.s32 @p1 $0x1;
	p0 =	seq.s32 s7, s2  }
0x1e: {  	s7 =	smul.u32 @!p0 $0xF7A, s2;
	p2 =	seq.s32 @!p0 s5, $0x0  }
0x1f: {  	s9 =	smul.u32 $0xF7A, s1;
	s8 =	simm.s32 @!p0 $0x1BF5;
	p2 =	por !p2, p0  }
0x20: {  	[sflag:s8] =	ssyncset.s32 @!p0 $0xFFFFF086;
	s6 =	sadd.s32 @!p0 s3, s7;
	s7 =	simm.s32 @!p0 $0x108  }
0x21: {  	s3 =	sadd.s32 s3, s9;
	s6 =	sadd.s32 @!p0 $0x88, s6;
	s7 =	simm.s32 @p2 $0x1082  }
0x22: {  	[simem:s7], [sflag:s8] =	dma.local @!p0 [hbm:s6], $0xF7A  }
0x23: {  	s9 =	sor.u32 $0xD0000000, s2;
	s6 =	simm.s32 $0x108;
	_ =	swait.ge @!p0 [sflag:s8], $0x0  }
0x24: {  	s3 =	sadd.s32 $0x88, s3;
	s6 =	simm.s32 @!p1 $0x1082;
	[sflag:s4] =	ssyncset.s32 $0xFFFFF086  }
0x25: {  	[simem:s6], [sflag:s4] =	dma.local [hbm:s3], $0xF7A  }
0x26: {  	[smem:$0x3F9F] =	sst s1;
	(tag) =	ssettag s2;
	_ =	strace s9  }
0x27: {  	s1 =	sld [smem:$0x3FAF]  }
0x28: {  	s2 =	sld [smem:$0x3FB0]  }
0x29: {  	s4 =	sld [smem:$0x3FB2]  }
0x2a: {  	p0 =	seq.s32 s5, $0x0;
	s5 =	sld [smem:$0x3FB3]  }
0x2b: {  	s6 =	sld [smem:$0x3FB4]  }
0x2c: {  	s7 =	sld [smem:$0x3FB5]  }
0x2d: {  	s3 =	simm.s32 $0x108;
	s8 =	sld [smem:$0x3FB6]  }
0x2e: {  	s3 =	simm.s32 @!p0 $0x1082;
	s9 =	sld [smem:$0x3FB7]  }
0x2f: {  	lr =	sadd.s32 s0, s3;
	s0 =	sld [smem:$0x3FAE]  }
0x30: {  	s3 =	sld [smem:$0x3FB1]  }
0x31: {  	[smem:$0x3FBA] =	sst s10  }
0x32: {  	s10 =	sld [smem:$0x3FB8];
	_ =	sdelay $0x3  }
0x33: {  	p0 =	seq.s32 s10, $0x1;
	s10 =	sld [smem:$0x3FBA];
	_ =	sdelay $0x3  }
0x34: {  	[smem:$0x3FBA] =	sst s10  }
0x35: {  	s10 =	sld [smem:$0x3FB9];
	_ =	sdelay $0x3  }
0x36: {  	p1 =	seq.s32 s10, $0x1;
	s10 =	sld [smem:$0x3FBA];
	_ =	sdelay $0x3  }
0x37: {  	[smem:$0x3FBA] =	sst s10  }
0x38: {  	s10 =	sld [smem:$0x3FBB]  }
0x39: {  	_ = 	snop;
	(pc) =	sbr.ind lr, $3  }
0x3a: {  	_ = 	snop  }
0x3b: {  	_ = 	snop  }
0x3c: {  	p2 =	seq.s32 s10, $0x1;
	s10 =	sld [smem:$0x3FBA]  }
0x3d: {  	_ =	shalt  }
0x3e: {  	_ =	shalt  }
0x3f: {  	_ =	shalt  }
0x40: {  	_ =	shalt  }
0x41: {  	_ =	shalt  }
0x42: {  	_ =	shalt  }
0x43: {  	_ =	shalt  }
0x44: {  	_ =	shalt  }
0x45: {  	_ =	shalt  }
0x46: {  	_ =	shalt  }
0x47: {  	_ =	shalt  }
0x48: {  	_ =	shalt  }
0x49: {  	_ =	shalt  }
0x4a: {  	_ =	shalt  }
0x4b: {  	_ =	shalt  }
0x4c: {  	_ =	shalt  }
0x4d: {  	_ =	shalt  }
0x4e: {  	_ =	shalt  }
0x4f: {  	_ =	shalt  }
0x50: {  	_ =	shalt  }
0x51: {  	_ =	shalt  }
0x52: {  	_ =	shalt  }
0x53: {  	_ =	shalt  }
0x54: {  	_ =	shalt  }
0x55: {  	_ =	shalt  }
0x56: {  	_ =	shalt  }
0x57: {  	_ =	shalt  }
0x58: {  	_ =	shalt  }
0x59: {  	_ =	shalt  }
0x5a: {  	_ =	shalt  }
0x5b: {  	_ =	shalt  }
0x5c: {  	_ =	shalt  }
0x5d: {  	_ =	shalt  }
0x5e: {  	_ =	shalt  }
0x5f: {  	_ =	shalt  }
0x60: {  	_ =	shalt  }
0x61: {  	_ =	shalt  }
0x62: {  	_ =	shalt  }
0x63: {  	_ =	shalt  }
0x64: {  	_ =	shalt  }
0x65: {  	_ =	shalt  }
0x66: {  	_ =	shalt  }
0x67: {  	_ =	shalt  }
0x68: {  	_ =	shalt  }
0x69: {  	_ =	shalt  }
0x6a: {  	_ =	shalt  }
0x6b: {  	_ =	shalt  }
0x6c: {  	_ =	shalt  }
0x6d: {  	_ =	shalt  }
0x6e: {  	_ =	shalt  }
0x6f: {  	_ =	shalt  }
0x70: {  	_ =	shalt  }
0x71: {  	_ =	shalt  }
0x72: {  	_ =	shalt  }
0x73: {  	_ =	shalt  }
0x74: {  	_ =	shalt  }
0x75: {  	_ =	shalt  }
0x76: {  	_ =	shalt  }
0x77: {  	_ =	shalt  }
0x78: {  	_ =	shalt  }
0x79: {  	_ =	shalt  }
0x7a: {  	_ =	shalt  }
0x7b: {  	_ =	shalt  }
0x7c: {  	_ =	shalt  }
0x7d: {  	_ =	shalt  }
0x7e: {  	_ =	shalt  }
0x7f: {  	_ =	shalt  }
0x80: {  	_ =	shalt  }
0x81: {  	_ =	shalt  }
0x82: {  	_ =	shalt  }
0x83: {  	_ =	shalt  }
0x84: {  	_ =	shalt  }
0x85: {  	_ =	shalt  }
0x86: {  	_ =	shalt  }
0x87: {  	_ =	shalt  }
.Lfunc_end0:
.L_simem_size_0:
called_computation_lowered:
.L_overlay_start_0:
0x88: {  	s2 =	sld [smem:$0x3FD9]  }
0x89: {  	s3 =	sld [smem:$0x3FFE];
	_ =	sdelay $0x1  }
0x8a: {  	s1 =	srdreg.scid  }
0x8b: {  	s0 =	sand.u32 $0x1, s1  }
0x8c: {  	s17 =	sshll.u32 s0, $0xA;
	s2 =	sadd.s32 s3, s2  }
0x8d: {  	s2 =	sadd.s32 s2, s17  }
0x8e: {  	[smem:$0x3FC6] =	sst s2  }
0x8f: {  	_ = 	snop  }
0x90: {  	s2 =	sld [smem:$0x3FD0];
	(tm) =	ssettm $0x1  }
0x91: {  	s18 =	sld [smem:$0x3FFB];
	_ =	sdelay $0x3  }
0x92: {  	_ =	strace s18  }
0x93: {  	s3 =	sld [smem:$0x3FFC];
	_ =	sdelay $0x3  }
0x94: {  	_ =	strace s3  }
0x95: {  	s3 =	sld [smem:$0x3FFD];
	_ =	sdelay $0x3  }
0x96: {  	_ =	strace s3  }
0x97: {  	_ =	strace $0x8FFFFFFF  }
0x98: {  	s19 =	sld [smem:$0x3FDB];
	_ =	sdelay $0x1  }
0x99: {  	s4 =	simm.s32 $_scs_section_size  }
0x9a: {  	s5 =	simm.s32 $_size__tile_overlayer_lowered;
	s6 =	simm.s32 $_tile_overlayer_lowered  }
0x9b: {  	s22 =	simm.s32 $0x1BFF;
	s21 =	sshll.u32 s6, $0x1;
	s3 =	sadd.s32 s4, s19  }
0x9c: {  	s7 =	simm.s32 $0x0;
	s20 =	sshll.u32 s5, $0x1;
	s5 =	sadd.s32 s21, s3  }
0x9d: {  	[timem:s7], [sflag:s22] =	dma.local [hbm:s5], s20  }
0x9e: {  	_ =	swait.ge [sflag:s22], s20  }
0x9f: {  	s4 =	ssub.s32 $0x0, s20;
	[sflag:s22] =	ssyncset.done $0x0  }
0xa0: {  	[sflag:s22] =	ssyncadd.s32 s4;
	_ =	sdelay $0x1  }
0xa1: {  	s23 =	simm.s32 $0x1B8B  }
0xa2: {  	_ =	swait.ge [sflag:s23], $0x1  }
0xa3: {  	[sflag:s23] =	ssyncset.done $0x0  }
0xa4: {  	s25 =	simm.s32 $0x1B8E;
	s24 =	sld [smem:$0x3FFE];
	[sflag:s23] =	ssyncadd.s32 $0xFFFFFFFF  }
0xa5: {  	s26 =	simm.s32 $execute0_lowered;
	[smem:$0x3FD2] =	sst s25  }
0xa6: {  	s5 =	sshll.u32 s26, $0x1;
	_ =	strace $0x80000046;
	[dreg:$0x1] =	wrdreg $0xFFFFFFFF  }
0xa7: {  	s28 =	simm.s32 $_size_execute0_lowered;
	s3 =	sadd.s32 s3, s5;
	[dreg:$0x0] =	wrdreg $0x0  }
0xa8: {  	s5 =	sshll.u32 s28, $0x1;
	[dreg:$0x2] =	wrdreg s3  }
0xa9: {  	[dreg:$0x3] =	wrdreg s5  }
0xaa: {  	[dreg:$0x4] =	wrdreg $0xC0  }
0xab: {  	_ =	task [dreg:s7], $0x5FFFF  }
0xac: {  	[dreg:$0x1] =	wrdreg $0xFFFFFFFF  }
0xad: {  	[dreg:$0x0] =	wrdreg $0x60  }
0xae: {  	[dreg:$0x2] =	wrdreg s24  }
0xaf: {  	[dreg:$0x3] =	wrdreg s2  }
0xb0: {  	[dreg:$0x4] =	wrdreg $0x9  }
0xb1: {  	_ =	task.clear_ibuf [dreg:s7], $0x5FFFF;
	_ =	strace $0x90000046  }
0xb2: {  	s29 =	simm.s32 $0x9;
	_ =	strace $0x80000048  }
0xb3: {  	_ =	swait.ge [sflag:s29], $0x1  }
0xb4: {  	[sflag:s29] =	ssyncadd.s32 $0xFFFFFFFF  }
0xb5: {  	_ =	strace $0x90000048  }
0xb6: {  	_ =	sfence  }
0xb7: {  	s30 =	sld [smem:$0x0];
	_ =	sdelay $0x2  }
0xb8: {  	s31 =	sshll.u32 s1, $0xD;
	s1 =	sshrl.u32 s1, $0x2  }
0xb9: {  	s3 =	sand.u32 $0x4000, s31;
	s1 =	sadd.s32 s1, s30  }
0xba: {  	s0 =	sor.u32 s3, s0;
	s1 =	sshll.u32 s1, $0x11  }
0xbb: {  	s0 =	sor.u32 s1, s0  }
0xbc: {  	s0 =	sadd.s32 $0x8F2B, s0  }
0xbd: {  	[sflag:s0] =	ssyncadd.remote.s32 $0x1  }
0xbe: {  	_ =	sfence.sel $0xFFFF  }
0xbf: {  	[dreg:$0x0] =	wrdreg $0xFFFFFFFF;
	(pc) =	sbr.abs _section_cstart, $3  }
0xc0: {  	[dreg:$0x1] =	wrdreg $0xFFFFFFFF  }
0xc1: {  	_ =	task.clear_ibuf [dreg:s7], $0x2FFFF;
	_ =	strace $0x9FFFFFFF  }
0xc2: {  	(tm) =	ssettm $0x7FFFFFFF  }
0xc3: {  	_ =	shalt  }
tec
execute0_lowered:
.L_overlay_start_1:
0x0: {  	(tag) =	ssettag $0x1  }
0x1: {  	s4 =	rddreg [dreg:$0x0]  }
0x2: {  	s0 =	srdreg.scid;
	s10 =	rddreg [dreg:$0x1];
	s2 =	simm.s32 $0x0  }
0x3: {  	s15 =	simm.s32 $0x4000;
	s17 =	simm.s32 $0x8000;
	s18 =	simm.s32 $0xA080  }
0x4: {  	s21 =	simm.s32 $0x80;
	s22 =	simm.s32 $0x400;
	s23 =	simm.s32 $0x3  }
0x5: {  	s24 =	simm.s32 $0x0;
	s3 =	sand.u32 $0x1, s0;
	s0 =	stileid.u32  }
0x6: {  	[smem:$0x7FF] =	sst s2;
	s9 =	sadd.s32 $0x600, s4;
	s1 =	sshll.u32 s3, $0x4  }
0x7: {  	s6 =	sshll.u32 s0, $0x7;
	s19 =	sshrl.u32 s0, $0x2;
	s26 =	sshll.u32 s0, $0x1  }
0x8: {  	s8 =	ssub.s32 $0x2, s3;
	s5 =	sor.u32 s0, s1;
	s1 =	rddreg [dreg:$0x2]  }
0x9: {  	_ =	strace $0x80000047;
	s6 =	sand.u32 $0x380, s6;
	s7 =	sshll.u32 s19, $0x7  }
0xa: {  	s12 =	sshrl.u32 s8, $0x1;
	s5 =	sshrl.u32 s5, $0x3;
	s11 =	sor.u32 $0x40, s7  }
0xb: {  	s12 =	ssub.s32 s8, s12;
	s5 =	smul.u32 $0x84000, s5;
	s28 =	scvt.s32.f32 s11  }
0xc: {  	v1 =	vmov s19;
	s19 =	simm.s32 $0xC100;
	s20 =	sadd.s32 $0xFFFFFFFE, s7;
	s12 =	smax.u32 s12, $0x1  }
0xd: {  	s5 =	sor.u32 s6, s5;
	s6 =	sand.u32 $0x6, s26;
	s16 =	sadd.f32 $2.500000000e-01, s28  }
0xe: {  	v2 =	vmov s20;
	s20 =	simm.s32 $0x2;
	s5 =	sshrl.u32 s5, $0x3;
	s3 =	sor.u32 s3, s6  }
0xf: {  	s29 =	sadd.s32 s5, s4;
	s30 =	sshll.u32 s3, $0xC;
	v0 =	vmov s16;
	s16 =	simm.s32 $0x6000  }
.Ltmp0:
0x10: {  	s31 =	sor.u32 $0x400, s30;
	s3 =	sadd.s32 s9, s30;
	(pc) =	sbr.rel .LBB2_1-.Ltmp0, $4  }
0x11: {  	s4 =	sadd.s32 s10, s30;
	s13 =	sor.u32 $0x800, s30;
	s14 =	sor.u32 $0xC00, s30  }
0x12: {  	s11 =	sadd.s32 $0x8600, s29;
	s5 =	sadd.s32 s9, s31;
	s6 =	sadd.s32 s10, s31  }
0x13: {  	v3 =	vimm.f32 $0.0e+00;
	s7 =	sadd.s32 s9, s13;
	s8 =	sadd.s32 s10, s13;
	s9 =	sadd.s32 s9, s14  }
0x14: {  	v4 =	vimm.s32 $0x0;
	v31 =	vlaneseq.u32;
	v6 =	vimm.f32 $-8.000000000e+00;
	s10 =	sadd.s32 s10, s14;
	s13 =	simm.s32 $0x2000;
	s14 =	simm.s32 $0x1  }
.LBB2_39:
0x15: {  	s24 =	sadd.s32 $0x1, s24  }
0x16: {  	p0 =	sne.s32 s24, s12  }
.Ltmp1:
0x17: {  	_ = 	snop;
	(pc) =	sbr.rel @!p0 .LBB2_40-.Ltmp1, $4  }
0x18: {  	[hbm4b:s11+s21] =	stream.strided.scatter [tilespmem:s19], [sflag:$0x3], $0x10800, s22, s21, $0x38;
	[tilespmem:$0x1C900] =	vst v63  }
0x19: {  	_ =	swait.ge [sflag:s23], $0x10800  }
0x1a: {  	[sflag:s23] =	ssyncset.done $0x0  }
0x1b: {  	[sflag:s23] =	ssyncadd.s32 $0xFFFEF800  }
.LBB2_1:
0x1c: {  	[tilespmem:s2], [sflag:$0x1] =	stream.linear.gather [hbm4b:s3+s2], $0x2000, $0x38;
	[tilespmem:$0x1C900] =	vst v63  }
0x1d: {  	s25 =	simm.s32 $0xC140  }
0x1e: {  	[tilespmem:s13], [sflag:$0x1] =	stream.linear.gather [hbm4b:s4+s2], $0x2000, $0x38;
	[tilespmem:$0x1C900] =	vst v63  }
0x1f: {  	[tilespmem:s25+$0xFFFFFFC0] =	vst v3  }
0x20: {  	[tilespmem:s25+$0x30] =	vst v3  }
0x21: {  	[tilespmem:s25+$0x20] =	vst v3  }
0x22: {  	[tilespmem:s25+$0x10] =	vst v3  }
0x23: {  	[tilespmem:s25+$0x0] =	vst v3  }
0x24: {  	[tilespmem:s25+$0xFFFFFFF0] =	vst v3  }
0x25: {  	s26 =	simm.s32 $0x0;
	[tilespmem:s25+$0xFFFFFFE0] =	vst v3  }
.LBB2_2:
0x26: {  	s26 =	sadd.s32 $0x80, s26;
	[tilespmem:s25+$0xFFFFFFD0] =	vst v3;
	s25 =	sadd.s32 $0x80, s25  }
0x27: {  	[tilespmem:s25+$0xFFFFFFC0] =	vst v3;
	p0 =	slt.u32 s26, $0x10780  }
0x28: {  	[tilespmem:s25+$0x30] =	vst v3  }
.Ltmp2:
0x29: {  	[tilespmem:s25+$0x20] =	vst v3;
	(pc) =	sbr.rel @p0 .LBB2_2-.Ltmp2, $4  }
0x2a: {  	[tilespmem:s25+$0x10] =	vst v3  }
0x2b: {  	[tilespmem:s25+$0x0] =	vst v3  }
0x2c: {  	[tilespmem:s25+$0xFFFFFFF0] =	vst v3  }
0x2d: {  	[tilespmem:s25+$0xFFFFFFE0] =	vst v3  }
0x2e: {  	[tilespmem:s25+$0xFFFFFFD0] =	vst v3  }
0x2f: {  	_ =	swait.ge [sflag:s14], $0x2000  }
0x30: {  	[sflag:s14] =	ssyncset.done $0x0  }
0x31: {  	[sflag:s14] =	ssyncadd.s32 $0xFFFFE000  }
0x32: {  	_ =	swait.ge [sflag:s14], $0x2000  }
0x33: {  	[sflag:s14] =	ssyncset.done $0x0  }
0x34: {  	s25 =	simm.s32 $0x0;
	[sflag:s14] =	ssyncadd.s32 $0xFFFFE000  }
0x35: {  	[tilespmem:s15], [sflag:$0x2] =	stream.linear.gather [hbm4b:s5+s25], $0x2000, $0x38;
	[tilespmem:$0x1C900] =	vst v63  }
0x36: {  	s26 =	simm.s32 $0x2000  }
0x37: {  	[tilespmem:s16], [sflag:$0x2] =	stream.linear.gather [hbm4b:s6+s25], $0x2000, $0x38;
	[tilespmem:$0x1C900] =	vst v63  }
0x38: {  	v7 =	vld [tilespmem:s26+$0x0];
	_ =	sdelay $0x4  }
0x39: {  	v8 =	vtrunc.f32 v7  }
0x3a: {  	s29 =	simm.s32 $0x2010;
	v9 =	vcvt.f32.s32 v8  }
0x3b: {  	v8 =	vld [tilespmem:s29+$0x0]  }
0x3c: {  	v10 =	vcvt.s32.f32 v9;
	_ =	sdelay $0x1  }
0x3d: {  	v10 =	vsub.f32 v7, v10;
	_ =	sdelay $0x1  }
0x3e: {  	v11 =	vtrunc.f32 v8;
	vm0 =	vge.f32 v10, $5.000000000e-01  }
0x3f: {  	v10 =	vcvt.f32.s32 v11;
	v11 =	vsel vm0, $0x1, v4  }
0x40: {  	v11 =	vadd.s32 v9, v11  }
0x41: {  	v12 =	vcvt.s32.f32 v10;
	vm0 =	vlt.s32 v11, $0x1FF  }
0x42: {  	s30 =	simm.s32 $0x2020;
	v11 =	vnsel vm0, $0x1FF, v11  }
0x43: {  	v9 =	vld [tilespmem:s30+$0x0];
	v12 =	vsub.f32 v8, v12;
	v11 =	vshrl.u32 v11, $0x7  }
0x44: {  	vm0 =	veq.s32 v11, v1  }
0x45: {  	vm1 =	vge.f32 v12, $5.000000000e-01;
	v11 =	vsel vm0, $0x1, v4  }
0x46: {  	(xrf0) =	vadd.scan.msk.s32 $0xffff, v11;
	v11 =	vsel vm1, $0x1, v4  }
0x47: {  	v11 =	vadd.s32 v10, v11  }
0x48: {  	v12 =	vtrunc.f32 v9;
	vm1 =	vlt.s32 v11, $0x1FF  }
0x49: {  	s31 =	simm.s32 $0x2030;
	v15 =	vcvt.f32.s32 v12;
	v11 =	vnsel vm1, $0x1FF, v11  }
0x4a: {  	v10 =	vld [tilespmem:s31+$0x0];
	v11 =	vshrl.u32 v11, $0x7  }
0x4b: {  	v12 =	vcvt.s32.f32 v15;
	_ =	sdelay $0x1  }
0x4c: {  	v13 =	vsub.f32 v9, v12;
	v12 =	vimm.s32 $0x0;
	vm1 =	veq.s32 v11, v1;
	v11, _, _ =	vpop (xrf0)  }
0x4d: {  	v14 =	vsel vm1, $0x1, v4;
	v11 =	vadd.s32 v11, v12  }
0x4e: {  	vm2 =	vge.f32 v13, $5.000000000e-01;
	v16 =	vtrunc.f32 v10;
	v13 =	vld [tilespmem:s25+$0x0];
	(xrf0) =	vadd.scan.msk.s32 $0xffff, v14;
	v11 =	vadd.s32 $0xFFFFFFFF, v11  }
0x4f: {  	vm0 =	vmmov vm0;
	v17 =	vsel vm2, $0x1, v4;
	v14 =	vcvt.f32.s32 v16  }
0x50: {  	s28 =	simm.s32 $0x2040;
	s26 =	simm.s32 $0x30;
	vm0 =	vmmov vm0;
	vm1 =	vmmov vm1;
	v15 =	vadd.s32 v15, v17  }
.LBB2_4:
0x51: {  	v16 =	vld [tilespmem:s28+$0x0];
	v17 =	vcvt.s32.f32 v14;
	vm2 =	vlt.s32 v15, $0x1FF;
	v18 =	vmov v14  }
0x52: {  	s26 =	sadd.s32 $0x10, s26;
	v14 =	vnsel vm2, $0x1FF, v15;
	v15 =	vmpcnt.ones.xlane vm0  }
0x53: {  	p0 =	slt.u32 s26, $0x1FF0;
	v17 =	vsub.f32 v10, v17;
	v14 =	vshrl.u32 v14, $0x7;
	[tilespmem:v11+s17+$0x0] =	vst.idx.msk vm0, v13  }
.Ltmp3:
0x54: {  	vm2 =	veq.s32 v14, v1;
	v13, _, _ =	vpop (xrf0);
	[tilespmem:v11+s18+$0x0] =	vst.idx.msk vm0, v7;
	v12 =	vadd.s32 v12, v15;
	v7 =	vmov v8;
	(pc) =	sbr.rel @p0 .LBB2_4-.Ltmp3, $4  }
0x55: {  	s25 =	sadd.s32 $0x10, s25;
	v8 =	vmovc v9;
	v9 =	vmovc v10;
	vm0 =	vmmov vm1;
	v11 =	vsel vm2, $0x1, v4;
	v14 =	vadd.s32 v13, v12  }
0x56: {  	vm1 =	vge.f32 v17, $5.000000000e-01;
	v15 =	vtrunc.f32 v16;
	(xrf0) =	vadd.scan.msk.s32 $0xffff, v11;
	v13 =	vld [tilespmem:s25+$0x0];
	v11 =	vadd.s32 $0xFFFFFFFF, v14;
	v10 =	vmovc v16  }
0x57: {  	v14 =	vcvt.f32.s32 v15;
	v15 =	vsel vm1, $0x1, v4;
	vm1 =	vmmov vm2  }
0x58: {  	s28 =	sadd.s32 $0x10, s28;
	v15 =	vadd.s32 v18, v15  }
0x59: {  	v16 =	vcvt.s32.f32 v14;
	_ =	sdelay $0x1  }
0x5a: {  	v16 =	vsub.f32 v10, v16;
	_ =	sdelay $0x1  }
0x5b: {  	vm2 =	vge.f32 v16, $5.000000000e-01  }
0x5c: {  	v16 =	vsel vm2, $0x1, v4  }
0x5d: {  	vm13 =	vlt.s32 v15, $0x1FF;
	v53 =	vadd.s32 v14, v16  }
0x5e: {  	v15 =	vnsel vm13, $0x1FF, v15;
	vm14 =	vlt.s32 v53, $0x1FF  }
0x5f: {  	v15 =	vshrl.u32 v15, $0x7;
	v14 =	vnsel vm14, $0x1FF, v53  }
0x60: {  	v54 =	vmpcnt.ones.xlane vm0;
	vm4 =	veq.s32 v15, v1;
	v14 =	vshrl.u32 v14, $0x7  }
0x61: {  	vm1 =	vmmov vm1;
	vm15 =	vmmov vm4;
	vm5 =	veq.s32 v14, v1  }
0x62: {  	v55 =	vmpcnt.ones.xlane vm1;
	vm2 =	vmmov vm15;
	vm3 =	vmmov vm5  }
0x63: {  	v12 =	vadd.s32 v12, v54;
	v56 =	vmpcnt.ones.xlane vm2;
	vm3 =	vmmov vm3  }
0x64: {  	v14 =	vadd.s32 v12, v55;
	v57 =	vmpcnt.ones.xlane vm3  }
0x65: {  	v15 =	vadd.s32 v14, v56  }
0x66: {  	v16 =	vadd.s32 v15, v57  }
0x67: {  	(v2sf) =	vpush v16, $0x0;
	_ =	sdelay $0x2  }
0x68: {  	v17 =	vsel vm4, $0x1, v4  }
0x69: {  	(xrf0) =	vadd.scan.msk.s32 $0xffff, v17  }
0x6a: {  	v58 =	vsel vm5, $0x1, v4  }
0x6b: {  	(xrf0) =	vadd.scan.msk.s32 $0xffff, v58;
	_ =	sdelay $0x1  }
0x6c: {  	v59, _, _ =	vpop (xrf0)  }
0x6d: {  	s25 =	sadd.s32 $0x10, s25;
	v12 =	vadd.s32 v59, v12  }
0x6e: {  	v18 =	vld [tilespmem:s25+$0x0];
	v60, _, _ =	vpop (xrf0);
	v12 =	vadd.s32 $0xFFFFFFFF, v12  }
0x6f: {  	s25 =	sadd.s32 $0x10, s25;
	v14 =	vadd.s32 v60, v14  }
0x70: {  	v61 =	vld [tilespmem:s25+$0x0];
	v14 =	vadd.s32 $0xFFFFFFFF, v14;
	v19, _, _ =	vpop (xrf0)  }
0x71: {  	[tilespmem:v11+s17+$0x0] =	vst.idx.msk vm0, v13;
	s25 =	sadd.s32 $0x10, s25;
	v62 =	vadd.s32 v19, v15  }
0x72: {  	[tilespmem:v11+s18+$0x0] =	vst.idx.msk vm0, v7;
	v7 =	vld [tilespmem:s25+$0x0];
	v63 =	vadd.s32 $0xFFFFFFFF, v62  }
0x73: {  	[tilespmem:v12+s17+$0x0] =	vst.idx.msk vm1, v18;
	s31 =	spop (v2sf)  }
0x74: {  	[tilespmem:v12+s18+$0x0] =	vst.idx.msk vm1, v8;
	v8 =	vadd.s32 v31, v16;
	s26 =	sadd.s32 $0xF, s31  }
0x75: {  	[tilespmem:v14+s17+$0x0] =	vst.idx.msk vm2, v61;
	p0 =	slt.s32 s26, $0x20  }
.Ltmp4:
0x76: {  	[tilespmem:v14+s18+$0x0] =	vst.idx.msk vm2, v9;
	(pc) =	sbr.rel @p0 .LBB2_9-.Ltmp4, $4  }
0x77: {  	[tilespmem:v63+s17+$0x0] =	vst.idx.msk vm3, v7  }
0x78: {  	[tilespmem:v63+s18+$0x0] =	vst.idx.msk vm3, v10  }
0x79: {  	[tilespmem:v8+s17+$0x0] =	vst.idx.msk $0xffff, v6  }
0x7a: {  	[tilespmem:v8+s18+$0x0] =	vst.idx.msk $0xffff, v0;
	s25 =	sand.u32 $0xFFFFFFE0, s26  }
0x7b: {  	s29 =	simm.s32 $0x8010  }
0x7c: {  	s28 =	simm.s32 $0xA090;
	v10 =	vld [tilespmem:s29+$0x0]  }
0x7d: {  	v11 =	vld [tilespmem:s28+$0x0];
	_ =	sdelay $0x2  }
0x7e: {  	v8 =	vld [tilespmem:s28+$0xFFFFFFF0]  }
0x7f: {  	v7 =	vld [tilespmem:s29+$0xFFFFFFF0];
	v9 =	vtrunc.f32 v10  }
0x80: {  	v12 =	vcvt.f32.s32 v9;
	v9 =	vtrunc.f32 v11  }
0x81: {  	v13 =	vcvt.f32.s32 v9  }
0x82: {  	v9 =	vcvt.s32.f32 v12  }
0x83: {  	v14 =	vtrunc.f32 v8;
	v15 =	vcvt.s32.f32 v13  }
0x84: {  	v16 =	vtrunc.f32 v7;
	v14 =	vcvt.f32.s32 v14;
	v17 =	vsub.f32 v10, v9  }
0x85: {  	v9 =	vcvt.f32.s32 v16;
	v15 =	vsub.f32 v11, v15  }
0x86: {  	v16 =	vcvt.s32.f32 v14;
	vm0 =	vge.f32 v17, $5.000000000e-01  }
0x87: {  	v17 =	vcvt.s32.f32 v9;
	v18 =	vsel vm0, $0x1, v4;
	vm12 =	vge.f32 v15, $5.000000000e-01  }
0x88: {  	v15 =	vsub.f32 v8, v16;
	v12 =	vadd.s32 v12, v18;
	v16 =	vsel vm12, $0x1, v4  }
0x89: {  	v17 =	vsub.f32 v7, v17;
	v13 =	vadd.s32 v13, v16;
	vm13 =	vlt.u32 v12, $0x200  }
0x8a: {  	v16 =	vand.u32 $0x1FF, v12;
	v18 =	vadd.s32 $0xFFFFFFFE, v12;
	v19 =	vadd.s32 $0xFFFFFFFF, v12  }
0x8b: {  	v20 =	vadd.s32 $0x1, v12;
	v21 =	vcvt.s32.f32 v12;
	v12 =	vadd.s32 $0x2, v12  }
0x8c: {  	vm12 =	vge.f32 v15, $5.000000000e-01;
	v22 =	vcvt.s32.f32 v13;
	v23 =	vadd.s32 $0xFFFFFFFE, v13  }
0x8d: {  	v24 =	vadd.s32 $0xFFFFFFFF, v13;
	v25 =	vsub.s32 v13, v2;
	v26 =	vsel vm13, $0x3F800000, v3  }
0x8e: {  	v27 =	vadd.s32 $0x1, v13;
	v28 =	vadd.s32 $0x2, v13;
	vm4 =	vlt.u32 v18, $0x200  }
0x8f: {  	vm5 =	vlt.u32 v19, $0x200;
	vm3 =	vlt.u32 v20, $0x200;
	vm1 =	vlt.u32 v12, $0x200  }
0x90: {  	v18 =	vand.u32 $0x1FF, v18;
	v19 =	vand.u32 $0x1FF, v19;
	v20 =	vand.u32 $0x1FF, v20  }
0x91: {  	v12 =	vand.u32 $0x1FF, v12;
	vm13 =	vge.f32 v17, $5.000000000e-01;
	v17 =	vsel vm12, $0x1, v4  }
0x92: {  	vm6 =	vlt.u32 v23, $0x200;
	vm14 =	vlt.u32 v24, $0x200;
	v23 =	vsub.s32 v23, v2  }
0x93: {  	vm2 =	vlt.s32 v25, $0x83;
	v24 =	vsub.s32 v24, v2;
	v10 =	vsub.f32 v21, v10  }
0x94: {  	v32 =	vsel vm5, $0x3F800000, v3;
	v38 =	vsel vm3, $0x3F800000, v3;
	vm9 =	vlt.u32 v27, $0x200  }
0x95: {  	vm11 =	vlt.u32 v28, $0x200;
	v14 =	vadd.s32 v14, v17;
	vm7 =	vlt.s32 v23, $0x83  }
0x96: {  	v11 =	vsub.f32 v22, v11;
	v22 =	vsub.s32 v27, v2;
	vm15 =	vlt.s32 v24, $0x83  }
0x97: {  	v43 =	vsel vm14, $0x3F800000, v3;
	v25 =	vnsel vm2, $0x83, v25;
	v58 =	vsel vm9, $0x3F800000, v3  }
0x98: {  	v21 =	vnsel vm7, $0x83, v23;
	v23 =	vsub.s32 v28, v2;
	v29 =	vadd.f32 $5.000000000e-01, v10  }
0x99: {  	v24 =	vnsel vm15, $0x83, v24;
	v10 =	vsub.f32 $5.000000000e-01, v10;
	v47 =	vmul.f32 v43, v32  }
0x9a: {  	v25 =	vshll.u32 v25, $0x9;
	v48 =	vmul.f32 v43, v26;
	vm7 =	vlt.u32 v13, $0x200  }
0x9b: {  	v49 =	vmul.f32 v43, v38;
	vm8 =	vlt.s32 v22, $0x83;
	v28 =	vmul.f32 v58, v32  }
0x9c: {  	v15 =	vmul.f32 v58, v26;
	v21 =	vshll.u32 v21, $0x9;
	v30 =	vadd.f32 $5.000000000e-01, v11  }
0x9d: {  	v24 =	vshll.u32 v24, $0x9;
	v13 =	vor.u32 v18, v25;
	v50 =	vsel vm7, $0x3F800000, v3  }
0x9e: {  	v51 =	vor.u32 v19, v25;
	v52 =	vor.u32 v16, v25;
	v54 =	vor.u32 v20, v25  }
0x9f: {  	v22 =	vnsel vm8, $0x83, v22;
	v25 =	vor.u32 v12, v25;
	vm10 =	vlt.s32 v23, $0x83  }
0xa0: {  	v11 =	vsub.f32 $5.000000000e-01, v11;
	v31 =	vor.u32 v18, v21;
	v33 =	vor.u32 v19, v21  }
0xa1: {  	v29 =	vnsel vm4, $0x0, v29;
	v34 =	vor.u32 v16, v21;
	v36 =	vor.u32 v20, v21  }
0xa2: {  	v21 =	vor.u32 v12, v21;
	v40 =	vor.u32 v18, v24;
	v10 =	vnsel vm1, $0x0, v10  }
0xa3: {  	v42 =	vor.u32 v19, v24;
	v44 =	vor.u32 v16, v24;
	v46 =	vor.u32 v20, v24  }
0xa4: {  	v24 =	vor.u32 v12, v24;
	v55 =	vmul.f32 v32, v50;
	v22 =	vshll.u32 v22, $0x9  }
0xa5: {  	v56 =	vmul.f32 v50, v26;
	v57 =	vmul.f32 v38, v50;
	v23 =	vnsel vm10, $0x83, v23  }
0xa6: {  	v30 =	vnsel vm6, $0x0, v30;
	v45 =	vmul.f32 v29, v43;
	v43 =	vmul.f32 v10, v43  }
0xa7: {  	v53 =	vmul.f32 v29, v50;
	v27 =	vor.u32 v18, v22;
	v59 =	vor.u32 v19, v22  }
0xa8: {  	v50 =	vmul.f32 v10, v50;
	v60 =	vor.u32 v16, v22;
	v61 =	vmul.f32 v29, v58  }
0xa9: {  	v62 =	vor.u32 v20, v22;
	v22 =	vor.u32 v12, v22;
	v35 =	vmul.f32 v30, v29  }
0xaa: {  	v23 =	vshll.u32 v23, $0x9;
	v37 =	vmul.f32 v30, v32;
	v39 =	vmul.f32 v30, v26  }
0xab: {  	v11 =	vnsel vm11, $0x0, v11;
	v41 =	vmul.f32 v30, v38;
	v30 =	vmul.f32 v30, v10  }
0xac: {  	v63 =	vor.u32 v18, v23;
	v19 =	vor.u32 v19, v23;
	v16 =	vor.u32 v16, v23  }
0xad: {  	v20 =	vor.u32 v20, v23;
	v5 =	vor.u32 v12, v23;
	v12 =	vmul.f32 v58, v38  }
0xae: {  	v18 =	vmul.f32 v10, v58;
	v17 =	vmul.f32 v11, v29;
	v29 =	vsel vm13, $0x1, v4  }
0xaf: {  	v23 =	vmul.f32 v11, v32;
	v10 =	vmul.f32 v11, v10;
	v9 =	vadd.s32 v9, v29  }
0xb0: {  	v32 =	vadd.s32 $0xFFFFFFFF, v14;
	[tilespmem:v31+s19+$0x0] =	vst.idx.add.f32.msk $0xffff, v35;
	v31 =	vmul.f32 v11, v26;
	v35 =	vmul.f32 v11, v38  }
0xb1: {  	v29 =	vadd.s32 $0xFFFFFFFE, v14;
	v26 =	vcvt.s32.f32 v14;
	v11 =	vcvt.s32.f32 v9  }
0xb2: {  	vm11 =	vlt.u32 v32, $0x200;
	vm14 =	vlt.u32 v29, $0x200;
	[tilespmem:v33+s19+$0x0] =	vst.idx.add.f32.msk $0xffff, v37;
	v33 =	vadd.s32 $0x2, v14  }
0xb3: {  	[tilespmem:v34+s19+$0x0] =	vst.idx.add.f32.msk $0xffff, v39;
	v8 =	vsub.f32 v26, v8;
	v26 =	vadd.s32 $0x1, v14;
	v7 =	vsub.f32 v11, v7  }
0xb4: {  	v11 =	vsub.s32 v29, v2;
	v34 =	vsub.s32 v32, v2;
	v58 =	vsub.s32 v33, v2  }
0xb5: {  	v39 =	vadd.s32 $0xFFFFFFFE, v9;
	vm13 =	vlt.u32 v33, $0x200;
	vm15 =	vlt.s32 v11, $0x83  }
0xb6: {  	[tilespmem:v36+s19+$0x0] =	vst.idx.add.f32.msk $0xffff, v41;
	vm4 =	vlt.s32 v34, $0x83;
	vm6 =	vlt.s32 v58, $0x83;
	vm7 =	vlt.u32 v39, $0x200  }
0xb7: {  	vm12 =	vlt.u32 v26, $0x200;
	[tilespmem:v21+s19+$0x0] =	vst.idx.add.f32.msk $0xffff, v30;
	v21 =	vadd.f32 $5.000000000e-01, v8;
	v29 =	vadd.f32 $5.000000000e-01, v7  }
0xb8: {  	v30 =	vsub.s32 v26, v2;
	v7 =	vsub.f32 $5.000000000e-01, v7;
	v8 =	vsub.f32 $5.000000000e-01, v8;
	[tilespmem:v40+s19+$0x0] =	vst.idx.add.f32.msk $0xffff, v45  }
0xb9: {  	v11 =	vnsel vm15, $0x83, v11;
	v34 =	vnsel vm4, $0x83, v34;
	v36 =	vnsel vm6, $0x83, v58;
	[tilespmem:v42+s19+$0x0] =	vst.idx.add.f32.msk $0xffff, v47  }
0xba: {  	vm15 =	vlt.u32 v14, $0x200;
	vm5 =	vlt.s32 v30, $0x83;
	v37 =	vshll.u32 v34, $0x9;
	[tilespmem:v44+s19+$0x0] =	vst.idx.add.f32.msk $0xffff, v48  }
0xbb: {  	v47 =	vsub.s32 v14, v2;
	v21 =	vnsel vm14, $0x0, v21;
	vm14 =	vlt.u32 v9, $0x200;
	[tilespmem:v46+s19+$0x0] =	vst.idx.add.f32.msk $0xffff, v49  }
0xbc: {  	v58 =	vnsel vm13, $0x0, v8;
	v8 =	vsel vm12, $0x3F800000, v3;
	v48 =	vadd.s32 $0xFFFFFFFF, v9;
	[tilespmem:v24+s19+$0x0] =	vst.idx.add.f32.msk $0xffff, v43  }
0xbd: {  	vm9 =	vlt.s32 v47, $0x83;
	v26 =	vsel vm14, $0x3F800000, v3;
	v49 =	vadd.s32 $0x1, v9;
	[tilespmem:v13+s19+$0x0] =	vst.idx.add.f32.msk $0xffff, v53  }
0xbe: {  	vm2 =	vlt.u32 v48, $0x200;
	v14 =	vnsel vm9, $0x83, v47;
	v13 =	vadd.s32 $0x2, v9;
	[tilespmem:v51+s19+$0x0] =	vst.idx.add.f32.msk $0xffff, v55  }
0xbf: {  	v24 =	vnsel vm5, $0x83, v30;
	vm10 =	vlt.u32 v49, $0x200;
	vm8 =	vlt.u32 v13, $0x200;
	[tilespmem:v52+s19+$0x0] =	vst.idx.add.f32.msk $0xffff, v56  }
0xc0: {  	v55 =	vnsel vm7, $0x0, v29;
	v56 =	vnsel vm8, $0x0, v7;
	v7 =	vsel vm10, $0x3F800000, v3;
	[tilespmem:v54+s19+$0x0] =	vst.idx.add.f32.msk $0xffff, v57  }
0xc1: {  	v30 =	vsel vm15, $0x3F800000, v3;
	v38 =	vmul.f32 v21, v55;
	v33 =	vmul.f32 v21, v7;
	[tilespmem:v25+s19+$0x0] =	vst.idx.add.f32.msk $0xffff, v50  }
0xc2: {  	v32 =	vmul.f32 v21, v56;
	v25 =	vsel vm2, $0x3F800000, v3;
	[tilespmem:v27+s19+$0x0] =	vst.idx.add.f32.msk $0xffff, v61;
	v61 =	vshll.u32 v11, $0x9  }
0xc3: {  	v27 =	vshll.u32 v24, $0x9;
	v34 =	vmul.f32 v21, v25;
	v24 =	vand.u32 $0x1FF, v48  }
0xc4: {  	v11 =	vmul.f32 v58, v26;
	[tilespmem:v59+s19+$0x0] =	vst.idx.add.f32.msk $0xffff, v28;
	v59 =	vsel vm11, $0x3F800000, v3;
	v42 =	vor.u32 v24, v61  }
0xc5: {  	v28 =	vand.u32 $0x1FF, v9;
	v9 =	vmul.f32 v58, v56;
	[tilespmem:v60+s19+$0x0] =	vst.idx.add.f32.msk $0xffff, v15;
	v29 =	vmul.f32 v55, v59  }
0xc6: {  	v15 =	vmul.f32 v58, v55;
	v43 =	vor.u32 v28, v61;
	v41 =	vmul.f32 v59, v25  }
0xc7: {  	v40 =	vmul.f32 v59, v26;
	[tilespmem:v62+s19+$0x0] =	vst.idx.add.f32.msk $0xffff, v12;
	v12 =	vshll.u32 v36, $0x9;
	v36 =	vmul.f32 v21, v26  }
0xc8: {  	v21 =	vand.u32 $0x1FF, v13;
	v13 =	vmul.f32 v58, v25;
	[tilespmem:v22+s19+$0x0] =	vst.idx.add.f32.msk $0xffff, v18;
	v18 =	vshll.u32 v14, $0x9  }
0xc9: {  	p0 =	sgt.s32 s25, $0x20;
	v14 =	vand.u32 $0x1FF, v39;
	v22 =	vmul.f32 v55, v30;
	v39 =	vmul.f32 v59, v7;
	[tilespmem:v63+s19+$0x0] =	vst.idx.add.f32.msk $0xffff, v17  }
.Ltmp5:
0xca: {  	v46 =	vor.u32 v21, v61;
	v17 =	vmul.f32 v55, v8;
	[tilespmem:v19+s19+$0x0] =	vst.idx.add.f32.msk $0xffff, v23;
	(pc) =	sbr.rel @!p0 .LBB2_8-.Ltmp5, $4  }
0xcb: {  	v44 =	vor.u32 v14, v61;
	v19 =	vand.u32 $0x1FF, v49;
	v23 =	vmul.f32 v56, v59;
	[tilespmem:v16+s19+$0x0] =	vst.idx.add.f32.msk $0xffff, v31  }
0xcc: {  	v16 =	vmul.f32 v56, v8;
	v45 =	vor.u32 v19, v61;
	v31 =	vmul.f32 v7, v30  }
0xcd: {  	[tilespmem:v20+s19+$0x0] =	vst.idx.add.f32.msk $0xffff, v35;
	v20 =	vmul.f32 v56, v30;
	v35 =	vmul.f32 v25, v30  }
0xce: {  	s30 =	simm.s32 $0x8030;
	s29 =	simm.s32 $0x20;
	v25 =	vmul.f32 v8, v25;
	[tilespmem:v5+s19+$0x0] =	vst.idx.add.f32.msk $0xffff, v10;
	v10 =	vmul.f32 v58, v7  }
.LBB2_7:
0xcf: {  	v5 =	vld [tilespmem:s30+$0x0];
	v47 =	vor.u32 v14, v37;
	v48 =	vmul.f32 v8, v26;
	v49 =	vmul.f32 v8, v7;
	s28 =	sadd.s32 $0x20, s28  }
0xd0: {  	v51 =	vor.u32 v24, v37;
	v52 =	vor.u32 v28, v37;
	v26 =	vmul.f32 v30, v26;
	v50 =	vld [tilespmem:s28+$0x0]  }
0xd1: {  	v30 =	vor.u32 v19, v37;
	v37 =	vor.u32 v21, v37;
	v53 =	vor.u32 v14, v27;
	v8 =	vld [tilespmem:s28+$0xFFFFFFF0]  }
0xd2: {  	v54 =	vor.u32 v24, v27;
	v55 =	vor.u32 v28, v27;
	v56 =	vor.u32 v19, v27;
	v7 =	vld [tilespmem:s30+$0xFFFFFFF0]  }
0xd3: {  	v27 =	vor.u32 v21, v27;
	v57 =	vor.u32 v14, v12;
	v58 =	vor.u32 v24, v12  }
0xd4: {  	v59 =	vtrunc.f32 v5;
	[tilespmem:v44+s19+$0x0] =	vst.idx.add.f32.msk $0xffff, v38;
	v38 =	vor.u32 v28, v12;
	v44 =	vor.u32 v19, v12  }
0xd5: {  	v59 =	vcvt.f32.s32 v59;
	v60 =	vtrunc.f32 v50;
	[tilespmem:v42+s19+$0x0] =	vst.idx.add.f32.msk $0xffff, v34;
	v34 =	vor.u32 v21, v12  }
0xd6: {  	v12 =	vtrunc.f32 v8;
	v42 =	vcvt.f32.s32 v60;
	[tilespmem:v43+s19+$0x0] =	vst.idx.add.f32.msk $0xffff, v36;
	v36 =	vor.u32 v14, v18  }
0xd7: {  	v24 =	vor.u32 v24, v18;
	v14 =	vtrunc.f32 v7;
	v43 =	vcvt.s32.f32 v59;
	[tilespmem:v45+s19+$0x0] =	vst.idx.add.f32.msk $0xffff, v33  }
0xd8: {  	v28 =	vor.u32 v28, v18;
	v12 =	vcvt.f32.s32 v12;
	v33 =	vcvt.s32.f32 v42;
	[tilespmem:v46+s19+$0x0] =	vst.idx.add.f32.msk $0xffff, v32  }
0xd9: {  	v14 =	vcvt.f32.s32 v14;
	v32 =	vsub.f32 v5, v43;
	[tilespmem:v47+s19+$0x0] =	vst.idx.add.f32.msk $0xffff, v29;
	v29 =	vor.u32 v19, v18  }
0xda: {  	v19 =	vcvt.s32.f32 v12;
	v33 =	vsub.f32 v50, v33;
	[tilespmem:v51+s19+$0x0] =	vst.idx.add.f32.msk $0xffff, v41;
	v41 =	vor.u32 v21, v18  }
0xdb: {  	v18 =	vcvt.s32.f32 v14;
	vm0 =	vge.f32 v32, $5.000000000e-01;
	[tilespmem:v52+s19+$0x0] =	vst.idx.add.f32.msk $0xffff, v40  }
0xdc: {  	v19 =	vsub.f32 v8, v19;
	v21 =	vsel vm0, $0x1, v4;
	vm0 =	vge.f32 v33, $5.000000000e-01;
	[tilespmem:v30+s19+$0x0] =	vst.idx.add.f32.msk $0xffff, v39  }
0xdd: {  	v18 =	vsub.f32 v7, v18;
	v30 =	vadd.s32 v59, v21;
	v21 =	vsel vm0, $0x1, v4;
	[tilespmem:v37+s19+$0x0] =	vst.idx.add.f32.msk $0xffff, v23  }
0xde: {  	v32 =	vadd.s32 v42, v21;
	vm0 =	vlt.u32 v30, $0x200;
	v21 =	vand.u32 $0x1FF, v30;
	[tilespmem:v36+s19+$0x0] =	vst.idx.add.f32.msk $0xffff, v22  }
0xdf: {  	v33 =	vadd.s32 $0xFFFFFFFE, v30;
	v36 =	vadd.s32 $0xFFFFFFFF, v30;
	v37 =	vadd.s32 $0x1, v30;
	[tilespmem:v24+s19+$0x0] =	vst.idx.add.f32.msk $0xffff, v35  }
0xe0: {  	v35 =	vcvt.s32.f32 v30;
	v39 =	vcvt.s32.f32 v32;
	v30 =	vadd.s32 $0x2, v30;
	[tilespmem:v28+s19+$0x0] =	vst.idx.add.f32.msk $0xffff, v26  }
0xe1: {  	v40 =	vsub.s32 v32, v2;
	v26 =	vadd.s32 $0xFFFFFFFE, v32;
	v28 =	vadd.s32 $0xFFFFFFFF, v32;
	[tilespmem:v29+s19+$0x0] =	vst.idx.add.f32.msk $0xffff, v31  }
0xe2: {  	v22 =	vsel vm0, $0x3F800000, v3;
	v23 =	vadd.s32 $0x2, v32;
	v29 =	vadd.s32 $0x1, v32;
	[tilespmem:v41+s19+$0x0] =	vst.idx.add.f32.msk $0xffff, v20  }
0xe3: {  	vm4 =	vlt.u32 v33, $0x200;
	vm6 =	vlt.u32 v36, $0x200;
	vm3 =	vlt.u32 v37, $0x200;
	[tilespmem:v53+s19+$0x0] =	vst.idx.add.f32.msk $0xffff, v17  }
0xe4: {  	vm2 =	vlt.u32 v30, $0x200;
	vm5 =	vlt.u32 v26, $0x200;
	vm0 =	vlt.u32 v28, $0x200;
	[tilespmem:v54+s19+$0x0] =	vst.idx.add.f32.msk $0xffff, v25  }
0xe5: {  	v24 =	vand.u32 $0x1FF, v36;
	v20 =	vand.u32 $0x1FF, v37;
	v25 =	vand.u32 $0x1FF, v33;
	[tilespmem:v55+s19+$0x0] =	vst.idx.add.f32.msk $0xffff, v48  }
0xe6: {  	vm1 =	vlt.s32 v40, $0x83;
	v26 =	vsub.s32 v26, v2;
	v17 =	vand.u32 $0x1FF, v30;
	[tilespmem:v56+s19+$0x0] =	vst.idx.add.f32.msk $0xffff, v49  }
0xe7: {  	v28 =	vsub.s32 v28, v2;
	vm7 =	vlt.s32 v26, $0x83;
	v30 =	vsub.s32 v29, v2;
	[tilespmem:v27+s19+$0x0] =	vst.idx.add.f32.msk $0xffff, v16  }
0xe8: {  	v5 =	vsub.f32 v35, v5;
	v26 =	vnsel vm7, $0x83, v26;
	v16 =	vsub.f32 v39, v50;
	[tilespmem:v57+s19+$0x0] =	vst.idx.add.f32.msk $0xffff, v15  }
0xe9: {  	vm7 =	vlt.s32 v28, $0x83;
	v15 =	vshll.u32 v26, $0x9;
	v26 =	vsub.s32 v23, v2;
	[tilespmem:v58+s19+$0x0] =	vst.idx.add.f32.msk $0xffff, v13  }
0xea: {  	v13 =	vadd.f32 $5.000000000e-01, v5;
	v27 =	vadd.f32 $5.000000000e-01, v16;
	v31 =	vor.u32 v25, v15;
	[tilespmem:v38+s19+$0x0] =	vst.idx.add.f32.msk $0xffff, v11  }
0xeb: {  	v28 =	vnsel vm7, $0x83, v28;
	v33 =	vor.u32 v24, v15;
	v11 =	vsel vm6, $0x3F800000, v3;
	[tilespmem:v44+s19+$0x0] =	vst.idx.add.f32.msk $0xffff, v10  }
0xec: {  	v10 =	vnsel vm4, $0x0, v13;
	v13 =	vnsel vm5, $0x0, v27;
	v27 =	vor.u32 v21, v15;
	[tilespmem:v34+s19+$0x0] =	vst.idx.add.f32.msk $0xffff, v9  }
0xed: {  	v5 =	vsub.f32 $5.000000000e-01, v5;
	v9 =	vmul.f32 v13, v10;
	v34 =	vor.u32 v20, v15  }
0xee: {  	s29 =	sadd.s32 $0x20, s29;
	v28 =	vshll.u32 v28, $0x9;
	v35 =	vmul.f32 v13, v11;
	v15 =	vor.u32 v17, v15  }
0xef: {  	p0 =	slt.s32 s29, s25;
	v36 =	vsel vm3, $0x3F800000, v3;
	[tilespmem:v31+s19+$0x0] =	vst.idx.add.f32.msk $0xffff, v9;
	v9 =	vmul.f32 v13, v22;
	v31 =	vor.u32 v25, v28  }
0xf0: {  	v5 =	vnsel vm2, $0x0, v5;
	[tilespmem:v33+s19+$0x0] =	vst.idx.add.f32.msk $0xffff, v35;
	v33 =	vmul.f32 v13, v36;
	v35 =	vor.u32 v24, v28  }
0xf1: {  	[tilespmem:v27+s19+$0x0] =	vst.idx.add.f32.msk $0xffff, v9;
	v9 =	vmul.f32 v13, v5;
	v13 =	vsel vm0, $0x3F800000, v3;
	v27 =	vor.u32 v21, v28  }
0xf2: {  	v37 =	vnsel vm1, $0x83, v40;
	[tilespmem:v34+s19+$0x0] =	vst.idx.add.f32.msk $0xffff, v33;
	v33 =	vmul.f32 v10, v13;
	v34 =	vor.u32 v20, v28  }
0xf3: {  	[tilespmem:v15+s19+$0x0] =	vst.idx.add.f32.msk $0xffff, v9;
	v9 =	vmul.f32 v13, v11;
	v15 =	vor.u32 v17, v28;
	v28 =	vshll.u32 v37, $0x9  }
0xf4: {  	vm0 =	vlt.u32 v32, $0x200;
	[tilespmem:v31+s19+$0x0] =	vst.idx.add.f32.msk $0xffff, v33;
	v31 =	vmul.f32 v13, v22;
	v32 =	vor.u32 v25, v28  }
0xf5: {  	v33 =	vsel vm0, $0x3F800000, v3;
	[tilespmem:v35+s19+$0x0] =	vst.idx.add.f32.msk $0xffff, v9;
	v9 =	vmul.f32 v13, v36;
	v35 =	vor.u32 v24, v28  }
0xf6: {  	vm0 =	vlt.s32 v30, $0x83;
	v13 =	vmul.f32 v5, v13;
	[tilespmem:v27+s19+$0x0] =	vst.idx.add.f32.msk $0xffff, v31;
	v27 =	vor.u32 v21, v28  }
0xf7: {  	v30 =	vnsel vm0, $0x83, v30;
	v31 =	vor.u32 v20, v28;
	[tilespmem:v34+s19+$0x0] =	vst.idx.add.f32.msk $0xffff, v9;
	v9 =	vmul.f32 v10, v33  }
0xf8: {  	[tilespmem:v15+s19+$0x0] =	vst.idx.add.f32.msk $0xffff, v13;
	v13 =	vmul.f32 v11, v33;
	v15 =	vor.u32 v17, v28;
	v28 =	vshll.u32 v30, $0x9  }
0xf9: {  	vm0 =	vlt.u32 v29, $0x200;
	[tilespmem:v32+s19+$0x0] =	vst.idx.add.f32.msk $0xffff, v9;
	v9 =	vmul.f32 v33, v22;
	v29 =	vor.u32 v25, v28  }
0xfa: {  	v30 =	vsel vm0, $0x3F800000, v3;
	v32 =	vor.u32 v24, v28;
	[tilespmem:v35+s19+$0x0] =	vst.idx.add.f32.msk $0xffff, v13;
	v13 =	vmul.f32 v36, v33  }
0xfb: {  	vm0 =	vlt.s32 v26, $0x83;
	[tilespmem:v27+s19+$0x0] =	vst.idx.add.f32.msk $0xffff, v9;
	v9 =	vmul.f32 v5, v33;
	v27 =	vor.u32 v21, v28  }
0xfc: {  	v26 =	vnsel vm0, $0x83, v26;
	[tilespmem:v31+s19+$0x0] =	vst.idx.add.f32.msk $0xffff, v13;
	v13 =	vmul.f32 v10, v30;
	v31 =	vor.u32 v20, v28  }
0xfd: {  	v26 =	vshll.u32 v26, $0x9;
	[tilespmem:v15+s19+$0x0] =	vst.idx.add.f32.msk $0xffff, v9;
	v9 =	vmul.f32 v30, v11;
	v15 =	vor.u32 v17, v28  }
0xfe: {  	v16 =	vsub.f32 $5.000000000e-01, v16;
	v25 =	vor.u32 v25, v26;
	[tilespmem:v29+s19+$0x0] =	vst.idx.add.f32.msk $0xffff, v13;
	v13 =	vmul.f32 v30, v22  }
0xff: {  	vm0 =	vlt.u32 v23, $0x200;
	v23 =	vor.u32 v24, v26;
	[tilespmem:v32+s19+$0x0] =	vst.idx.add.f32.msk $0xffff, v9;
	v9 =	vmul.f32 v30, v36  }
0x100: {  	v16 =	vnsel vm0, $0x0, v16;
	v21 =	vor.u32 v21, v26;
	[tilespmem:v27+s19+$0x0] =	vst.idx.add.f32.msk $0xffff, v13;
	v13 =	vmul.f32 v5, v30  }
0x101: {  	vm0 =	vge.f32 v19, $5.000000000e-01;
	[tilespmem:v31+s19+$0x0] =	vst.idx.add.f32.msk $0xffff, v9;
	v9 =	vmul.f32 v16, v10;
	v10 =	vor.u32 v20, v26  }
0x102: {  	vm1 =	vge.f32 v18, $5.000000000e-01;
	v11 =	vmul.f32 v16, v11;
	[tilespmem:v15+s19+$0x0] =	vst.idx.add.f32.msk $0xffff, v13;
	v13 =	vor.u32 v17, v26  }
0x103: {  	v15 =	vsel vm1, $0x1, v4;
	v17 =	vsel vm0, $0x1, v4;
	[tilespmem:v25+s19+$0x0] =	vst.idx.add.f32.msk $0xffff, v9;
	v9 =	vmul.f32 v16, v22  }
0x104: {  	v12 =	vadd.s32 v12, v17;
	[tilespmem:v23+s19+$0x0] =	vst.idx.add.f32.msk $0xffff, v11;
	v11 =	vmul.f32 v16, v36  }
0x105: {  	v5 =	vmul.f32 v16, v5;
	v15 =	vadd.s32 v14, v15;
	v14 =	vcvt.s32.f32 v12;
	[tilespmem:v21+s19+$0x0] =	vst.idx.add.f32.msk $0xffff, v9  }
0x106: {  	v16 =	vadd.s32 $0xFFFFFFFE, v12;
	v17 =	vadd.s32 $0xFFFFFFFF, v12;
	v9 =	vcvt.s32.f32 v15;
	[tilespmem:v10+s19+$0x0] =	vst.idx.add.f32.msk $0xffff, v11  }
0x107: {  	v8 =	vsub.f32 v14, v8;
	v10 =	vadd.s32 $0x1, v12;
	v11 =	vadd.s32 $0x2, v12;
	[tilespmem:v13+s19+$0x0] =	vst.idx.add.f32.msk $0xffff, v5  }
0x108: {  	v5 =	vsub.f32 v9, v7;
	v7 =	vsub.s32 v16, v2;
	v9 =	vsub.s32 v17, v2  }
0x109: {  	v14 =	vsub.s32 v10, v2;
	v18 =	vsub.s32 v11, v2;
	v13 =	vadd.f32 $5.000000000e-01, v8  }
0x10a: {  	v20 =	vsub.s32 v12, v2;
	v19 =	vadd.f32 $5.000000000e-01, v5;
	v5 =	vsub.f32 $5.000000000e-01, v5  }
0x10b: {  	v22 =	vadd.s32 $0xFFFFFFFF, v15;
	v21 =	vadd.s32 $0xFFFFFFFE, v15;
	v8 =	vsub.f32 $5.000000000e-01, v8  }
0x10c: {  	v23 =	vadd.s32 $0x1, v15;
	v25 =	vadd.s32 $0x2, v15;
	vm0 =	vlt.s32 v7, $0x83  }
0x10d: {  	vm1 =	vlt.s32 v9, $0x83;
	vm2 =	vlt.s32 v14, $0x83;
	vm3 =	vlt.s32 v18, $0x83  }
0x10e: {  	vm5 =	vlt.u32 v22, $0x200;
	vm6 =	vlt.s32 v20, $0x83;
	vm4 =	vlt.u32 v21, $0x200  }
0x10f: {  	vm7 =	vlt.u32 v23, $0x200;
	vm8 =	vlt.u32 v25, $0x200;
	vm9 =	vlt.u32 v16, $0x200  }
0x110: {  	vm10 =	vlt.u32 v17, $0x200;
	vm11 =	vlt.u32 v10, $0x200;
	vm12 =	vlt.u32 v11, $0x200  }
0x111: {  	vm13 =	vlt.u32 v15, $0x200;
	v10 =	vnsel vm0, $0x83, v7;
	vm0 =	vlt.u32 v12, $0x200  }
0x112: {  	v9 =	vnsel vm1, $0x83, v9;
	v11 =	vnsel vm2, $0x83, v14;
	v12 =	vnsel vm3, $0x83, v18  }
0x113: {  	v13 =	vnsel vm9, $0x0, v13;
	v31 =	vnsel vm4, $0x0, v19;
	v5 =	vnsel vm8, $0x0, v5  }
0x114: {  	v47 =	vsel vm5, $0x3F800000, v3;
	v14 =	vnsel vm6, $0x83, v20;
	v35 =	vnsel vm12, $0x0, v8  }
0x115: {  	v39 =	vsel vm10, $0x3F800000, v3;
	v7 =	vsel vm7, $0x3F800000, v3;
	v8 =	vsel vm11, $0x3F800000, v3  }
0x116: {  	v26 =	vsel vm13, $0x3F800000, v3;
	v46 =	vshll.u32 v10, $0x9;
	v30 =	vsel vm0, $0x3F800000, v3  }
0x117: {  	v37 =	vshll.u32 v9, $0x9;
	v27 =	vshll.u32 v11, $0x9;
	v12 =	vshll.u32 v12, $0x9  }
0x118: {  	v18 =	vshll.u32 v14, $0x9;
	v34 =	vmul.f32 v13, v47;
	v38 =	vmul.f32 v13, v31  }
0x119: {  	v14 =	vand.u32 $0x1FF, v21;
	v36 =	vmul.f32 v13, v26;
	v33 =	vmul.f32 v13, v7  }
0x11a: {  	v24 =	vand.u32 $0x1FF, v22;
	v32 =	vmul.f32 v13, v5;
	v29 =	vmul.f32 v31, v39  }
0x11b: {  	v19 =	vand.u32 $0x1FF, v23;
	v23 =	vmul.f32 v5, v39;
	v22 =	vmul.f32 v31, v30  }
0x11c: {  	v21 =	vand.u32 $0x1FF, v25;
	v20 =	vmul.f32 v5, v30;
	v17 =	vmul.f32 v31, v8  }
0x11d: {  	v28 =	vand.u32 $0x1FF, v15;
	v16 =	vmul.f32 v5, v8;
	v15 =	vmul.f32 v35, v31  }
.Ltmp6:
0x11e: {  	v44 =	vor.u32 v14, v46;
	v11 =	vmul.f32 v35, v26;
	v13 =	vmul.f32 v35, v47;
	(pc) =	sbr.rel @p0 .LBB2_7-.Ltmp6, $4  }
0x11f: {  	v42 =	vor.u32 v24, v46;
	v10 =	vmul.f32 v35, v7;
	v9 =	vmul.f32 v35, v5  }
0x120: {  	v41 =	vmul.f32 v39, v47;
	v40 =	vmul.f32 v39, v26;
	v43 =	vor.u32 v28, v46  }
0x121: {  	v45 =	vor.u32 v19, v46;
	v39 =	vmul.f32 v39, v7;
	v35 =	vmul.f32 v47, v30  }
0x122: {  	s30 =	sadd.s32 $0x20, s30;
	v25 =	vmul.f32 v8, v47;
	v46 =	vor.u32 v21, v46;
	v31 =	vmul.f32 v7, v30  }
.LBB2_8:
0x123: {  	_ =	sdelay $0x3  }
0x124: {  	v5 =	vor.u32 v14, v37;
	[tilespmem:v44+s19+$0x0] =	vst.idx.add.f32.msk $0xffff, v38  }
0x125: {  	v50 =	vor.u32 v24, v37;
	[tilespmem:v42+s19+$0x0] =	vst.idx.add.f32.msk $0xffff, v34  }
0x126: {  	v51 =	vor.u32 v28, v37;
	[tilespmem:v43+s19+$0x0] =	vst.idx.add.f32.msk $0xffff, v36  }
0x127: {  	v52 =	vor.u32 v19, v37;
	[tilespmem:v45+s19+$0x0] =	vst.idx.add.f32.msk $0xffff, v33  }
0x128: {  	v53 =	vor.u32 v21, v37;
	[tilespmem:v46+s19+$0x0] =	vst.idx.add.f32.msk $0xffff, v32  }
0x129: {  	v54 =	vor.u32 v14, v18;
	[tilespmem:v5+s19+$0x0] =	vst.idx.add.f32.msk $0xffff, v29  }
0x12a: {  	v5 =	vor.u32 v24, v18;
	[tilespmem:v50+s19+$0x0] =	vst.idx.add.f32.msk $0xffff, v41  }
0x12b: {  	v29 =	vor.u32 v28, v18;
	[tilespmem:v51+s19+$0x0] =	vst.idx.add.f32.msk $0xffff, v40  }
0x12c: {  	v55 =	vor.u32 v19, v18;
	[tilespmem:v52+s19+$0x0] =	vst.idx.add.f32.msk $0xffff, v39  }
0x12d: {  	v56 =	vor.u32 v21, v18;
	[tilespmem:v53+s19+$0x0] =	vst.idx.add.f32.msk $0xffff, v23  }
0x12e: {  	v57 =	vmul.f32 v30, v26;
	v30 =	vor.u32 v14, v27;
	[tilespmem:v54+s19+$0x0] =	vst.idx.add.f32.msk $0xffff, v22  }
0x12f: {  	v58 =	vor.u32 v24, v27;
	[tilespmem:v5+s19+$0x0] =	vst.idx.add.f32.msk $0xffff, v35  }
0x130: {  	v5 =	vor.u32 v28, v27;
	[tilespmem:v29+s19+$0x0] =	vst.idx.add.f32.msk $0xffff, v57  }
0x131: {  	v59 =	vor.u32 v19, v27;
	[tilespmem:v55+s19+$0x0] =	vst.idx.add.f32.msk $0xffff, v31  }
0x132: {  	v60 =	vor.u32 v21, v27;
	[tilespmem:v56+s19+$0x0] =	vst.idx.add.f32.msk $0xffff, v20  }
0x133: {  	v61 =	vmul.f32 v8, v26;
	v62 =	vor.u32 v14, v12;
	[tilespmem:v30+s19+$0x0] =	vst.idx.add.f32.msk $0xffff, v17  }
0x134: {  	v7 =	vmul.f32 v8, v7;
	v8 =	vor.u32 v24, v12;
	[tilespmem:v58+s19+$0x0] =	vst.idx.add.f32.msk $0xffff, v25  }
0x135: {  	v63 =	vor.u32 v28, v12;
	[tilespmem:v5+s19+$0x0] =	vst.idx.add.f32.msk $0xffff, v61  }
0x136: {  	v5 =	vor.u32 v19, v12;
	[tilespmem:v59+s19+$0x0] =	vst.idx.add.f32.msk $0xffff, v7  }
0x137: {  	v7 =	vor.u32 v21, v12;
	[tilespmem:v60+s19+$0x0] =	vst.idx.add.f32.msk $0xffff, v16  }
0x138: {  	[tilespmem:v62+s19+$0x0] =	vst.idx.add.f32.msk $0xffff, v15  }
0x139: {  	[tilespmem:v8+s19+$0x0] =	vst.idx.add.f32.msk $0xffff, v13  }
0x13a: {  	[tilespmem:v63+s19+$0x0] =	vst.idx.add.f32.msk $0xffff, v11  }
0x13b: {  	[tilespmem:v5+s19+$0x0] =	vst.idx.add.f32.msk $0xffff, v10  }
0x13c: {  	v31 =	vlaneseq.u32;
	[tilespmem:v7+s19+$0x0] =	vst.idx.add.f32.msk $0xffff, v9  }
.LBB2_9:
0x13d: {  	s28 =	sand.u32 $0xFFFFFFF0, s26  }
0x13e: {  	p0 =	sge.s32 s25, s28  }
.Ltmp7:
0x13f: {  	_ = 	snop;
	(pc) =	sbr.rel @p0 .LBB2_12-.Ltmp7, $1  }
0x140: {  	_ =	sdelay $0x3  }
0x141: {  	s26 =	sshll.u32 s26, $0x2  }
0x142: {  	s26 =	sshra.s32 s26, $0x2  }
0x143: {  	s29 =	sand.u32 $0xFFFFFFE0, s26  }
0x144: {  	s26 =	sadd.s32 $0xA080, s29;
	s29 =	sadd.s32 $0x8000, s29  }
.LBB2_11:
0x145: {  	v5 =	vld [tilespmem:s29+$0x0]  }
0x146: {  	v7 =	vld [tilespmem:s26+$0x0];
	_ =	sdelay $0x4  }
0x147: {  	v8 =	vtrunc.f32 v5;
	v9 =	vtrunc.f32 v7  }
0x148: {  	v8 =	vcvt.f32.s32 v8;
	v9 =	vcvt.f32.s32 v9;
	_ =	sdelay $0x1  }
0x149: {  	v10 =	vcvt.s32.f32 v8;
	v11 =	vcvt.s32.f32 v9;
	_ =	sdelay $0x1  }
0x14a: {  	v10 =	vsub.f32 v5, v10;
	v50 =	vsub.f32 v7, v11;
	_ =	sdelay $0x1  }
0x14b: {  	vm0 =	vge.f32 v10, $5.000000000e-01;
	vm13 =	vge.f32 v50, $5.000000000e-01  }
0x14c: {  	v51 =	vsel vm0, $0x1, v4;
	v53 =	vsel vm13, $0x1, v4  }
0x14d: {  	v8 =	vadd.s32 v8, v51;
	v9 =	vadd.s32 v9, v53  }
0x14e: {  	v52 =	vcvt.s32.f32 v8;
	v54 =	vcvt.s32.f32 v9  }
0x14f: {  	v12 =	vadd.s32 $0xFFFFFFFE, v8;
	v13 =	vadd.s32 $0xFFFFFFFF, v8;
	vm15 =	vlt.u32 v8, $0x200  }
0x150: {  	v14 =	vadd.s32 $0x1, v8;
	v15 =	vadd.s32 $0xFFFFFFFE, v9;
	v20 =	vadd.s32 $0x2, v8  }
0x151: {  	v8 =	vand.u32 $0x1FF, v8;
	v23 =	vadd.s32 $0xFFFFFFFF, v9;
	v29 =	vsub.s32 v9, v2  }
0x152: {  	vm14 =	vlt.u32 v12, $0x200;
	vm1 =	vlt.u32 v13, $0x200;
	v16 =	vsel vm15, $0x3F800000, v3  }
0x153: {  	vm4 =	vlt.u32 v14, $0x200;
	v17 =	vsub.s32 v15, v2;
	vm6 =	vlt.u32 v20, $0x200  }
0x154: {  	v12 =	vand.u32 $0x1FF, v12;
	v13 =	vand.u32 $0x1FF, v13;
	vm7 =	vlt.u32 v15, $0x200  }
0x155: {  	v26 =	vsub.s32 v23, v2;
	v14 =	vand.u32 $0x1FF, v14;
	v20 =	vand.u32 $0x1FF, v20  }
0x156: {  	vm9 =	vlt.u32 v23, $0x200;
	v5 =	vsub.f32 v52, v5;
	v7 =	vsub.f32 v54, v7  }
0x157: {  	v10 =	vsel vm1, $0x3F800000, v3;
	v18 =	vsel vm4, $0x3F800000, v3;
	vm5 =	vlt.s32 v17, $0x83  }
0x158: {  	vm8 =	vlt.s32 v26, $0x83;
	v23 =	vsel vm9, $0x3F800000, v3;
	v17 =	vnsel vm5, $0x83, v17  }
0x159: {  	v58 =	vnsel vm8, $0x83, v26;
	v32 =	vmul.f32 v23, v10;
	v17 =	vshll.u32 v17, $0x9  }
0x15a: {  	v55 =	vadd.f32 $5.000000000e-01, v5;
	v19 =	vadd.f32 $5.000000000e-01, v7;
	v21 =	vor.u32 v12, v17  }
0x15b: {  	v28 =	vmul.f32 v23, v16;
	v34 =	vmul.f32 v23, v18;
	v56 =	vor.u32 v13, v17  }
0x15c: {  	v22 =	vor.u32 v8, v17;
	v11 =	vnsel vm14, $0x0, v55;
	v19 =	vnsel vm7, $0x0, v19  }
0x15d: {  	v5 =	vsub.f32 $5.000000000e-01, v5;
	v57 =	vor.u32 v14, v17;
	v24 =	vmul.f32 v19, v11  }
0x15e: {  	v60 =	vshll.u32 v58, $0x9;
	v59 =	vor.u32 v20, v17;
	v25 =	vmul.f32 v19, v10  }
0x15f: {  	vm11 =	vlt.u32 v9, $0x200;
	v27 =	vmul.f32 v19, v16;
	[tilespmem:v21+s19+$0x0] =	vst.idx.add.f32.msk $0xffff, v24;
	v24 =	vor.u32 v12, v60  }
0x160: {  	v63 =	vor.u32 v13, v60;
	v5 =	vnsel vm6, $0x0, v5;
	v61 =	vmul.f32 v19, v18;
	[tilespmem:v56+s19+$0x0] =	vst.idx.add.f32.msk $0xffff, v25  }
0x161: {  	vm10 =	vlt.s32 v29, $0x83;
	v33 =	vor.u32 v8, v60;
	v19 =	vmul.f32 v19, v5;
	[tilespmem:v22+s19+$0x0] =	vst.idx.add.f32.msk $0xffff, v27  }
0x162: {  	v37 =	vnsel vm10, $0x83, v29;
	v35 =	vor.u32 v14, v60;
	v62 =	vmul.f32 v11, v23;
	[tilespmem:v57+s19+$0x0] =	vst.idx.add.f32.msk $0xffff, v61  }
0x163: {  	v17 =	vor.u32 v20, v60;
	v36 =	vmul.f32 v5, v23;
	v23 =	vshll.u32 v37, $0x9;
	[tilespmem:v59+s19+$0x0] =	vst.idx.add.f32.msk $0xffff, v19  }
0x164: {  	v40 =	vadd.s32 $0x1, v9;
	v9 =	vadd.s32 $0x2, v9;
	v39 =	vor.u32 v12, v23;
	[tilespmem:v24+s19+$0x0] =	vst.idx.add.f32.msk $0xffff, v62  }
0x165: {  	v38 =	vsel vm11, $0x3F800000, v3;
	v30 =	vsub.s32 v40, v2;
	v29 =	vor.u32 v13, v23;
	[tilespmem:v63+s19+$0x0] =	vst.idx.add.f32.msk $0xffff, v32  }
0x166: {  	v50 =	vsub.s32 v9, v2;
	vm12 =	vlt.s32 v30, $0x83;
	[tilespmem:v33+s19+$0x0] =	vst.idx.add.f32.msk $0xffff, v28;
	v28 =	vor.u32 v8, v23  }
0x167: {  	v44 =	vnsel vm12, $0x83, v30;
	v41 =	vmul.f32 v11, v38;
	v30 =	vor.u32 v14, v23;
	[tilespmem:v35+s19+$0x0] =	vst.idx.add.f32.msk $0xffff, v34  }
0x168: {  	v42 =	vmul.f32 v10, v38;
	v46 =	vor.u32 v20, v23;
	v22 =	vshll.u32 v44, $0x9;
	[tilespmem:v17+s19+$0x0] =	vst.idx.add.f32.msk $0xffff, v36  }
0x169: {  	vm13 =	vlt.u32 v40, $0x200;
	v43 =	vmul.f32 v38, v16;
	v48 =	vor.u32 v12, v22;
	[tilespmem:v39+s19+$0x0] =	vst.idx.add.f32.msk $0xffff, v41  }
0x16a: {  	v51 =	vsel vm13, $0x3F800000, v3;
	v45 =	vmul.f32 v18, v38;
	v49 =	vor.u32 v13, v22;
	[tilespmem:v29+s19+$0x0] =	vst.idx.add.f32.msk $0xffff, v42  }
0x16b: {  	vm14 =	vlt.s32 v50, $0x83;
	v47 =	vmul.f32 v5, v38;
	v52 =	vor.u32 v8, v22;
	[tilespmem:v28+s19+$0x0] =	vst.idx.add.f32.msk $0xffff, v43  }
0x16c: {  	v53 =	vmul.f32 v11, v51;
	v25 =	vnsel vm14, $0x83, v50;
	v54 =	vor.u32 v14, v22;
	[tilespmem:v30+s19+$0x0] =	vst.idx.add.f32.msk $0xffff, v45  }
0x16d: {  	v55 =	vmul.f32 v51, v10;
	v56 =	vshll.u32 v25, $0x9;
	v22 =	vor.u32 v20, v22;
	[tilespmem:v46+s19+$0x0] =	vst.idx.add.f32.msk $0xffff, v47  }
0x16e: {  	v7 =	vsub.f32 $5.000000000e-01, v7;
	v57 =	vmul.f32 v51, v16;
	v12 =	vor.u32 v12, v56;
	[tilespmem:v48+s19+$0x0] =	vst.idx.add.f32.msk $0xffff, v53  }
0x16f: {  	vm15 =	vlt.u32 v9, $0x200;
	v58 =	vmul.f32 v51, v18;
	v13 =	vor.u32 v13, v56;
	[tilespmem:v49+s19+$0x0] =	vst.idx.add.f32.msk $0xffff, v55  }
0x170: {  	v7 =	vnsel vm15, $0x0, v7;
	v15 =	vmul.f32 v5, v51;
	v8 =	vor.u32 v8, v56;
	[tilespmem:v52+s19+$0x0] =	vst.idx.add.f32.msk $0xffff, v57  }
0x171: {  	s25 =	sadd.s32 $0x10, s25;
	v60 =	vor.u32 v14, v56;
	v59 =	vmul.f32 v7, v11;
	[tilespmem:v54+s19+$0x0] =	vst.idx.add.f32.msk $0xffff, v58  }
0x172: {  	p0 =	slt.s32 s25, s28;
	v10 =	vmul.f32 v7, v10;
	v61 =	vor.u32 v20, v56;
	[tilespmem:v22+s19+$0x0] =	vst.idx.add.f32.msk $0xffff, v15  }
.Ltmp8:
0x173: {  	v62 =	vmul.f32 v7, v16;
	[tilespmem:v12+s19+$0x0] =	vst.idx.add.f32.msk $0xffff, v59;
	(pc) =	sbr.rel @p0 .LBB2_11-.Ltmp8, $4  }
0x174: {  	v63 =	vmul.f32 v7, v18;
	[tilespmem:v13+s19+$0x0] =	vst.idx.add.f32.msk $0xffff, v10  }
0x175: {  	v5 =	vmul.f32 v7, v5;
	[tilespmem:v8+s19+$0x0] =	vst.idx.add.f32.msk $0xffff, v62  }
0x176: {  	[tilespmem:v60+s19+$0x0] =	vst.idx.add.f32.msk $0xffff, v63  }
0x177: {  	s26 =	sadd.s32 $0x10, s26;
	s29 =	sadd.s32 $0x10, s29;
	[tilespmem:v61+s19+$0x0] =	vst.idx.add.f32.msk $0xffff, v5  }
.LBB2_12:
0x178: {  	_ =	swait.ge [sflag:s20], $0x2000  }
0x179: {  	[sflag:s20] =	ssyncset.done $0x0  }
0x17a: {  	[sflag:s20] =	ssyncadd.s32 $0xFFFFE000  }
0x17b: {  	_ =	swait.ge [sflag:s20], $0x2000  }
0x17c: {  	[sflag:s20] =	ssyncset.done $0x0  }
0x17d: {  	[sflag:s20] =	ssyncadd.s32 $0xFFFFE000  }
0x17e: {  	[tilespmem:s2], [sflag:$0x1] =	stream.linear.gather [hbm4b:s7+s2], $0x2000, $0x38;
	[tilespmem:$0x1C900] =	vst v63  }
0x17f: {  	s25 =	simm.s32 $0x6000  }
0x180: {  	[tilespmem:s13], [sflag:$0x1] =	stream.linear.gather [hbm4b:s8+s2], $0x2000, $0x38;
	[tilespmem:$0x1C900] =	vst v63  }
0x181: {  	v7 =	vld [tilespmem:s25+$0x0];
	_ =	sdelay $0x4  }
0x182: {  	v5 =	vtrunc.f32 v7  }
0x183: {  	s29 =	simm.s32 $0x6010;
	v5 =	vcvt.f32.s32 v5  }
0x184: {  	v8 =	vld [tilespmem:s29+$0x0]  }
0x185: {  	v9 =	vcvt.s32.f32 v5;
	_ =	sdelay $0x1  }
0x186: {  	v9 =	vsub.f32 v7, v9;
	_ =	sdelay $0x1  }
0x187: {  	v10 =	vtrunc.f32 v8;
	vm0 =	vge.f32 v9, $5.000000000e-01  }
0x188: {  	v10 =	vcvt.f32.s32 v10;
	v9 =	vsel vm0, $0x1, v4  }
0x189: {  	v5 =	vadd.s32 v5, v9  }
0x18a: {  	v11 =	vcvt.s32.f32 v10;
	vm0 =	vlt.s32 v5, $0x1FF  }
0x18b: {  	s30 =	simm.s32 $0x6020;
	v5 =	vnsel vm0, $0x1FF, v5  }
0x18c: {  	v11 =	vsub.f32 v8, v11;
	v9 =	vld [tilespmem:s30+$0x0];
	v5 =	vshrl.u32 v5, $0x7  }
0x18d: {  	vm0 =	veq.s32 v5, v1  }
0x18e: {  	vm1 =	vge.f32 v11, $5.000000000e-01;
	v5 =	vsel vm0, $0x1, v4  }
0x18f: {  	(xrf0) =	vadd.scan.msk.s32 $0xffff, v5;
	v5 =	vsel vm1, $0x1, v4  }
0x190: {  	v5 =	vadd.s32 v10, v5  }
0x191: {  	v11 =	vtrunc.f32 v9;
	vm1 =	vlt.s32 v5, $0x1FF  }
0x192: {  	s31 =	simm.s32 $0x6030;
	v15 =	vcvt.f32.s32 v11;
	v5 =	vnsel vm1, $0x1FF, v5  }
0x193: {  	v10 =	vld [tilespmem:s31+$0x0];
	v5 =	vshrl.u32 v5, $0x7  }
0x194: {  	v11 =	vcvt.s32.f32 v15;
	_ =	sdelay $0x1  }
0x195: {  	v12 =	vimm.s32 $0x0;
	v11 =	vsub.f32 v9, v11;
	vm1 =	veq.s32 v5, v1;
	v5, _, _ =	vpop (xrf0)  }
0x196: {  	s25 =	simm.s32 $0x4000;
	v13 =	vsel vm1, $0x1, v4;
	v5 =	vadd.s32 v5, v12  }
0x197: {  	vm2 =	vge.f32 v11, $5.000000000e-01;
	v14 =	vtrunc.f32 v10;
	(xrf0) =	vadd.scan.msk.s32 $0xffff, v13;
	v13 =	vld [tilespmem:s25+$0x0];
	v11 =	vadd.s32 $0xFFFFFFFF, v5  }
0x198: {  	vm0 =	vmmov vm0;
	v14 =	vcvt.f32.s32 v14;
	v5 =	vsel vm2, $0x1, v4  }
0x199: {  	s26 =	simm.s32 $0x30;
	s28 =	simm.s32 $0x6040;
	vm0 =	vmmov vm0;
	vm1 =	vmmov vm1;
	v15 =	vadd.s32 v15, v5  }
.LBB2_13:
0x19a: {  	v5 =	vld [tilespmem:s28+$0x0];
	v16 =	vcvt.s32.f32 v14;
	vm2 =	vlt.s32 v15, $0x1FF;
	v17 =	vmov v14  }
0x19b: {  	s26 =	sadd.s32 $0x10, s26;
	v14 =	vnsel vm2, $0x1FF, v15;
	v15 =	vmpcnt.ones.xlane vm0  }
0x19c: {  	p0 =	slt.u32 s26, $0x1FF0;
	v16 =	vsub.f32 v10, v16;
	v14 =	vshrl.u32 v14, $0x7;
	[tilespmem:v11+s17+$0x0] =	vst.idx.msk vm0, v13  }
.Ltmp9:
0x19d: {  	vm2 =	veq.s32 v14, v1;
	v13, _, _ =	vpop (xrf0);
	[tilespmem:v11+s18+$0x0] =	vst.idx.msk vm0, v7;
	v12 =	vadd.s32 v12, v15;
	v7 =	vmov v8;
	(pc) =	sbr.rel @p0 .LBB2_13-.Ltmp9, $4  }
0x19e: {  	s25 =	sadd.s32 $0x10, s25;
	v8 =	vmovc v9;
	v9 =	vmovc v10;
	vm0 =	vmmov vm1;
	v11 =	vsel vm2, $0x1, v4;
	v14 =	vadd.s32 v13, v12  }
0x19f: {  	vm1 =	vge.f32 v16, $5.000000000e-01;
	v15 =	vtrunc.f32 v5;
	(xrf0) =	vadd.scan.msk.s32 $0xffff, v11;
	v13 =	vld [tilespmem:s25+$0x0];
	v11 =	vadd.s32 $0xFFFFFFFF, v14;
	v10 =	vmovc v5  }
0x1a0: {  	v5 =	vsel vm1, $0x1, v4;
	vm1 =	vmmov vm2;
	v14 =	vcvt.f32.s32 v15  }
0x1a1: {  	s28 =	sadd.s32 $0x10, s28;
	v15 =	vadd.s32 v17, v5  }
0x1a2: {  	v5 =	vcvt.s32.f32 v14;
	_ =	sdelay $0x1  }
0x1a3: {  	v5 =	vsub.f32 v10, v5;
	_ =	sdelay $0x1  }
0x1a4: {  	vm2 =	vge.f32 v5, $5.000000000e-01  }
0x1a5: {  	v5 =	vsel vm2, $0x1, v4  }
0x1a6: {  	vm13 =	vlt.s32 v15, $0x1FF;
	v5 =	vadd.s32 v14, v5  }
0x1a7: {  	v54 =	vnsel vm13, $0x1FF, v15;
	vm14 =	vlt.s32 v5, $0x1FF  }
0x1a8: {  	v14 =	vshrl.u32 v54, $0x7;
	v5 =	vnsel vm14, $0x1FF, v5  }
0x1a9: {  	v55 =	vmpcnt.ones.xlane vm0;
	vm4 =	veq.s32 v14, v1;
	v5 =	vshrl.u32 v5, $0x7  }
0x1aa: {  	vm1 =	vmmov vm1;
	vm15 =	vmmov vm4;
	vm5 =	veq.s32 v5, v1  }
0x1ab: {  	vm2 =	vmmov vm15;
	v5 =	vmpcnt.ones.xlane vm1;
	vm3 =	vmmov vm5  }
0x1ac: {  	v12 =	vadd.s32 v12, v55;
	v56 =	vmpcnt.ones.xlane vm2;
	vm3 =	vmmov vm3  }
0x1ad: {  	v5 =	vadd.s32 v12, v5;
	v57 =	vmpcnt.ones.xlane vm3  }
0x1ae: {  	v14 =	vadd.s32 v5, v56  }
0x1af: {  	v15 =	vadd.s32 v14, v57  }
0x1b0: {  	(v2sf) =	vpush v15, $0x0;
	_ =	sdelay $0x2  }
0x1b1: {  	v16 =	vsel vm4, $0x1, v4  }
0x1b2: {  	(xrf0) =	vadd.scan.msk.s32 $0xffff, v16  }
0x1b3: {  	v58 =	vsel vm5, $0x1, v4  }
0x1b4: {  	(xrf0) =	vadd.scan.msk.s32 $0xffff, v58;
	_ =	sdelay $0x1  }
0x1b5: {  	v59, _, _ =	vpop (xrf0)  }
0x1b6: {  	s25 =	sadd.s32 $0x10, s25;
	v12 =	vadd.s32 v59, v12  }
0x1b7: {  	v17 =	vld [tilespmem:s25+$0x0];
	v12 =	vadd.s32 $0xFFFFFFFF, v12;
	v60, _, _ =	vpop (xrf0)  }
0x1b8: {  	s25 =	sadd.s32 $0x10, s25;
	v5 =	vadd.s32 v60, v5  }
0x1b9: {  	v61 =	vld [tilespmem:s25+$0x0];
	v5 =	vadd.s32 $0xFFFFFFFF, v5;
	v18, _, _ =	vpop (xrf0)  }
0x1ba: {  	[tilespmem:v11+s17+$0x0] =	vst.idx.msk vm0, v13;
	s25 =	sadd.s32 $0x10, s25;
	v62 =	vadd.s32 v18, v14  }
0x1bb: {  	[tilespmem:v11+s18+$0x0] =	vst.idx.msk vm0, v7;
	v7 =	vld [tilespmem:s25+$0x0];
	v63 =	vadd.s32 $0xFFFFFFFF, v62  }
0x1bc: {  	[tilespmem:v12+s17+$0x0] =	vst.idx.msk vm1, v17;
	s31 =	spop (v2sf)  }
0x1bd: {  	[tilespmem:v12+s18+$0x0] =	vst.idx.msk vm1, v8;
	v8 =	vadd.s32 v31, v15;
	s26 =	sadd.s32 $0xF, s31  }
0x1be: {  	[tilespmem:v5+s17+$0x0] =	vst.idx.msk vm2, v61;
	p0 =	slt.s32 s26, $0x20  }
.Ltmp10:
0x1bf: {  	[tilespmem:v5+s18+$0x0] =	vst.idx.msk vm2, v9;
	(pc) =	sbr.rel @p0 .LBB2_18-.Ltmp10, $4  }
0x1c0: {  	[tilespmem:v63+s17+$0x0] =	vst.idx.msk vm3, v7  }
0x1c1: {  	[tilespmem:v63+s18+$0x0] =	vst.idx.msk vm3, v10  }
0x1c2: {  	[tilespmem:v8+s17+$0x0] =	vst.idx.msk $0xffff, v6  }
0x1c3: {  	[tilespmem:v8+s18+$0x0] =	vst.idx.msk $0xffff, v0;
	s25 =	sand.u32 $0xFFFFFFE0, s26  }
0x1c4: {  	s29 =	simm.s32 $0x8010  }
0x1c5: {  	s28 =	simm.s32 $0xA090;
	v5 =	vld [tilespmem:s29+$0x0]  }
0x1c6: {  	v10 =	vld [tilespmem:s28+$0x0];
	_ =	sdelay $0x1  }
0x1c7: {  	v8 =	vld [tilespmem:s28+$0xFFFFFFF0];
	_ =	sdelay $0x1  }
0x1c8: {  	v7 =	vld [tilespmem:s29+$0xFFFFFFF0];
	v9 =	vtrunc.f32 v5  }
0x1c9: {  	v11 =	vcvt.f32.s32 v9;
	v9 =	vtrunc.f32 v10  }
0x1ca: {  	v12 =	vcvt.f32.s32 v9  }
0x1cb: {  	v13 =	vtrunc.f32 v8  }
0x1cc: {  	v9 =	vcvt.s32.f32 v11;
	v14 =	vcvt.s32.f32 v12  }
0x1cd: {  	v15 =	vtrunc.f32 v7;
	v13 =	vcvt.f32.s32 v13  }
0x1ce: {  	v16 =	vsub.f32 v5, v9;
	v9 =	vcvt.f32.s32 v15;
	v14 =	vsub.f32 v10, v14  }
0x1cf: {  	v15 =	vcvt.s32.f32 v13  }
0x1d0: {  	vm0 =	vge.f32 v16, $5.000000000e-01;
	v16 =	vcvt.s32.f32 v9;
	vm12 =	vge.f32 v14, $5.000000000e-01  }
0x1d1: {  	v17 =	vsel vm0, $0x1, v4;
	v14 =	vsub.f32 v8, v15;
	v15 =	vsel vm12, $0x1, v4  }
0x1d2: {  	v11 =	vadd.s32 v11, v17;
	v16 =	vsub.f32 v7, v16;
	v12 =	vadd.s32 v12, v15  }
0x1d3: {  	vm13 =	vlt.u32 v11, $0x200;
	v15 =	vand.u32 $0x1FF, v11;
	v17 =	vadd.s32 $0xFFFFFFFE, v11  }
0x1d4: {  	v18 =	vadd.s32 $0xFFFFFFFF, v11;
	v19 =	vadd.s32 $0x1, v11;
	v20 =	vcvt.s32.f32 v11  }
0x1d5: {  	v11 =	vadd.s32 $0x2, v11;
	vm12 =	vge.f32 v14, $5.000000000e-01;
	v21 =	vcvt.s32.f32 v12  }
0x1d6: {  	v22 =	vadd.s32 $0xFFFFFFFE, v12;
	v23 =	vadd.s32 $0xFFFFFFFF, v12;
	v24 =	vsub.s32 v12, v2  }
0x1d7: {  	v25 =	vsel vm13, $0x3F800000, v3;
	v26 =	vadd.s32 $0x1, v12;
	v27 =	vadd.s32 $0x2, v12  }
0x1d8: {  	vm4 =	vlt.u32 v17, $0x200;
	vm5 =	vlt.u32 v18, $0x200;
	vm3 =	vlt.u32 v19, $0x200  }
0x1d9: {  	vm1 =	vlt.u32 v11, $0x200;
	v17 =	vand.u32 $0x1FF, v17;
	v18 =	vand.u32 $0x1FF, v18  }
0x1da: {  	v19 =	vand.u32 $0x1FF, v19;
	v11 =	vand.u32 $0x1FF, v11;
	vm13 =	vge.f32 v16, $5.000000000e-01  }
0x1db: {  	v16 =	vsel vm12, $0x1, v4;
	vm6 =	vlt.u32 v22, $0x200;
	vm14 =	vlt.u32 v23, $0x200  }
0x1dc: {  	v22 =	vsub.s32 v22, v2;
	vm2 =	vlt.s32 v24, $0x83;
	v23 =	vsub.s32 v23, v2  }
0x1dd: {  	v5 =	vsub.f32 v20, v5;
	v31 =	vsel vm5, $0x3F800000, v3;
	v37 =	vsel vm3, $0x3F800000, v3  }
0x1de: {  	vm9 =	vlt.u32 v26, $0x200;
	vm11 =	vlt.u32 v27, $0x200;
	v13 =	vadd.s32 v13, v16  }
0x1df: {  	vm7 =	vlt.s32 v22, $0x83;
	v10 =	vsub.f32 v21, v10;
	v21 =	vsub.s32 v26, v2  }
0x1e0: {  	vm15 =	vlt.s32 v23, $0x83;
	v42 =	vsel vm14, $0x3F800000, v3;
	v24 =	vnsel vm2, $0x83, v24  }
0x1e1: {  	v57 =	vsel vm9, $0x3F800000, v3;
	v20 =	vnsel vm7, $0x83, v22;
	v22 =	vsub.s32 v27, v2  }
0x1e2: {  	v28 =	vadd.f32 $5.000000000e-01, v5;
	v23 =	vnsel vm15, $0x83, v23;
	v5 =	vsub.f32 $5.000000000e-01, v5  }
0x1e3: {  	v46 =	vmul.f32 v42, v31;
	v24 =	vshll.u32 v24, $0x9;
	v47 =	vmul.f32 v42, v25  }
0x1e4: {  	vm7 =	vlt.u32 v12, $0x200;
	v48 =	vmul.f32 v42, v37;
	vm8 =	vlt.s32 v21, $0x83  }
0x1e5: {  	v27 =	vmul.f32 v57, v31;
	v14 =	vmul.f32 v57, v25;
	v20 =	vshll.u32 v20, $0x9  }
0x1e6: {  	v29 =	vadd.f32 $5.000000000e-01, v10;
	v23 =	vshll.u32 v23, $0x9;
	v12 =	vor.u32 v17, v24  }
0x1e7: {  	v49 =	vsel vm7, $0x3F800000, v3;
	v50 =	vor.u32 v18, v24;
	v51 =	vor.u32 v15, v24  }
0x1e8: {  	v53 =	vor.u32 v19, v24;
	v21 =	vnsel vm8, $0x83, v21;
	v24 =	vor.u32 v11, v24  }
0x1e9: {  	vm10 =	vlt.s32 v22, $0x83;
	v10 =	vsub.f32 $5.000000000e-01, v10;
	v30 =	vor.u32 v17, v20  }
0x1ea: {  	v32 =	vor.u32 v18, v20;
	v28 =	vnsel vm4, $0x0, v28;
	v33 =	vor.u32 v15, v20  }
0x1eb: {  	v35 =	vor.u32 v19, v20;
	v20 =	vor.u32 v11, v20;
	v39 =	vor.u32 v17, v23  }
0x1ec: {  	v5 =	vnsel vm1, $0x0, v5;
	v41 =	vor.u32 v18, v23;
	v43 =	vor.u32 v15, v23  }
0x1ed: {  	v45 =	vor.u32 v19, v23;
	v23 =	vor.u32 v11, v23;
	v54 =	vmul.f32 v31, v49  }
0x1ee: {  	v21 =	vshll.u32 v21, $0x9;
	v55 =	vmul.f32 v49, v25;
	v56 =	vmul.f32 v37, v49  }
0x1ef: {  	v22 =	vnsel vm10, $0x83, v22;
	v29 =	vnsel vm6, $0x0, v29;
	v44 =	vmul.f32 v28, v42  }
0x1f0: {  	v42 =	vmul.f32 v5, v42;
	v52 =	vmul.f32 v28, v49;
	v26 =	vor.u32 v17, v21  }
0x1f1: {  	v58 =	vor.u32 v18, v21;
	v49 =	vmul.f32 v5, v49;
	v59 =	vor.u32 v15, v21  }
0x1f2: {  	v60 =	vmul.f32 v28, v57;
	v61 =	vor.u32 v19, v21;
	v21 =	vor.u32 v11, v21  }
0x1f3: {  	v22 =	vshll.u32 v22, $0x9;
	v34 =	vmul.f32 v29, v28;
	v36 =	vmul.f32 v29, v31  }
0x1f4: {  	v10 =	vnsel vm11, $0x0, v10;
	v38 =	vmul.f32 v29, v25;
	v40 =	vmul.f32 v29, v37  }
0x1f5: {  	v29 =	vmul.f32 v29, v5;
	v17 =	vor.u32 v17, v22;
	v62 =	vor.u32 v18, v22  }
0x1f6: {  	v15 =	vor.u32 v15, v22;
	v63 =	vor.u32 v19, v22;
	v18 =	vmul.f32 v57, v37  }
0x1f7: {  	v11 =	vor.u32 v11, v22;
	v19 =	vmul.f32 v5, v57;
	v16 =	vmul.f32 v10, v28  }
0x1f8: {  	v22 =	vmul.f32 v10, v31;
	v28 =	vsel vm13, $0x1, v4;
	v25 =	vmul.f32 v10, v25  }
0x1f9: {  	v31 =	vmul.f32 v10, v37;
	v9 =	vadd.s32 v9, v28;
	v28 =	vcvt.s32.f32 v13  }
0x1fa: {  	v5 =	vmul.f32 v10, v5;
	v57 =	vsub.s32 v13, v2;
	v10 =	vcvt.s32.f32 v9  }
0x1fb: {  	vm9 =	vlt.s32 v57, $0x83;
	[tilespmem:v30+s19+$0x0] =	vst.idx.add.f32.msk $0xffff, v34;
	v30 =	vadd.s32 $0xFFFFFFFE, v13;
	v8 =	vsub.f32 v28, v8  }
0x1fc: {  	v28 =	vadd.s32 $0x1, v13;
	[tilespmem:v32+s19+$0x0] =	vst.idx.add.f32.msk $0xffff, v36;
	v32 =	vadd.s32 $0xFFFFFFFF, v13;
	v7 =	vsub.f32 v10, v7  }
0x1fd: {  	v10 =	vsub.s32 v30, v2;
	vm14 =	vlt.u32 v30, $0x200;
	vm12 =	vlt.u32 v28, $0x200  }
0x1fe: {  	[tilespmem:v33+s19+$0x0] =	vst.idx.add.f32.msk $0xffff, v38;
	v33 =	vadd.s32 $0x2, v13;
	v34 =	vsub.s32 v32, v2;
	vm15 =	vlt.s32 v10, $0x83  }
0x1ff: {  	vm11 =	vlt.u32 v32, $0x200;
	[tilespmem:v35+s19+$0x0] =	vst.idx.add.f32.msk $0xffff, v40;
	v35 =	vsub.s32 v33, v2;
	v30 =	vadd.f32 $5.000000000e-01, v7  }
0x200: {  	v7 =	vsub.f32 $5.000000000e-01, v7;
	v10 =	vnsel vm15, $0x83, v10;
	vm4 =	vlt.s32 v34, $0x83  }
0x201: {  	v40 =	vadd.s32 $0xFFFFFFFF, v9;
	vm13 =	vlt.u32 v33, $0x200;
	vm15 =	vlt.u32 v13, $0x200  }
0x202: {  	v13 =	vnsel vm9, $0x83, v57;
	[tilespmem:v20+s19+$0x0] =	vst.idx.add.f32.msk $0xffff, v29;
	v20 =	vadd.f32 $5.000000000e-01, v8;
	v29 =	vsub.s32 v28, v2  }
0x203: {  	v8 =	vsub.f32 $5.000000000e-01, v8;
	v34 =	vnsel vm4, $0x83, v34;
	vm6 =	vlt.s32 v35, $0x83;
	[tilespmem:v39+s19+$0x0] =	vst.idx.add.f32.msk $0xffff, v44  }
0x204: {  	vm2 =	vlt.u32 v40, $0x200;
	v28 =	vand.u32 $0x1FF, v9;
	vm5 =	vlt.s32 v29, $0x83;
	[tilespmem:v41+s19+$0x0] =	vst.idx.add.f32.msk $0xffff, v46  }
0x205: {  	v39 =	vadd.s32 $0xFFFFFFFE, v9;
	v37 =	vshll.u32 v34, $0x9;
	v29 =	vnsel vm5, $0x83, v29;
	[tilespmem:v43+s19+$0x0] =	vst.idx.add.f32.msk $0xffff, v47  }
0x206: {  	vm7 =	vlt.u32 v39, $0x200;
	v20 =	vnsel vm14, $0x0, v20;
	vm14 =	vlt.u32 v9, $0x200;
	[tilespmem:v45+s19+$0x0] =	vst.idx.add.f32.msk $0xffff, v48  }
0x207: {  	v57 =	vnsel vm13, $0x0, v8;
	v8 =	vsel vm12, $0x3F800000, v3;
	[tilespmem:v23+s19+$0x0] =	vst.idx.add.f32.msk $0xffff, v42;
	v23 =	vadd.s32 $0x1, v9  }
0x208: {  	[tilespmem:v12+s19+$0x0] =	vst.idx.add.f32.msk $0xffff, v52;
	v52 =	vadd.s32 $0x2, v9;
	v12 =	vnsel vm6, $0x83, v35;
	vm10 =	vlt.u32 v23, $0x200  }
0x209: {  	[tilespmem:v50+s19+$0x0] =	vst.idx.add.f32.msk $0xffff, v54;
	v54 =	vnsel vm7, $0x0, v30;
	vm8 =	vlt.u32 v52, $0x200;
	v30 =	vsel vm15, $0x3F800000, v3  }
0x20a: {  	[tilespmem:v51+s19+$0x0] =	vst.idx.add.f32.msk $0xffff, v55;
	v55 =	vnsel vm8, $0x0, v7;
	v7 =	vsel vm10, $0x3F800000, v3;
	v38 =	vmul.f32 v20, v54  }
0x20b: {  	[tilespmem:v53+s19+$0x0] =	vst.idx.add.f32.msk $0xffff, v56;
	v56 =	vsel vm2, $0x3F800000, v3;
	v33 =	vmul.f32 v20, v7;
	v32 =	vmul.f32 v20, v55  }
0x20c: {  	v9 =	vmul.f32 v57, v55;
	[tilespmem:v24+s19+$0x0] =	vst.idx.add.f32.msk $0xffff, v49;
	v34 =	vmul.f32 v20, v56;
	v24 =	vand.u32 $0x1FF, v40  }
0x20d: {  	v35 =	vmul.f32 v56, v30;
	[tilespmem:v26+s19+$0x0] =	vst.idx.add.f32.msk $0xffff, v60;
	v26 =	vsel vm14, $0x3F800000, v3;
	v60 =	vshll.u32 v10, $0x9  }
0x20e: {  	v10 =	vmul.f32 v57, v7;
	[tilespmem:v58+s19+$0x0] =	vst.idx.add.f32.msk $0xffff, v27;
	v58 =	vsel vm11, $0x3F800000, v3;
	v36 =	vmul.f32 v20, v26  }
0x20f: {  	v20 =	vmul.f32 v55, v30;
	v42 =	vor.u32 v24, v60;
	v43 =	vor.u32 v28, v60  }
0x210: {  	v27 =	vshll.u32 v29, $0x9;
	[tilespmem:v59+s19+$0x0] =	vst.idx.add.f32.msk $0xffff, v14;
	v29 =	vmul.f32 v54, v58;
	v41 =	vmul.f32 v58, v56  }
0x211: {  	v14 =	vand.u32 $0x1FF, v39;
	v40 =	vmul.f32 v58, v26;
	v39 =	vmul.f32 v58, v7;
	[tilespmem:v61+s19+$0x0] =	vst.idx.add.f32.msk $0xffff, v18  }
0x212: {  	p0 =	sgt.s32 s25, $0x20;
	v18 =	vshll.u32 v13, $0x9;
	v44 =	vor.u32 v14, v60;
	v13 =	vmul.f32 v57, v56;
	[tilespmem:v21+s19+$0x0] =	vst.idx.add.f32.msk $0xffff, v19  }
.Ltmp11:
0x213: {  	v19 =	vand.u32 $0x1FF, v23;
	v23 =	vmul.f32 v55, v58;
	[tilespmem:v17+s19+$0x0] =	vst.idx.add.f32.msk $0xffff, v16;
	v17 =	vmul.f32 v54, v8;
	(pc) =	sbr.rel @!p0 .LBB2_17-.Ltmp11, $4  }
0x214: {  	v21 =	vand.u32 $0x1FF, v52;
	v16 =	vmul.f32 v55, v8;
	v45 =	vor.u32 v19, v60;
	[tilespmem:v62+s19+$0x0] =	vst.idx.add.f32.msk $0xffff, v22  }
0x215: {  	v46 =	vor.u32 v21, v60;
	v22 =	vmul.f32 v54, v30;
	[tilespmem:v15+s19+$0x0] =	vst.idx.add.f32.msk $0xffff, v25  }
0x216: {  	v15 =	vmul.f32 v57, v54;
	v25 =	vmul.f32 v8, v56;
	[tilespmem:v63+s19+$0x0] =	vst.idx.add.f32.msk $0xffff, v31  }
0x217: {  	s30 =	simm.s32 $0x8030;
	s29 =	simm.s32 $0x20;
	v12 =	vshll.u32 v12, $0x9;
	v31 =	vmul.f32 v7, v30;
	[tilespmem:v11+s19+$0x0] =	vst.idx.add.f32.msk $0xffff, v5;
	v11 =	vmul.f32 v57, v26  }
.LBB2_16:
0x218: {  	v5 =	vld [tilespmem:s30+$0x0];
	v47 =	vor.u32 v14, v37;
	v48 =	vmul.f32 v8, v26;
	v49 =	vmul.f32 v8, v7;
	s28 =	sadd.s32 $0x20, s28  }
0x219: {  	v51 =	vor.u32 v24, v37;
	v52 =	vor.u32 v28, v37;
	v26 =	vmul.f32 v30, v26;
	v50 =	vld [tilespmem:s28+$0x0]  }
0x21a: {  	v30 =	vor.u32 v19, v37;
	v37 =	vor.u32 v21, v37;
	v53 =	vor.u32 v14, v27;
	v8 =	vld [tilespmem:s28+$0xFFFFFFF0]  }
0x21b: {  	v54 =	vor.u32 v24, v27;
	v55 =	vor.u32 v28, v27;
	v56 =	vor.u32 v19, v27;
	v7 =	vld [tilespmem:s30+$0xFFFFFFF0]  }
0x21c: {  	v27 =	vor.u32 v21, v27;
	v57 =	vor.u32 v14, v12;
	v58 =	vor.u32 v24, v12  }
0x21d: {  	v59 =	vtrunc.f32 v5;
	[tilespmem:v44+s19+$0x0] =	vst.idx.add.f32.msk $0xffff, v38;
	v38 =	vor.u32 v28, v12;
	v44 =	vor.u32 v19, v12  }
0x21e: {  	v59 =	vcvt.f32.s32 v59;
	v60 =	vtrunc.f32 v50;
	[tilespmem:v42+s19+$0x0] =	vst.idx.add.f32.msk $0xffff, v34;
	v34 =	vor.u32 v21, v12  }
0x21f: {  	v12 =	vtrunc.f32 v8;
	v42 =	vcvt.f32.s32 v60;
	[tilespmem:v43+s19+$0x0] =	vst.idx.add.f32.msk $0xffff, v36;
	v36 =	vor.u32 v14, v18  }
0x220: {  	v24 =	vor.u32 v24, v18;
	v14 =	vtrunc.f32 v7;
	v43 =	vcvt.s32.f32 v59;
	[tilespmem:v45+s19+$0x0] =	vst.idx.add.f32.msk $0xffff, v33  }
0x221: {  	v28 =	vor.u32 v28, v18;
	v12 =	vcvt.f32.s32 v12;
	v33 =	vcvt.s32.f32 v42;
	[tilespmem:v46+s19+$0x0] =	vst.idx.add.f32.msk $0xffff, v32  }
0x222: {  	v14 =	vcvt.f32.s32 v14;
	v32 =	vsub.f32 v5, v43;
	[tilespmem:v47+s19+$0x0] =	vst.idx.add.f32.msk $0xffff, v29;
	v29 =	vor.u32 v19, v18  }
0x223: {  	v19 =	vcvt.s32.f32 v12;
	v33 =	vsub.f32 v50, v33;
	[tilespmem:v51+s19+$0x0] =	vst.idx.add.f32.msk $0xffff, v41;
	v41 =	vor.u32 v21, v18  }
0x224: {  	v18 =	vcvt.s32.f32 v14;
	vm0 =	vge.f32 v32, $5.000000000e-01;
	[tilespmem:v52+s19+$0x0] =	vst.idx.add.f32.msk $0xffff, v40  }
0x225: {  	v19 =	vsub.f32 v8, v19;
	v21 =	vsel vm0, $0x1, v4;
	vm0 =	vge.f32 v33, $5.000000000e-01;
	[tilespmem:v30+s19+$0x0] =	vst.idx.add.f32.msk $0xffff, v39  }
0x226: {  	v18 =	vsub.f32 v7, v18;
	v30 =	vadd.s32 v59, v21;
	v21 =	vsel vm0, $0x1, v4;
	[tilespmem:v37+s19+$0x0] =	vst.idx.add.f32.msk $0xffff, v23  }
0x227: {  	v32 =	vadd.s32 v42, v21;
	vm0 =	vlt.u32 v30, $0x200;
	v21 =	vand.u32 $0x1FF, v30;
	[tilespmem:v36+s19+$0x0] =	vst.idx.add.f32.msk $0xffff, v22  }
0x228: {  	v33 =	vadd.s32 $0xFFFFFFFE, v30;
	v36 =	vadd.s32 $0xFFFFFFFF, v30;
	v37 =	vadd.s32 $0x1, v30;
	[tilespmem:v24+s19+$0x0] =	vst.idx.add.f32.msk $0xffff, v35  }
0x229: {  	v35 =	vcvt.s32.f32 v30;
	v39 =	vcvt.s32.f32 v32;
	v30 =	vadd.s32 $0x2, v30;
	[tilespmem:v28+s19+$0x0] =	vst.idx.add.f32.msk $0xffff, v26  }
0x22a: {  	v40 =	vsub.s32 v32, v2;
	v26 =	vadd.s32 $0xFFFFFFFE, v32;
	v28 =	vadd.s32 $0xFFFFFFFF, v32;
	[tilespmem:v29+s19+$0x0] =	vst.idx.add.f32.msk $0xffff, v31  }
0x22b: {  	v22 =	vsel vm0, $0x3F800000, v3;
	v23 =	vadd.s32 $0x2, v32;
	v29 =	vadd.s32 $0x1, v32;
	[tilespmem:v41+s19+$0x0] =	vst.idx.add.f32.msk $0xffff, v20  }
0x22c: {  	vm4 =	vlt.u32 v33, $0x200;
	vm6 =	vlt.u32 v36, $0x200;
	vm3 =	vlt.u32 v37, $0x200;
	[tilespmem:v53+s19+$0x0] =	vst.idx.add.f32.msk $0xffff, v17  }
0x22d: {  	vm2 =	vlt.u32 v30, $0x200;
	vm5 =	vlt.u32 v26, $0x200;
	vm0 =	vlt.u32 v28, $0x200;
	[tilespmem:v54+s19+$0x0] =	vst.idx.add.f32.msk $0xffff, v25  }
0x22e: {  	v24 =	vand.u32 $0x1FF, v36;
	v20 =	vand.u32 $0x1FF, v37;
	v25 =	vand.u32 $0x1FF, v33;
	[tilespmem:v55+s19+$0x0] =	vst.idx.add.f32.msk $0xffff, v48  }
0x22f: {  	vm1 =	vlt.s32 v40, $0x83;
	v26 =	vsub.s32 v26, v2;
	v17 =	vand.u32 $0x1FF, v30;
	[tilespmem:v56+s19+$0x0] =	vst.idx.add.f32.msk $0xffff, v49  }
0x230: {  	v28 =	vsub.s32 v28, v2;
	vm7 =	vlt.s32 v26, $0x83;
	v30 =	vsub.s32 v29, v2;
	[tilespmem:v27+s19+$0x0] =	vst.idx.add.f32.msk $0xffff, v16  }
0x231: {  	v5 =	vsub.f32 v35, v5;
	v26 =	vnsel vm7, $0x83, v26;
	v16 =	vsub.f32 v39, v50;
	[tilespmem:v57+s19+$0x0] =	vst.idx.add.f32.msk $0xffff, v15  }
0x232: {  	vm7 =	vlt.s32 v28, $0x83;
	v15 =	vshll.u32 v26, $0x9;
	v26 =	vsub.s32 v23, v2;
	[tilespmem:v58+s19+$0x0] =	vst.idx.add.f32.msk $0xffff, v13  }
0x233: {  	v13 =	vadd.f32 $5.000000000e-01, v5;
	v27 =	vadd.f32 $5.000000000e-01, v16;
	v31 =	vor.u32 v25, v15;
	[tilespmem:v38+s19+$0x0] =	vst.idx.add.f32.msk $0xffff, v11  }
0x234: {  	v28 =	vnsel vm7, $0x83, v28;
	v33 =	vor.u32 v24, v15;
	v11 =	vsel vm6, $0x3F800000, v3;
	[tilespmem:v44+s19+$0x0] =	vst.idx.add.f32.msk $0xffff, v10  }
0x235: {  	v10 =	vnsel vm4, $0x0, v13;
	v13 =	vnsel vm5, $0x0, v27;
	v27 =	vor.u32 v21, v15;
	[tilespmem:v34+s19+$0x0] =	vst.idx.add.f32.msk $0xffff, v9  }
0x236: {  	v5 =	vsub.f32 $5.000000000e-01, v5;
	v9 =	vmul.f32 v13, v10;
	v34 =	vor.u32 v20, v15  }
0x237: {  	s29 =	sadd.s32 $0x20, s29;
	v28 =	vshll.u32 v28, $0x9;
	v35 =	vmul.f32 v13, v11;
	v15 =	vor.u32 v17, v15  }
0x238: {  	p0 =	slt.s32 s29, s25;
	v36 =	vsel vm3, $0x3F800000, v3;
	[tilespmem:v31+s19+$0x0] =	vst.idx.add.f32.msk $0xffff, v9;
	v9 =	vmul.f32 v13, v22;
	v31 =	vor.u32 v25, v28  }
0x239: {  	v5 =	vnsel vm2, $0x0, v5;
	[tilespmem:v33+s19+$0x0] =	vst.idx.add.f32.msk $0xffff, v35;
	v33 =	vmul.f32 v13, v36;
	v35 =	vor.u32 v24, v28  }
0x23a: {  	[tilespmem:v27+s19+$0x0] =	vst.idx.add.f32.msk $0xffff, v9;
	v9 =	vmul.f32 v13, v5;
	v13 =	vsel vm0, $0x3F800000, v3;
	v27 =	vor.u32 v21, v28  }
0x23b: {  	v37 =	vnsel vm1, $0x83, v40;
	[tilespmem:v34+s19+$0x0] =	vst.idx.add.f32.msk $0xffff, v33;
	v33 =	vmul.f32 v10, v13;
	v34 =	vor.u32 v20, v28  }
0x23c: {  	[tilespmem:v15+s19+$0x0] =	vst.idx.add.f32.msk $0xffff, v9;
	v9 =	vmul.f32 v13, v11;
	v15 =	vor.u32 v17, v28;
	v28 =	vshll.u32 v37, $0x9  }
0x23d: {  	vm0 =	vlt.u32 v32, $0x200;
	[tilespmem:v31+s19+$0x0] =	vst.idx.add.f32.msk $0xffff, v33;
	v31 =	vmul.f32 v13, v22;
	v32 =	vor.u32 v25, v28  }
0x23e: {  	v33 =	vsel vm0, $0x3F800000, v3;
	[tilespmem:v35+s19+$0x0] =	vst.idx.add.f32.msk $0xffff, v9;
	v9 =	vmul.f32 v13, v36;
	v35 =	vor.u32 v24, v28  }
0x23f: {  	vm0 =	vlt.s32 v30, $0x83;
	v13 =	vmul.f32 v5, v13;
	[tilespmem:v27+s19+$0x0] =	vst.idx.add.f32.msk $0xffff, v31;
	v27 =	vor.u32 v21, v28  }
0x240: {  	v30 =	vnsel vm0, $0x83, v30;
	v31 =	vor.u32 v20, v28;
	[tilespmem:v34+s19+$0x0] =	vst.idx.add.f32.msk $0xffff, v9;
	v9 =	vmul.f32 v10, v33  }
0x241: {  	[tilespmem:v15+s19+$0x0] =	vst.idx.add.f32.msk $0xffff, v13;
	v13 =	vmul.f32 v11, v33;
	v15 =	vor.u32 v17, v28;
	v28 =	vshll.u32 v30, $0x9  }
0x242: {  	vm0 =	vlt.u32 v29, $0x200;
	[tilespmem:v32+s19+$0x0] =	vst.idx.add.f32.msk $0xffff, v9;
	v9 =	vmul.f32 v33, v22;
	v29 =	vor.u32 v25, v28  }
0x243: {  	v30 =	vsel vm0, $0x3F800000, v3;
	v32 =	vor.u32 v24, v28;
	[tilespmem:v35+s19+$0x0] =	vst.idx.add.f32.msk $0xffff, v13;
	v13 =	vmul.f32 v36, v33  }
0x244: {  	vm0 =	vlt.s32 v26, $0x83;
	[tilespmem:v27+s19+$0x0] =	vst.idx.add.f32.msk $0xffff, v9;
	v9 =	vmul.f32 v5, v33;
	v27 =	vor.u32 v21, v28  }
0x245: {  	v26 =	vnsel vm0, $0x83, v26;
	[tilespmem:v31+s19+$0x0] =	vst.idx.add.f32.msk $0xffff, v13;
	v13 =	vmul.f32 v10, v30;
	v31 =	vor.u32 v20, v28  }
0x246: {  	v26 =	vshll.u32 v26, $0x9;
	[tilespmem:v15+s19+$0x0] =	vst.idx.add.f32.msk $0xffff, v9;
	v9 =	vmul.f32 v30, v11;
	v15 =	vor.u32 v17, v28  }
0x247: {  	v16 =	vsub.f32 $5.000000000e-01, v16;
	v25 =	vor.u32 v25, v26;
	[tilespmem:v29+s19+$0x0] =	vst.idx.add.f32.msk $0xffff, v13;
	v13 =	vmul.f32 v30, v22  }
0x248: {  	vm0 =	vlt.u32 v23, $0x200;
	v23 =	vor.u32 v24, v26;
	[tilespmem:v32+s19+$0x0] =	vst.idx.add.f32.msk $0xffff, v9;
	v9 =	vmul.f32 v30, v36  }
0x249: {  	v16 =	vnsel vm0, $0x0, v16;
	v21 =	vor.u32 v21, v26;
	[tilespmem:v27+s19+$0x0] =	vst.idx.add.f32.msk $0xffff, v13;
	v13 =	vmul.f32 v5, v30  }
0x24a: {  	vm0 =	vge.f32 v19, $5.000000000e-01;
	[tilespmem:v31+s19+$0x0] =	vst.idx.add.f32.msk $0xffff, v9;
	v9 =	vmul.f32 v16, v10;
	v10 =	vor.u32 v20, v26  }
0x24b: {  	vm1 =	vge.f32 v18, $5.000000000e-01;
	v11 =	vmul.f32 v16, v11;
	[tilespmem:v15+s19+$0x0] =	vst.idx.add.f32.msk $0xffff, v13;
	v13 =	vor.u32 v17, v26  }
0x24c: {  	v15 =	vsel vm1, $0x1, v4;
	v17 =	vsel vm0, $0x1, v4;
	[tilespmem:v25+s19+$0x0] =	vst.idx.add.f32.msk $0xffff, v9;
	v9 =	vmul.f32 v16, v22  }
0x24d: {  	v12 =	vadd.s32 v12, v17;
	[tilespmem:v23+s19+$0x0] =	vst.idx.add.f32.msk $0xffff, v11;
	v11 =	vmul.f32 v16, v36  }
0x24e: {  	v5 =	vmul.f32 v16, v5;
	v15 =	vadd.s32 v14, v15;
	v14 =	vcvt.s32.f32 v12;
	[tilespmem:v21+s19+$0x0] =	vst.idx.add.f32.msk $0xffff, v9  }
0x24f: {  	v16 =	vadd.s32 $0xFFFFFFFE, v12;
	v17 =	vadd.s32 $0xFFFFFFFF, v12;
	v9 =	vcvt.s32.f32 v15;
	[tilespmem:v10+s19+$0x0] =	vst.idx.add.f32.msk $0xffff, v11  }
0x250: {  	v8 =	vsub.f32 v14, v8;
	v10 =	vadd.s32 $0x1, v12;
	v11 =	vadd.s32 $0x2, v12;
	[tilespmem:v13+s19+$0x0] =	vst.idx.add.f32.msk $0xffff, v5  }
0x251: {  	v5 =	vsub.f32 v9, v7;
	v7 =	vsub.s32 v16, v2;
	v9 =	vsub.s32 v17, v2  }
0x252: {  	v14 =	vsub.s32 v10, v2;
	v18 =	vsub.s32 v11, v2;
	v13 =	vadd.f32 $5.000000000e-01, v8  }
0x253: {  	v20 =	vsub.s32 v12, v2;
	v19 =	vadd.f32 $5.000000000e-01, v5;
	v5 =	vsub.f32 $5.000000000e-01, v5  }
0x254: {  	v22 =	vadd.s32 $0xFFFFFFFF, v15;
	v21 =	vadd.s32 $0xFFFFFFFE, v15;
	v8 =	vsub.f32 $5.000000000e-01, v8  }
0x255: {  	v23 =	vadd.s32 $0x1, v15;
	v25 =	vadd.s32 $0x2, v15;
	vm0 =	vlt.s32 v7, $0x83  }
0x256: {  	vm1 =	vlt.s32 v9, $0x83;
	vm2 =	vlt.s32 v14, $0x83;
	vm3 =	vlt.s32 v18, $0x83  }
0x257: {  	vm5 =	vlt.u32 v22, $0x200;
	vm6 =	vlt.s32 v20, $0x83;
	vm4 =	vlt.u32 v21, $0x200  }
0x258: {  	vm7 =	vlt.u32 v23, $0x200;
	vm8 =	vlt.u32 v25, $0x200;
	vm9 =	vlt.u32 v16, $0x200  }
0x259: {  	vm10 =	vlt.u32 v17, $0x200;
	vm11 =	vlt.u32 v10, $0x200;
	vm12 =	vlt.u32 v11, $0x200  }
0x25a: {  	vm13 =	vlt.u32 v15, $0x200;
	v10 =	vnsel vm0, $0x83, v7;
	vm0 =	vlt.u32 v12, $0x200  }
0x25b: {  	v9 =	vnsel vm1, $0x83, v9;
	v11 =	vnsel vm2, $0x83, v14;
	v12 =	vnsel vm3, $0x83, v18  }
0x25c: {  	v13 =	vnsel vm9, $0x0, v13;
	v31 =	vnsel vm4, $0x0, v19;
	v5 =	vnsel vm8, $0x0, v5  }
0x25d: {  	v47 =	vsel vm5, $0x3F800000, v3;
	v14 =	vnsel vm6, $0x83, v20;
	v35 =	vnsel vm12, $0x0, v8  }
0x25e: {  	v39 =	vsel vm10, $0x3F800000, v3;
	v7 =	vsel vm7, $0x3F800000, v3;
	v8 =	vsel vm11, $0x3F800000, v3  }
0x25f: {  	v26 =	vsel vm13, $0x3F800000, v3;
	v46 =	vshll.u32 v10, $0x9;
	v30 =	vsel vm0, $0x3F800000, v3  }
0x260: {  	v37 =	vshll.u32 v9, $0x9;
	v27 =	vshll.u32 v11, $0x9;
	v12 =	vshll.u32 v12, $0x9  }
0x261: {  	v18 =	vshll.u32 v14, $0x9;
	v34 =	vmul.f32 v13, v47;
	v38 =	vmul.f32 v13, v31  }
0x262: {  	v14 =	vand.u32 $0x1FF, v21;
	v36 =	vmul.f32 v13, v26;
	v33 =	vmul.f32 v13, v7  }
0x263: {  	v24 =	vand.u32 $0x1FF, v22;
	v32 =	vmul.f32 v13, v5;
	v29 =	vmul.f32 v31, v39  }
0x264: {  	v19 =	vand.u32 $0x1FF, v23;
	v23 =	vmul.f32 v5, v39;
	v22 =	vmul.f32 v31, v30  }
0x265: {  	v21 =	vand.u32 $0x1FF, v25;
	v20 =	vmul.f32 v5, v30;
	v17 =	vmul.f32 v31, v8  }
0x266: {  	v28 =	vand.u32 $0x1FF, v15;
	v16 =	vmul.f32 v5, v8;
	v15 =	vmul.f32 v35, v31  }
.Ltmp12:
0x267: {  	v44 =	vor.u32 v14, v46;
	v11 =	vmul.f32 v35, v26;
	v13 =	vmul.f32 v35, v47;
	(pc) =	sbr.rel @p0 .LBB2_16-.Ltmp12, $4  }
0x268: {  	v42 =	vor.u32 v24, v46;
	v10 =	vmul.f32 v35, v7;
	v9 =	vmul.f32 v35, v5  }
0x269: {  	v41 =	vmul.f32 v39, v47;
	v40 =	vmul.f32 v39, v26;
	v43 =	vor.u32 v28, v46  }
0x26a: {  	v45 =	vor.u32 v19, v46;
	v39 =	vmul.f32 v39, v7;
	v35 =	vmul.f32 v47, v30  }
0x26b: {  	s30 =	sadd.s32 $0x20, s30;
	v25 =	vmul.f32 v8, v47;
	v46 =	vor.u32 v21, v46;
	v31 =	vmul.f32 v7, v30  }
.LBB2_17:
0x26c: {  	_ =	sdelay $0x3  }
0x26d: {  	v5 =	vor.u32 v14, v37;
	[tilespmem:v44+s19+$0x0] =	vst.idx.add.f32.msk $0xffff, v38  }
0x26e: {  	v50 =	vor.u32 v24, v37;
	[tilespmem:v42+s19+$0x0] =	vst.idx.add.f32.msk $0xffff, v34  }
0x26f: {  	v51 =	vor.u32 v28, v37;
	[tilespmem:v43+s19+$0x0] =	vst.idx.add.f32.msk $0xffff, v36  }
0x270: {  	v52 =	vor.u32 v19, v37;
	[tilespmem:v45+s19+$0x0] =	vst.idx.add.f32.msk $0xffff, v33  }
0x271: {  	v53 =	vor.u32 v21, v37;
	[tilespmem:v46+s19+$0x0] =	vst.idx.add.f32.msk $0xffff, v32  }
0x272: {  	v54 =	vor.u32 v14, v18;
	[tilespmem:v5+s19+$0x0] =	vst.idx.add.f32.msk $0xffff, v29  }
0x273: {  	v5 =	vor.u32 v24, v18;
	[tilespmem:v50+s19+$0x0] =	vst.idx.add.f32.msk $0xffff, v41  }
0x274: {  	v29 =	vor.u32 v28, v18;
	[tilespmem:v51+s19+$0x0] =	vst.idx.add.f32.msk $0xffff, v40  }
0x275: {  	v55 =	vor.u32 v19, v18;
	[tilespmem:v52+s19+$0x0] =	vst.idx.add.f32.msk $0xffff, v39  }
0x276: {  	v56 =	vor.u32 v21, v18;
	[tilespmem:v53+s19+$0x0] =	vst.idx.add.f32.msk $0xffff, v23  }
0x277: {  	v57 =	vmul.f32 v30, v26;
	v30 =	vor.u32 v14, v27;
	[tilespmem:v54+s19+$0x0] =	vst.idx.add.f32.msk $0xffff, v22  }
0x278: {  	v58 =	vor.u32 v24, v27;
	[tilespmem:v5+s19+$0x0] =	vst.idx.add.f32.msk $0xffff, v35  }
0x279: {  	v5 =	vor.u32 v28, v27;
	[tilespmem:v29+s19+$0x0] =	vst.idx.add.f32.msk $0xffff, v57  }
0x27a: {  	v59 =	vor.u32 v19, v27;
	[tilespmem:v55+s19+$0x0] =	vst.idx.add.f32.msk $0xffff, v31  }
0x27b: {  	v60 =	vor.u32 v21, v27;
	[tilespmem:v56+s19+$0x0] =	vst.idx.add.f32.msk $0xffff, v20  }
0x27c: {  	v61 =	vmul.f32 v8, v26;
	v62 =	vor.u32 v14, v12;
	[tilespmem:v30+s19+$0x0] =	vst.idx.add.f32.msk $0xffff, v17  }
0x27d: {  	v7 =	vmul.f32 v8, v7;
	v8 =	vor.u32 v24, v12;
	[tilespmem:v58+s19+$0x0] =	vst.idx.add.f32.msk $0xffff, v25  }
0x27e: {  	v63 =	vor.u32 v28, v12;
	[tilespmem:v5+s19+$0x0] =	vst.idx.add.f32.msk $0xffff, v61  }
0x27f: {  	v5 =	vor.u32 v19, v12;
	[tilespmem:v59+s19+$0x0] =	vst.idx.add.f32.msk $0xffff, v7  }
0x280: {  	v7 =	vor.u32 v21, v12;
	[tilespmem:v60+s19+$0x0] =	vst.idx.add.f32.msk $0xffff, v16  }
0x281: {  	[tilespmem:v62+s19+$0x0] =	vst.idx.add.f32.msk $0xffff, v15  }
0x282: {  	[tilespmem:v8+s19+$0x0] =	vst.idx.add.f32.msk $0xffff, v13  }
0x283: {  	[tilespmem:v63+s19+$0x0] =	vst.idx.add.f32.msk $0xffff, v11  }
0x284: {  	[tilespmem:v5+s19+$0x0] =	vst.idx.add.f32.msk $0xffff, v10  }
0x285: {  	v31 =	vlaneseq.u32;
	[tilespmem:v7+s19+$0x0] =	vst.idx.add.f32.msk $0xffff, v9  }
.LBB2_18:
0x286: {  	s28 =	sand.u32 $0xFFFFFFF0, s26  }
0x287: {  	p0 =	sge.s32 s25, s28  }
.Ltmp13:
0x288: {  	_ = 	snop;
	(pc) =	sbr.rel @p0 .LBB2_21-.Ltmp13, $1  }
0x289: {  	_ =	sdelay $0x3  }
0x28a: {  	s26 =	sshll.u32 s26, $0x2  }
0x28b: {  	s26 =	sshra.s32 s26, $0x2  }
0x28c: {  	s29 =	sand.u32 $0xFFFFFFE0, s26  }
0x28d: {  	s26 =	sadd.s32 $0xA080, s29;
	s29 =	sadd.s32 $0x8000, s29  }
.LBB2_20:
0x28e: {  	v5 =	vld [tilespmem:s29+$0x0]  }
0x28f: {  	v7 =	vld [tilespmem:s26+$0x0];
	_ =	sdelay $0x4  }
0x290: {  	v8 =	vtrunc.f32 v5;
	v9 =	vtrunc.f32 v7  }
0x291: {  	v8 =	vcvt.f32.s32 v8;
	v9 =	vcvt.f32.s32 v9;
	_ =	sdelay $0x1  }
0x292: {  	v10 =	vcvt.s32.f32 v8;
	v11 =	vcvt.s32.f32 v9;
	_ =	sdelay $0x1  }
0x293: {  	v10 =	vsub.f32 v5, v10;
	v50 =	vsub.f32 v7, v11;
	_ =	sdelay $0x1  }
0x294: {  	vm0 =	vge.f32 v10, $5.000000000e-01;
	vm13 =	vge.f32 v50, $5.000000000e-01  }
0x295: {  	v51 =	vsel vm0, $0x1, v4;
	v53 =	vsel vm13, $0x1, v4  }
0x296: {  	v8 =	vadd.s32 v8, v51;
	v9 =	vadd.s32 v9, v53  }
0x297: {  	v52 =	vcvt.s32.f32 v8;
	v54 =	vcvt.s32.f32 v9  }
0x298: {  	v12 =	vadd.s32 $0xFFFFFFFE, v8;
	v13 =	vadd.s32 $0xFFFFFFFF, v8;
	vm15 =	vlt.u32 v8, $0x200  }
0x299: {  	v14 =	vadd.s32 $0x1, v8;
	v15 =	vadd.s32 $0xFFFFFFFE, v9;
	v20 =	vadd.s32 $0x2, v8  }
0x29a: {  	v8 =	vand.u32 $0x1FF, v8;
	v23 =	vadd.s32 $0xFFFFFFFF, v9;
	v29 =	vsub.s32 v9, v2  }
0x29b: {  	vm14 =	vlt.u32 v12, $0x200;
	vm1 =	vlt.u32 v13, $0x200;
	v16 =	vsel vm15, $0x3F800000, v3  }
0x29c: {  	vm4 =	vlt.u32 v14, $0x200;
	v17 =	vsub.s32 v15, v2;
	vm6 =	vlt.u32 v20, $0x200  }
0x29d: {  	v12 =	vand.u32 $0x1FF, v12;
	v13 =	vand.u32 $0x1FF, v13;
	vm7 =	vlt.u32 v15, $0x200  }
0x29e: {  	v26 =	vsub.s32 v23, v2;
	v14 =	vand.u32 $0x1FF, v14;
	v20 =	vand.u32 $0x1FF, v20  }
0x29f: {  	vm9 =	vlt.u32 v23, $0x200;
	v5 =	vsub.f32 v52, v5;
	v7 =	vsub.f32 v54, v7  }
0x2a0: {  	v10 =	vsel vm1, $0x3F800000, v3;
	v18 =	vsel vm4, $0x3F800000, v3;
	vm5 =	vlt.s32 v17, $0x83  }
0x2a1: {  	vm8 =	vlt.s32 v26, $0x83;
	v23 =	vsel vm9, $0x3F800000, v3;
	v17 =	vnsel vm5, $0x83, v17  }
0x2a2: {  	v58 =	vnsel vm8, $0x83, v26;
	v32 =	vmul.f32 v23, v10;
	v17 =	vshll.u32 v17, $0x9  }
0x2a3: {  	v55 =	vadd.f32 $5.000000000e-01, v5;
	v19 =	vadd.f32 $5.000000000e-01, v7;
	v21 =	vor.u32 v12, v17  }
0x2a4: {  	v28 =	vmul.f32 v23, v16;
	v34 =	vmul.f32 v23, v18;
	v56 =	vor.u32 v13, v17  }
0x2a5: {  	v22 =	vor.u32 v8, v17;
	v11 =	vnsel vm14, $0x0, v55;
	v19 =	vnsel vm7, $0x0, v19  }
0x2a6: {  	v5 =	vsub.f32 $5.000000000e-01, v5;
	v57 =	vor.u32 v14, v17;
	v24 =	vmul.f32 v19, v11  }
0x2a7: {  	v60 =	vshll.u32 v58, $0x9;
	v59 =	vor.u32 v20, v17;
	v25 =	vmul.f32 v19, v10  }
0x2a8: {  	vm11 =	vlt.u32 v9, $0x200;
	v27 =	vmul.f32 v19, v16;
	[tilespmem:v21+s19+$0x0] =	vst.idx.add.f32.msk $0xffff, v24;
	v24 =	vor.u32 v12, v60  }
0x2a9: {  	v63 =	vor.u32 v13, v60;
	v5 =	vnsel vm6, $0x0, v5;
	v61 =	vmul.f32 v19, v18;
	[tilespmem:v56+s19+$0x0] =	vst.idx.add.f32.msk $0xffff, v25  }
0x2aa: {  	vm10 =	vlt.s32 v29, $0x83;
	v33 =	vor.u32 v8, v60;
	v19 =	vmul.f32 v19, v5;
	[tilespmem:v22+s19+$0x0] =	vst.idx.add.f32.msk $0xffff, v27  }
0x2ab: {  	v37 =	vnsel vm10, $0x83, v29;
	v35 =	vor.u32 v14, v60;
	v62 =	vmul.f32 v11, v23;
	[tilespmem:v57+s19+$0x0] =	vst.idx.add.f32.msk $0xffff, v61  }
0x2ac: {  	v17 =	vor.u32 v20, v60;
	v36 =	vmul.f32 v5, v23;
	v23 =	vshll.u32 v37, $0x9;
	[tilespmem:v59+s19+$0x0] =	vst.idx.add.f32.msk $0xffff, v19  }
0x2ad: {  	v40 =	vadd.s32 $0x1, v9;
	v9 =	vadd.s32 $0x2, v9;
	v39 =	vor.u32 v12, v23;
	[tilespmem:v24+s19+$0x0] =	vst.idx.add.f32.msk $0xffff, v62  }
0x2ae: {  	v38 =	vsel vm11, $0x3F800000, v3;
	v30 =	vsub.s32 v40, v2;
	v29 =	vor.u32 v13, v23;
	[tilespmem:v63+s19+$0x0] =	vst.idx.add.f32.msk $0xffff, v32  }
0x2af: {  	v50 =	vsub.s32 v9, v2;
	vm12 =	vlt.s32 v30, $0x83;
	[tilespmem:v33+s19+$0x0] =	vst.idx.add.f32.msk $0xffff, v28;
	v28 =	vor.u32 v8, v23  }
0x2b0: {  	v44 =	vnsel vm12, $0x83, v30;
	v41 =	vmul.f32 v11, v38;
	v30 =	vor.u32 v14, v23;
	[tilespmem:v35+s19+$0x0] =	vst.idx.add.f32.msk $0xffff, v34  }
0x2b1: {  	v42 =	vmul.f32 v10, v38;
	v46 =	vor.u32 v20, v23;
	v22 =	vshll.u32 v44, $0x9;
	[tilespmem:v17+s19+$0x0] =	vst.idx.add.f32.msk $0xffff, v36  }
0x2b2: {  	vm13 =	vlt.u32 v40, $0x200;
	v43 =	vmul.f32 v38, v16;
	v48 =	vor.u32 v12, v22;
	[tilespmem:v39+s19+$0x0] =	vst.idx.add.f32.msk $0xffff, v41  }
0x2b3: {  	v51 =	vsel vm13, $0x3F800000, v3;
	v45 =	vmul.f32 v18, v38;
	v49 =	vor.u32 v13, v22;
	[tilespmem:v29+s19+$0x0] =	vst.idx.add.f32.msk $0xffff, v42  }
0x2b4: {  	vm14 =	vlt.s32 v50, $0x83;
	v47 =	vmul.f32 v5, v38;
	v52 =	vor.u32 v8, v22;
	[tilespmem:v28+s19+$0x0] =	vst.idx.add.f32.msk $0xffff, v43  }
0x2b5: {  	v53 =	vmul.f32 v11, v51;
	v25 =	vnsel vm14, $0x83, v50;
	v54 =	vor.u32 v14, v22;
	[tilespmem:v30+s19+$0x0] =	vst.idx.add.f32.msk $0xffff, v45  }
0x2b6: {  	v55 =	vmul.f32 v51, v10;
	v56 =	vshll.u32 v25, $0x9;
	v22 =	vor.u32 v20, v22;
	[tilespmem:v46+s19+$0x0] =	vst.idx.add.f32.msk $0xffff, v47  }
0x2b7: {  	v7 =	vsub.f32 $5.000000000e-01, v7;
	v57 =	vmul.f32 v51, v16;
	v12 =	vor.u32 v12, v56;
	[tilespmem:v48+s19+$0x0] =	vst.idx.add.f32.msk $0xffff, v53  }
0x2b8: {  	vm15 =	vlt.u32 v9, $0x200;
	v58 =	vmul.f32 v51, v18;
	v13 =	vor.u32 v13, v56;
	[tilespmem:v49+s19+$0x0] =	vst.idx.add.f32.msk $0xffff, v55  }
0x2b9: {  	v7 =	vnsel vm15, $0x0, v7;
	v15 =	vmul.f32 v5, v51;
	v8 =	vor.u32 v8, v56;
	[tilespmem:v52+s19+$0x0] =	vst.idx.add.f32.msk $0xffff, v57  }
0x2ba: {  	s25 =	sadd.s32 $0x10, s25;
	v60 =	vor.u32 v14, v56;
	v59 =	vmul.f32 v7, v11;
	[tilespmem:v54+s19+$0x0] =	vst.idx.add.f32.msk $0xffff, v58  }
0x2bb: {  	p0 =	slt.s32 s25, s28;
	v10 =	vmul.f32 v7, v10;
	v61 =	vor.u32 v20, v56;
	[tilespmem:v22+s19+$0x0] =	vst.idx.add.f32.msk $0xffff, v15  }
.Ltmp14:
0x2bc: {  	v62 =	vmul.f32 v7, v16;
	[tilespmem:v12+s19+$0x0] =	vst.idx.add.f32.msk $0xffff, v59;
	(pc) =	sbr.rel @p0 .LBB2_20-.Ltmp14, $4  }
0x2bd: {  	v63 =	vmul.f32 v7, v18;
	[tilespmem:v13+s19+$0x0] =	vst.idx.add.f32.msk $0xffff, v10  }
0x2be: {  	v5 =	vmul.f32 v7, v5;
	[tilespmem:v8+s19+$0x0] =	vst.idx.add.f32.msk $0xffff, v62  }
0x2bf: {  	[tilespmem:v60+s19+$0x0] =	vst.idx.add.f32.msk $0xffff, v63  }
0x2c0: {  	s26 =	sadd.s32 $0x10, s26;
	s29 =	sadd.s32 $0x10, s29;
	[tilespmem:v61+s19+$0x0] =	vst.idx.add.f32.msk $0xffff, v5  }
.LBB2_21:
0x2c1: {  	_ =	swait.ge [sflag:s14], $0x2000  }
0x2c2: {  	[sflag:s14] =	ssyncset.done $0x0  }
0x2c3: {  	[sflag:s14] =	ssyncadd.s32 $0xFFFFE000  }
0x2c4: {  	_ =	swait.ge [sflag:s14], $0x2000  }
0x2c5: {  	[sflag:s14] =	ssyncset.done $0x0  }
0x2c6: {  	s25 =	simm.s32 $0x0;
	[sflag:s14] =	ssyncadd.s32 $0xFFFFE000  }
0x2c7: {  	[tilespmem:s15], [sflag:$0x2] =	stream.linear.gather [hbm4b:s9+s25], $0x2000, $0x38;
	[tilespmem:$0x1C900] =	vst v63  }
0x2c8: {  	s26 =	simm.s32 $0x2000  }
0x2c9: {  	[tilespmem:s16], [sflag:$0x2] =	stream.linear.gather [hbm4b:s10+s25], $0x2000, $0x38;
	[tilespmem:$0x1C900] =	vst v63  }
0x2ca: {  	v7 =	vld [tilespmem:s26+$0x0];
	_ =	sdelay $0x4  }
0x2cb: {  	v5 =	vtrunc.f32 v7  }
0x2cc: {  	s29 =	simm.s32 $0x2010;
	v5 =	vcvt.f32.s32 v5  }
0x2cd: {  	v8 =	vld [tilespmem:s29+$0x0]  }
0x2ce: {  	v9 =	vcvt.s32.f32 v5;
	_ =	sdelay $0x1  }
0x2cf: {  	v9 =	vsub.f32 v7, v9;
	_ =	sdelay $0x1  }
0x2d0: {  	v10 =	vtrunc.f32 v8;
	vm0 =	vge.f32 v9, $5.000000000e-01  }
0x2d1: {  	v10 =	vcvt.f32.s32 v10;
	v9 =	vsel vm0, $0x1, v4  }
0x2d2: {  	v5 =	vadd.s32 v5, v9  }
0x2d3: {  	v11 =	vcvt.s32.f32 v10;
	vm0 =	vlt.s32 v5, $0x1FF  }
0x2d4: {  	s30 =	simm.s32 $0x2020;
	v5 =	vnsel vm0, $0x1FF, v5  }
0x2d5: {  	v11 =	vsub.f32 v8, v11;
	v9 =	vld [tilespmem:s30+$0x0];
	v5 =	vshrl.u32 v5, $0x7  }
0x2d6: {  	vm0 =	veq.s32 v5, v1  }
0x2d7: {  	vm1 =	vge.f32 v11, $5.000000000e-01;
	v5 =	vsel vm0, $0x1, v4  }
0x2d8: {  	(xrf0) =	vadd.scan.msk.s32 $0xffff, v5;
	v5 =	vsel vm1, $0x1, v4  }
0x2d9: {  	v5 =	vadd.s32 v10, v5  }
0x2da: {  	v11 =	vtrunc.f32 v9;
	vm1 =	vlt.s32 v5, $0x1FF  }
0x2db: {  	s31 =	simm.s32 $0x2030;
	v15 =	vcvt.f32.s32 v11;
	v5 =	vnsel vm1, $0x1FF, v5  }
0x2dc: {  	v10 =	vld [tilespmem:s31+$0x0];
	v5 =	vshrl.u32 v5, $0x7  }
0x2dd: {  	v11 =	vcvt.s32.f32 v15;
	_ =	sdelay $0x1  }
0x2de: {  	v12 =	vimm.s32 $0x0;
	v11 =	vsub.f32 v9, v11;
	vm1 =	veq.s32 v5, v1;
	v5, _, _ =	vpop (xrf0)  }
0x2df: {  	v13 =	vsel vm1, $0x1, v4;
	v5 =	vadd.s32 v5, v12  }
0x2e0: {  	vm2 =	vge.f32 v11, $5.000000000e-01;
	v14 =	vtrunc.f32 v10;
	(xrf0) =	vadd.scan.msk.s32 $0xffff, v13;
	v13 =	vld [tilespmem:s25+$0x0];
	v11 =	vadd.s32 $0xFFFFFFFF, v5  }
0x2e1: {  	vm0 =	vmmov vm0;
	v14 =	vcvt.f32.s32 v14;
	v5 =	vsel vm2, $0x1, v4  }
0x2e2: {  	s28 =	simm.s32 $0x2040;
	s26 =	simm.s32 $0x30;
	vm0 =	vmmov vm0;
	vm1 =	vmmov vm1;
	v15 =	vadd.s32 v15, v5  }
.LBB2_22:
0x2e3: {  	v5 =	vld [tilespmem:s28+$0x0];
	v16 =	vcvt.s32.f32 v14;
	vm2 =	vlt.s32 v15, $0x1FF;
	v17 =	vmov v14  }
0x2e4: {  	s26 =	sadd.s32 $0x10, s26;
	v14 =	vnsel vm2, $0x1FF, v15;
	v15 =	vmpcnt.ones.xlane vm0  }
0x2e5: {  	p0 =	slt.u32 s26, $0x1FF0;
	v16 =	vsub.f32 v10, v16;
	v14 =	vshrl.u32 v14, $0x7;
	[tilespmem:v11+s17+$0x0] =	vst.idx.msk vm0, v13  }
.Ltmp15:
0x2e6: {  	vm2 =	veq.s32 v14, v1;
	v13, _, _ =	vpop (xrf0);
	[tilespmem:v11+s18+$0x0] =	vst.idx.msk vm0, v7;
	v12 =	vadd.s32 v12, v15;
	v7 =	vmov v8;
	(pc) =	sbr.rel @p0 .LBB2_22-.Ltmp15, $4  }
0x2e7: {  	s25 =	sadd.s32 $0x10, s25;
	v8 =	vmovc v9;
	v9 =	vmovc v10;
	vm0 =	vmmov vm1;
	v11 =	vsel vm2, $0x1, v4;
	v14 =	vadd.s32 v13, v12  }
0x2e8: {  	vm1 =	vge.f32 v16, $5.000000000e-01;
	v15 =	vtrunc.f32 v5;
	(xrf0) =	vadd.scan.msk.s32 $0xffff, v11;
	v13 =	vld [tilespmem:s25+$0x0];
	v11 =	vadd.s32 $0xFFFFFFFF, v14;
	v10 =	vmovc v5  }
0x2e9: {  	v5 =	vsel vm1, $0x1, v4;
	vm1 =	vmmov vm2;
	v14 =	vcvt.f32.s32 v15  }
0x2ea: {  	s28 =	sadd.s32 $0x10, s28;
	v15 =	vadd.s32 v17, v5  }
0x2eb: {  	v5 =	vcvt.s32.f32 v14;
	_ =	sdelay $0x1  }
0x2ec: {  	v5 =	vsub.f32 v10, v5;
	_ =	sdelay $0x1  }
0x2ed: {  	vm2 =	vge.f32 v5, $5.000000000e-01  }
0x2ee: {  	v5 =	vsel vm2, $0x1, v4  }
0x2ef: {  	vm13 =	vlt.s32 v15, $0x1FF;
	v5 =	vadd.s32 v14, v5  }
0x2f0: {  	v54 =	vnsel vm13, $0x1FF, v15;
	vm14 =	vlt.s32 v5, $0x1FF  }
0x2f1: {  	v14 =	vshrl.u32 v54, $0x7;
	v5 =	vnsel vm14, $0x1FF, v5  }
0x2f2: {  	v55 =	vmpcnt.ones.xlane vm0;
	vm4 =	veq.s32 v14, v1;
	v5 =	vshrl.u32 v5, $0x7  }
0x2f3: {  	vm1 =	vmmov vm1;
	vm15 =	vmmov vm4;
	vm5 =	veq.s32 v5, v1  }
0x2f4: {  	vm2 =	vmmov vm15;
	v5 =	vmpcnt.ones.xlane vm1;
	vm3 =	vmmov vm5  }
0x2f5: {  	v12 =	vadd.s32 v12, v55;
	v56 =	vmpcnt.ones.xlane vm2;
	vm3 =	vmmov vm3  }
0x2f6: {  	v5 =	vadd.s32 v12, v5;
	v57 =	vmpcnt.ones.xlane vm3  }
0x2f7: {  	v14 =	vadd.s32 v5, v56  }
0x2f8: {  	v15 =	vadd.s32 v14, v57  }
0x2f9: {  	(v2sf) =	vpush v15, $0x0;
	_ =	sdelay $0x2  }
0x2fa: {  	v16 =	vsel vm4, $0x1, v4  }
0x2fb: {  	(xrf0) =	vadd.scan.msk.s32 $0xffff, v16  }
0x2fc: {  	v58 =	vsel vm5, $0x1, v4  }
0x2fd: {  	(xrf0) =	vadd.scan.msk.s32 $0xffff, v58;
	_ =	sdelay $0x1  }
0x2fe: {  	v59, _, _ =	vpop (xrf0)  }
0x2ff: {  	s25 =	sadd.s32 $0x10, s25;
	v12 =	vadd.s32 v59, v12  }
0x300: {  	v17 =	vld [tilespmem:s25+$0x0];
	v12 =	vadd.s32 $0xFFFFFFFF, v12;
	v60, _, _ =	vpop (xrf0)  }
0x301: {  	s25 =	sadd.s32 $0x10, s25;
	v5 =	vadd.s32 v60, v5  }
0x302: {  	v61 =	vld [tilespmem:s25+$0x0];
	v5 =	vadd.s32 $0xFFFFFFFF, v5;
	v18, _, _ =	vpop (xrf0)  }
0x303: {  	[tilespmem:v11+s17+$0x0] =	vst.idx.msk vm0, v13;
	s25 =	sadd.s32 $0x10, s25;
	v62 =	vadd.s32 v18, v14  }
0x304: {  	[tilespmem:v11+s18+$0x0] =	vst.idx.msk vm0, v7;
	v7 =	vld [tilespmem:s25+$0x0];
	v63 =	vadd.s32 $0xFFFFFFFF, v62  }
0x305: {  	[tilespmem:v12+s17+$0x0] =	vst.idx.msk vm1, v17;
	s31 =	spop (v2sf)  }
0x306: {  	[tilespmem:v12+s18+$0x0] =	vst.idx.msk vm1, v8;
	v8 =	vadd.s32 v31, v15;
	s26 =	sadd.s32 $0xF, s31  }
0x307: {  	[tilespmem:v5+s17+$0x0] =	vst.idx.msk vm2, v61;
	p0 =	slt.s32 s26, $0x20  }
.Ltmp16:
0x308: {  	[tilespmem:v5+s18+$0x0] =	vst.idx.msk vm2, v9;
	(pc) =	sbr.rel @p0 .LBB2_27-.Ltmp16, $4  }
0x309: {  	[tilespmem:v63+s17+$0x0] =	vst.idx.msk vm3, v7  }
0x30a: {  	[tilespmem:v63+s18+$0x0] =	vst.idx.msk vm3, v10  }
0x30b: {  	[tilespmem:v8+s17+$0x0] =	vst.idx.msk $0xffff, v6  }
0x30c: {  	[tilespmem:v8+s18+$0x0] =	vst.idx.msk $0xffff, v0;
	s25 =	sand.u32 $0xFFFFFFE0, s26  }
0x30d: {  	s29 =	simm.s32 $0x8010  }
0x30e: {  	s28 =	simm.s32 $0xA090;
	v5 =	vld [tilespmem:s29+$0x0]  }
0x30f: {  	v10 =	vld [tilespmem:s28+$0x0];
	_ =	sdelay $0x1  }
0x310: {  	v8 =	vld [tilespmem:s28+$0xFFFFFFF0];
	_ =	sdelay $0x1  }
0x311: {  	v7 =	vld [tilespmem:s29+$0xFFFFFFF0];
	v9 =	vtrunc.f32 v5  }
0x312: {  	v11 =	vcvt.f32.s32 v9;
	v9 =	vtrunc.f32 v10  }
0x313: {  	v12 =	vcvt.f32.s32 v9  }
0x314: {  	v13 =	vtrunc.f32 v8  }
0x315: {  	v9 =	vcvt.s32.f32 v11;
	v14 =	vcvt.s32.f32 v12  }
0x316: {  	v15 =	vtrunc.f32 v7;
	v13 =	vcvt.f32.s32 v13  }
0x317: {  	v16 =	vsub.f32 v5, v9;
	v9 =	vcvt.f32.s32 v15;
	v14 =	vsub.f32 v10, v14  }
0x318: {  	v15 =	vcvt.s32.f32 v13  }
0x319: {  	vm0 =	vge.f32 v16, $5.000000000e-01;
	v16 =	vcvt.s32.f32 v9;
	vm12 =	vge.f32 v14, $5.000000000e-01  }
0x31a: {  	v17 =	vsel vm0, $0x1, v4;
	v14 =	vsub.f32 v8, v15;
	v15 =	vsel vm12, $0x1, v4  }
0x31b: {  	v11 =	vadd.s32 v11, v17;
	v16 =	vsub.f32 v7, v16;
	v12 =	vadd.s32 v12, v15  }
0x31c: {  	vm13 =	vlt.u32 v11, $0x200;
	v15 =	vand.u32 $0x1FF, v11;
	v17 =	vadd.s32 $0xFFFFFFFE, v11  }
0x31d: {  	v18 =	vadd.s32 $0xFFFFFFFF, v11;
	v19 =	vadd.s32 $0x1, v11;
	v20 =	vcvt.s32.f32 v11  }
0x31e: {  	v11 =	vadd.s32 $0x2, v11;
	vm12 =	vge.f32 v14, $5.000000000e-01;
	v21 =	vcvt.s32.f32 v12  }
0x31f: {  	v22 =	vadd.s32 $0xFFFFFFFE, v12;
	v23 =	vadd.s32 $0xFFFFFFFF, v12;
	v24 =	vsub.s32 v12, v2  }
0x320: {  	v25 =	vsel vm13, $0x3F800000, v3;
	v26 =	vadd.s32 $0x1, v12;
	v27 =	vadd.s32 $0x2, v12  }
0x321: {  	vm4 =	vlt.u32 v17, $0x200;
	vm5 =	vlt.u32 v18, $0x200;
	vm3 =	vlt.u32 v19, $0x200  }
0x322: {  	vm1 =	vlt.u32 v11, $0x200;
	v17 =	vand.u32 $0x1FF, v17;
	v18 =	vand.u32 $0x1FF, v18  }
0x323: {  	v19 =	vand.u32 $0x1FF, v19;
	v11 =	vand.u32 $0x1FF, v11;
	vm13 =	vge.f32 v16, $5.000000000e-01  }
0x324: {  	v16 =	vsel vm12, $0x1, v4;
	vm6 =	vlt.u32 v22, $0x200;
	vm14 =	vlt.u32 v23, $0x200  }
0x325: {  	v22 =	vsub.s32 v22, v2;
	vm2 =	vlt.s32 v24, $0x83;
	v23 =	vsub.s32 v23, v2  }
0x326: {  	v5 =	vsub.f32 v20, v5;
	v31 =	vsel vm5, $0x3F800000, v3;
	v37 =	vsel vm3, $0x3F800000, v3  }
0x327: {  	vm9 =	vlt.u32 v26, $0x200;
	vm11 =	vlt.u32 v27, $0x200;
	v13 =	vadd.s32 v13, v16  }
0x328: {  	vm7 =	vlt.s32 v22, $0x83;
	v10 =	vsub.f32 v21, v10;
	v21 =	vsub.s32 v26, v2  }
0x329: {  	vm15 =	vlt.s32 v23, $0x83;
	v42 =	vsel vm14, $0x3F800000, v3;
	v24 =	vnsel vm2, $0x83, v24  }
0x32a: {  	v57 =	vsel vm9, $0x3F800000, v3;
	v20 =	vnsel vm7, $0x83, v22;
	v22 =	vsub.s32 v27, v2  }
0x32b: {  	v28 =	vadd.f32 $5.000000000e-01, v5;
	v23 =	vnsel vm15, $0x83, v23;
	v5 =	vsub.f32 $5.000000000e-01, v5  }
0x32c: {  	v46 =	vmul.f32 v42, v31;
	v24 =	vshll.u32 v24, $0x9;
	v47 =	vmul.f32 v42, v25  }
0x32d: {  	vm7 =	vlt.u32 v12, $0x200;
	v48 =	vmul.f32 v42, v37;
	vm8 =	vlt.s32 v21, $0x83  }
0x32e: {  	v27 =	vmul.f32 v57, v31;
	v14 =	vmul.f32 v57, v25;
	v20 =	vshll.u32 v20, $0x9  }
0x32f: {  	v29 =	vadd.f32 $5.000000000e-01, v10;
	v23 =	vshll.u32 v23, $0x9;
	v12 =	vor.u32 v17, v24  }
0x330: {  	v49 =	vsel vm7, $0x3F800000, v3;
	v50 =	vor.u32 v18, v24;
	v51 =	vor.u32 v15, v24  }
0x331: {  	v53 =	vor.u32 v19, v24;
	v21 =	vnsel vm8, $0x83, v21;
	v24 =	vor.u32 v11, v24  }
0x332: {  	vm10 =	vlt.s32 v22, $0x83;
	v10 =	vsub.f32 $5.000000000e-01, v10;
	v30 =	vor.u32 v17, v20  }
0x333: {  	v32 =	vor.u32 v18, v20;
	v28 =	vnsel vm4, $0x0, v28;
	v33 =	vor.u32 v15, v20  }
0x334: {  	v35 =	vor.u32 v19, v20;
	v20 =	vor.u32 v11, v20;
	v39 =	vor.u32 v17, v23  }
0x335: {  	v5 =	vnsel vm1, $0x0, v5;
	v41 =	vor.u32 v18, v23;
	v43 =	vor.u32 v15, v23  }
0x336: {  	v45 =	vor.u32 v19, v23;
	v23 =	vor.u32 v11, v23;
	v54 =	vmul.f32 v31, v49  }
0x337: {  	v21 =	vshll.u32 v21, $0x9;
	v55 =	vmul.f32 v49, v25;
	v56 =	vmul.f32 v37, v49  }
0x338: {  	v22 =	vnsel vm10, $0x83, v22;
	v29 =	vnsel vm6, $0x0, v29;
	v44 =	vmul.f32 v28, v42  }
0x339: {  	v42 =	vmul.f32 v5, v42;
	v52 =	vmul.f32 v28, v49;
	v26 =	vor.u32 v17, v21  }
0x33a: {  	v58 =	vor.u32 v18, v21;
	v49 =	vmul.f32 v5, v49;
	v59 =	vor.u32 v15, v21  }
0x33b: {  	v60 =	vmul.f32 v28, v57;
	v61 =	vor.u32 v19, v21;
	v21 =	vor.u32 v11, v21  }
0x33c: {  	v22 =	vshll.u32 v22, $0x9;
	v34 =	vmul.f32 v29, v28;
	v36 =	vmul.f32 v29, v31  }
0x33d: {  	v10 =	vnsel vm11, $0x0, v10;
	v38 =	vmul.f32 v29, v25;
	v40 =	vmul.f32 v29, v37  }
0x33e: {  	v29 =	vmul.f32 v29, v5;
	v17 =	vor.u32 v17, v22;
	v62 =	vor.u32 v18, v22  }
0x33f: {  	v15 =	vor.u32 v15, v22;
	v63 =	vor.u32 v19, v22;
	v18 =	vmul.f32 v57, v37  }
0x340: {  	v11 =	vor.u32 v11, v22;
	v19 =	vmul.f32 v5, v57;
	v16 =	vmul.f32 v10, v28  }
0x341: {  	v22 =	vmul.f32 v10, v31;
	v28 =	vsel vm13, $0x1, v4;
	v25 =	vmul.f32 v10, v25  }
0x342: {  	v31 =	vmul.f32 v10, v37;
	v9 =	vadd.s32 v9, v28;
	v28 =	vcvt.s32.f32 v13  }
0x343: {  	v5 =	vmul.f32 v10, v5;
	v57 =	vsub.s32 v13, v2;
	v10 =	vcvt.s32.f32 v9  }
0x344: {  	vm9 =	vlt.s32 v57, $0x83;
	[tilespmem:v30+s19+$0x0] =	vst.idx.add.f32.msk $0xffff, v34;
	v30 =	vadd.s32 $0xFFFFFFFE, v13;
	v8 =	vsub.f32 v28, v8  }
0x345: {  	v28 =	vadd.s32 $0x1, v13;
	[tilespmem:v32+s19+$0x0] =	vst.idx.add.f32.msk $0xffff, v36;
	v32 =	vadd.s32 $0xFFFFFFFF, v13;
	v7 =	vsub.f32 v10, v7  }
0x346: {  	v10 =	vsub.s32 v30, v2;
	vm14 =	vlt.u32 v30, $0x200;
	vm12 =	vlt.u32 v28, $0x200  }
0x347: {  	[tilespmem:v33+s19+$0x0] =	vst.idx.add.f32.msk $0xffff, v38;
	v33 =	vadd.s32 $0x2, v13;
	v34 =	vsub.s32 v32, v2;
	vm15 =	vlt.s32 v10, $0x83  }
0x348: {  	vm11 =	vlt.u32 v32, $0x200;
	[tilespmem:v35+s19+$0x0] =	vst.idx.add.f32.msk $0xffff, v40;
	v35 =	vsub.s32 v33, v2;
	v30 =	vadd.f32 $5.000000000e-01, v7  }
0x349: {  	v7 =	vsub.f32 $5.000000000e-01, v7;
	v10 =	vnsel vm15, $0x83, v10;
	vm4 =	vlt.s32 v34, $0x83  }
0x34a: {  	v40 =	vadd.s32 $0xFFFFFFFF, v9;
	vm13 =	vlt.u32 v33, $0x200;
	vm15 =	vlt.u32 v13, $0x200  }
0x34b: {  	v13 =	vnsel vm9, $0x83, v57;
	[tilespmem:v20+s19+$0x0] =	vst.idx.add.f32.msk $0xffff, v29;
	v20 =	vadd.f32 $5.000000000e-01, v8;
	v29 =	vsub.s32 v28, v2  }
0x34c: {  	v8 =	vsub.f32 $5.000000000e-01, v8;
	v34 =	vnsel vm4, $0x83, v34;
	vm6 =	vlt.s32 v35, $0x83;
	[tilespmem:v39+s19+$0x0] =	vst.idx.add.f32.msk $0xffff, v44  }
0x34d: {  	vm2 =	vlt.u32 v40, $0x200;
	v28 =	vand.u32 $0x1FF, v9;
	vm5 =	vlt.s32 v29, $0x83;
	[tilespmem:v41+s19+$0x0] =	vst.idx.add.f32.msk $0xffff, v46  }
0x34e: {  	v39 =	vadd.s32 $0xFFFFFFFE, v9;
	v37 =	vshll.u32 v34, $0x9;
	v29 =	vnsel vm5, $0x83, v29;
	[tilespmem:v43+s19+$0x0] =	vst.idx.add.f32.msk $0xffff, v47  }
0x34f: {  	vm7 =	vlt.u32 v39, $0x200;
	v20 =	vnsel vm14, $0x0, v20;
	vm14 =	vlt.u32 v9, $0x200;
	[tilespmem:v45+s19+$0x0] =	vst.idx.add.f32.msk $0xffff, v48  }
0x350: {  	v57 =	vnsel vm13, $0x0, v8;
	v8 =	vsel vm12, $0x3F800000, v3;
	[tilespmem:v23+s19+$0x0] =	vst.idx.add.f32.msk $0xffff, v42;
	v23 =	vadd.s32 $0x1, v9  }
0x351: {  	[tilespmem:v12+s19+$0x0] =	vst.idx.add.f32.msk $0xffff, v52;
	v52 =	vadd.s32 $0x2, v9;
	v12 =	vnsel vm6, $0x83, v35;
	vm10 =	vlt.u32 v23, $0x200  }
0x352: {  	[tilespmem:v50+s19+$0x0] =	vst.idx.add.f32.msk $0xffff, v54;
	v54 =	vnsel vm7, $0x0, v30;
	vm8 =	vlt.u32 v52, $0x200;
	v30 =	vsel vm15, $0x3F800000, v3  }
0x353: {  	[tilespmem:v51+s19+$0x0] =	vst.idx.add.f32.msk $0xffff, v55;
	v55 =	vnsel vm8, $0x0, v7;
	v7 =	vsel vm10, $0x3F800000, v3;
	v38 =	vmul.f32 v20, v54  }
0x354: {  	[tilespmem:v53+s19+$0x0] =	vst.idx.add.f32.msk $0xffff, v56;
	v56 =	vsel vm2, $0x3F800000, v3;
	v33 =	vmul.f32 v20, v7;
	v32 =	vmul.f32 v20, v55  }
0x355: {  	v9 =	vmul.f32 v57, v55;
	[tilespmem:v24+s19+$0x0] =	vst.idx.add.f32.msk $0xffff, v49;
	v34 =	vmul.f32 v20, v56;
	v24 =	vand.u32 $0x1FF, v40  }
0x356: {  	v35 =	vmul.f32 v56, v30;
	[tilespmem:v26+s19+$0x0] =	vst.idx.add.f32.msk $0xffff, v60;
	v26 =	vsel vm14, $0x3F800000, v3;
	v60 =	vshll.u32 v10, $0x9  }
0x357: {  	v10 =	vmul.f32 v57, v7;
	[tilespmem:v58+s19+$0x0] =	vst.idx.add.f32.msk $0xffff, v27;
	v58 =	vsel vm11, $0x3F800000, v3;
	v36 =	vmul.f32 v20, v26  }
0x358: {  	v20 =	vmul.f32 v55, v30;
	v42 =	vor.u32 v24, v60;
	v43 =	vor.u32 v28, v60  }
0x359: {  	v27 =	vshll.u32 v29, $0x9;
	[tilespmem:v59+s19+$0x0] =	vst.idx.add.f32.msk $0xffff, v14;
	v29 =	vmul.f32 v54, v58;
	v41 =	vmul.f32 v58, v56  }
0x35a: {  	v14 =	vand.u32 $0x1FF, v39;
	v40 =	vmul.f32 v58, v26;
	v39 =	vmul.f32 v58, v7;
	[tilespmem:v61+s19+$0x0] =	vst.idx.add.f32.msk $0xffff, v18  }
0x35b: {  	p0 =	sgt.s32 s25, $0x20;
	v18 =	vshll.u32 v13, $0x9;
	v44 =	vor.u32 v14, v60;
	v13 =	vmul.f32 v57, v56;
	[tilespmem:v21+s19+$0x0] =	vst.idx.add.f32.msk $0xffff, v19  }
.Ltmp17:
0x35c: {  	v19 =	vand.u32 $0x1FF, v23;
	v23 =	vmul.f32 v55, v58;
	[tilespmem:v17+s19+$0x0] =	vst.idx.add.f32.msk $0xffff, v16;
	v17 =	vmul.f32 v54, v8;
	(pc) =	sbr.rel @!p0 .LBB2_26-.Ltmp17, $4  }
0x35d: {  	v21 =	vand.u32 $0x1FF, v52;
	v16 =	vmul.f32 v55, v8;
	v45 =	vor.u32 v19, v60;
	[tilespmem:v62+s19+$0x0] =	vst.idx.add.f32.msk $0xffff, v22  }
0x35e: {  	v46 =	vor.u32 v21, v60;
	v22 =	vmul.f32 v54, v30;
	[tilespmem:v15+s19+$0x0] =	vst.idx.add.f32.msk $0xffff, v25  }
0x35f: {  	v15 =	vmul.f32 v57, v54;
	v25 =	vmul.f32 v8, v56;
	[tilespmem:v63+s19+$0x0] =	vst.idx.add.f32.msk $0xffff, v31  }
0x360: {  	s30 =	simm.s32 $0x8030;
	s29 =	simm.s32 $0x20;
	v12 =	vshll.u32 v12, $0x9;
	v31 =	vmul.f32 v7, v30;
	[tilespmem:v11+s19+$0x0] =	vst.idx.add.f32.msk $0xffff, v5;
	v11 =	vmul.f32 v57, v26  }
.LBB2_25:
0x361: {  	v5 =	vld [tilespmem:s30+$0x0];
	v47 =	vor.u32 v14, v37;
	v48 =	vmul.f32 v8, v26;
	v49 =	vmul.f32 v8, v7;
	s28 =	sadd.s32 $0x20, s28  }
0x362: {  	v51 =	vor.u32 v24, v37;
	v52 =	vor.u32 v28, v37;
	v26 =	vmul.f32 v30, v26;
	v50 =	vld [tilespmem:s28+$0x0]  }
0x363: {  	v30 =	vor.u32 v19, v37;
	v37 =	vor.u32 v21, v37;
	v53 =	vor.u32 v14, v27;
	v8 =	vld [tilespmem:s28+$0xFFFFFFF0]  }
0x364: {  	v54 =	vor.u32 v24, v27;
	v55 =	vor.u32 v28, v27;
	v56 =	vor.u32 v19, v27;
	v7 =	vld [tilespmem:s30+$0xFFFFFFF0]  }
0x365: {  	v27 =	vor.u32 v21, v27;
	v57 =	vor.u32 v14, v12;
	v58 =	vor.u32 v24, v12  }
0x366: {  	v59 =	vtrunc.f32 v5;
	[tilespmem:v44+s19+$0x0] =	vst.idx.add.f32.msk $0xffff, v38;
	v38 =	vor.u32 v28, v12;
	v44 =	vor.u32 v19, v12  }
0x367: {  	v59 =	vcvt.f32.s32 v59;
	v60 =	vtrunc.f32 v50;
	[tilespmem:v42+s19+$0x0] =	vst.idx.add.f32.msk $0xffff, v34;
	v34 =	vor.u32 v21, v12  }
0x368: {  	v12 =	vtrunc.f32 v8;
	v42 =	vcvt.f32.s32 v60;
	[tilespmem:v43+s19+$0x0] =	vst.idx.add.f32.msk $0xffff, v36;
	v36 =	vor.u32 v14, v18  }
0x369: {  	v24 =	vor.u32 v24, v18;
	v14 =	vtrunc.f32 v7;
	v43 =	vcvt.s32.f32 v59;
	[tilespmem:v45+s19+$0x0] =	vst.idx.add.f32.msk $0xffff, v33  }
0x36a: {  	v28 =	vor.u32 v28, v18;
	v12 =	vcvt.f32.s32 v12;
	v33 =	vcvt.s32.f32 v42;
	[tilespmem:v46+s19+$0x0] =	vst.idx.add.f32.msk $0xffff, v32  }
0x36b: {  	v14 =	vcvt.f32.s32 v14;
	v32 =	vsub.f32 v5, v43;
	[tilespmem:v47+s19+$0x0] =	vst.idx.add.f32.msk $0xffff, v29;
	v29 =	vor.u32 v19, v18  }
0x36c: {  	v19 =	vcvt.s32.f32 v12;
	v33 =	vsub.f32 v50, v33;
	[tilespmem:v51+s19+$0x0] =	vst.idx.add.f32.msk $0xffff, v41;
	v41 =	vor.u32 v21, v18  }
0x36d: {  	v18 =	vcvt.s32.f32 v14;
	vm0 =	vge.f32 v32, $5.000000000e-01;
	[tilespmem:v52+s19+$0x0] =	vst.idx.add.f32.msk $0xffff, v40  }
0x36e: {  	v19 =	vsub.f32 v8, v19;
	v21 =	vsel vm0, $0x1, v4;
	vm0 =	vge.f32 v33, $5.000000000e-01;
	[tilespmem:v30+s19+$0x0] =	vst.idx.add.f32.msk $0xffff, v39  }
0x36f: {  	v18 =	vsub.f32 v7, v18;
	v30 =	vadd.s32 v59, v21;
	v21 =	vsel vm0, $0x1, v4;
	[tilespmem:v37+s19+$0x0] =	vst.idx.add.f32.msk $0xffff, v23  }
0x370: {  	v32 =	vadd.s32 v42, v21;
	vm0 =	vlt.u32 v30, $0x200;
	v21 =	vand.u32 $0x1FF, v30;
	[tilespmem:v36+s19+$0x0] =	vst.idx.add.f32.msk $0xffff, v22  }
0x371: {  	v33 =	vadd.s32 $0xFFFFFFFE, v30;
	v36 =	vadd.s32 $0xFFFFFFFF, v30;
	v37 =	vadd.s32 $0x1, v30;
	[tilespmem:v24+s19+$0x0] =	vst.idx.add.f32.msk $0xffff, v35  }
0x372: {  	v35 =	vcvt.s32.f32 v30;
	v39 =	vcvt.s32.f32 v32;
	v30 =	vadd.s32 $0x2, v30;
	[tilespmem:v28+s19+$0x0] =	vst.idx.add.f32.msk $0xffff, v26  }
0x373: {  	v40 =	vsub.s32 v32, v2;
	v26 =	vadd.s32 $0xFFFFFFFE, v32;
	v28 =	vadd.s32 $0xFFFFFFFF, v32;
	[tilespmem:v29+s19+$0x0] =	vst.idx.add.f32.msk $0xffff, v31  }
0x374: {  	v22 =	vsel vm0, $0x3F800000, v3;
	v23 =	vadd.s32 $0x2, v32;
	v29 =	vadd.s32 $0x1, v32;
	[tilespmem:v41+s19+$0x0] =	vst.idx.add.f32.msk $0xffff, v20  }
0x375: {  	vm4 =	vlt.u32 v33, $0x200;
	vm6 =	vlt.u32 v36, $0x200;
	vm3 =	vlt.u32 v37, $0x200;
	[tilespmem:v53+s19+$0x0] =	vst.idx.add.f32.msk $0xffff, v17  }
0x376: {  	vm2 =	vlt.u32 v30, $0x200;
	vm5 =	vlt.u32 v26, $0x200;
	vm0 =	vlt.u32 v28, $0x200;
	[tilespmem:v54+s19+$0x0] =	vst.idx.add.f32.msk $0xffff, v25  }
0x377: {  	v24 =	vand.u32 $0x1FF, v36;
	v20 =	vand.u32 $0x1FF, v37;
	v25 =	vand.u32 $0x1FF, v33;
	[tilespmem:v55+s19+$0x0] =	vst.idx.add.f32.msk $0xffff, v48  }
0x378: {  	vm1 =	vlt.s32 v40, $0x83;
	v26 =	vsub.s32 v26, v2;
	v17 =	vand.u32 $0x1FF, v30;
	[tilespmem:v56+s19+$0x0] =	vst.idx.add.f32.msk $0xffff, v49  }
0x379: {  	v28 =	vsub.s32 v28, v2;
	vm7 =	vlt.s32 v26, $0x83;
	v30 =	vsub.s32 v29, v2;
	[tilespmem:v27+s19+$0x0] =	vst.idx.add.f32.msk $0xffff, v16  }
0x37a: {  	v5 =	vsub.f32 v35, v5;
	v26 =	vnsel vm7, $0x83, v26;
	v16 =	vsub.f32 v39, v50;
	[tilespmem:v57+s19+$0x0] =	vst.idx.add.f32.msk $0xffff, v15  }
0x37b: {  	vm7 =	vlt.s32 v28, $0x83;
	v15 =	vshll.u32 v26, $0x9;
	v26 =	vsub.s32 v23, v2;
	[tilespmem:v58+s19+$0x0] =	vst.idx.add.f32.msk $0xffff, v13  }
0x37c: {  	v13 =	vadd.f32 $5.000000000e-01, v5;
	v27 =	vadd.f32 $5.000000000e-01, v16;
	v31 =	vor.u32 v25, v15;
	[tilespmem:v38+s19+$0x0] =	vst.idx.add.f32.msk $0xffff, v11  }
0x37d: {  	v28 =	vnsel vm7, $0x83, v28;
	v33 =	vor.u32 v24, v15;
	v11 =	vsel vm6, $0x3F800000, v3;
	[tilespmem:v44+s19+$0x0] =	vst.idx.add.f32.msk $0xffff, v10  }
0x37e: {  	v10 =	vnsel vm4, $0x0, v13;
	v13 =	vnsel vm5, $0x0, v27;
	v27 =	vor.u32 v21, v15;
	[tilespmem:v34+s19+$0x0] =	vst.idx.add.f32.msk $0xffff, v9  }
0x37f: {  	v5 =	vsub.f32 $5.000000000e-01, v5;
	v9 =	vmul.f32 v13, v10;
	v34 =	vor.u32 v20, v15  }
0x380: {  	s29 =	sadd.s32 $0x20, s29;
	v28 =	vshll.u32 v28, $0x9;
	v35 =	vmul.f32 v13, v11;
	v15 =	vor.u32 v17, v15  }
0x381: {  	p0 =	slt.s32 s29, s25;
	v36 =	vsel vm3, $0x3F800000, v3;
	[tilespmem:v31+s19+$0x0] =	vst.idx.add.f32.msk $0xffff, v9;
	v9 =	vmul.f32 v13, v22;
	v31 =	vor.u32 v25, v28  }
0x382: {  	v5 =	vnsel vm2, $0x0, v5;
	[tilespmem:v33+s19+$0x0] =	vst.idx.add.f32.msk $0xffff, v35;
	v33 =	vmul.f32 v13, v36;
	v35 =	vor.u32 v24, v28  }
0x383: {  	[tilespmem:v27+s19+$0x0] =	vst.idx.add.f32.msk $0xffff, v9;
	v9 =	vmul.f32 v13, v5;
	v13 =	vsel vm0, $0x3F800000, v3;
	v27 =	vor.u32 v21, v28  }
0x384: {  	v37 =	vnsel vm1, $0x83, v40;
	[tilespmem:v34+s19+$0x0] =	vst.idx.add.f32.msk $0xffff, v33;
	v33 =	vmul.f32 v10, v13;
	v34 =	vor.u32 v20, v28  }
0x385: {  	[tilespmem:v15+s19+$0x0] =	vst.idx.add.f32.msk $0xffff, v9;
	v9 =	vmul.f32 v13, v11;
	v15 =	vor.u32 v17, v28;
	v28 =	vshll.u32 v37, $0x9  }
0x386: {  	vm0 =	vlt.u32 v32, $0x200;
	[tilespmem:v31+s19+$0x0] =	vst.idx.add.f32.msk $0xffff, v33;
	v31 =	vmul.f32 v13, v22;
	v32 =	vor.u32 v25, v28  }
0x387: {  	v33 =	vsel vm0, $0x3F800000, v3;
	[tilespmem:v35+s19+$0x0] =	vst.idx.add.f32.msk $0xffff, v9;
	v9 =	vmul.f32 v13, v36;
	v35 =	vor.u32 v24, v28  }
0x388: {  	vm0 =	vlt.s32 v30, $0x83;
	v13 =	vmul.f32 v5, v13;
	[tilespmem:v27+s19+$0x0] =	vst.idx.add.f32.msk $0xffff, v31;
	v27 =	vor.u32 v21, v28  }
0x389: {  	v30 =	vnsel vm0, $0x83, v30;
	v31 =	vor.u32 v20, v28;
	[tilespmem:v34+s19+$0x0] =	vst.idx.add.f32.msk $0xffff, v9;
	v9 =	vmul.f32 v10, v33  }
0x38a: {  	[tilespmem:v15+s19+$0x0] =	vst.idx.add.f32.msk $0xffff, v13;
	v13 =	vmul.f32 v11, v33;
	v15 =	vor.u32 v17, v28;
	v28 =	vshll.u32 v30, $0x9  }
0x38b: {  	vm0 =	vlt.u32 v29, $0x200;
	[tilespmem:v32+s19+$0x0] =	vst.idx.add.f32.msk $0xffff, v9;
	v9 =	vmul.f32 v33, v22;
	v29 =	vor.u32 v25, v28  }
0x38c: {  	v30 =	vsel vm0, $0x3F800000, v3;
	v32 =	vor.u32 v24, v28;
	[tilespmem:v35+s19+$0x0] =	vst.idx.add.f32.msk $0xffff, v13;
	v13 =	vmul.f32 v36, v33  }
0x38d: {  	vm0 =	vlt.s32 v26, $0x83;
	[tilespmem:v27+s19+$0x0] =	vst.idx.add.f32.msk $0xffff, v9;
	v9 =	vmul.f32 v5, v33;
	v27 =	vor.u32 v21, v28  }
0x38e: {  	v26 =	vnsel vm0, $0x83, v26;
	[tilespmem:v31+s19+$0x0] =	vst.idx.add.f32.msk $0xffff, v13;
	v13 =	vmul.f32 v10, v30;
	v31 =	vor.u32 v20, v28  }
0x38f: {  	v26 =	vshll.u32 v26, $0x9;
	[tilespmem:v15+s19+$0x0] =	vst.idx.add.f32.msk $0xffff, v9;
	v9 =	vmul.f32 v30, v11;
	v15 =	vor.u32 v17, v28  }
0x390: {  	v16 =	vsub.f32 $5.000000000e-01, v16;
	v25 =	vor.u32 v25, v26;
	[tilespmem:v29+s19+$0x0] =	vst.idx.add.f32.msk $0xffff, v13;
	v13 =	vmul.f32 v30, v22  }
0x391: {  	vm0 =	vlt.u32 v23, $0x200;
	v23 =	vor.u32 v24, v26;
	[tilespmem:v32+s19+$0x0] =	vst.idx.add.f32.msk $0xffff, v9;
	v9 =	vmul.f32 v30, v36  }
0x392: {  	v16 =	vnsel vm0, $0x0, v16;
	v21 =	vor.u32 v21, v26;
	[tilespmem:v27+s19+$0x0] =	vst.idx.add.f32.msk $0xffff, v13;
	v13 =	vmul.f32 v5, v30  }
0x393: {  	vm0 =	vge.f32 v19, $5.000000000e-01;
	[tilespmem:v31+s19+$0x0] =	vst.idx.add.f32.msk $0xffff, v9;
	v9 =	vmul.f32 v16, v10;
	v10 =	vor.u32 v20, v26  }
0x394: {  	vm1 =	vge.f32 v18, $5.000000000e-01;
	v11 =	vmul.f32 v16, v11;
	[tilespmem:v15+s19+$0x0] =	vst.idx.add.f32.msk $0xffff, v13;
	v13 =	vor.u32 v17, v26  }
0x395: {  	v15 =	vsel vm1, $0x1, v4;
	v17 =	vsel vm0, $0x1, v4;
	[tilespmem:v25+s19+$0x0] =	vst.idx.add.f32.msk $0xffff, v9;
	v9 =	vmul.f32 v16, v22  }
0x396: {  	v12 =	vadd.s32 v12, v17;
	[tilespmem:v23+s19+$0x0] =	vst.idx.add.f32.msk $0xffff, v11;
	v11 =	vmul.f32 v16, v36  }
0x397: {  	v5 =	vmul.f32 v16, v5;
	v15 =	vadd.s32 v14, v15;
	v14 =	vcvt.s32.f32 v12;
	[tilespmem:v21+s19+$0x0] =	vst.idx.add.f32.msk $0xffff, v9  }
0x398: {  	v16 =	vadd.s32 $0xFFFFFFFE, v12;
	v17 =	vadd.s32 $0xFFFFFFFF, v12;
	v9 =	vcvt.s32.f32 v15;
	[tilespmem:v10+s19+$0x0] =	vst.idx.add.f32.msk $0xffff, v11  }
0x399: {  	v8 =	vsub.f32 v14, v8;
	v10 =	vadd.s32 $0x1, v12;
	v11 =	vadd.s32 $0x2, v12;
	[tilespmem:v13+s19+$0x0] =	vst.idx.add.f32.msk $0xffff, v5  }
0x39a: {  	v5 =	vsub.f32 v9, v7;
	v7 =	vsub.s32 v16, v2;
	v9 =	vsub.s32 v17, v2  }
0x39b: {  	v14 =	vsub.s32 v10, v2;
	v18 =	vsub.s32 v11, v2;
	v13 =	vadd.f32 $5.000000000e-01, v8  }
0x39c: {  	v20 =	vsub.s32 v12, v2;
	v19 =	vadd.f32 $5.000000000e-01, v5;
	v5 =	vsub.f32 $5.000000000e-01, v5  }
0x39d: {  	v22 =	vadd.s32 $0xFFFFFFFF, v15;
	v21 =	vadd.s32 $0xFFFFFFFE, v15;
	v8 =	vsub.f32 $5.000000000e-01, v8  }
0x39e: {  	v23 =	vadd.s32 $0x1, v15;
	v25 =	vadd.s32 $0x2, v15;
	vm0 =	vlt.s32 v7, $0x83  }
0x39f: {  	vm1 =	vlt.s32 v9, $0x83;
	vm2 =	vlt.s32 v14, $0x83;
	vm3 =	vlt.s32 v18, $0x83  }
0x3a0: {  	vm5 =	vlt.u32 v22, $0x200;
	vm6 =	vlt.s32 v20, $0x83;
	vm4 =	vlt.u32 v21, $0x200  }
0x3a1: {  	vm7 =	vlt.u32 v23, $0x200;
	vm8 =	vlt.u32 v25, $0x200;
	vm9 =	vlt.u32 v16, $0x200  }
0x3a2: {  	vm10 =	vlt.u32 v17, $0x200;
	vm11 =	vlt.u32 v10, $0x200;
	vm12 =	vlt.u32 v11, $0x200  }
0x3a3: {  	vm13 =	vlt.u32 v15, $0x200;
	v10 =	vnsel vm0, $0x83, v7;
	vm0 =	vlt.u32 v12, $0x200  }
0x3a4: {  	v9 =	vnsel vm1, $0x83, v9;
	v11 =	vnsel vm2, $0x83, v14;
	v12 =	vnsel vm3, $0x83, v18  }
0x3a5: {  	v13 =	vnsel vm9, $0x0, v13;
	v31 =	vnsel vm4, $0x0, v19;
	v5 =	vnsel vm8, $0x0, v5  }
0x3a6: {  	v47 =	vsel vm5, $0x3F800000, v3;
	v14 =	vnsel vm6, $0x83, v20;
	v35 =	vnsel vm12, $0x0, v8  }
0x3a7: {  	v39 =	vsel vm10, $0x3F800000, v3;
	v7 =	vsel vm7, $0x3F800000, v3;
	v8 =	vsel vm11, $0x3F800000, v3  }
0x3a8: {  	v26 =	vsel vm13, $0x3F800000, v3;
	v46 =	vshll.u32 v10, $0x9;
	v30 =	vsel vm0, $0x3F800000, v3  }
0x3a9: {  	v37 =	vshll.u32 v9, $0x9;
	v27 =	vshll.u32 v11, $0x9;
	v12 =	vshll.u32 v12, $0x9  }
0x3aa: {  	v18 =	vshll.u32 v14, $0x9;
	v34 =	vmul.f32 v13, v47;
	v38 =	vmul.f32 v13, v31  }
0x3ab: {  	v14 =	vand.u32 $0x1FF, v21;
	v36 =	vmul.f32 v13, v26;
	v33 =	vmul.f32 v13, v7  }
0x3ac: {  	v24 =	vand.u32 $0x1FF, v22;
	v32 =	vmul.f32 v13, v5;
	v29 =	vmul.f32 v31, v39  }
0x3ad: {  	v19 =	vand.u32 $0x1FF, v23;
	v23 =	vmul.f32 v5, v39;
	v22 =	vmul.f32 v31, v30  }
0x3ae: {  	v21 =	vand.u32 $0x1FF, v25;
	v20 =	vmul.f32 v5, v30;
	v17 =	vmul.f32 v31, v8  }
0x3af: {  	v28 =	vand.u32 $0x1FF, v15;
	v16 =	vmul.f32 v5, v8;
	v15 =	vmul.f32 v35, v31  }
.Ltmp18:
0x3b0: {  	v44 =	vor.u32 v14, v46;
	v11 =	vmul.f32 v35, v26;
	v13 =	vmul.f32 v35, v47;
	(pc) =	sbr.rel @p0 .LBB2_25-.Ltmp18, $4  }
0x3b1: {  	v42 =	vor.u32 v24, v46;
	v10 =	vmul.f32 v35, v7;
	v9 =	vmul.f32 v35, v5  }
0x3b2: {  	v41 =	vmul.f32 v39, v47;
	v40 =	vmul.f32 v39, v26;
	v43 =	vor.u32 v28, v46  }
0x3b3: {  	v45 =	vor.u32 v19, v46;
	v39 =	vmul.f32 v39, v7;
	v35 =	vmul.f32 v47, v30  }
0x3b4: {  	s30 =	sadd.s32 $0x20, s30;
	v25 =	vmul.f32 v8, v47;
	v46 =	vor.u32 v21, v46;
	v31 =	vmul.f32 v7, v30  }
.LBB2_26:
0x3b5: {  	_ =	sdelay $0x3  }
0x3b6: {  	v5 =	vor.u32 v14, v37;
	[tilespmem:v44+s19+$0x0] =	vst.idx.add.f32.msk $0xffff, v38  }
0x3b7: {  	v50 =	vor.u32 v24, v37;
	[tilespmem:v42+s19+$0x0] =	vst.idx.add.f32.msk $0xffff, v34  }
0x3b8: {  	v51 =	vor.u32 v28, v37;
	[tilespmem:v43+s19+$0x0] =	vst.idx.add.f32.msk $0xffff, v36  }
0x3b9: {  	v52 =	vor.u32 v19, v37;
	[tilespmem:v45+s19+$0x0] =	vst.idx.add.f32.msk $0xffff, v33  }
0x3ba: {  	v53 =	vor.u32 v21, v37;
	[tilespmem:v46+s19+$0x0] =	vst.idx.add.f32.msk $0xffff, v32  }
0x3bb: {  	v54 =	vor.u32 v14, v18;
	[tilespmem:v5+s19+$0x0] =	vst.idx.add.f32.msk $0xffff, v29  }
0x3bc: {  	v5 =	vor.u32 v24, v18;
	[tilespmem:v50+s19+$0x0] =	vst.idx.add.f32.msk $0xffff, v41  }
0x3bd: {  	v29 =	vor.u32 v28, v18;
	[tilespmem:v51+s19+$0x0] =	vst.idx.add.f32.msk $0xffff, v40  }
0x3be: {  	v55 =	vor.u32 v19, v18;
	[tilespmem:v52+s19+$0x0] =	vst.idx.add.f32.msk $0xffff, v39  }
0x3bf: {  	v56 =	vor.u32 v21, v18;
	[tilespmem:v53+s19+$0x0] =	vst.idx.add.f32.msk $0xffff, v23  }
0x3c0: {  	v57 =	vmul.f32 v30, v26;
	v30 =	vor.u32 v14, v27;
	[tilespmem:v54+s19+$0x0] =	vst.idx.add.f32.msk $0xffff, v22  }
0x3c1: {  	v58 =	vor.u32 v24, v27;
	[tilespmem:v5+s19+$0x0] =	vst.idx.add.f32.msk $0xffff, v35  }
0x3c2: {  	v5 =	vor.u32 v28, v27;
	[tilespmem:v29+s19+$0x0] =	vst.idx.add.f32.msk $0xffff, v57  }
0x3c3: {  	v59 =	vor.u32 v19, v27;
	[tilespmem:v55+s19+$0x0] =	vst.idx.add.f32.msk $0xffff, v31  }
0x3c4: {  	v60 =	vor.u32 v21, v27;
	[tilespmem:v56+s19+$0x0] =	vst.idx.add.f32.msk $0xffff, v20  }
0x3c5: {  	v61 =	vmul.f32 v8, v26;
	v62 =	vor.u32 v14, v12;
	[tilespmem:v30+s19+$0x0] =	vst.idx.add.f32.msk $0xffff, v17  }
0x3c6: {  	v7 =	vmul.f32 v8, v7;
	v8 =	vor.u32 v24, v12;
	[tilespmem:v58+s19+$0x0] =	vst.idx.add.f32.msk $0xffff, v25  }
0x3c7: {  	v63 =	vor.u32 v28, v12;
	[tilespmem:v5+s19+$0x0] =	vst.idx.add.f32.msk $0xffff, v61  }
0x3c8: {  	v5 =	vor.u32 v19, v12;
	[tilespmem:v59+s19+$0x0] =	vst.idx.add.f32.msk $0xffff, v7  }
0x3c9: {  	v7 =	vor.u32 v21, v12;
	[tilespmem:v60+s19+$0x0] =	vst.idx.add.f32.msk $0xffff, v16  }
0x3ca: {  	[tilespmem:v62+s19+$0x0] =	vst.idx.add.f32.msk $0xffff, v15  }
0x3cb: {  	[tilespmem:v8+s19+$0x0] =	vst.idx.add.f32.msk $0xffff, v13  }
0x3cc: {  	[tilespmem:v63+s19+$0x0] =	vst.idx.add.f32.msk $0xffff, v11  }
0x3cd: {  	[tilespmem:v5+s19+$0x0] =	vst.idx.add.f32.msk $0xffff, v10  }
0x3ce: {  	v31 =	vlaneseq.u32;
	[tilespmem:v7+s19+$0x0] =	vst.idx.add.f32.msk $0xffff, v9  }
.LBB2_27:
0x3cf: {  	s28 =	sand.u32 $0xFFFFFFF0, s26  }
0x3d0: {  	p0 =	sge.s32 s25, s28  }
.Ltmp19:
0x3d1: {  	_ = 	snop;
	(pc) =	sbr.rel @p0 .LBB2_30-.Ltmp19, $1  }
0x3d2: {  	_ =	sdelay $0x3  }
0x3d3: {  	s26 =	sshll.u32 s26, $0x2  }
0x3d4: {  	s26 =	sshra.s32 s26, $0x2  }
0x3d5: {  	s29 =	sand.u32 $0xFFFFFFE0, s26  }
0x3d6: {  	s26 =	sadd.s32 $0xA080, s29;
	s29 =	sadd.s32 $0x8000, s29  }
.LBB2_29:
0x3d7: {  	v5 =	vld [tilespmem:s29+$0x0]  }
0x3d8: {  	v7 =	vld [tilespmem:s26+$0x0];
	_ =	sdelay $0x4  }
0x3d9: {  	v8 =	vtrunc.f32 v5;
	v9 =	vtrunc.f32 v7  }
0x3da: {  	v8 =	vcvt.f32.s32 v8;
	v9 =	vcvt.f32.s32 v9;
	_ =	sdelay $0x1  }
0x3db: {  	v10 =	vcvt.s32.f32 v8;
	v11 =	vcvt.s32.f32 v9;
	_ =	sdelay $0x1  }
0x3dc: {  	v10 =	vsub.f32 v5, v10;
	v50 =	vsub.f32 v7, v11;
	_ =	sdelay $0x1  }
0x3dd: {  	vm0 =	vge.f32 v10, $5.000000000e-01;
	vm13 =	vge.f32 v50, $5.000000000e-01  }
0x3de: {  	v51 =	vsel vm0, $0x1, v4;
	v53 =	vsel vm13, $0x1, v4  }
0x3df: {  	v8 =	vadd.s32 v8, v51;
	v9 =	vadd.s32 v9, v53  }
0x3e0: {  	v52 =	vcvt.s32.f32 v8;
	v54 =	vcvt.s32.f32 v9  }
0x3e1: {  	v12 =	vadd.s32 $0xFFFFFFFE, v8;
	v13 =	vadd.s32 $0xFFFFFFFF, v8;
	vm15 =	vlt.u32 v8, $0x200  }
0x3e2: {  	v14 =	vadd.s32 $0x1, v8;
	v15 =	vadd.s32 $0xFFFFFFFE, v9;
	v20 =	vadd.s32 $0x2, v8  }
0x3e3: {  	v8 =	vand.u32 $0x1FF, v8;
	v23 =	vadd.s32 $0xFFFFFFFF, v9;
	v29 =	vsub.s32 v9, v2  }
0x3e4: {  	vm14 =	vlt.u32 v12, $0x200;
	vm1 =	vlt.u32 v13, $0x200;
	v16 =	vsel vm15, $0x3F800000, v3  }
0x3e5: {  	vm4 =	vlt.u32 v14, $0x200;
	v17 =	vsub.s32 v15, v2;
	vm6 =	vlt.u32 v20, $0x200  }
0x3e6: {  	v12 =	vand.u32 $0x1FF, v12;
	v13 =	vand.u32 $0x1FF, v13;
	vm7 =	vlt.u32 v15, $0x200  }
0x3e7: {  	v26 =	vsub.s32 v23, v2;
	v14 =	vand.u32 $0x1FF, v14;
	v20 =	vand.u32 $0x1FF, v20  }
0x3e8: {  	vm9 =	vlt.u32 v23, $0x200;
	v5 =	vsub.f32 v52, v5;
	v7 =	vsub.f32 v54, v7  }
0x3e9: {  	v10 =	vsel vm1, $0x3F800000, v3;
	v18 =	vsel vm4, $0x3F800000, v3;
	vm5 =	vlt.s32 v17, $0x83  }
0x3ea: {  	vm8 =	vlt.s32 v26, $0x83;
	v23 =	vsel vm9, $0x3F800000, v3;
	v17 =	vnsel vm5, $0x83, v17  }
0x3eb: {  	v58 =	vnsel vm8, $0x83, v26;
	v32 =	vmul.f32 v23, v10;
	v17 =	vshll.u32 v17, $0x9  }
0x3ec: {  	v55 =	vadd.f32 $5.000000000e-01, v5;
	v19 =	vadd.f32 $5.000000000e-01, v7;
	v21 =	vor.u32 v12, v17  }
0x3ed: {  	v28 =	vmul.f32 v23, v16;
	v34 =	vmul.f32 v23, v18;
	v56 =	vor.u32 v13, v17  }
0x3ee: {  	v22 =	vor.u32 v8, v17;
	v11 =	vnsel vm14, $0x0, v55;
	v19 =	vnsel vm7, $0x0, v19  }
0x3ef: {  	v5 =	vsub.f32 $5.000000000e-01, v5;
	v57 =	vor.u32 v14, v17;
	v24 =	vmul.f32 v19, v11  }
0x3f0: {  	v60 =	vshll.u32 v58, $0x9;
	v59 =	vor.u32 v20, v17;
	v25 =	vmul.f32 v19, v10  }
0x3f1: {  	vm11 =	vlt.u32 v9, $0x200;
	v27 =	vmul.f32 v19, v16;
	[tilespmem:v21+s19+$0x0] =	vst.idx.add.f32.msk $0xffff, v24;
	v24 =	vor.u32 v12, v60  }
0x3f2: {  	v63 =	vor.u32 v13, v60;
	v5 =	vnsel vm6, $0x0, v5;
	v61 =	vmul.f32 v19, v18;
	[tilespmem:v56+s19+$0x0] =	vst.idx.add.f32.msk $0xffff, v25  }
0x3f3: {  	vm10 =	vlt.s32 v29, $0x83;
	v33 =	vor.u32 v8, v60;
	v19 =	vmul.f32 v19, v5;
	[tilespmem:v22+s19+$0x0] =	vst.idx.add.f32.msk $0xffff, v27  }
0x3f4: {  	v37 =	vnsel vm10, $0x83, v29;
	v35 =	vor.u32 v14, v60;
	v62 =	vmul.f32 v11, v23;
	[tilespmem:v57+s19+$0x0] =	vst.idx.add.f32.msk $0xffff, v61  }
0x3f5: {  	v17 =	vor.u32 v20, v60;
	v36 =	vmul.f32 v5, v23;
	v23 =	vshll.u32 v37, $0x9;
	[tilespmem:v59+s19+$0x0] =	vst.idx.add.f32.msk $0xffff, v19  }
0x3f6: {  	v40 =	vadd.s32 $0x1, v9;
	v9 =	vadd.s32 $0x2, v9;
	v39 =	vor.u32 v12, v23;
	[tilespmem:v24+s19+$0x0] =	vst.idx.add.f32.msk $0xffff, v62  }
0x3f7: {  	v38 =	vsel vm11, $0x3F800000, v3;
	v30 =	vsub.s32 v40, v2;
	v29 =	vor.u32 v13, v23;
	[tilespmem:v63+s19+$0x0] =	vst.idx.add.f32.msk $0xffff, v32  }
0x3f8: {  	v50 =	vsub.s32 v9, v2;
	vm12 =	vlt.s32 v30, $0x83;
	[tilespmem:v33+s19+$0x0] =	vst.idx.add.f32.msk $0xffff, v28;
	v28 =	vor.u32 v8, v23  }
0x3f9: {  	v44 =	vnsel vm12, $0x83, v30;
	v41 =	vmul.f32 v11, v38;
	v30 =	vor.u32 v14, v23;
	[tilespmem:v35+s19+$0x0] =	vst.idx.add.f32.msk $0xffff, v34  }
0x3fa: {  	v42 =	vmul.f32 v10, v38;
	v46 =	vor.u32 v20, v23;
	v22 =	vshll.u32 v44, $0x9;
	[tilespmem:v17+s19+$0x0] =	vst.idx.add.f32.msk $0xffff, v36  }
0x3fb: {  	vm13 =	vlt.u32 v40, $0x200;
	v43 =	vmul.f32 v38, v16;
	v48 =	vor.u32 v12, v22;
	[tilespmem:v39+s19+$0x0] =	vst.idx.add.f32.msk $0xffff, v41  }
0x3fc: {  	v51 =	vsel vm13, $0x3F800000, v3;
	v45 =	vmul.f32 v18, v38;
	v49 =	vor.u32 v13, v22;
	[tilespmem:v29+s19+$0x0] =	vst.idx.add.f32.msk $0xffff, v42  }
0x3fd: {  	vm14 =	vlt.s32 v50, $0x83;
	v47 =	vmul.f32 v5, v38;
	v52 =	vor.u32 v8, v22;
	[tilespmem:v28+s19+$0x0] =	vst.idx.add.f32.msk $0xffff, v43  }
0x3fe: {  	v53 =	vmul.f32 v11, v51;
	v25 =	vnsel vm14, $0x83, v50;
	v54 =	vor.u32 v14, v22;
	[tilespmem:v30+s19+$0x0] =	vst.idx.add.f32.msk $0xffff, v45  }
0x3ff: {  	v55 =	vmul.f32 v51, v10;
	v56 =	vshll.u32 v25, $0x9;
	v22 =	vor.u32 v20, v22;
	[tilespmem:v46+s19+$0x0] =	vst.idx.add.f32.msk $0xffff, v47  }
0x400: {  	v7 =	vsub.f32 $5.000000000e-01, v7;
	v57 =	vmul.f32 v51, v16;
	v12 =	vor.u32 v12, v56;
	[tilespmem:v48+s19+$0x0] =	vst.idx.add.f32.msk $0xffff, v53  }
0x401: {  	vm15 =	vlt.u32 v9, $0x200;
	v58 =	vmul.f32 v51, v18;
	v13 =	vor.u32 v13, v56;
	[tilespmem:v49+s19+$0x0] =	vst.idx.add.f32.msk $0xffff, v55  }
0x402: {  	v7 =	vnsel vm15, $0x0, v7;
	v15 =	vmul.f32 v5, v51;
	v8 =	vor.u32 v8, v56;
	[tilespmem:v52+s19+$0x0] =	vst.idx.add.f32.msk $0xffff, v57  }
0x403: {  	s25 =	sadd.s32 $0x10, s25;
	v60 =	vor.u32 v14, v56;
	v59 =	vmul.f32 v7, v11;
	[tilespmem:v54+s19+$0x0] =	vst.idx.add.f32.msk $0xffff, v58  }
0x404: {  	p0 =	slt.s32 s25, s28;
	v10 =	vmul.f32 v7, v10;
	v61 =	vor.u32 v20, v56;
	[tilespmem:v22+s19+$0x0] =	vst.idx.add.f32.msk $0xffff, v15  }
.Ltmp20:
0x405: {  	v62 =	vmul.f32 v7, v16;
	[tilespmem:v12+s19+$0x0] =	vst.idx.add.f32.msk $0xffff, v59;
	(pc) =	sbr.rel @p0 .LBB2_29-.Ltmp20, $4  }
0x406: {  	v63 =	vmul.f32 v7, v18;
	[tilespmem:v13+s19+$0x0] =	vst.idx.add.f32.msk $0xffff, v10  }
0x407: {  	v5 =	vmul.f32 v7, v5;
	[tilespmem:v8+s19+$0x0] =	vst.idx.add.f32.msk $0xffff, v62  }
0x408: {  	[tilespmem:v60+s19+$0x0] =	vst.idx.add.f32.msk $0xffff, v63  }
0x409: {  	s26 =	sadd.s32 $0x10, s26;
	s29 =	sadd.s32 $0x10, s29;
	[tilespmem:v61+s19+$0x0] =	vst.idx.add.f32.msk $0xffff, v5  }
.LBB2_30:
0x40a: {  	_ =	swait.ge [sflag:s20], $0x2000  }
0x40b: {  	[sflag:s20] =	ssyncset.done $0x0  }
0x40c: {  	[sflag:s20] =	ssyncadd.s32 $0xFFFFE000  }
0x40d: {  	_ =	swait.ge [sflag:s20], $0x2000  }
0x40e: {  	[sflag:s20] =	ssyncset.done $0x0  }
0x40f: {  	s25 =	simm.s32 $0x6000;
	[sflag:s20] =	ssyncadd.s32 $0xFFFFE000  }
0x410: {  	v7 =	vld [tilespmem:s25+$0x0];
	_ =	sdelay $0x4  }
0x411: {  	v5 =	vtrunc.f32 v7  }
0x412: {  	s29 =	simm.s32 $0x6010;
	v5 =	vcvt.f32.s32 v5  }
0x413: {  	v8 =	vld [tilespmem:s29+$0x0]  }
0x414: {  	v9 =	vcvt.s32.f32 v5;
	_ =	sdelay $0x1  }
0x415: {  	v9 =	vsub.f32 v7, v9;
	_ =	sdelay $0x1  }
0x416: {  	v10 =	vtrunc.f32 v8;
	vm0 =	vge.f32 v9, $5.000000000e-01  }
0x417: {  	v10 =	vcvt.f32.s32 v10;
	v9 =	vsel vm0, $0x1, v4  }
0x418: {  	v5 =	vadd.s32 v5, v9  }
0x419: {  	v11 =	vcvt.s32.f32 v10;
	vm0 =	vlt.s32 v5, $0x1FF  }
0x41a: {  	s30 =	simm.s32 $0x6020;
	v5 =	vnsel vm0, $0x1FF, v5  }
0x41b: {  	v11 =	vsub.f32 v8, v11;
	v9 =	vld [tilespmem:s30+$0x0];
	v5 =	vshrl.u32 v5, $0x7  }
0x41c: {  	vm0 =	veq.s32 v5, v1  }
0x41d: {  	vm1 =	vge.f32 v11, $5.000000000e-01;
	v5 =	vsel vm0, $0x1, v4  }
0x41e: {  	(xrf0) =	vadd.scan.msk.s32 $0xffff, v5;
	v5 =	vsel vm1, $0x1, v4  }
0x41f: {  	v5 =	vadd.s32 v10, v5  }
0x420: {  	v11 =	vtrunc.f32 v9;
	vm1 =	vlt.s32 v5, $0x1FF  }
0x421: {  	s31 =	simm.s32 $0x6030;
	v15 =	vcvt.f32.s32 v11;
	v5 =	vnsel vm1, $0x1FF, v5  }
0x422: {  	v10 =	vld [tilespmem:s31+$0x0];
	v5 =	vshrl.u32 v5, $0x7  }
0x423: {  	v11 =	vcvt.s32.f32 v15;
	_ =	sdelay $0x1  }
0x424: {  	v12 =	vimm.s32 $0x0;
	v11 =	vsub.f32 v9, v11;
	vm1 =	veq.s32 v5, v1;
	v5, _, _ =	vpop (xrf0)  }
0x425: {  	s25 =	simm.s32 $0x4000;
	v13 =	vsel vm1, $0x1, v4;
	v5 =	vadd.s32 v5, v12  }
0x426: {  	vm2 =	vge.f32 v11, $5.000000000e-01;
	v14 =	vtrunc.f32 v10;
	(xrf0) =	vadd.scan.msk.s32 $0xffff, v13;
	v13 =	vld [tilespmem:s25+$0x0];
	v11 =	vadd.s32 $0xFFFFFFFF, v5  }
0x427: {  	vm0 =	vmmov vm0;
	v14 =	vcvt.f32.s32 v14;
	v5 =	vsel vm2, $0x1, v4  }
0x428: {  	s26 =	simm.s32 $0x30;
	s28 =	simm.s32 $0x6040;
	vm0 =	vmmov vm0;
	vm1 =	vmmov vm1;
	v15 =	vadd.s32 v15, v5  }
.LBB2_31:
0x429: {  	v5 =	vld [tilespmem:s28+$0x0];
	v16 =	vcvt.s32.f32 v14;
	vm2 =	vlt.s32 v15, $0x1FF;
	v17 =	vmov v14  }
0x42a: {  	s26 =	sadd.s32 $0x10, s26;
	v14 =	vnsel vm2, $0x1FF, v15;
	v15 =	vmpcnt.ones.xlane vm0  }
0x42b: {  	p0 =	slt.u32 s26, $0x1FF0;
	v16 =	vsub.f32 v10, v16;
	v14 =	vshrl.u32 v14, $0x7;
	[tilespmem:v11+s17+$0x0] =	vst.idx.msk vm0, v13  }
.Ltmp21:
0x42c: {  	vm2 =	veq.s32 v14, v1;
	v13, _, _ =	vpop (xrf0);
	[tilespmem:v11+s18+$0x0] =	vst.idx.msk vm0, v7;
	v12 =	vadd.s32 v12, v15;
	v7 =	vmov v8;
	(pc) =	sbr.rel @p0 .LBB2_31-.Ltmp21, $4  }
0x42d: {  	s25 =	sadd.s32 $0x10, s25;
	v8 =	vmovc v9;
	v9 =	vmovc v10;
	vm0 =	vmmov vm1;
	v11 =	vsel vm2, $0x1, v4;
	v14 =	vadd.s32 v13, v12  }
0x42e: {  	vm1 =	vge.f32 v16, $5.000000000e-01;
	v15 =	vtrunc.f32 v5;
	(xrf0) =	vadd.scan.msk.s32 $0xffff, v11;
	v13 =	vld [tilespmem:s25+$0x0];
	v11 =	vadd.s32 $0xFFFFFFFF, v14;
	v10 =	vmovc v5  }
0x42f: {  	v5 =	vsel vm1, $0x1, v4;
	vm1 =	vmmov vm2;
	v14 =	vcvt.f32.s32 v15  }
0x430: {  	s28 =	sadd.s32 $0x10, s28;
	v15 =	vadd.s32 v17, v5  }
0x431: {  	v5 =	vcvt.s32.f32 v14;
	_ =	sdelay $0x1  }
0x432: {  	v5 =	vsub.f32 v10, v5;
	_ =	sdelay $0x1  }
0x433: {  	vm2 =	vge.f32 v5, $5.000000000e-01  }
0x434: {  	v5 =	vsel vm2, $0x1, v4  }
0x435: {  	vm13 =	vlt.s32 v15, $0x1FF;
	v5 =	vadd.s32 v14, v5  }
0x436: {  	v54 =	vnsel vm13, $0x1FF, v15;
	vm14 =	vlt.s32 v5, $0x1FF  }
0x437: {  	v14 =	vshrl.u32 v54, $0x7;
	v5 =	vnsel vm14, $0x1FF, v5  }
0x438: {  	v55 =	vmpcnt.ones.xlane vm0;
	vm4 =	veq.s32 v14, v1;
	v5 =	vshrl.u32 v5, $0x7  }
0x439: {  	vm1 =	vmmov vm1;
	vm15 =	vmmov vm4;
	vm5 =	veq.s32 v5, v1  }
0x43a: {  	vm2 =	vmmov vm15;
	v5 =	vmpcnt.ones.xlane vm1;
	vm3 =	vmmov vm5  }
0x43b: {  	v12 =	vadd.s32 v12, v55;
	v56 =	vmpcnt.ones.xlane vm2;
	vm3 =	vmmov vm3  }
0x43c: {  	v5 =	vadd.s32 v12, v5;
	v57 =	vmpcnt.ones.xlane vm3  }
0x43d: {  	v14 =	vadd.s32 v5, v56  }
0x43e: {  	v15 =	vadd.s32 v14, v57  }
0x43f: {  	(v2sf) =	vpush v15, $0x0;
	_ =	sdelay $0x2  }
0x440: {  	v16 =	vsel vm4, $0x1, v4  }
0x441: {  	(xrf0) =	vadd.scan.msk.s32 $0xffff, v16  }
0x442: {  	v58 =	vsel vm5, $0x1, v4  }
0x443: {  	(xrf0) =	vadd.scan.msk.s32 $0xffff, v58;
	_ =	sdelay $0x1  }
0x444: {  	v59, _, _ =	vpop (xrf0)  }
0x445: {  	s25 =	sadd.s32 $0x10, s25;
	v12 =	vadd.s32 v59, v12  }
0x446: {  	v17 =	vld [tilespmem:s25+$0x0];
	v12 =	vadd.s32 $0xFFFFFFFF, v12;
	v60, _, _ =	vpop (xrf0)  }
0x447: {  	s25 =	sadd.s32 $0x10, s25;
	v5 =	vadd.s32 v60, v5  }
0x448: {  	v61 =	vld [tilespmem:s25+$0x0];
	v5 =	vadd.s32 $0xFFFFFFFF, v5;
	v18, _, _ =	vpop (xrf0)  }
0x449: {  	[tilespmem:v11+s17+$0x0] =	vst.idx.msk vm0, v13;
	s25 =	sadd.s32 $0x10, s25;
	v62 =	vadd.s32 v18, v14  }
0x44a: {  	[tilespmem:v11+s18+$0x0] =	vst.idx.msk vm0, v7;
	v7 =	vld [tilespmem:s25+$0x0];
	v63 =	vadd.s32 $0xFFFFFFFF, v62  }
0x44b: {  	[tilespmem:v12+s17+$0x0] =	vst.idx.msk vm1, v17;
	s31 =	spop (v2sf)  }
0x44c: {  	[tilespmem:v12+s18+$0x0] =	vst.idx.msk vm1, v8;
	v8 =	vadd.s32 v31, v15;
	s26 =	sadd.s32 $0xF, s31  }
0x44d: {  	[tilespmem:v5+s17+$0x0] =	vst.idx.msk vm2, v61;
	p0 =	slt.s32 s26, $0x20  }
.Ltmp22:
0x44e: {  	[tilespmem:v5+s18+$0x0] =	vst.idx.msk vm2, v9;
	(pc) =	sbr.rel @p0 .LBB2_36-.Ltmp22, $4  }
0x44f: {  	[tilespmem:v63+s17+$0x0] =	vst.idx.msk vm3, v7  }
0x450: {  	[tilespmem:v63+s18+$0x0] =	vst.idx.msk vm3, v10  }
0x451: {  	[tilespmem:v8+s17+$0x0] =	vst.idx.msk $0xffff, v6  }
0x452: {  	[tilespmem:v8+s18+$0x0] =	vst.idx.msk $0xffff, v0;
	s25 =	sand.u32 $0xFFFFFFE0, s26  }
0x453: {  	s29 =	simm.s32 $0x8010  }
0x454: {  	s28 =	simm.s32 $0xA090;
	v5 =	vld [tilespmem:s29+$0x0]  }
0x455: {  	v10 =	vld [tilespmem:s28+$0x0];
	_ =	sdelay $0x1  }
0x456: {  	v8 =	vld [tilespmem:s28+$0xFFFFFFF0];
	_ =	sdelay $0x1  }
0x457: {  	v7 =	vld [tilespmem:s29+$0xFFFFFFF0];
	v9 =	vtrunc.f32 v5  }
0x458: {  	v11 =	vcvt.f32.s32 v9;
	v9 =	vtrunc.f32 v10  }
0x459: {  	v12 =	vcvt.f32.s32 v9  }
0x45a: {  	v13 =	vtrunc.f32 v8  }
0x45b: {  	v9 =	vcvt.s32.f32 v11;
	v14 =	vcvt.s32.f32 v12  }
0x45c: {  	v15 =	vtrunc.f32 v7;
	v13 =	vcvt.f32.s32 v13  }
0x45d: {  	v16 =	vsub.f32 v5, v9;
	v9 =	vcvt.f32.s32 v15;
	v14 =	vsub.f32 v10, v14  }
0x45e: {  	v15 =	vcvt.s32.f32 v13  }
0x45f: {  	vm0 =	vge.f32 v16, $5.000000000e-01;
	v16 =	vcvt.s32.f32 v9;
	vm12 =	vge.f32 v14, $5.000000000e-01  }
0x460: {  	v17 =	vsel vm0, $0x1, v4;
	v14 =	vsub.f32 v8, v15;
	v15 =	vsel vm12, $0x1, v4  }
0x461: {  	v11 =	vadd.s32 v11, v17;
	v16 =	vsub.f32 v7, v16;
	v12 =	vadd.s32 v12, v15  }
0x462: {  	vm13 =	vlt.u32 v11, $0x200;
	v15 =	vand.u32 $0x1FF, v11;
	v17 =	vadd.s32 $0xFFFFFFFE, v11  }
0x463: {  	v18 =	vadd.s32 $0xFFFFFFFF, v11;
	v19 =	vadd.s32 $0x1, v11;
	v20 =	vcvt.s32.f32 v11  }
0x464: {  	v11 =	vadd.s32 $0x2, v11;
	vm12 =	vge.f32 v14, $5.000000000e-01;
	v21 =	vcvt.s32.f32 v12  }
0x465: {  	v22 =	vadd.s32 $0xFFFFFFFE, v12;
	v23 =	vadd.s32 $0xFFFFFFFF, v12;
	v24 =	vsub.s32 v12, v2  }
0x466: {  	v25 =	vsel vm13, $0x3F800000, v3;
	v26 =	vadd.s32 $0x1, v12;
	v27 =	vadd.s32 $0x2, v12  }
0x467: {  	vm4 =	vlt.u32 v17, $0x200;
	vm5 =	vlt.u32 v18, $0x200;
	vm3 =	vlt.u32 v19, $0x200  }
0x468: {  	vm1 =	vlt.u32 v11, $0x200;
	v17 =	vand.u32 $0x1FF, v17;
	v18 =	vand.u32 $0x1FF, v18  }
0x469: {  	v19 =	vand.u32 $0x1FF, v19;
	v11 =	vand.u32 $0x1FF, v11;
	vm13 =	vge.f32 v16, $5.000000000e-01  }
0x46a: {  	v16 =	vsel vm12, $0x1, v4;
	vm6 =	vlt.u32 v22, $0x200;
	vm14 =	vlt.u32 v23, $0x200  }
0x46b: {  	v22 =	vsub.s32 v22, v2;
	vm2 =	vlt.s32 v24, $0x83;
	v23 =	vsub.s32 v23, v2  }
0x46c: {  	v5 =	vsub.f32 v20, v5;
	v31 =	vsel vm5, $0x3F800000, v3;
	v37 =	vsel vm3, $0x3F800000, v3  }
0x46d: {  	vm9 =	vlt.u32 v26, $0x200;
	vm11 =	vlt.u32 v27, $0x200;
	v13 =	vadd.s32 v13, v16  }
0x46e: {  	vm7 =	vlt.s32 v22, $0x83;
	v10 =	vsub.f32 v21, v10;
	v21 =	vsub.s32 v26, v2  }
0x46f: {  	vm15 =	vlt.s32 v23, $0x83;
	v42 =	vsel vm14, $0x3F800000, v3;
	v24 =	vnsel vm2, $0x83, v24  }
0x470: {  	v57 =	vsel vm9, $0x3F800000, v3;
	v20 =	vnsel vm7, $0x83, v22;
	v22 =	vsub.s32 v27, v2  }
0x471: {  	v28 =	vadd.f32 $5.000000000e-01, v5;
	v23 =	vnsel vm15, $0x83, v23;
	v5 =	vsub.f32 $5.000000000e-01, v5  }
0x472: {  	v46 =	vmul.f32 v42, v31;
	v24 =	vshll.u32 v24, $0x9;
	v47 =	vmul.f32 v42, v25  }
0x473: {  	vm7 =	vlt.u32 v12, $0x200;
	v48 =	vmul.f32 v42, v37;
	vm8 =	vlt.s32 v21, $0x83  }
0x474: {  	v27 =	vmul.f32 v57, v31;
	v14 =	vmul.f32 v57, v25;
	v20 =	vshll.u32 v20, $0x9  }
0x475: {  	v29 =	vadd.f32 $5.000000000e-01, v10;
	v23 =	vshll.u32 v23, $0x9;
	v12 =	vor.u32 v17, v24  }
0x476: {  	v49 =	vsel vm7, $0x3F800000, v3;
	v50 =	vor.u32 v18, v24;
	v51 =	vor.u32 v15, v24  }
0x477: {  	v53 =	vor.u32 v19, v24;
	v21 =	vnsel vm8, $0x83, v21;
	v24 =	vor.u32 v11, v24  }
0x478: {  	vm10 =	vlt.s32 v22, $0x83;
	v10 =	vsub.f32 $5.000000000e-01, v10;
	v30 =	vor.u32 v17, v20  }
0x479: {  	v32 =	vor.u32 v18, v20;
	v28 =	vnsel vm4, $0x0, v28;
	v33 =	vor.u32 v15, v20  }
0x47a: {  	v35 =	vor.u32 v19, v20;
	v20 =	vor.u32 v11, v20;
	v39 =	vor.u32 v17, v23  }
0x47b: {  	v5 =	vnsel vm1, $0x0, v5;
	v41 =	vor.u32 v18, v23;
	v43 =	vor.u32 v15, v23  }
0x47c: {  	v45 =	vor.u32 v19, v23;
	v23 =	vor.u32 v11, v23;
	v54 =	vmul.f32 v31, v49  }
0x47d: {  	v21 =	vshll.u32 v21, $0x9;
	v55 =	vmul.f32 v49, v25;
	v56 =	vmul.f32 v37, v49  }
0x47e: {  	v22 =	vnsel vm10, $0x83, v22;
	v29 =	vnsel vm6, $0x0, v29;
	v44 =	vmul.f32 v28, v42  }
0x47f: {  	v42 =	vmul.f32 v5, v42;
	v52 =	vmul.f32 v28, v49;
	v26 =	vor.u32 v17, v21  }
0x480: {  	v58 =	vor.u32 v18, v21;
	v49 =	vmul.f32 v5, v49;
	v59 =	vor.u32 v15, v21  }
0x481: {  	v60 =	vmul.f32 v28, v57;
	v61 =	vor.u32 v19, v21;
	v21 =	vor.u32 v11, v21  }
0x482: {  	v22 =	vshll.u32 v22, $0x9;
	v34 =	vmul.f32 v29, v28;
	v36 =	vmul.f32 v29, v31  }
0x483: {  	v10 =	vnsel vm11, $0x0, v10;
	v38 =	vmul.f32 v29, v25;
	v40 =	vmul.f32 v29, v37  }
0x484: {  	v29 =	vmul.f32 v29, v5;
	v17 =	vor.u32 v17, v22;
	v62 =	vor.u32 v18, v22  }
0x485: {  	v15 =	vor.u32 v15, v22;
	v63 =	vor.u32 v19, v22;
	v18 =	vmul.f32 v57, v37  }
0x486: {  	v11 =	vor.u32 v11, v22;
	v19 =	vmul.f32 v5, v57;
	v16 =	vmul.f32 v10, v28  }
0x487: {  	v22 =	vmul.f32 v10, v31;
	v28 =	vsel vm13, $0x1, v4;
	v25 =	vmul.f32 v10, v25  }
0x488: {  	v31 =	vmul.f32 v10, v37;
	v9 =	vadd.s32 v9, v28;
	v28 =	vcvt.s32.f32 v13  }
0x489: {  	v5 =	vmul.f32 v10, v5;
	v57 =	vsub.s32 v13, v2;
	v10 =	vcvt.s32.f32 v9  }
0x48a: {  	vm9 =	vlt.s32 v57, $0x83;
	[tilespmem:v30+s19+$0x0] =	vst.idx.add.f32.msk $0xffff, v34;
	v30 =	vadd.s32 $0xFFFFFFFE, v13;
	v8 =	vsub.f32 v28, v8  }
0x48b: {  	v28 =	vadd.s32 $0x1, v13;
	[tilespmem:v32+s19+$0x0] =	vst.idx.add.f32.msk $0xffff, v36;
	v32 =	vadd.s32 $0xFFFFFFFF, v13;
	v7 =	vsub.f32 v10, v7  }
0x48c: {  	v10 =	vsub.s32 v30, v2;
	vm14 =	vlt.u32 v30, $0x200;
	vm12 =	vlt.u32 v28, $0x200  }
0x48d: {  	[tilespmem:v33+s19+$0x0] =	vst.idx.add.f32.msk $0xffff, v38;
	v33 =	vadd.s32 $0x2, v13;
	v34 =	vsub.s32 v32, v2;
	vm15 =	vlt.s32 v10, $0x83  }
0x48e: {  	vm11 =	vlt.u32 v32, $0x200;
	[tilespmem:v35+s19+$0x0] =	vst.idx.add.f32.msk $0xffff, v40;
	v35 =	vsub.s32 v33, v2;
	v30 =	vadd.f32 $5.000000000e-01, v7  }
0x48f: {  	v7 =	vsub.f32 $5.000000000e-01, v7;
	v10 =	vnsel vm15, $0x83, v10;
	vm4 =	vlt.s32 v34, $0x83  }
0x490: {  	v40 =	vadd.s32 $0xFFFFFFFF, v9;
	vm13 =	vlt.u32 v33, $0x200;
	vm15 =	vlt.u32 v13, $0x200  }
0x491: {  	v13 =	vnsel vm9, $0x83, v57;
	[tilespmem:v20+s19+$0x0] =	vst.idx.add.f32.msk $0xffff, v29;
	v20 =	vadd.f32 $5.000000000e-01, v8;
	v29 =	vsub.s32 v28, v2  }
0x492: {  	v8 =	vsub.f32 $5.000000000e-01, v8;
	v34 =	vnsel vm4, $0x83, v34;
	vm6 =	vlt.s32 v35, $0x83;
	[tilespmem:v39+s19+$0x0] =	vst.idx.add.f32.msk $0xffff, v44  }
0x493: {  	vm2 =	vlt.u32 v40, $0x200;
	v28 =	vand.u32 $0x1FF, v9;
	vm5 =	vlt.s32 v29, $0x83;
	[tilespmem:v41+s19+$0x0] =	vst.idx.add.f32.msk $0xffff, v46  }
0x494: {  	v39 =	vadd.s32 $0xFFFFFFFE, v9;
	v37 =	vshll.u32 v34, $0x9;
	v29 =	vnsel vm5, $0x83, v29;
	[tilespmem:v43+s19+$0x0] =	vst.idx.add.f32.msk $0xffff, v47  }
0x495: {  	vm7 =	vlt.u32 v39, $0x200;
	v20 =	vnsel vm14, $0x0, v20;
	vm14 =	vlt.u32 v9, $0x200;
	[tilespmem:v45+s19+$0x0] =	vst.idx.add.f32.msk $0xffff, v48  }
0x496: {  	v57 =	vnsel vm13, $0x0, v8;
	v8 =	vsel vm12, $0x3F800000, v3;
	[tilespmem:v23+s19+$0x0] =	vst.idx.add.f32.msk $0xffff, v42;
	v23 =	vadd.s32 $0x1, v9  }
0x497: {  	[tilespmem:v12+s19+$0x0] =	vst.idx.add.f32.msk $0xffff, v52;
	v52 =	vadd.s32 $0x2, v9;
	v12 =	vnsel vm6, $0x83, v35;
	vm10 =	vlt.u32 v23, $0x200  }
0x498: {  	[tilespmem:v50+s19+$0x0] =	vst.idx.add.f32.msk $0xffff, v54;
	v54 =	vnsel vm7, $0x0, v30;
	vm8 =	vlt.u32 v52, $0x200;
	v30 =	vsel vm15, $0x3F800000, v3  }
0x499: {  	[tilespmem:v51+s19+$0x0] =	vst.idx.add.f32.msk $0xffff, v55;
	v55 =	vnsel vm8, $0x0, v7;
	v7 =	vsel vm10, $0x3F800000, v3;
	v38 =	vmul.f32 v20, v54  }
0x49a: {  	[tilespmem:v53+s19+$0x0] =	vst.idx.add.f32.msk $0xffff, v56;
	v56 =	vsel vm2, $0x3F800000, v3;
	v33 =	vmul.f32 v20, v7;
	v32 =	vmul.f32 v20, v55  }
0x49b: {  	v9 =	vmul.f32 v57, v55;
	[tilespmem:v24+s19+$0x0] =	vst.idx.add.f32.msk $0xffff, v49;
	v34 =	vmul.f32 v20, v56;
	v24 =	vand.u32 $0x1FF, v40  }
0x49c: {  	v35 =	vmul.f32 v56, v30;
	[tilespmem:v26+s19+$0x0] =	vst.idx.add.f32.msk $0xffff, v60;
	v26 =	vsel vm14, $0x3F800000, v3;
	v60 =	vshll.u32 v10, $0x9  }
0x49d: {  	v10 =	vmul.f32 v57, v7;
	[tilespmem:v58+s19+$0x0] =	vst.idx.add.f32.msk $0xffff, v27;
	v58 =	vsel vm11, $0x3F800000, v3;
	v36 =	vmul.f32 v20, v26  }
0x49e: {  	v20 =	vmul.f32 v55, v30;
	v42 =	vor.u32 v24, v60;
	v43 =	vor.u32 v28, v60  }
0x49f: {  	v27 =	vshll.u32 v29, $0x9;
	[tilespmem:v59+s19+$0x0] =	vst.idx.add.f32.msk $0xffff, v14;
	v29 =	vmul.f32 v54, v58;
	v41 =	vmul.f32 v58, v56  }
0x4a0: {  	v14 =	vand.u32 $0x1FF, v39;
	v40 =	vmul.f32 v58, v26;
	v39 =	vmul.f32 v58, v7;
	[tilespmem:v61+s19+$0x0] =	vst.idx.add.f32.msk $0xffff, v18  }
0x4a1: {  	p0 =	sgt.s32 s25, $0x20;
	v18 =	vshll.u32 v13, $0x9;
	v44 =	vor.u32 v14, v60;
	v13 =	vmul.f32 v57, v56;
	[tilespmem:v21+s19+$0x0] =	vst.idx.add.f32.msk $0xffff, v19  }
.Ltmp23:
0x4a2: {  	v19 =	vand.u32 $0x1FF, v23;
	v23 =	vmul.f32 v55, v58;
	[tilespmem:v17+s19+$0x0] =	vst.idx.add.f32.msk $0xffff, v16;
	v17 =	vmul.f32 v54, v8;
	(pc) =	sbr.rel @!p0 .LBB2_35-.Ltmp23, $4  }
0x4a3: {  	v21 =	vand.u32 $0x1FF, v52;
	v16 =	vmul.f32 v55, v8;
	v45 =	vor.u32 v19, v60;
	[tilespmem:v62+s19+$0x0] =	vst.idx.add.f32.msk $0xffff, v22  }
0x4a4: {  	v46 =	vor.u32 v21, v60;
	v22 =	vmul.f32 v54, v30;
	[tilespmem:v15+s19+$0x0] =	vst.idx.add.f32.msk $0xffff, v25  }
0x4a5: {  	v15 =	vmul.f32 v57, v54;
	v25 =	vmul.f32 v8, v56;
	[tilespmem:v63+s19+$0x0] =	vst.idx.add.f32.msk $0xffff, v31  }
0x4a6: {  	s30 =	simm.s32 $0x8030;
	s29 =	simm.s32 $0x20;
	v12 =	vshll.u32 v12, $0x9;
	v31 =	vmul.f32 v7, v30;
	[tilespmem:v11+s19+$0x0] =	vst.idx.add.f32.msk $0xffff, v5;
	v11 =	vmul.f32 v57, v26  }
.LBB2_34:
0x4a7: {  	v5 =	vld [tilespmem:s30+$0x0];
	v47 =	vor.u32 v14, v37;
	v48 =	vmul.f32 v8, v26;
	v49 =	vmul.f32 v8, v7;
	s28 =	sadd.s32 $0x20, s28  }
0x4a8: {  	v51 =	vor.u32 v24, v37;
	v52 =	vor.u32 v28, v37;
	v26 =	vmul.f32 v30, v26;
	v50 =	vld [tilespmem:s28+$0x0]  }
0x4a9: {  	v30 =	vor.u32 v19, v37;
	v37 =	vor.u32 v21, v37;
	v53 =	vor.u32 v14, v27;
	v8 =	vld [tilespmem:s28+$0xFFFFFFF0]  }
0x4aa: {  	v54 =	vor.u32 v24, v27;
	v55 =	vor.u32 v28, v27;
	v56 =	vor.u32 v19, v27;
	v7 =	vld [tilespmem:s30+$0xFFFFFFF0]  }
0x4ab: {  	v27 =	vor.u32 v21, v27;
	v57 =	vor.u32 v14, v12;
	v58 =	vor.u32 v24, v12  }
0x4ac: {  	v59 =	vtrunc.f32 v5;
	[tilespmem:v44+s19+$0x0] =	vst.idx.add.f32.msk $0xffff, v38;
	v38 =	vor.u32 v28, v12;
	v44 =	vor.u32 v19, v12  }
0x4ad: {  	v59 =	vcvt.f32.s32 v59;
	v60 =	vtrunc.f32 v50;
	[tilespmem:v42+s19+$0x0] =	vst.idx.add.f32.msk $0xffff, v34;
	v34 =	vor.u32 v21, v12  }
0x4ae: {  	v12 =	vtrunc.f32 v8;
	v42 =	vcvt.f32.s32 v60;
	[tilespmem:v43+s19+$0x0] =	vst.idx.add.f32.msk $0xffff, v36;
	v36 =	vor.u32 v14, v18  }
0x4af: {  	v24 =	vor.u32 v24, v18;
	v14 =	vtrunc.f32 v7;
	v43 =	vcvt.s32.f32 v59;
	[tilespmem:v45+s19+$0x0] =	vst.idx.add.f32.msk $0xffff, v33  }
0x4b0: {  	v28 =	vor.u32 v28, v18;
	v12 =	vcvt.f32.s32 v12;
	v33 =	vcvt.s32.f32 v42;
	[tilespmem:v46+s19+$0x0] =	vst.idx.add.f32.msk $0xffff, v32  }
0x4b1: {  	v14 =	vcvt.f32.s32 v14;
	v32 =	vsub.f32 v5, v43;
	[tilespmem:v47+s19+$0x0] =	vst.idx.add.f32.msk $0xffff, v29;
	v29 =	vor.u32 v19, v18  }
0x4b2: {  	v19 =	vcvt.s32.f32 v12;
	v33 =	vsub.f32 v50, v33;
	[tilespmem:v51+s19+$0x0] =	vst.idx.add.f32.msk $0xffff, v41;
	v41 =	vor.u32 v21, v18  }
0x4b3: {  	v18 =	vcvt.s32.f32 v14;
	vm0 =	vge.f32 v32, $5.000000000e-01;
	[tilespmem:v52+s19+$0x0] =	vst.idx.add.f32.msk $0xffff, v40  }
0x4b4: {  	v19 =	vsub.f32 v8, v19;
	v21 =	vsel vm0, $0x1, v4;
	vm0 =	vge.f32 v33, $5.000000000e-01;
	[tilespmem:v30+s19+$0x0] =	vst.idx.add.f32.msk $0xffff, v39  }
0x4b5: {  	v18 =	vsub.f32 v7, v18;
	v30 =	vadd.s32 v59, v21;
	v21 =	vsel vm0, $0x1, v4;
	[tilespmem:v37+s19+$0x0] =	vst.idx.add.f32.msk $0xffff, v23  }
0x4b6: {  	v32 =	vadd.s32 v42, v21;
	vm0 =	vlt.u32 v30, $0x200;
	v21 =	vand.u32 $0x1FF, v30;
	[tilespmem:v36+s19+$0x0] =	vst.idx.add.f32.msk $0xffff, v22  }
0x4b7: {  	v33 =	vadd.s32 $0xFFFFFFFE, v30;
	v36 =	vadd.s32 $0xFFFFFFFF, v30;
	v37 =	vadd.s32 $0x1, v30;
	[tilespmem:v24+s19+$0x0] =	vst.idx.add.f32.msk $0xffff, v35  }
0x4b8: {  	v35 =	vcvt.s32.f32 v30;
	v39 =	vcvt.s32.f32 v32;
	v30 =	vadd.s32 $0x2, v30;
	[tilespmem:v28+s19+$0x0] =	vst.idx.add.f32.msk $0xffff, v26  }
0x4b9: {  	v40 =	vsub.s32 v32, v2;
	v26 =	vadd.s32 $0xFFFFFFFE, v32;
	v28 =	vadd.s32 $0xFFFFFFFF, v32;
	[tilespmem:v29+s19+$0x0] =	vst.idx.add.f32.msk $0xffff, v31  }
0x4ba: {  	v22 =	vsel vm0, $0x3F800000, v3;
	v23 =	vadd.s32 $0x2, v32;
	v29 =	vadd.s32 $0x1, v32;
	[tilespmem:v41+s19+$0x0] =	vst.idx.add.f32.msk $0xffff, v20  }
0x4bb: {  	vm4 =	vlt.u32 v33, $0x200;
	vm6 =	vlt.u32 v36, $0x200;
	vm3 =	vlt.u32 v37, $0x200;
	[tilespmem:v53+s19+$0x0] =	vst.idx.add.f32.msk $0xffff, v17  }
0x4bc: {  	vm2 =	vlt.u32 v30, $0x200;
	vm5 =	vlt.u32 v26, $0x200;
	vm0 =	vlt.u32 v28, $0x200;
	[tilespmem:v54+s19+$0x0] =	vst.idx.add.f32.msk $0xffff, v25  }
0x4bd: {  	v24 =	vand.u32 $0x1FF, v36;
	v20 =	vand.u32 $0x1FF, v37;
	v25 =	vand.u32 $0x1FF, v33;
	[tilespmem:v55+s19+$0x0] =	vst.idx.add.f32.msk $0xffff, v48  }
0x4be: {  	vm1 =	vlt.s32 v40, $0x83;
	v26 =	vsub.s32 v26, v2;
	v17 =	vand.u32 $0x1FF, v30;
	[tilespmem:v56+s19+$0x0] =	vst.idx.add.f32.msk $0xffff, v49  }
0x4bf: {  	v28 =	vsub.s32 v28, v2;
	vm7 =	vlt.s32 v26, $0x83;
	v30 =	vsub.s32 v29, v2;
	[tilespmem:v27+s19+$0x0] =	vst.idx.add.f32.msk $0xffff, v16  }
0x4c0: {  	v5 =	vsub.f32 v35, v5;
	v26 =	vnsel vm7, $0x83, v26;
	v16 =	vsub.f32 v39, v50;
	[tilespmem:v57+s19+$0x0] =	vst.idx.add.f32.msk $0xffff, v15  }
0x4c1: {  	vm7 =	vlt.s32 v28, $0x83;
	v15 =	vshll.u32 v26, $0x9;
	v26 =	vsub.s32 v23, v2;
	[tilespmem:v58+s19+$0x0] =	vst.idx.add.f32.msk $0xffff, v13  }
0x4c2: {  	v13 =	vadd.f32 $5.000000000e-01, v5;
	v27 =	vadd.f32 $5.000000000e-01, v16;
	v31 =	vor.u32 v25, v15;
	[tilespmem:v38+s19+$0x0] =	vst.idx.add.f32.msk $0xffff, v11  }
0x4c3: {  	v28 =	vnsel vm7, $0x83, v28;
	v33 =	vor.u32 v24, v15;
	v11 =	vsel vm6, $0x3F800000, v3;
	[tilespmem:v44+s19+$0x0] =	vst.idx.add.f32.msk $0xffff, v10  }
0x4c4: {  	v10 =	vnsel vm4, $0x0, v13;
	v13 =	vnsel vm5, $0x0, v27;
	v27 =	vor.u32 v21, v15;
	[tilespmem:v34+s19+$0x0] =	vst.idx.add.f32.msk $0xffff, v9  }
0x4c5: {  	v5 =	vsub.f32 $5.000000000e-01, v5;
	v9 =	vmul.f32 v13, v10;
	v34 =	vor.u32 v20, v15  }
0x4c6: {  	s29 =	sadd.s32 $0x20, s29;
	v28 =	vshll.u32 v28, $0x9;
	v35 =	vmul.f32 v13, v11;
	v15 =	vor.u32 v17, v15  }
0x4c7: {  	p0 =	slt.s32 s29, s25;
	v36 =	vsel vm3, $0x3F800000, v3;
	[tilespmem:v31+s19+$0x0] =	vst.idx.add.f32.msk $0xffff, v9;
	v9 =	vmul.f32 v13, v22;
	v31 =	vor.u32 v25, v28  }
0x4c8: {  	v5 =	vnsel vm2, $0x0, v5;
	[tilespmem:v33+s19+$0x0] =	vst.idx.add.f32.msk $0xffff, v35;
	v33 =	vmul.f32 v13, v36;
	v35 =	vor.u32 v24, v28  }
0x4c9: {  	[tilespmem:v27+s19+$0x0] =	vst.idx.add.f32.msk $0xffff, v9;
	v9 =	vmul.f32 v13, v5;
	v13 =	vsel vm0, $0x3F800000, v3;
	v27 =	vor.u32 v21, v28  }
0x4ca: {  	v37 =	vnsel vm1, $0x83, v40;
	[tilespmem:v34+s19+$0x0] =	vst.idx.add.f32.msk $0xffff, v33;
	v33 =	vmul.f32 v10, v13;
	v34 =	vor.u32 v20, v28  }
0x4cb: {  	[tilespmem:v15+s19+$0x0] =	vst.idx.add.f32.msk $0xffff, v9;
	v9 =	vmul.f32 v13, v11;
	v15 =	vor.u32 v17, v28;
	v28 =	vshll.u32 v37, $0x9  }
0x4cc: {  	vm0 =	vlt.u32 v32, $0x200;
	[tilespmem:v31+s19+$0x0] =	vst.idx.add.f32.msk $0xffff, v33;
	v31 =	vmul.f32 v13, v22;
	v32 =	vor.u32 v25, v28  }
0x4cd: {  	v33 =	vsel vm0, $0x3F800000, v3;
	[tilespmem:v35+s19+$0x0] =	vst.idx.add.f32.msk $0xffff, v9;
	v9 =	vmul.f32 v13, v36;
	v35 =	vor.u32 v24, v28  }
0x4ce: {  	vm0 =	vlt.s32 v30, $0x83;
	v13 =	vmul.f32 v5, v13;
	[tilespmem:v27+s19+$0x0] =	vst.idx.add.f32.msk $0xffff, v31;
	v27 =	vor.u32 v21, v28  }
0x4cf: {  	v30 =	vnsel vm0, $0x83, v30;
	v31 =	vor.u32 v20, v28;
	[tilespmem:v34+s19+$0x0] =	vst.idx.add.f32.msk $0xffff, v9;
	v9 =	vmul.f32 v10, v33  }
0x4d0: {  	[tilespmem:v15+s19+$0x0] =	vst.idx.add.f32.msk $0xffff, v13;
	v13 =	vmul.f32 v11, v33;
	v15 =	vor.u32 v17, v28;
	v28 =	vshll.u32 v30, $0x9  }
0x4d1: {  	vm0 =	vlt.u32 v29, $0x200;
	[tilespmem:v32+s19+$0x0] =	vst.idx.add.f32.msk $0xffff, v9;
	v9 =	vmul.f32 v33, v22;
	v29 =	vor.u32 v25, v28  }
0x4d2: {  	v30 =	vsel vm0, $0x3F800000, v3;
	v32 =	vor.u32 v24, v28;
	[tilespmem:v35+s19+$0x0] =	vst.idx.add.f32.msk $0xffff, v13;
	v13 =	vmul.f32 v36, v33  }
0x4d3: {  	vm0 =	vlt.s32 v26, $0x83;
	[tilespmem:v27+s19+$0x0] =	vst.idx.add.f32.msk $0xffff, v9;
	v9 =	vmul.f32 v5, v33;
	v27 =	vor.u32 v21, v28  }
0x4d4: {  	v26 =	vnsel vm0, $0x83, v26;
	[tilespmem:v31+s19+$0x0] =	vst.idx.add.f32.msk $0xffff, v13;
	v13 =	vmul.f32 v10, v30;
	v31 =	vor.u32 v20, v28  }
0x4d5: {  	v26 =	vshll.u32 v26, $0x9;
	[tilespmem:v15+s19+$0x0] =	vst.idx.add.f32.msk $0xffff, v9;
	v9 =	vmul.f32 v30, v11;
	v15 =	vor.u32 v17, v28  }
0x4d6: {  	v16 =	vsub.f32 $5.000000000e-01, v16;
	v25 =	vor.u32 v25, v26;
	[tilespmem:v29+s19+$0x0] =	vst.idx.add.f32.msk $0xffff, v13;
	v13 =	vmul.f32 v30, v22  }
0x4d7: {  	vm0 =	vlt.u32 v23, $0x200;
	v23 =	vor.u32 v24, v26;
	[tilespmem:v32+s19+$0x0] =	vst.idx.add.f32.msk $0xffff, v9;
	v9 =	vmul.f32 v30, v36  }
0x4d8: {  	v16 =	vnsel vm0, $0x0, v16;
	v21 =	vor.u32 v21, v26;
	[tilespmem:v27+s19+$0x0] =	vst.idx.add.f32.msk $0xffff, v13;
	v13 =	vmul.f32 v5, v30  }
0x4d9: {  	vm0 =	vge.f32 v19, $5.000000000e-01;
	[tilespmem:v31+s19+$0x0] =	vst.idx.add.f32.msk $0xffff, v9;
	v9 =	vmul.f32 v16, v10;
	v10 =	vor.u32 v20, v26  }
0x4da: {  	vm1 =	vge.f32 v18, $5.000000000e-01;
	v11 =	vmul.f32 v16, v11;
	[tilespmem:v15+s19+$0x0] =	vst.idx.add.f32.msk $0xffff, v13;
	v13 =	vor.u32 v17, v26  }
0x4db: {  	v15 =	vsel vm1, $0x1, v4;
	v17 =	vsel vm0, $0x1, v4;
	[tilespmem:v25+s19+$0x0] =	vst.idx.add.f32.msk $0xffff, v9;
	v9 =	vmul.f32 v16, v22  }
0x4dc: {  	v12 =	vadd.s32 v12, v17;
	[tilespmem:v23+s19+$0x0] =	vst.idx.add.f32.msk $0xffff, v11;
	v11 =	vmul.f32 v16, v36  }
0x4dd: {  	v5 =	vmul.f32 v16, v5;
	v15 =	vadd.s32 v14, v15;
	v14 =	vcvt.s32.f32 v12;
	[tilespmem:v21+s19+$0x0] =	vst.idx.add.f32.msk $0xffff, v9  }
0x4de: {  	v16 =	vadd.s32 $0xFFFFFFFE, v12;
	v17 =	vadd.s32 $0xFFFFFFFF, v12;
	v9 =	vcvt.s32.f32 v15;
	[tilespmem:v10+s19+$0x0] =	vst.idx.add.f32.msk $0xffff, v11  }
0x4df: {  	v8 =	vsub.f32 v14, v8;
	v10 =	vadd.s32 $0x1, v12;
	v11 =	vadd.s32 $0x2, v12;
	[tilespmem:v13+s19+$0x0] =	vst.idx.add.f32.msk $0xffff, v5  }
0x4e0: {  	v5 =	vsub.f32 v9, v7;
	v7 =	vsub.s32 v16, v2;
	v9 =	vsub.s32 v17, v2  }
0x4e1: {  	v14 =	vsub.s32 v10, v2;
	v18 =	vsub.s32 v11, v2;
	v13 =	vadd.f32 $5.000000000e-01, v8  }
0x4e2: {  	v20 =	vsub.s32 v12, v2;
	v19 =	vadd.f32 $5.000000000e-01, v5;
	v5 =	vsub.f32 $5.000000000e-01, v5  }
0x4e3: {  	v22 =	vadd.s32 $0xFFFFFFFF, v15;
	v21 =	vadd.s32 $0xFFFFFFFE, v15;
	v8 =	vsub.f32 $5.000000000e-01, v8  }
0x4e4: {  	v23 =	vadd.s32 $0x1, v15;
	v25 =	vadd.s32 $0x2, v15;
	vm0 =	vlt.s32 v7, $0x83  }
0x4e5: {  	vm1 =	vlt.s32 v9, $0x83;
	vm2 =	vlt.s32 v14, $0x83;
	vm3 =	vlt.s32 v18, $0x83  }
0x4e6: {  	vm5 =	vlt.u32 v22, $0x200;
	vm6 =	vlt.s32 v20, $0x83;
	vm4 =	vlt.u32 v21, $0x200  }
0x4e7: {  	vm7 =	vlt.u32 v23, $0x200;
	vm8 =	vlt.u32 v25, $0x200;
	vm9 =	vlt.u32 v16, $0x200  }
0x4e8: {  	vm10 =	vlt.u32 v17, $0x200;
	vm11 =	vlt.u32 v10, $0x200;
	vm12 =	vlt.u32 v11, $0x200  }
0x4e9: {  	vm13 =	vlt.u32 v15, $0x200;
	v10 =	vnsel vm0, $0x83, v7;
	vm0 =	vlt.u32 v12, $0x200  }
0x4ea: {  	v9 =	vnsel vm1, $0x83, v9;
	v11 =	vnsel vm2, $0x83, v14;
	v12 =	vnsel vm3, $0x83, v18  }
0x4eb: {  	v13 =	vnsel vm9, $0x0, v13;
	v31 =	vnsel vm4, $0x0, v19;
	v5 =	vnsel vm8, $0x0, v5  }
0x4ec: {  	v47 =	vsel vm5, $0x3F800000, v3;
	v14 =	vnsel vm6, $0x83, v20;
	v35 =	vnsel vm12, $0x0, v8  }
0x4ed: {  	v39 =	vsel vm10, $0x3F800000, v3;
	v7 =	vsel vm7, $0x3F800000, v3;
	v8 =	vsel vm11, $0x3F800000, v3  }
0x4ee: {  	v26 =	vsel vm13, $0x3F800000, v3;
	v46 =	vshll.u32 v10, $0x9;
	v30 =	vsel vm0, $0x3F800000, v3  }
0x4ef: {  	v37 =	vshll.u32 v9, $0x9;
	v27 =	vshll.u32 v11, $0x9;
	v12 =	vshll.u32 v12, $0x9  }
0x4f0: {  	v18 =	vshll.u32 v14, $0x9;
	v34 =	vmul.f32 v13, v47;
	v38 =	vmul.f32 v13, v31  }
0x4f1: {  	v14 =	vand.u32 $0x1FF, v21;
	v36 =	vmul.f32 v13, v26;
	v33 =	vmul.f32 v13, v7  }
0x4f2: {  	v24 =	vand.u32 $0x1FF, v22;
	v32 =	vmul.f32 v13, v5;
	v29 =	vmul.f32 v31, v39  }
0x4f3: {  	v19 =	vand.u32 $0x1FF, v23;
	v23 =	vmul.f32 v5, v39;
	v22 =	vmul.f32 v31, v30  }
0x4f4: {  	v21 =	vand.u32 $0x1FF, v25;
	v20 =	vmul.f32 v5, v30;
	v17 =	vmul.f32 v31, v8  }
0x4f5: {  	v28 =	vand.u32 $0x1FF, v15;
	v16 =	vmul.f32 v5, v8;
	v15 =	vmul.f32 v35, v31  }
.Ltmp24:
0x4f6: {  	v44 =	vor.u32 v14, v46;
	v11 =	vmul.f32 v35, v26;
	v13 =	vmul.f32 v35, v47;
	(pc) =	sbr.rel @p0 .LBB2_34-.Ltmp24, $4  }
0x4f7: {  	v42 =	vor.u32 v24, v46;
	v10 =	vmul.f32 v35, v7;
	v9 =	vmul.f32 v35, v5  }
0x4f8: {  	v41 =	vmul.f32 v39, v47;
	v40 =	vmul.f32 v39, v26;
	v43 =	vor.u32 v28, v46  }
0x4f9: {  	v45 =	vor.u32 v19, v46;
	v39 =	vmul.f32 v39, v7;
	v35 =	vmul.f32 v47, v30  }
0x4fa: {  	s30 =	sadd.s32 $0x20, s30;
	v25 =	vmul.f32 v8, v47;
	v46 =	vor.u32 v21, v46;
	v31 =	vmul.f32 v7, v30  }
.LBB2_35:
0x4fb: {  	_ =	sdelay $0x3  }
0x4fc: {  	v5 =	vor.u32 v14, v37;
	[tilespmem:v44+s19+$0x0] =	vst.idx.add.f32.msk $0xffff, v38  }
0x4fd: {  	v50 =	vor.u32 v24, v37;
	[tilespmem:v42+s19+$0x0] =	vst.idx.add.f32.msk $0xffff, v34  }
0x4fe: {  	v51 =	vor.u32 v28, v37;
	[tilespmem:v43+s19+$0x0] =	vst.idx.add.f32.msk $0xffff, v36  }
0x4ff: {  	v52 =	vor.u32 v19, v37;
	[tilespmem:v45+s19+$0x0] =	vst.idx.add.f32.msk $0xffff, v33  }
0x500: {  	v53 =	vor.u32 v21, v37;
	[tilespmem:v46+s19+$0x0] =	vst.idx.add.f32.msk $0xffff, v32  }
0x501: {  	v54 =	vor.u32 v14, v18;
	[tilespmem:v5+s19+$0x0] =	vst.idx.add.f32.msk $0xffff, v29  }
0x502: {  	v5 =	vor.u32 v24, v18;
	[tilespmem:v50+s19+$0x0] =	vst.idx.add.f32.msk $0xffff, v41  }
0x503: {  	v29 =	vor.u32 v28, v18;
	[tilespmem:v51+s19+$0x0] =	vst.idx.add.f32.msk $0xffff, v40  }
0x504: {  	v55 =	vor.u32 v19, v18;
	[tilespmem:v52+s19+$0x0] =	vst.idx.add.f32.msk $0xffff, v39  }
0x505: {  	v56 =	vor.u32 v21, v18;
	[tilespmem:v53+s19+$0x0] =	vst.idx.add.f32.msk $0xffff, v23  }
0x506: {  	v57 =	vmul.f32 v30, v26;
	v30 =	vor.u32 v14, v27;
	[tilespmem:v54+s19+$0x0] =	vst.idx.add.f32.msk $0xffff, v22  }
0x507: {  	v58 =	vor.u32 v24, v27;
	[tilespmem:v5+s19+$0x0] =	vst.idx.add.f32.msk $0xffff, v35  }
0x508: {  	v5 =	vor.u32 v28, v27;
	[tilespmem:v29+s19+$0x0] =	vst.idx.add.f32.msk $0xffff, v57  }
0x509: {  	v59 =	vor.u32 v19, v27;
	[tilespmem:v55+s19+$0x0] =	vst.idx.add.f32.msk $0xffff, v31  }
0x50a: {  	v60 =	vor.u32 v21, v27;
	[tilespmem:v56+s19+$0x0] =	vst.idx.add.f32.msk $0xffff, v20  }
0x50b: {  	v61 =	vmul.f32 v8, v26;
	v62 =	vor.u32 v14, v12;
	[tilespmem:v30+s19+$0x0] =	vst.idx.add.f32.msk $0xffff, v17  }
0x50c: {  	v7 =	vmul.f32 v8, v7;
	v8 =	vor.u32 v24, v12;
	[tilespmem:v58+s19+$0x0] =	vst.idx.add.f32.msk $0xffff, v25  }
0x50d: {  	v63 =	vor.u32 v28, v12;
	[tilespmem:v5+s19+$0x0] =	vst.idx.add.f32.msk $0xffff, v61  }
0x50e: {  	v5 =	vor.u32 v19, v12;
	[tilespmem:v59+s19+$0x0] =	vst.idx.add.f32.msk $0xffff, v7  }
0x50f: {  	v7 =	vor.u32 v21, v12;
	[tilespmem:v60+s19+$0x0] =	vst.idx.add.f32.msk $0xffff, v16  }
0x510: {  	[tilespmem:v62+s19+$0x0] =	vst.idx.add.f32.msk $0xffff, v15  }
0x511: {  	[tilespmem:v8+s19+$0x0] =	vst.idx.add.f32.msk $0xffff, v13  }
0x512: {  	[tilespmem:v63+s19+$0x0] =	vst.idx.add.f32.msk $0xffff, v11  }
0x513: {  	[tilespmem:v5+s19+$0x0] =	vst.idx.add.f32.msk $0xffff, v10  }
0x514: {  	v31 =	vlaneseq.u32;
	[tilespmem:v7+s19+$0x0] =	vst.idx.add.f32.msk $0xffff, v9  }
.LBB2_36:
0x515: {  	s28 =	sand.u32 $0xFFFFFFF0, s26  }
0x516: {  	p0 =	sge.s32 s25, s28  }
.Ltmp25:
0x517: {  	_ = 	snop;
	(pc) =	sbr.rel @p0 .LBB2_39-.Ltmp25, $1  }
0x518: {  	_ =	sdelay $0x3  }
0x519: {  	s26 =	sshll.u32 s26, $0x2  }
0x51a: {  	s26 =	sshra.s32 s26, $0x2  }
0x51b: {  	s29 =	sand.u32 $0xFFFFFFE0, s26  }
0x51c: {  	s26 =	sadd.s32 $0xA080, s29;
	s29 =	sadd.s32 $0x8000, s29  }
.LBB2_38:
0x51d: {  	v5 =	vld [tilespmem:s29+$0x0]  }
0x51e: {  	v7 =	vld [tilespmem:s26+$0x0];
	_ =	sdelay $0x4  }
0x51f: {  	v8 =	vtrunc.f32 v5;
	v9 =	vtrunc.f32 v7  }
0x520: {  	v8 =	vcvt.f32.s32 v8;
	v9 =	vcvt.f32.s32 v9;
	_ =	sdelay $0x1  }
0x521: {  	v10 =	vcvt.s32.f32 v8;
	v11 =	vcvt.s32.f32 v9;
	_ =	sdelay $0x1  }
0x522: {  	v10 =	vsub.f32 v5, v10;
	v50 =	vsub.f32 v7, v11;
	_ =	sdelay $0x1  }
0x523: {  	vm0 =	vge.f32 v10, $5.000000000e-01;
	vm13 =	vge.f32 v50, $5.000000000e-01  }
0x524: {  	v51 =	vsel vm0, $0x1, v4;
	v53 =	vsel vm13, $0x1, v4  }
0x525: {  	v8 =	vadd.s32 v8, v51;
	v9 =	vadd.s32 v9, v53  }
0x526: {  	v52 =	vcvt.s32.f32 v8;
	v54 =	vcvt.s32.f32 v9  }
0x527: {  	v12 =	vadd.s32 $0xFFFFFFFE, v8;
	v13 =	vadd.s32 $0xFFFFFFFF, v8;
	vm15 =	vlt.u32 v8, $0x200  }
0x528: {  	v14 =	vadd.s32 $0x1, v8;
	v15 =	vadd.s32 $0xFFFFFFFE, v9;
	v20 =	vadd.s32 $0x2, v8  }
0x529: {  	v8 =	vand.u32 $0x1FF, v8;
	v23 =	vadd.s32 $0xFFFFFFFF, v9;
	v29 =	vsub.s32 v9, v2  }
0x52a: {  	vm14 =	vlt.u32 v12, $0x200;
	vm1 =	vlt.u32 v13, $0x200;
	v16 =	vsel vm15, $0x3F800000, v3  }
0x52b: {  	vm4 =	vlt.u32 v14, $0x200;
	v17 =	vsub.s32 v15, v2;
	vm6 =	vlt.u32 v20, $0x200  }
0x52c: {  	v12 =	vand.u32 $0x1FF, v12;
	v13 =	vand.u32 $0x1FF, v13;
	vm7 =	vlt.u32 v15, $0x200  }
0x52d: {  	v26 =	vsub.s32 v23, v2;
	v14 =	vand.u32 $0x1FF, v14;
	v20 =	vand.u32 $0x1FF, v20  }
0x52e: {  	vm9 =	vlt.u32 v23, $0x200;
	v5 =	vsub.f32 v52, v5;
	v7 =	vsub.f32 v54, v7  }
0x52f: {  	v10 =	vsel vm1, $0x3F800000, v3;
	v18 =	vsel vm4, $0x3F800000, v3;
	vm5 =	vlt.s32 v17, $0x83  }
0x530: {  	vm8 =	vlt.s32 v26, $0x83;
	v23 =	vsel vm9, $0x3F800000, v3;
	v17 =	vnsel vm5, $0x83, v17  }
0x531: {  	v58 =	vnsel vm8, $0x83, v26;
	v32 =	vmul.f32 v23, v10;
	v17 =	vshll.u32 v17, $0x9  }
0x532: {  	v55 =	vadd.f32 $5.000000000e-01, v5;
	v19 =	vadd.f32 $5.000000000e-01, v7;
	v21 =	vor.u32 v12, v17  }
0x533: {  	v28 =	vmul.f32 v23, v16;
	v34 =	vmul.f32 v23, v18;
	v56 =	vor.u32 v13, v17  }
0x534: {  	v22 =	vor.u32 v8, v17;
	v11 =	vnsel vm14, $0x0, v55;
	v19 =	vnsel vm7, $0x0, v19  }
0x535: {  	v5 =	vsub.f32 $5.000000000e-01, v5;
	v57 =	vor.u32 v14, v17;
	v24 =	vmul.f32 v19, v11  }
0x536: {  	v60 =	vshll.u32 v58, $0x9;
	v59 =	vor.u32 v20, v17;
	v25 =	vmul.f32 v19, v10  }
0x537: {  	vm11 =	vlt.u32 v9, $0x200;
	v27 =	vmul.f32 v19, v16;
	[tilespmem:v21+s19+$0x0] =	vst.idx.add.f32.msk $0xffff, v24;
	v24 =	vor.u32 v12, v60  }
0x538: {  	v63 =	vor.u32 v13, v60;
	v5 =	vnsel vm6, $0x0, v5;
	v61 =	vmul.f32 v19, v18;
	[tilespmem:v56+s19+$0x0] =	vst.idx.add.f32.msk $0xffff, v25  }
0x539: {  	vm10 =	vlt.s32 v29, $0x83;
	v33 =	vor.u32 v8, v60;
	v19 =	vmul.f32 v19, v5;
	[tilespmem:v22+s19+$0x0] =	vst.idx.add.f32.msk $0xffff, v27  }
0x53a: {  	v37 =	vnsel vm10, $0x83, v29;
	v35 =	vor.u32 v14, v60;
	v62 =	vmul.f32 v11, v23;
	[tilespmem:v57+s19+$0x0] =	vst.idx.add.f32.msk $0xffff, v61  }
0x53b: {  	v17 =	vor.u32 v20, v60;
	v36 =	vmul.f32 v5, v23;
	v23 =	vshll.u32 v37, $0x9;
	[tilespmem:v59+s19+$0x0] =	vst.idx.add.f32.msk $0xffff, v19  }
0x53c: {  	v40 =	vadd.s32 $0x1, v9;
	v9 =	vadd.s32 $0x2, v9;
	v39 =	vor.u32 v12, v23;
	[tilespmem:v24+s19+$0x0] =	vst.idx.add.f32.msk $0xffff, v62  }
0x53d: {  	v38 =	vsel vm11, $0x3F800000, v3;
	v30 =	vsub.s32 v40, v2;
	v29 =	vor.u32 v13, v23;
	[tilespmem:v63+s19+$0x0] =	vst.idx.add.f32.msk $0xffff, v32  }
0x53e: {  	v50 =	vsub.s32 v9, v2;
	vm12 =	vlt.s32 v30, $0x83;
	[tilespmem:v33+s19+$0x0] =	vst.idx.add.f32.msk $0xffff, v28;
	v28 =	vor.u32 v8, v23  }
0x53f: {  	v44 =	vnsel vm12, $0x83, v30;
	v41 =	vmul.f32 v11, v38;
	v30 =	vor.u32 v14, v23;
	[tilespmem:v35+s19+$0x0] =	vst.idx.add.f32.msk $0xffff, v34  }
0x540: {  	v42 =	vmul.f32 v10, v38;
	v46 =	vor.u32 v20, v23;
	v22 =	vshll.u32 v44, $0x9;
	[tilespmem:v17+s19+$0x0] =	vst.idx.add.f32.msk $0xffff, v36  }
0x541: {  	vm13 =	vlt.u32 v40, $0x200;
	v43 =	vmul.f32 v38, v16;
	v48 =	vor.u32 v12, v22;
	[tilespmem:v39+s19+$0x0] =	vst.idx.add.f32.msk $0xffff, v41  }
0x542: {  	v51 =	vsel vm13, $0x3F800000, v3;
	v45 =	vmul.f32 v18, v38;
	v49 =	vor.u32 v13, v22;
	[tilespmem:v29+s19+$0x0] =	vst.idx.add.f32.msk $0xffff, v42  }
0x543: {  	vm14 =	vlt.s32 v50, $0x83;
	v47 =	vmul.f32 v5, v38;
	v52 =	vor.u32 v8, v22;
	[tilespmem:v28+s19+$0x0] =	vst.idx.add.f32.msk $0xffff, v43  }
0x544: {  	v53 =	vmul.f32 v11, v51;
	v25 =	vnsel vm14, $0x83, v50;
	v54 =	vor.u32 v14, v22;
	[tilespmem:v30+s19+$0x0] =	vst.idx.add.f32.msk $0xffff, v45  }
0x545: {  	v55 =	vmul.f32 v51, v10;
	v56 =	vshll.u32 v25, $0x9;
	v22 =	vor.u32 v20, v22;
	[tilespmem:v46+s19+$0x0] =	vst.idx.add.f32.msk $0xffff, v47  }
0x546: {  	v7 =	vsub.f32 $5.000000000e-01, v7;
	v57 =	vmul.f32 v51, v16;
	v12 =	vor.u32 v12, v56;
	[tilespmem:v48+s19+$0x0] =	vst.idx.add.f32.msk $0xffff, v53  }
0x547: {  	vm15 =	vlt.u32 v9, $0x200;
	v58 =	vmul.f32 v51, v18;
	v13 =	vor.u32 v13, v56;
	[tilespmem:v49+s19+$0x0] =	vst.idx.add.f32.msk $0xffff, v55  }
0x548: {  	v7 =	vnsel vm15, $0x0, v7;
	v15 =	vmul.f32 v5, v51;
	v8 =	vor.u32 v8, v56;
	[tilespmem:v52+s19+$0x0] =	vst.idx.add.f32.msk $0xffff, v57  }
0x549: {  	s25 =	sadd.s32 $0x10, s25;
	v60 =	vor.u32 v14, v56;
	v59 =	vmul.f32 v7, v11;
	[tilespmem:v54+s19+$0x0] =	vst.idx.add.f32.msk $0xffff, v58  }
0x54a: {  	p0 =	slt.s32 s25, s28;
	v10 =	vmul.f32 v7, v10;
	v61 =	vor.u32 v20, v56;
	[tilespmem:v22+s19+$0x0] =	vst.idx.add.f32.msk $0xffff, v15  }
.Ltmp26:
0x54b: {  	v62 =	vmul.f32 v7, v16;
	[tilespmem:v12+s19+$0x0] =	vst.idx.add.f32.msk $0xffff, v59;
	(pc) =	sbr.rel @p0 .LBB2_38-.Ltmp26, $4  }
0x54c: {  	v63 =	vmul.f32 v7, v18;
	[tilespmem:v13+s19+$0x0] =	vst.idx.add.f32.msk $0xffff, v10  }
0x54d: {  	v5 =	vmul.f32 v7, v5;
	[tilespmem:v8+s19+$0x0] =	vst.idx.add.f32.msk $0xffff, v62  }
0x54e: {  	[tilespmem:v60+s19+$0x0] =	vst.idx.add.f32.msk $0xffff, v63  }
0x54f: {  	s26 =	sadd.s32 $0x10, s26;
	s29 =	sadd.s32 $0x10, s29;
	[tilespmem:v61+s19+$0x0] =	vst.idx.add.f32.msk $0xffff, v5  }
.Ltmp27:
0x550: {  	_ = 	snop;
	(pc) =	sbr.rel .LBB2_39-.Ltmp27, $1  }
0x551: {  	_ =	sdelay $0x3  }
.LBB2_40:
0x552: {  	_ =	sfence.sel $0x180000  }
0x553: {  	[bflag:$0x0] =	sbarrier.arrive $0xFFFF  }
0x554: {  	p0 =	sne.s32 s0, $0x0;
	_ =	strace $0x90000047  }
0x555: {  	s0 =	sadd.s32 @!p0 $0x100000, s1;
	[bflag:$0x2] =	sbarrier.arrive $0xFFFF  }
0x556: {  	[sflag:s0] =	ssyncadd.tile.s32 @!p0 $0x1;
	_ =	shalt  }
.Lfunc_end2:
_tile_overlayer_lowered:
.L_overlay_start_2:
0x557: {  	(tag) =	ssettag $0x2  }
0x558: {  	s0 =	rddreg [dreg:$0x0];
	s2 =	stileid.u32  }
0x559: {  	s1 =	rddreg [dreg:$0x1];
	p0 =	sne.s32 s2, $0x0  }
0x55a: {  	s3 =	rddreg [dreg:$0x2];
	[bflag:$0x3] =	sbarrier.arrive $0xFFFF;
	s2 =	simm.s32 @!p0 $0x1C03  }
0x55b: {  	[timem:s3], [sflag:s2] =	dma.local @!p0 [hbm:s0], s1  }
0x55c: {  	s0 =	simm.s32 @!p0 $0x3  }
0x55d: {  	_ =	swait.ge @!p0 [sflag:s0], s1  }
0x55e: {  	s1 =	ssub.s32 @!p0 $0x0, s1;
	[sflag:s0] =	ssyncset.done @!p0 $0x0  }
0x55f: {  	[sflag:s0] =	ssyncadd.s32 @!p0 s1  }
0x560: {  	[bflag:$0x3] =	sbarrier.arrive $0xFFFF  }
0x561: {  	_ =	shalt  }

</sc_bundles>
